<compile_context>
chip_gen: v7x
topology: tpu7x:2x2x1
jax: 0.10.2.dev20260603
libtpu: 0.0.44.dev20260713+nightly
codegen_flags: <defaults>
</compile_context>

<pallas_src>
import functools

import jax
import jax.numpy as jnp
from jax import lax
from jax.experimental import pallas as pl
from jax.experimental.pallas import tpu as pltpu
from jax.experimental.pallas import tpu_sc as plsc

N = 10000
E = 320000
D = 128

NC = 2
NS = 16
NW = NC * NS
EP = E // NW
K = 80
NCHUNK = EP // K
NP = 10240
RPT = NP // NS
L = 16

_EPS = 1e-16



def _mm_body(x_ref, w_ref, o_ref):
    o_ref[...] = jnp.dot(x_ref[...], w_ref[...],
                         preferred_element_type=jnp.float32)


def _matmul_ext(x, w_ext, bm=1000):
    m = x.shape[0]
    grid = (m // bm,)
    return pl.pallas_call(
        _mm_body,
        grid=grid,
        in_specs=[
            pl.BlockSpec((bm, D), lambda i: (i, 0)),
            pl.BlockSpec((D, 2 * D), lambda i: (0, 0)),
        ],
        out_specs=pl.BlockSpec((bm, 2 * D), lambda i: (i, 0)),
        out_shape=jax.ShapeDtypeStruct((m, 2 * D), jnp.float32),
    )(x, w_ext)


def _comb_mm_body(a0_ref, a1_ref, d0_ref, d1_ref, b_ref, w_ref, o_ref):
    den = d0_ref[...] + d1_ref[...]
    h = (a0_ref[...] + a1_ref[...]) / (den + _EPS) + b_ref[...]
    h = jnp.maximum(h, 0.0)
    o_ref[...] = jnp.dot(h, w_ref[...], preferred_element_type=jnp.float32)


def _combine_matmul(a0, a1, d0, d1, b, w_ext, bm=1000):
    m = a0.shape[0]
    grid = (m // bm,)
    return pl.pallas_call(
        _comb_mm_body,
        grid=grid,
        in_specs=[
            pl.BlockSpec((bm, D), lambda i: (i, 0)),
            pl.BlockSpec((bm, D), lambda i: (i, 0)),
            pl.BlockSpec((bm, 1), lambda i: (i, 0)),
            pl.BlockSpec((bm, 1), lambda i: (i, 0)),
            pl.BlockSpec((1, D), lambda i: (0, 0)),
            pl.BlockSpec((D, 2 * D), lambda i: (0, 0)),
        ],
        out_specs=pl.BlockSpec((bm, 2 * D), lambda i: (i, 0)),
        out_shape=jax.ShapeDtypeStruct((m, 2 * D), jnp.float32),
    )(a0, a1, d0, d1, b, w_ext)


def _comb_body(a0_ref, a1_ref, d0_ref, d1_ref, b_ref, o_ref):
    den = d0_ref[...] + d1_ref[...]
    h = (a0_ref[...] + a1_ref[...]) / (den + _EPS) + b_ref[...]
    o_ref[...] = jnp.maximum(h, 0.0)


def _combine(a0, a1, d0, d1, b, bm=1000):
    m = a0.shape[0]
    grid = (m // bm,)
    return pl.pallas_call(
        _comb_body,
        grid=grid,
        in_specs=[
            pl.BlockSpec((bm, D), lambda i: (i, 0)),
            pl.BlockSpec((bm, D), lambda i: (i, 0)),
            pl.BlockSpec((bm, 1), lambda i: (i, 0)),
            pl.BlockSpec((bm, 1), lambda i: (i, 0)),
            pl.BlockSpec((1, D), lambda i: (0, 0)),
        ],
        out_specs=pl.BlockSpec((bm, D), lambda i: (i, 0)),
        out_shape=jax.ShapeDtypeStruct((m, D), jnp.float32),
    )(a0, a1, d0, d1, b)



def _edge_body(xp_hbm, asrc_hbm, adst_hbm, src_hbm, dst_hbm,
               acc_out, den_out,
               idx_s, idx_d, a_s, a_d, wbuf, rows, dzero,
               asrc_sh, adst_sh, acc_sh, den_sh, sem):
    c = lax.axis_index("c")
    s = lax.axis_index("s")

    @pl.when(s == 0)
    def _stage():
        pltpu.sync_copy(asrc_hbm, asrc_sh)
        pltpu.sync_copy(adst_hbm, adst_sh)

    def _zrow(r, _):
        for j in range(D // L):
            rows[r, pl.ds(j * L, L)] = jnp.zeros((L,), jnp.float32)
        return 0
    lax.fori_loop(0, K, _zrow, 0)
    def _zd(r, _):
        dzero[pl.ds(r * L, L)] = jnp.zeros((L,), jnp.float32)
        return 0
    lax.fori_loop(0, RPT // L, _zd, 0)

    base_r = s * RPT
    for j in range(RPT // K):
        pltpu.sync_copy(rows, acc_sh.at[pl.ds(base_r + j * K, K)])
    pltpu.sync_copy(dzero, den_sh.at[pl.ds(base_r, RPT)])
    plsc.subcore_barrier()

    wid = s * NC + c
    ebase = wid * EP

    def _chunk(i, _):
        b = ebase + i * K
        pltpu.sync_copy(src_hbm.at[pl.ds(b, K)], idx_s)
        pltpu.sync_copy(dst_hbm.at[pl.ds(b, K)], idx_d)
        cp = pltpu.async_copy(xp_hbm.at[idx_s], rows, sem)
        pltpu.sync_copy(asrc_sh.at[idx_s], a_s)
        pltpu.sync_copy(adst_sh.at[idx_d], a_d)
        for j in range(K // L):
            al = a_s[pl.ds(j * L, L)] + a_d[pl.ds(j * L, L)]
            al = jnp.where(al >= 0.0, al, 0.2 * al)
            wbuf[pl.ds(j * L, L)] = jnp.exp(al)
        cp.wait()
        def _scale(g, _):
            wv = wbuf[pl.ds(g * L, L)]
            r0 = g * L
            for i in range(L):
                wvi = jnp.full((L,), wv[i], jnp.float32)
                for jj in range(D // L):
                    rows[r0 + i, pl.ds(jj * L, L)] = (
                        rows[r0 + i, pl.ds(jj * L, L)] * wvi)
            return 0
        lax.fori_loop(0, K // L, _scale, 0)
        pltpu.sync_copy(rows, acc_sh.at[idx_d], add=True)
        pltpu.sync_copy(wbuf, den_sh.at[idx_d], add=True)
        return 0

    lax.fori_loop(0, NCHUNK, _chunk, 0)
    plsc.subcore_barrier()

    pltpu.sync_copy(acc_sh.at[pl.ds(base_r, RPT)],
                    acc_out.at[c, pl.ds(base_r, RPT)])
    pltpu.sync_copy(den_sh.at[pl.ds(base_r, RPT)],
                    den_out.at[c, pl.ds(base_r, RPT)])


def _edge_pass(xp, a_src, a_dst, src, dst):
    mesh = plsc.VectorSubcoreMesh(core_axis_name="c", subcore_axis_name="s")
    fn = pl.kernel(
        _edge_body,
        out_type=[
            jax.ShapeDtypeStruct((NC, NP, D), jnp.float32),
            jax.ShapeDtypeStruct((NC, NP), jnp.float32),
        ],
        mesh=mesh,
        scratch_types=[
            pltpu.VMEM((K,), jnp.int32),
            pltpu.VMEM((K,), jnp.int32),
            pltpu.VMEM((K,), jnp.float32),
            pltpu.VMEM((K,), jnp.float32),
            pltpu.VMEM((K,), jnp.float32),
            pltpu.VMEM((K, D), jnp.float32),
            pltpu.VMEM((RPT,), jnp.float32),
            pltpu.VMEM_SHARED((NP,), jnp.float32),
            pltpu.VMEM_SHARED((NP,), jnp.float32),
            pltpu.VMEM_SHARED((NP, D), jnp.float32),
            pltpu.VMEM_SHARED((NP,), jnp.float32),
            pltpu.SemaphoreType.DMA,
        ],
    )
    return fn(xp, a_src, a_dst, src, dst)



def _ext_weights(w, att_s, att_d):
    us = w @ att_s.reshape(D)
    ud = w @ att_d.reshape(D)
    pad = jnp.zeros((D, 2 * D - D - 2), jnp.float32)
    return jnp.concatenate([w, us[:, None], ud[:, None], pad], axis=1)


def kernel(x, edge_index, W1, att_src1, att_dst1, b1,
           W2, att_src2, att_dst2, b2):
    src = edge_index[0]
    dst = edge_index[1]
    w1e = _ext_weights(W1, att_src1, att_dst1)
    w2e = _ext_weights(W2, att_src2, att_dst2)

    def _padded(col):
        return jnp.zeros((NP,), jnp.float32).at[:N].set(col)

    xp1e = _matmul_ext(x, w1e)
    xp1 = xp1e[:, :D]
    a_s1 = _padded(xp1e[:, D])
    a_d1 = _padded(xp1e[:, D + 1])
    acc1, den1 = _edge_pass(xp1, a_s1, a_d1, src, dst)

    xp2e = _combine_matmul(acc1[0, :N], acc1[1, :N],
                           den1[0, :N, None], den1[1, :N, None],
                           b1[None, :], w2e)
    xp2 = xp2e[:, :D]
    a_s2 = _padded(xp2e[:, D])
    a_d2 = _padded(xp2e[:, D + 1])
    acc2, den2 = _edge_pass(xp2, a_s2, a_d2, src, dst)

    out = _combine(acc2[0, :N], acc2[1, :N],
                   den2[0, :N, None], den2[1, :N, None], b2[None, :])
    return out

# --- scband reference (transcript-rebuilt; emitter-appended) ---
"""Pipeline reference for scband-gat-7988639171254 (READ-ONLY COPY).

The authoritative reference and input builder live on the scoring server;
editing this copy changes nothing except your own understanding.
"""

import jax, jax.numpy as jnp
import numpy as np

N = 10000
E = 320000
D = 128
H = 1
C = D // H


def setup_inputs(seed: int = 0) -> dict:
    key = jax.random.key(seed)
    ks = jax.random.split(key, 12)
    x = jax.random.normal(ks[0], (N, D), dtype=jnp.float32)
    edge_index = jax.random.randint(ks[1], (2, E), 0, N, dtype=jnp.int32)
    s = 1.0 / np.sqrt(D)
    W1 = jax.random.normal(ks[2], (D, H * C), dtype=jnp.float32) * s
    att_src1 = jax.random.normal(ks[3], (H, C), dtype=jnp.float32) * s
    att_dst1 = jax.random.normal(ks[4], (H, C), dtype=jnp.float32) * s
    b1 = jnp.zeros((H * C,), dtype=jnp.float32)
    W2 = jax.random.normal(ks[5], (H * C, H * C), dtype=jnp.float32) * s
    att_src2 = jax.random.normal(ks[6], (H, C), dtype=jnp.float32) * s
    att_dst2 = jax.random.normal(ks[7], (H, C), dtype=jnp.float32) * s
    b2 = jnp.zeros((H * C,), dtype=jnp.float32)
    return {"x": x, "edge_index": edge_index, "W1": W1, "att_src1": att_src1,
            "att_dst1": att_dst1, "b1": b1, "W2": W2, "att_src2": att_src2,
            "att_dst2": att_dst2, "b2": b2}


def _gat_conv(x, edge_index, W, att_src, att_dst, bias):
    n = x.shape[0]
    src = edge_index[0]
    dst = edge_index[1]
    xp = (x @ W).reshape(n, H, C)
    a_src = (xp * att_src[None, :, :]).sum(-1)  # [N, H]
    a_dst = (xp * att_dst[None, :, :]).sum(-1)  # [N, H]
    alpha = a_src[src] + a_dst[dst]             # [E, H]
    alpha = jax.nn.leaky_relu(alpha, negative_slope=0.2)
    amax = jax.ops.segment_max(alpha, dst, num_segments=n)
    amax = jnp.where(jnp.isfinite(amax), amax, 0.0)
    ex = jnp.exp(alpha - amax[dst])
    denom = jax.ops.segment_sum(ex, dst, num_segments=n)
    attn = ex / (denom[dst] + 1e-16)            # [E, H]
    msg = xp[src] * attn[:, :, None]            # [E, H, C]
    out = jax.ops.segment_sum(msg, dst, num_segments=n)  # [N, H, C]
    return out.reshape(n, H * C) + bias[None, :]


def reference(x, edge_index, W1, att_src1, att_dst1, b1, W2, att_src2, att_dst2, b2):
    h = jax.nn.relu(_gat_conv(x, edge_index, W1, att_src1, att_dst1, b1))
    h = jax.nn.relu(_gat_conv(h, edge_index, W2, att_src2, att_dst2, b2))
    return h

if __name__ == "__main__":
    import jax
    _d = setup_inputs()
    print(jax.jit(kernel)(*tuple(_d.values())))

</pallas_src>

<mosaic_0001>
#map = affine_map<(d0, d1) -> (0, 0)>
#map1 = affine_map<(d0, d1) -> (0)>
#map2 = affine_map<(d0, d1) -> (0, 0, 0)>
module attributes {stable_mosaic.version = 14 : i64} {
  func.func @_edge_body(%arg0: i32, %arg1: i32, %arg2: memref<10000x128xf32, #tpu.memory_space<hbm>>, %arg3: memref<10240xf32, #tpu.memory_space<hbm>>, %arg4: memref<10240xf32, #tpu.memory_space<hbm>>, %arg5: memref<320000xi32, #tpu.memory_space<hbm>>, %arg6: memref<320000xi32, #tpu.memory_space<hbm>>, %arg7: memref<2x10240x128xf32, #tpu.memory_space<hbm>>, %arg8: memref<2x10240xf32, #tpu.memory_space<hbm>>, %arg9: memref<80xi32, #tpu.memory_space<vmem>>, %arg10: memref<80xi32, #tpu.memory_space<vmem>>, %arg11: memref<80xf32, #tpu.memory_space<vmem>>, %arg12: memref<80xf32, #tpu.memory_space<vmem>>, %arg13: memref<80xf32, #tpu.memory_space<vmem>>, %arg14: memref<80x128xf32, #tpu.memory_space<vmem>>, %arg15: memref<640xf32, #tpu.memory_space<vmem>>, %arg16: memref<10240xf32, #tpu.memory_space<vmem_shared>>, %arg17: memref<10240xf32, #tpu.memory_space<vmem_shared>>, %arg18: memref<10240x128xf32, #tpu.memory_space<vmem_shared>>, %arg19: memref<10240xf32, #tpu.memory_space<vmem_shared>>, %arg20: memref<!tpu.dma_semaphore, #tpu.memory_space<semaphore_mem>>) attributes {dimension_semantics = [#tpu.dimension_semantics<core_parallel>, #tpu.dimension_semantics<subcore_parallel>], iteration_bounds = array<i64: 2, 16>, scalar_prefetch = 0 : i64, scratch_operands = 12 : i64, tpu.core_type = #tpu.core_type<sc_vector_subcore>, window_params = [{transform_indices = #map}, {transform_indices = #map1}, {transform_indices = #map1}, {transform_indices = #map1}, {transform_indices = #map1}, {transform_indices = #map2}, {transform_indices = #map}]} {
    %eq3A = arith.constant 0 : i32
    %eq3A_0 = arith.cmpi eq, %arg1, %eq3A : i32
    %convert_element_type3A = arith.extui %eq3A_0 : i1 to i32
    %cond3A = arith.constant 0 : i32
    %cond3A_1 = arith.cmpi ne, %convert_element_type3A, %cond3A : i32
    scf.if %cond3A_1 {
      "tpu.region"() ({
        %run_scoped3A = tpu.sem_alloc : memref<!tpu.dma_semaphore, #tpu.memory_space<semaphore_mem>>
        tpu.enqueue_dma source(%arg3 : memref<10240xf32, #tpu.memory_space<hbm>>) target(%arg16 : memref<10240xf32, #tpu.memory_space<vmem_shared>>) target_semaphore(%run_scoped3A : memref<!tpu.dma_semaphore, #tpu.memory_space<semaphore_mem>>)
        tpu.wait_dma2 semaphore(%run_scoped3A : memref<!tpu.dma_semaphore, #tpu.memory_space<semaphore_mem>>) src(%arg3 : memref<10240xf32, #tpu.memory_space<hbm>>) dst(%arg16 : memref<10240xf32, #tpu.memory_space<vmem_shared>>)
        tpu.yield
      }) : () -> ()
      "tpu.region"() ({
        %run_scoped3A = tpu.sem_alloc : memref<!tpu.dma_semaphore, #tpu.memory_space<semaphore_mem>>
        tpu.enqueue_dma source(%arg4 : memref<10240xf32, #tpu.memory_space<hbm>>) target(%arg17 : memref<10240xf32, #tpu.memory_space<vmem_shared>>) target_semaphore(%run_scoped3A : memref<!tpu.dma_semaphore, #tpu.memory_space<semaphore_mem>>)
        tpu.wait_dma2 semaphore(%run_scoped3A : memref<!tpu.dma_semaphore, #tpu.memory_space<semaphore_mem>>) src(%arg4 : memref<10240xf32, #tpu.memory_space<hbm>>) dst(%arg17 : memref<10240xf32, #tpu.memory_space<vmem_shared>>)
        tpu.yield
      }) : () -> ()
    } else {
    }
    %scan3A = arith.constant 0 : i32
    %scan3A_2 = arith.constant 0 : i32
    %scan3A_3 = arith.constant 80 : i32
    %scan3A_4 = arith.addi %scan3A_2, %scan3A_3 : i32
    %scan3A_5 = arith.constant 1 : i32
    %scan3A_6 = scf.for %scan3A_44 = %scan3A_2 to %scan3A_4 step %scan3A_5 iter_args(%scan3A_45 = %scan3A) -> (i32)  : i32 {
      %broadcast_in_dim3A = arith.constant 0.000000e+00 : f32
      %broadcast_in_dim3A_46 = vector.broadcast %broadcast_in_dim3A : f32 to vector<16xf32>
      %swap3A = arith.index_cast %scan3A_44 : i32 to index
      %swap3A_47 = arith.constant 0 : index
      %swap3A_48 = tpu.vector_load %arg14[%swap3A, %swap3A_47] {strides = array<i32>} : memref<80x128xf32, #tpu.memory_space<vmem>>, vector<1x16xf32>,
      %swap3A_49 = vector.shape_cast %swap3A_48 : vector<1x16xf32> to vector<16xf32>
      %swap3A_50 = vector.shape_cast %broadcast_in_dim3A_46 : vector<16xf32> to vector<1x16xf32>
      tpu.vector_store %arg14[%swap3A, %swap3A_47], %swap3A_50 {strides = array<i32>} : memref<80x128xf32, #tpu.memory_space<vmem>>, vector<1x16xf32>,
      %broadcast_in_dim3A_51 = arith.constant 0.000000e+00 : f32
      %broadcast_in_dim3A_52 = vector.broadcast %broadcast_in_dim3A_51 : f32 to vector<16xf32>
      %swap3A_53 = arith.index_cast %scan3A_44 : i32 to index
      %swap3A_54 = arith.constant 16 : index
      %swap3A_55 = tpu.vector_load %arg14[%swap3A_53, %swap3A_54] {strides = array<i32>} : memref<80x128xf32, #tpu.memory_space<vmem>>, vector<1x16xf32>,
      %swap3A_56 = vector.shape_cast %swap3A_55 : vector<1x16xf32> to vector<16xf32>
      %swap3A_57 = vector.shape_cast %broadcast_in_dim3A_52 : vector<16xf32> to vector<1x16xf32>
      tpu.vector_store %arg14[%swap3A_53, %swap3A_54], %swap3A_57 {strides = array<i32>} : memref<80x128xf32, #tpu.memory_space<vmem>>, vector<1x16xf32>,
      %broadcast_in_dim3A_58 = arith.constant 0.000000e+00 : f32
      %broadcast_in_dim3A_59 = vector.broadcast %broadcast_in_dim3A_58 : f32 to vector<16xf32>
      %swap3A_60 = arith.index_cast %scan3A_44 : i32 to index
      %swap3A_61 = arith.constant 32 : index
      %swap3A_62 = tpu.vector_load %arg14[%swap3A_60, %swap3A_61] {strides = array<i32>} : memref<80x128xf32, #tpu.memory_space<vmem>>, vector<1x16xf32>,
      %swap3A_63 = vector.shape_cast %swap3A_62 : vector<1x16xf32> to vector<16xf32>
      %swap3A_64 = vector.shape_cast %broadcast_in_dim3A_59 : vector<16xf32> to vector<1x16xf32>
      tpu.vector_store %arg14[%swap3A_60, %swap3A_61], %swap3A_64 {strides = array<i32>} : memref<80x128xf32, #tpu.memory_space<vmem>>, vector<1x16xf32>,
      %broadcast_in_dim3A_65 = arith.constant 0.000000e+00 : f32
      %broadcast_in_dim3A_66 = vector.broadcast %broadcast_in_dim3A_65 : f32 to vector<16xf32>
      %swap3A_67 = arith.index_cast %scan3A_44 : i32 to index
      %swap3A_68 = arith.constant 48 : index
      %swap3A_69 = tpu.vector_load %arg14[%swap3A_67, %swap3A_68] {strides = array<i32>} : memref<80x128xf32, #tpu.memory_space<vmem>>, vector<1x16xf32>,
      %swap3A_70 = vector.shape_cast %swap3A_69 : vector<1x16xf32> to vector<16xf32>
      %swap3A_71 = vector.shape_cast %broadcast_in_dim3A_66 : vector<16xf32> to vector<1x16xf32>
      tpu.vector_store %arg14[%swap3A_67, %swap3A_68], %swap3A_71 {strides = array<i32>} : memref<80x128xf32, #tpu.memory_space<vmem>>, vector<1x16xf32>,
      %broadcast_in_dim3A_72 = arith.constant 0.000000e+00 : f32
      %broadcast_in_dim3A_73 = vector.broadcast %broadcast_in_dim3A_72 : f32 to vector<16xf32>
      %swap3A_74 = arith.index_cast %scan3A_44 : i32 to index
      %swap3A_75 = arith.constant 64 : index
      %swap3A_76 = tpu.vector_load %arg14[%swap3A_74, %swap3A_75] {strides = array<i32>} : memref<80x128xf32, #tpu.memory_space<vmem>>, vector<1x16xf32>,
      %swap3A_77 = vector.shape_cast %swap3A_76 : vector<1x16xf32> to vector<16xf32>
      %swap3A_78 = vector.shape_cast %broadcast_in_dim3A_73 : vector<16xf32> to vector<1x16xf32>
      tpu.vector_store %arg14[%swap3A_74, %swap3A_75], %swap3A_78 {strides = array<i32>} : memref<80x128xf32, #tpu.memory_space<vmem>>, vector<1x16xf32>,
      %broadcast_in_dim3A_79 = arith.constant 0.000000e+00 : f32
      %broadcast_in_dim3A_80 = vector.broadcast %broadcast_in_dim3A_79 : f32 to vector<16xf32>
      %swap3A_81 = arith.index_cast %scan3A_44 : i32 to index
      %swap3A_82 = arith.constant 80 : index
      %swap3A_83 = tpu.vector_load %arg14[%swap3A_81, %swap3A_82] {strides = array<i32>} : memref<80x128xf32, #tpu.memory_space<vmem>>, vector<1x16xf32>,
      %swap3A_84 = vector.shape_cast %swap3A_83 : vector<1x16xf32> to vector<16xf32>
      %swap3A_85 = vector.shape_cast %broadcast_in_dim3A_80 : vector<16xf32> to vector<1x16xf32>
      tpu.vector_store %arg14[%swap3A_81, %swap3A_82], %swap3A_85 {strides = array<i32>} : memref<80x128xf32, #tpu.memory_space<vmem>>, vector<1x16xf32>,
      %broadcast_in_dim3A_86 = arith.constant 0.000000e+00 : f32
      %broadcast_in_dim3A_87 = vector.broadcast %broadcast_in_dim3A_86 : f32 to vector<16xf32>
      %swap3A_88 = arith.index_cast %scan3A_44 : i32 to index
      %swap3A_89 = arith.constant 96 : index
      %swap3A_90 = tpu.vector_load %arg14[%swap3A_88, %swap3A_89] {strides = array<i32>} : memref<80x128xf32, #tpu.memory_space<vmem>>, vector<1x16xf32>,
      %swap3A_91 = vector.shape_cast %swap3A_90 : vector<1x16xf32> to vector<16xf32>
      %swap3A_92 = vector.shape_cast %broadcast_in_dim3A_87 : vector<16xf32> to vector<1x16xf32>
      tpu.vector_store %arg14[%swap3A_88, %swap3A_89], %swap3A_92 {strides = array<i32>} : memref<80x128xf32, #tpu.memory_space<vmem>>, vector<1x16xf32>,
      %broadcast_in_dim3A_93 = arith.constant 0.000000e+00 : f32
      %broadcast_in_dim3A_94 = vector.broadcast %broadcast_in_dim3A_93 : f32 to vector<16xf32>
      %swap3A_95 = arith.index_cast %scan3A_44 : i32 to index
      %swap3A_96 = arith.constant 112 : index
      %swap3A_97 = tpu.vector_load %arg14[%swap3A_95, %swap3A_96] {strides = array<i32>} : memref<80x128xf32, #tpu.memory_space<vmem>>, vector<1x16xf32>,
      %swap3A_98 = vector.shape_cast %swap3A_97 : vector<1x16xf32> to vector<16xf32>
      %swap3A_99 = vector.shape_cast %broadcast_in_dim3A_94 : vector<16xf32> to vector<1x16xf32>
      tpu.vector_store %arg14[%swap3A_95, %swap3A_96], %swap3A_99 {strides = array<i32>} : memref<80x128xf32, #tpu.memory_space<vmem>>, vector<1x16xf32>,
      %scan3A_100 = arith.constant 0 : i32
      scf.yield %scan3A_100 : i32
    }
    %scan3A_7 = arith.constant 80 : i32
    %scan3A_8 = arith.constant 0 : i32
    %scan3A_9 = arith.constant 0 : i32
    %scan3A_10 = arith.constant 40 : i32
    %scan3A_11 = arith.addi %scan3A_9, %scan3A_10 : i32
    %scan3A_12 = arith.constant 1 : i32
    %scan3A_13 = scf.for %scan3A_44 = %scan3A_9 to %scan3A_11 step %scan3A_12 iter_args(%scan3A_45 = %scan3A_8) -> (i32)  : i32 {
      %broadcast_in_dim3A = arith.constant 0.000000e+00 : f32
      %broadcast_in_dim3A_46 = vector.broadcast %broadcast_in_dim3A : f32 to vector<16xf32>
      %mul3A_47 = arith.constant 16 : i32
      %mul3A_48 = arith.muli %scan3A_44, %mul3A_47 : i32
      %swap3A = arith.index_cast %mul3A_48 : i32 to index
      %swap3A_49 = tpu.vector_load %arg15[%swap3A] {strides = array<i32>} : memref<640xf32, #tpu.memory_space<vmem>>, vector<16xf32>,
      %swap3A_50 = vector.shape_cast %swap3A_49 : vector<16xf32> to vector<16xf32>
      %swap3A_51 = vector.shape_cast %broadcast_in_dim3A_46 : vector<16xf32> to vector<16xf32>
      tpu.vector_store %arg15[%swap3A], %swap3A_51 {strides = array<i32>} : memref<640xf32, #tpu.memory_space<vmem>>, vector<16xf32>,
      %scan3A_52 = arith.constant 0 : i32
      scf.yield %scan3A_52 : i32
    }
    %scan3A_14 = arith.constant 40 : i32
    %mul3A = arith.constant 640 : i32
    %mul3A_15 = arith.muli %arg1, %mul3A : i32
    %add3A = arith.constant 0 : i32
    %add3A_16 = arith.addi %mul3A_15, %add3A : i32
    "tpu.region"() ({
      %run_scoped3A = tpu.sem_alloc : memref<!tpu.dma_semaphore, #tpu.memory_space<semaphore_mem>>
      %dma_start3A = arith.constant 0 : i32
      %dma_start3A_44 = tpu.memref_slice %arg18[%add3A_16, %dma_start3A] : memref<10240x128xf32, #tpu.memory_space<vmem_shared>> -> memref<80x128xf32, #tpu.memory_space<vmem_shared>>
      %dma_start3A_45 = arith.constant 0 : i32
      %dma_start3A_46 = tpu.memref_slice %arg18[%add3A_16, %dma_start3A_45] : memref<10240x128xf32, #tpu.memory_space<vmem_shared>> -> memref<80x128xf32, #tpu.memory_space<vmem_shared>>
      tpu.enqueue_dma source(%arg14 : memref<80x128xf32, #tpu.memory_space<vmem>>) target(%dma_start3A_46 : memref<80x128xf32, #tpu.memory_space<vmem_shared>>) target_semaphore(%run_scoped3A : memref<!tpu.dma_semaphore, #tpu.memory_space<semaphore_mem>>)
      %dma_wait3A = arith.constant 0 : i32
      %dma_wait3A_47 = tpu.memref_slice %arg18[%add3A_16, %dma_wait3A] : memref<10240x128xf32, #tpu.memory_space<vmem_shared>> -> memref<80x128xf32, #tpu.memory_space<vmem_shared>>
      %dma_wait3A_48 = arith.constant 0 : i32
      %dma_wait3A_49 = tpu.memref_slice %arg18[%add3A_16, %dma_wait3A_48] : memref<10240x128xf32, #tpu.memory_space<vmem_shared>> -> memref<80x128xf32, #tpu.memory_space<vmem_shared>>
      tpu.wait_dma2 semaphore(%run_scoped3A : memref<!tpu.dma_semaphore, #tpu.memory_space<semaphore_mem>>) src(%arg14 : memref<80x128xf32, #tpu.memory_space<vmem>>) dst(%dma_wait3A_49 : memref<80x128xf32, #tpu.memory_space<vmem_shared>>)
      tpu.yield
    }) : () -> ()
    %add3A_17 = arith.constant 80 : i32
    %add3A_18 = arith.addi %mul3A_15, %add3A_17 : i32
    "tpu.region"() ({
      %run_scoped3A = tpu.sem_alloc : memref<!tpu.dma_semaphore, #tpu.memory_space<semaphore_mem>>
      %dma_start3A = arith.constant 0 : i32
      %dma_start3A_44 = tpu.memref_slice %arg18[%add3A_18, %dma_start3A] : memref<10240x128xf32, #tpu.memory_space<vmem_shared>> -> memref<80x128xf32, #tpu.memory_space<vmem_shared>>
      %dma_start3A_45 = arith.constant 0 : i32
      %dma_start3A_46 = tpu.memref_slice %arg18[%add3A_18, %dma_start3A_45] : memref<10240x128xf32, #tpu.memory_space<vmem_shared>> -> memref<80x128xf32, #tpu.memory_space<vmem_shared>>
      tpu.enqueue_dma source(%arg14 : memref<80x128xf32, #tpu.memory_space<vmem>>) target(%dma_start3A_46 : memref<80x128xf32, #tpu.memory_space<vmem_shared>>) target_semaphore(%run_scoped3A : memref<!tpu.dma_semaphore, #tpu.memory_space<semaphore_mem>>)
      %dma_wait3A = arith.constant 0 : i32
      %dma_wait3A_47 = tpu.memref_slice %arg18[%add3A_18, %dma_wait3A] : memref<10240x128xf32, #tpu.memory_space<vmem_shared>> -> memref<80x128xf32, #tpu.memory_space<vmem_shared>>
      %dma_wait3A_48 = arith.constant 0 : i32
      %dma_wait3A_49 = tpu.memref_slice %arg18[%add3A_18, %dma_wait3A_48] : memref<10240x128xf32, #tpu.memory_space<vmem_shared>> -> memref<80x128xf32, #tpu.memory_space<vmem_shared>>
      tpu.wait_dma2 semaphore(%run_scoped3A : memref<!tpu.dma_semaphore, #tpu.memory_space<semaphore_mem>>) src(%arg14 : memref<80x128xf32, #tpu.memory_space<vmem>>) dst(%dma_wait3A_49 : memref<80x128xf32, #tpu.memory_space<vmem_shared>>)
      tpu.yield
    }) : () -> ()
    %add3A_19 = arith.constant 160 : i32
    %add3A_20 = arith.addi %mul3A_15, %add3A_19 : i32
    "tpu.region"() ({
      %run_scoped3A = tpu.sem_alloc : memref<!tpu.dma_semaphore, #tpu.memory_space<semaphore_mem>>
      %dma_start3A = arith.constant 0 : i32
      %dma_start3A_44 = tpu.memref_slice %arg18[%add3A_20, %dma_start3A] : memref<10240x128xf32, #tpu.memory_space<vmem_shared>> -> memref<80x128xf32, #tpu.memory_space<vmem_shared>>
      %dma_start3A_45 = arith.constant 0 : i32
      %dma_start3A_46 = tpu.memref_slice %arg18[%add3A_20, %dma_start3A_45] : memref<10240x128xf32, #tpu.memory_space<vmem_shared>> -> memref<80x128xf32, #tpu.memory_space<vmem_shared>>
      tpu.enqueue_dma source(%arg14 : memref<80x128xf32, #tpu.memory_space<vmem>>) target(%dma_start3A_46 : memref<80x128xf32, #tpu.memory_space<vmem_shared>>) target_semaphore(%run_scoped3A : memref<!tpu.dma_semaphore, #tpu.memory_space<semaphore_mem>>)
      %dma_wait3A = arith.constant 0 : i32
      %dma_wait3A_47 = tpu.memref_slice %arg18[%add3A_20, %dma_wait3A] : memref<10240x128xf32, #tpu.memory_space<vmem_shared>> -> memref<80x128xf32, #tpu.memory_space<vmem_shared>>
      %dma_wait3A_48 = arith.constant 0 : i32
      %dma_wait3A_49 = tpu.memref_slice %arg18[%add3A_20, %dma_wait3A_48] : memref<10240x128xf32, #tpu.memory_space<vmem_shared>> -> memref<80x128xf32, #tpu.memory_space<vmem_shared>>
      tpu.wait_dma2 semaphore(%run_scoped3A : memref<!tpu.dma_semaphore, #tpu.memory_space<semaphore_mem>>) src(%arg14 : memref<80x128xf32, #tpu.memory_space<vmem>>) dst(%dma_wait3A_49 : memref<80x128xf32, #tpu.memory_space<vmem_shared>>)
      tpu.yield
    }) : () -> ()
    %add3A_21 = arith.constant 240 : i32
    %add3A_22 = arith.addi %mul3A_15, %add3A_21 : i32
    "tpu.region"() ({
      %run_scoped3A = tpu.sem_alloc : memref<!tpu.dma_semaphore, #tpu.memory_space<semaphore_mem>>
      %dma_start3A = arith.constant 0 : i32
      %dma_start3A_44 = tpu.memref_slice %arg18[%add3A_22, %dma_start3A] : memref<10240x128xf32, #tpu.memory_space<vmem_shared>> -> memref<80x128xf32, #tpu.memory_space<vmem_shared>>
      %dma_start3A_45 = arith.constant 0 : i32
      %dma_start3A_46 = tpu.memref_slice %arg18[%add3A_22, %dma_start3A_45] : memref<10240x128xf32, #tpu.memory_space<vmem_shared>> -> memref<80x128xf32, #tpu.memory_space<vmem_shared>>
      tpu.enqueue_dma source(%arg14 : memref<80x128xf32, #tpu.memory_space<vmem>>) target(%dma_start3A_46 : memref<80x128xf32, #tpu.memory_space<vmem_shared>>) target_semaphore(%run_scoped3A : memref<!tpu.dma_semaphore, #tpu.memory_space<semaphore_mem>>)
      %dma_wait3A = arith.constant 0 : i32
      %dma_wait3A_47 = tpu.memref_slice %arg18[%add3A_22, %dma_wait3A] : memref<10240x128xf32, #tpu.memory_space<vmem_shared>> -> memref<80x128xf32, #tpu.memory_space<vmem_shared>>
      %dma_wait3A_48 = arith.constant 0 : i32
      %dma_wait3A_49 = tpu.memref_slice %arg18[%add3A_22, %dma_wait3A_48] : memref<10240x128xf32, #tpu.memory_space<vmem_shared>> -> memref<80x128xf32, #tpu.memory_space<vmem_shared>>
      tpu.wait_dma2 semaphore(%run_scoped3A : memref<!tpu.dma_semaphore, #tpu.memory_space<semaphore_mem>>) src(%arg14 : memref<80x128xf32, #tpu.memory_space<vmem>>) dst(%dma_wait3A_49 : memref<80x128xf32, #tpu.memory_space<vmem_shared>>)
      tpu.yield
    }) : () -> ()
    %add3A_23 = arith.constant 320 : i32
    %add3A_24 = arith.addi %mul3A_15, %add3A_23 : i32
    "tpu.region"() ({
      %run_scoped3A = tpu.sem_alloc : memref<!tpu.dma_semaphore, #tpu.memory_space<semaphore_mem>>
      %dma_start3A = arith.constant 0 : i32
      %dma_start3A_44 = tpu.memref_slice %arg18[%add3A_24, %dma_start3A] : memref<10240x128xf32, #tpu.memory_space<vmem_shared>> -> memref<80x128xf32, #tpu.memory_space<vmem_shared>>
      %dma_start3A_45 = arith.constant 0 : i32
      %dma_start3A_46 = tpu.memref_slice %arg18[%add3A_24, %dma_start3A_45] : memref<10240x128xf32, #tpu.memory_space<vmem_shared>> -> memref<80x128xf32, #tpu.memory_space<vmem_shared>>
      tpu.enqueue_dma source(%arg14 : memref<80x128xf32, #tpu.memory_space<vmem>>) target(%dma_start3A_46 : memref<80x128xf32, #tpu.memory_space<vmem_shared>>) target_semaphore(%run_scoped3A : memref<!tpu.dma_semaphore, #tpu.memory_space<semaphore_mem>>)
      %dma_wait3A = arith.constant 0 : i32
      %dma_wait3A_47 = tpu.memref_slice %arg18[%add3A_24, %dma_wait3A] : memref<10240x128xf32, #tpu.memory_space<vmem_shared>> -> memref<80x128xf32, #tpu.memory_space<vmem_shared>>
      %dma_wait3A_48 = arith.constant 0 : i32
      %dma_wait3A_49 = tpu.memref_slice %arg18[%add3A_24, %dma_wait3A_48] : memref<10240x128xf32, #tpu.memory_space<vmem_shared>> -> memref<80x128xf32, #tpu.memory_space<vmem_shared>>
      tpu.wait_dma2 semaphore(%run_scoped3A : memref<!tpu.dma_semaphore, #tpu.memory_space<semaphore_mem>>) src(%arg14 : memref<80x128xf32, #tpu.memory_space<vmem>>) dst(%dma_wait3A_49 : memref<80x128xf32, #tpu.memory_space<vmem_shared>>)
      tpu.yield
    }) : () -> ()
    %add3A_25 = arith.constant 400 : i32
    %add3A_26 = arith.addi %mul3A_15, %add3A_25 : i32
    "tpu.region"() ({
      %run_scoped3A = tpu.sem_alloc : memref<!tpu.dma_semaphore, #tpu.memory_space<semaphore_mem>>
      %dma_start3A = arith.constant 0 : i32
      %dma_start3A_44 = tpu.memref_slice %arg18[%add3A_26, %dma_start3A] : memref<10240x128xf32, #tpu.memory_space<vmem_shared>> -> memref<80x128xf32, #tpu.memory_space<vmem_shared>>
      %dma_start3A_45 = arith.constant 0 : i32
      %dma_start3A_46 = tpu.memref_slice %arg18[%add3A_26, %dma_start3A_45] : memref<10240x128xf32, #tpu.memory_space<vmem_shared>> -> memref<80x128xf32, #tpu.memory_space<vmem_shared>>
      tpu.enqueue_dma source(%arg14 : memref<80x128xf32, #tpu.memory_space<vmem>>) target(%dma_start3A_46 : memref<80x128xf32, #tpu.memory_space<vmem_shared>>) target_semaphore(%run_scoped3A : memref<!tpu.dma_semaphore, #tpu.memory_space<semaphore_mem>>)
      %dma_wait3A = arith.constant 0 : i32
      %dma_wait3A_47 = tpu.memref_slice %arg18[%add3A_26, %dma_wait3A] : memref<10240x128xf32, #tpu.memory_space<vmem_shared>> -> memref<80x128xf32, #tpu.memory_space<vmem_shared>>
      %dma_wait3A_48 = arith.constant 0 : i32
      %dma_wait3A_49 = tpu.memref_slice %arg18[%add3A_26, %dma_wait3A_48] : memref<10240x128xf32, #tpu.memory_space<vmem_shared>> -> memref<80x128xf32, #tpu.memory_space<vmem_shared>>
      tpu.wait_dma2 semaphore(%run_scoped3A : memref<!tpu.dma_semaphore, #tpu.memory_space<semaphore_mem>>) src(%arg14 : memref<80x128xf32, #tpu.memory_space<vmem>>) dst(%dma_wait3A_49 : memref<80x128xf32, #tpu.memory_space<vmem_shared>>)
      tpu.yield
    }) : () -> ()
    %add3A_27 = arith.constant 480 : i32
    %add3A_28 = arith.addi %mul3A_15, %add3A_27 : i32
    "tpu.region"() ({
      %run_scoped3A = tpu.sem_alloc : memref<!tpu.dma_semaphore, #tpu.memory_space<semaphore_mem>>
      %dma_start3A = arith.constant 0 : i32
      %dma_start3A_44 = tpu.memref_slice %arg18[%add3A_28, %dma_start3A] : memref<10240x128xf32, #tpu.memory_space<vmem_shared>> -> memref<80x128xf32, #tpu.memory_space<vmem_shared>>
      %dma_start3A_45 = arith.constant 0 : i32
      %dma_start3A_46 = tpu.memref_slice %arg18[%add3A_28, %dma_start3A_45] : memref<10240x128xf32, #tpu.memory_space<vmem_shared>> -> memref<80x128xf32, #tpu.memory_space<vmem_shared>>
      tpu.enqueue_dma source(%arg14 : memref<80x128xf32, #tpu.memory_space<vmem>>) target(%dma_start3A_46 : memref<80x128xf32, #tpu.memory_space<vmem_shared>>) target_semaphore(%run_scoped3A : memref<!tpu.dma_semaphore, #tpu.memory_space<semaphore_mem>>)
      %dma_wait3A = arith.constant 0 : i32
      %dma_wait3A_47 = tpu.memref_slice %arg18[%add3A_28, %dma_wait3A] : memref<10240x128xf32, #tpu.memory_space<vmem_shared>> -> memref<80x128xf32, #tpu.memory_space<vmem_shared>>
      %dma_wait3A_48 = arith.constant 0 : i32
      %dma_wait3A_49 = tpu.memref_slice %arg18[%add3A_28, %dma_wait3A_48] : memref<10240x128xf32, #tpu.memory_space<vmem_shared>> -> memref<80x128xf32, #tpu.memory_space<vmem_shared>>
      tpu.wait_dma2 semaphore(%run_scoped3A : memref<!tpu.dma_semaphore, #tpu.memory_space<semaphore_mem>>) src(%arg14 : memref<80x128xf32, #tpu.memory_space<vmem>>) dst(%dma_wait3A_49 : memref<80x128xf32, #tpu.memory_space<vmem_shared>>)
      tpu.yield
    }) : () -> ()
    %add3A_29 = arith.constant 560 : i32
    %add3A_30 = arith.addi %mul3A_15, %add3A_29 : i32
    "tpu.region"() ({
      %run_scoped3A = tpu.sem_alloc : memref<!tpu.dma_semaphore, #tpu.memory_space<semaphore_mem>>
      %dma_start3A = arith.constant 0 : i32
      %dma_start3A_44 = tpu.memref_slice %arg18[%add3A_30, %dma_start3A] : memref<10240x128xf32, #tpu.memory_space<vmem_shared>> -> memref<80x128xf32, #tpu.memory_space<vmem_shared>>
      %dma_start3A_45 = arith.constant 0 : i32
      %dma_start3A_46 = tpu.memref_slice %arg18[%add3A_30, %dma_start3A_45] : memref<10240x128xf32, #tpu.memory_space<vmem_shared>> -> memref<80x128xf32, #tpu.memory_space<vmem_shared>>
      tpu.enqueue_dma source(%arg14 : memref<80x128xf32, #tpu.memory_space<vmem>>) target(%dma_start3A_46 : memref<80x128xf32, #tpu.memory_space<vmem_shared>>) target_semaphore(%run_scoped3A : memref<!tpu.dma_semaphore, #tpu.memory_space<semaphore_mem>>)
      %dma_wait3A = arith.constant 0 : i32
      %dma_wait3A_47 = tpu.memref_slice %arg18[%add3A_30, %dma_wait3A] : memref<10240x128xf32, #tpu.memory_space<vmem_shared>> -> memref<80x128xf32, #tpu.memory_space<vmem_shared>>
      %dma_wait3A_48 = arith.constant 0 : i32
      %dma_wait3A_49 = tpu.memref_slice %arg18[%add3A_30, %dma_wait3A_48] : memref<10240x128xf32, #tpu.memory_space<vmem_shared>> -> memref<80x128xf32, #tpu.memory_space<vmem_shared>>
      tpu.wait_dma2 semaphore(%run_scoped3A : memref<!tpu.dma_semaphore, #tpu.memory_space<semaphore_mem>>) src(%arg14 : memref<80x128xf32, #tpu.memory_space<vmem>>) dst(%dma_wait3A_49 : memref<80x128xf32, #tpu.memory_space<vmem_shared>>)
      tpu.yield
    }) : () -> ()
    "tpu.region"() ({
      %run_scoped3A = tpu.sem_alloc : memref<!tpu.dma_semaphore, #tpu.memory_space<semaphore_mem>>
      %dma_start3A = tpu.memref_slice %arg19[%mul3A_15] : memref<10240xf32, #tpu.memory_space<vmem_shared>> -> memref<640xf32, #tpu.memory_space<vmem_shared>>
      %dma_start3A_44 = tpu.memref_slice %arg19[%mul3A_15] : memref<10240xf32, #tpu.memory_space<vmem_shared>> -> memref<640xf32, #tpu.memory_space<vmem_shared>>
      tpu.enqueue_dma source(%arg15 : memref<640xf32, #tpu.memory_space<vmem>>) target(%dma_start3A_44 : memref<640xf32, #tpu.memory_space<vmem_shared>>) target_semaphore(%run_scoped3A : memref<!tpu.dma_semaphore, #tpu.memory_space<semaphore_mem>>)
      %dma_wait3A = tpu.memref_slice %arg19[%mul3A_15] : memref<10240xf32, #tpu.memory_space<vmem_shared>> -> memref<640xf32, #tpu.memory_space<vmem_shared>>
      %dma_wait3A_45 = tpu.memref_slice %arg19[%mul3A_15] : memref<10240xf32, #tpu.memory_space<vmem_shared>> -> memref<640xf32, #tpu.memory_space<vmem_shared>>
      tpu.wait_dma2 semaphore(%run_scoped3A : memref<!tpu.dma_semaphore, #tpu.memory_space<semaphore_mem>>) src(%arg15 : memref<640xf32, #tpu.memory_space<vmem>>) dst(%dma_wait3A_45 : memref<640xf32, #tpu.memory_space<vmem_shared>>)
      tpu.yield
    }) : () -> ()
    %barrier3A = arith.constant 0 : index
    tpu.barrier barrier_id(%barrier3A)
    %mul3A_31 = arith.constant 2 : i32
    %mul3A_32 = arith.muli %arg1, %mul3A_31 : i32
    %add3A_33 = arith.addi %mul3A_32, %arg0 : i32
    %mul3A_34 = arith.constant 10000 : i32
    %mul3A_35 = arith.muli %add3A_33, %mul3A_34 : i32
    %scan3A_36 = arith.constant 0 : i32
    %scan3A_37 = arith.constant 0 : i32
    %scan3A_38 = arith.constant 125 : i32
    %scan3A_39 = arith.addi %scan3A_37, %scan3A_38 : i32
    %scan3A_40 = arith.constant 1 : i32
    %scan3A_41 = scf.for %scan3A_44 = %scan3A_37 to %scan3A_39 step %scan3A_40 iter_args(%scan3A_45 = %scan3A_36) -> (i32)  : i32 {
      %mul3A_46 = arith.constant 80 : i32
      %mul3A_47 = arith.muli %scan3A_44, %mul3A_46 : i32
      %add3A_48 = arith.addi %mul3A_35, %mul3A_47 : i32
      "tpu.region"() ({
        %run_scoped3A = tpu.sem_alloc : memref<!tpu.dma_semaphore, #tpu.memory_space<semaphore_mem>>
        %dma_start3A_151 = tpu.memref_slice %arg5[%add3A_48] : memref<320000xi32, #tpu.memory_space<hbm>> -> memref<80xi32, #tpu.memory_space<hbm>>
        %dma_start3A_152 = tpu.memref_slice %arg5[%add3A_48] : memref<320000xi32, #tpu.memory_space<hbm>> -> memref<80xi32, #tpu.memory_space<hbm>>
        tpu.enqueue_dma source(%dma_start3A_152 : memref<80xi32, #tpu.memory_space<hbm>>) target(%arg9 : memref<80xi32, #tpu.memory_space<vmem>>) target_semaphore(%run_scoped3A : memref<!tpu.dma_semaphore, #tpu.memory_space<semaphore_mem>>)
        %dma_wait3A_153 = tpu.memref_slice %arg5[%add3A_48] : memref<320000xi32, #tpu.memory_space<hbm>> -> memref<80xi32, #tpu.memory_space<hbm>>
        %dma_wait3A_154 = tpu.memref_slice %arg5[%add3A_48] : memref<320000xi32, #tpu.memory_space<hbm>> -> memref<80xi32, #tpu.memory_space<hbm>>
        tpu.wait_dma2 semaphore(%run_scoped3A : memref<!tpu.dma_semaphore, #tpu.memory_space<semaphore_mem>>) src(%dma_wait3A_154 : memref<80xi32, #tpu.memory_space<hbm>>) dst(%arg9 : memref<80xi32, #tpu.memory_space<vmem>>)
        tpu.yield
      }) : () -> ()
      "tpu.region"() ({
        %run_scoped3A = tpu.sem_alloc : memref<!tpu.dma_semaphore, #tpu.memory_space<semaphore_mem>>
        %dma_start3A_151 = tpu.memref_slice %arg6[%add3A_48] : memref<320000xi32, #tpu.memory_space<hbm>> -> memref<80xi32, #tpu.memory_space<hbm>>
        %dma_start3A_152 = tpu.memref_slice %arg6[%add3A_48] : memref<320000xi32, #tpu.memory_space<hbm>> -> memref<80xi32, #tpu.memory_space<hbm>>
        tpu.enqueue_dma source(%dma_start3A_152 : memref<80xi32, #tpu.memory_space<hbm>>) target(%arg10 : memref<80xi32, #tpu.memory_space<vmem>>) target_semaphore(%run_scoped3A : memref<!tpu.dma_semaphore, #tpu.memory_space<semaphore_mem>>)
        %dma_wait3A_153 = tpu.memref_slice %arg6[%add3A_48] : memref<320000xi32, #tpu.memory_space<hbm>> -> memref<80xi32, #tpu.memory_space<hbm>>
        %dma_wait3A_154 = tpu.memref_slice %arg6[%add3A_48] : memref<320000xi32, #tpu.memory_space<hbm>> -> memref<80xi32, #tpu.memory_space<hbm>>
        tpu.wait_dma2 semaphore(%run_scoped3A : memref<!tpu.dma_semaphore, #tpu.memory_space<semaphore_mem>>) src(%dma_wait3A_154 : memref<80xi32, #tpu.memory_space<hbm>>) dst(%arg10 : memref<80xi32, #tpu.memory_space<vmem>>)
        tpu.yield
      }) : () -> ()
      %dma_start3A = arith.constant 0 : i32
      %dma_start3A_49 = arith.constant 0 : i32
      %dma_start3A_50 = tpu.memref_slice %arg2[%dma_start3A, %dma_start3A_49] : memref<10000x128xf32, #tpu.memory_space<hbm>> -> memref<10000x128xf32, #tpu.memory_space<hbm>>
      tpu.enqueue_indirect_dma source(%dma_start3A_50 : memref<10000x128xf32, #tpu.memory_space<hbm>>) target(%arg14 : memref<80x128xf32, #tpu.memory_space<vmem>>) offsets(%arg9 : memref<80xi32, #tpu.memory_space<vmem>>) semaphore(%arg20 : memref<!tpu.dma_semaphore, #tpu.memory_space<semaphore_mem>>)
      "tpu.region"() ({
        %run_scoped3A = tpu.sem_alloc : memref<!tpu.dma_semaphore, #tpu.memory_space<semaphore_mem>>
        %dma_start3A_151 = arith.constant 0 : i32
        %dma_start3A_152 = tpu.memref_slice %arg16[%dma_start3A_151] : memref<10240xf32, #tpu.memory_space<vmem_shared>> -> memref<10240xf32, #tpu.memory_space<vmem_shared>>
        tpu.enqueue_indirect_dma source(%dma_start3A_152 : memref<10240xf32, #tpu.memory_space<vmem_shared>>) target(%arg11 : memref<80xf32, #tpu.memory_space<vmem>>) offsets(%arg9 : memref<80xi32, #tpu.memory_space<vmem>>) semaphore(%run_scoped3A : memref<!tpu.dma_semaphore, #tpu.memory_space<semaphore_mem>>)
        %dma_wait3A_153 = arith.constant 0 : i32
        %dma_wait3A_154 = tpu.memref_slice %arg16[%dma_wait3A_153] : memref<10240xf32, #tpu.memory_space<vmem_shared>> -> memref<10240xf32, #tpu.memory_space<vmem_shared>>
        tpu.wait_indirect_dma semaphore(%run_scoped3A : memref<!tpu.dma_semaphore, #tpu.memory_space<semaphore_mem>>) src(%dma_wait3A_154 : memref<10240xf32, #tpu.memory_space<vmem_shared>>) dst(%arg11 : memref<80xf32, #tpu.memory_space<vmem>>)
        tpu.yield
      }) : () -> ()
      "tpu.region"() ({
        %run_scoped3A = tpu.sem_alloc : memref<!tpu.dma_semaphore, #tpu.memory_space<semaphore_mem>>
        %dma_start3A_151 = arith.constant 0 : i32
        %dma_start3A_152 = tpu.memref_slice %arg17[%dma_start3A_151] : memref<10240xf32, #tpu.memory_space<vmem_shared>> -> memref<10240xf32, #tpu.memory_space<vmem_shared>>
        tpu.enqueue_indirect_dma source(%dma_start3A_152 : memref<10240xf32, #tpu.memory_space<vmem_shared>>) target(%arg12 : memref<80xf32, #tpu.memory_space<vmem>>) offsets(%arg10 : memref<80xi32, #tpu.memory_space<vmem>>) semaphore(%run_scoped3A : memref<!tpu.dma_semaphore, #tpu.memory_space<semaphore_mem>>)
        %dma_wait3A_153 = arith.constant 0 : i32
        %dma_wait3A_154 = tpu.memref_slice %arg17[%dma_wait3A_153] : memref<10240xf32, #tpu.memory_space<vmem_shared>> -> memref<10240xf32, #tpu.memory_space<vmem_shared>>
        tpu.wait_indirect_dma semaphore(%run_scoped3A : memref<!tpu.dma_semaphore, #tpu.memory_space<semaphore_mem>>) src(%dma_wait3A_154 : memref<10240xf32, #tpu.memory_space<vmem_shared>>) dst(%arg12 : memref<80xf32, #tpu.memory_space<vmem>>)
        tpu.yield
      }) : () -> ()
      %get3A = arith.constant 0 : index
      %get3A_51 = tpu.vector_load %arg11[%get3A] {strides = array<i32>} : memref<80xf32, #tpu.memory_space<vmem>>, vector<16xf32>,
      %get3A_52 = vector.shape_cast %get3A_51 : vector<16xf32> to vector<16xf32>
      %get3A_53 = arith.constant 0 : index
      %get3A_54 = tpu.vector_load %arg12[%get3A_53] {strides = array<i32>} : memref<80xf32, #tpu.memory_space<vmem>>, vector<16xf32>,
      %get3A_55 = vector.shape_cast %get3A_54 : vector<16xf32> to vector<16xf32>
      %add3A_56 = arith.addf %get3A_52, %get3A_55 : vector<16xf32>
      %ge3A = arith.constant 0.000000e+00 : f32
      %ge3A_57 = vector.broadcast %ge3A : f32 to vector<16xf32>
      %ge3A_58 = arith.cmpf oge, %add3A_56, %ge3A_57 : vector<16xf32>
      %mul3A_59 = arith.constant 2.000000e-01 : f32
      %mul3A_60 = vector.broadcast %mul3A_59 : f32 to vector<16xf32>
      %mul3A_61 = arith.mulf %mul3A_60, %add3A_56 : vector<16xf32>
      %select_n3A = arith.select %ge3A_58, %add3A_56, %mul3A_61 : vector<16xi1>, vector<16xf32>
      %exp3A = math.exp %select_n3A : vector<16xf32>
      %swap3A = arith.constant 0 : index
      %swap3A_62 = tpu.vector_load %arg13[%swap3A] {strides = array<i32>} : memref<80xf32, #tpu.memory_space<vmem>>, vector<16xf32>,
      %swap3A_63 = vector.shape_cast %swap3A_62 : vector<16xf32> to vector<16xf32>
      %swap3A_64 = vector.shape_cast %exp3A : vector<16xf32> to vector<16xf32>
      tpu.vector_store %arg13[%swap3A], %swap3A_64 {strides = array<i32>} : memref<80xf32, #tpu.memory_space<vmem>>, vector<16xf32>,
      %get3A_65 = arith.constant 16 : index
      %get3A_66 = tpu.vector_load %arg11[%get3A_65] {strides = array<i32>} : memref<80xf32, #tpu.memory_space<vmem>>, vector<16xf32>,
      %get3A_67 = vector.shape_cast %get3A_66 : vector<16xf32> to vector<16xf32>
      %get3A_68 = arith.constant 16 : index
      %get3A_69 = tpu.vector_load %arg12[%get3A_68] {strides = array<i32>} : memref<80xf32, #tpu.memory_space<vmem>>, vector<16xf32>,
      %get3A_70 = vector.shape_cast %get3A_69 : vector<16xf32> to vector<16xf32>
      %add3A_71 = arith.addf %get3A_67, %get3A_70 : vector<16xf32>
      %ge3A_72 = arith.constant 0.000000e+00 : f32
      %ge3A_73 = vector.broadcast %ge3A_72 : f32 to vector<16xf32>
      %ge3A_74 = arith.cmpf oge, %add3A_71, %ge3A_73 : vector<16xf32>
      %mul3A_75 = arith.constant 2.000000e-01 : f32
      %mul3A_76 = vector.broadcast %mul3A_75 : f32 to vector<16xf32>
      %mul3A_77 = arith.mulf %mul3A_76, %add3A_71 : vector<16xf32>
      %select_n3A_78 = arith.select %ge3A_74, %add3A_71, %mul3A_77 : vector<16xi1>, vector<16xf32>
      %exp3A_79 = math.exp %select_n3A_78 : vector<16xf32>
      %swap3A_80 = arith.constant 16 : index
      %swap3A_81 = tpu.vector_load %arg13[%swap3A_80] {strides = array<i32>} : memref<80xf32, #tpu.memory_space<vmem>>, vector<16xf32>,
      %swap3A_82 = vector.shape_cast %swap3A_81 : vector<16xf32> to vector<16xf32>
      %swap3A_83 = vector.shape_cast %exp3A_79 : vector<16xf32> to vector<16xf32>
      tpu.vector_store %arg13[%swap3A_80], %swap3A_83 {strides = array<i32>} : memref<80xf32, #tpu.memory_space<vmem>>, vector<16xf32>,
      %get3A_84 = arith.constant 32 : index
      %get3A_85 = tpu.vector_load %arg11[%get3A_84] {strides = array<i32>} : memref<80xf32, #tpu.memory_space<vmem>>, vector<16xf32>,
      %get3A_86 = vector.shape_cast %get3A_85 : vector<16xf32> to vector<16xf32>
      %get3A_87 = arith.constant 32 : index
      %get3A_88 = tpu.vector_load %arg12[%get3A_87] {strides = array<i32>} : memref<80xf32, #tpu.memory_space<vmem>>, vector<16xf32>,
      %get3A_89 = vector.shape_cast %get3A_88 : vector<16xf32> to vector<16xf32>
      %add3A_90 = arith.addf %get3A_86, %get3A_89 : vector<16xf32>
      %ge3A_91 = arith.constant 0.000000e+00 : f32
      %ge3A_92 = vector.broadcast %ge3A_91 : f32 to vector<16xf32>
      %ge3A_93 = arith.cmpf oge, %add3A_90, %ge3A_92 : vector<16xf32>
      %mul3A_94 = arith.constant 2.000000e-01 : f32
      %mul3A_95 = vector.broadcast %mul3A_94 : f32 to vector<16xf32>
      %mul3A_96 = arith.mulf %mul3A_95, %add3A_90 : vector<16xf32>
      %select_n3A_97 = arith.select %ge3A_93, %add3A_90, %mul3A_96 : vector<16xi1>, vector<16xf32>
      %exp3A_98 = math.exp %select_n3A_97 : vector<16xf32>
      %swap3A_99 = arith.constant 32 : index
      %swap3A_100 = tpu.vector_load %arg13[%swap3A_99] {strides = array<i32>} : memref<80xf32, #tpu.memory_space<vmem>>, vector<16xf32>,
      %swap3A_101 = vector.shape_cast %swap3A_100 : vector<16xf32> to vector<16xf32>
      %swap3A_102 = vector.shape_cast %exp3A_98 : vector<16xf32> to vector<16xf32>
      tpu.vector_store %arg13[%swap3A_99], %swap3A_102 {strides = array<i32>} : memref<80xf32, #tpu.memory_space<vmem>>, vector<16xf32>,
      %get3A_103 = arith.constant 48 : index
      %get3A_104 = tpu.vector_load %arg11[%get3A_103] {strides = array<i32>} : memref<80xf32, #tpu.memory_space<vmem>>, vector<16xf32>,
      %get3A_105 = vector.shape_cast %get3A_104 : vector<16xf32> to vector<16xf32>
      %get3A_106 = arith.constant 48 : index
      %get3A_107 = tpu.vector_load %arg12[%get3A_106] {strides = array<i32>} : memref<80xf32, #tpu.memory_space<vmem>>, vector<16xf32>,
      %get3A_108 = vector.shape_cast %get3A_107 : vector<16xf32> to vector<16xf32>
      %add3A_109 = arith.addf %get3A_105, %get3A_108 : vector<16xf32>
      %ge3A_110 = arith.constant 0.000000e+00 : f32
      %ge3A_111 = vector.broadcast %ge3A_110 : f32 to vector<16xf32>
      %ge3A_112 = arith.cmpf oge, %add3A_109, %ge3A_111 : vector<16xf32>
      %mul3A_113 = arith.constant 2.000000e-01 : f32
      %mul3A_114 = vector.broadcast %mul3A_113 : f32 to vector<16xf32>
      %mul3A_115 = arith.mulf %mul3A_114, %add3A_109 : vector<16xf32>
      %select_n3A_116 = arith.select %ge3A_112, %add3A_109, %mul3A_115 : vector<16xi1>, vector<16xf32>
      %exp3A_117 = math.exp %select_n3A_116 : vector<16xf32>
      %swap3A_118 = arith.constant 48 : index
      %swap3A_119 = tpu.vector_load %arg13[%swap3A_118] {strides = array<i32>} : memref<80xf32, #tpu.memory_space<vmem>>, vector<16xf32>,
      %swap3A_120 = vector.shape_cast %swap3A_119 : vector<16xf32> to vector<16xf32>
      %swap3A_121 = vector.shape_cast %exp3A_117 : vector<16xf32> to vector<16xf32>
      tpu.vector_store %arg13[%swap3A_118], %swap3A_121 {strides = array<i32>} : memref<80xf32, #tpu.memory_space<vmem>>, vector<16xf32>,
      %get3A_122 = arith.constant 64 : index
      %get3A_123 = tpu.vector_load %arg11[%get3A_122] {strides = array<i32>} : memref<80xf32, #tpu.memory_space<vmem>>, vector<16xf32>,
      %get3A_124 = vector.shape_cast %get3A_123 : vector<16xf32> to vector<16xf32>
      %get3A_125 = arith.constant 64 : index
      %get3A_126 = tpu.vector_load %arg12[%get3A_125] {strides = array<i32>} : memref<80xf32, #tpu.memory_space<vmem>>, vector<16xf32>,
      %get3A_127 = vector.shape_cast %get3A_126 : vector<16xf32> to vector<16xf32>
      %add3A_128 = arith.addf %get3A_124, %get3A_127 : vector<16xf32>
      %ge3A_129 = arith.constant 0.000000e+00 : f32
      %ge3A_130 = vector.broadcast %ge3A_129 : f32 to vector<16xf32>
      %ge3A_131 = arith.cmpf oge, %add3A_128, %ge3A_130 : vector<16xf32>
      %mul3A_132 = arith.constant 2.000000e-01 : f32
      %mul3A_133 = vector.broadcast %mul3A_132 : f32 to vector<16xf32>
      %mul3A_134 = arith.mulf %mul3A_133, %add3A_128 : vector<16xf32>
      %select_n3A_135 = arith.select %ge3A_131, %add3A_128, %mul3A_134 : vector<16xi1>, vector<16xf32>
      %exp3A_136 = math.exp %select_n3A_135 : vector<16xf32>
      %swap3A_137 = arith.constant 64 : index
      %swap3A_138 = tpu.vector_load %arg13[%swap3A_137] {strides = array<i32>} : memref<80xf32, #tpu.memory_space<vmem>>, vector<16xf32>,
      %swap3A_139 = vector.shape_cast %swap3A_138 : vector<16xf32> to vector<16xf32>
      %swap3A_140 = vector.shape_cast %exp3A_136 : vector<16xf32> to vector<16xf32>
      tpu.vector_store %arg13[%swap3A_137], %swap3A_140 {strides = array<i32>} : memref<80xf32, #tpu.memory_space<vmem>>, vector<16xf32>,
      %dma_wait3A = arith.constant 0 : i32
      %dma_wait3A_141 = arith.constant 0 : i32
      %dma_wait3A_142 = tpu.memref_slice %arg2[%dma_wait3A, %dma_wait3A_141] : memref<10000x128xf32, #tpu.memory_space<hbm>> -> memref<10000x128xf32, #tpu.memory_space<hbm>>
      tpu.wait_indirect_dma semaphore(%arg20 : memref<!tpu.dma_semaphore, #tpu.memory_space<semaphore_mem>>) src(%dma_wait3A_142 : memref<10000x128xf32, #tpu.memory_space<hbm>>) dst(%arg14 : memref<80x128xf32, #tpu.memory_space<vmem>>)
      %scan3A_143 = arith.constant 0 : i32
      %scan3A_144 = arith.constant 0 : i32
      %scan3A_145 = arith.constant 5 : i32
      %scan3A_146 = arith.addi %scan3A_144, %scan3A_145 : i32
      %scan3A_147 = arith.constant 1 : i32
      %scan3A_148 = scf.for %scan3A_151 = %scan3A_144 to %scan3A_146 step %scan3A_147 iter_args(%scan3A_152 = %scan3A_143) -> (i32)  : i32 {
        %mul3A_153 = arith.constant 16 : i32
        %mul3A_154 = arith.muli %scan3A_151, %mul3A_153 : i32
        %get3A_155 = arith.index_cast %mul3A_154 : i32 to index
        %get3A_156 = tpu.vector_load %arg13[%get3A_155] {strides = array<i32>} : memref<80xf32, #tpu.memory_space<vmem>>, vector<16xf32>,
        %get3A_157 = vector.shape_cast %get3A_156 : vector<16xf32> to vector<16xf32>
        %mul3A_158 = arith.constant 16 : i32
        %mul3A_159 = arith.muli %scan3A_151, %mul3A_158 : i32
        %slice3A = vector.extract_strided_slice %get3A_157 {offsets = [0], sizes = [1], strides = [1]} : vector<16xf32> to vector<1xf32>
        %squeeze3A = vector.extract %slice3A[0] : f32 from vector<1xf32>
        %broadcast_in_dim3A = vector.broadcast %squeeze3A : f32 to vector<16xf32>
        %add3A_160 = arith.constant 0 : i32
        %add3A_161 = arith.addi %mul3A_159, %add3A_160 : i32
        %get3A_162 = arith.index_cast %add3A_161 : i32 to index
        %get3A_163 = arith.constant 0 : index
        %get3A_164 = tpu.vector_load %arg14[%get3A_162, %get3A_163] {strides = array<i32>} : memref<80x128xf32, #tpu.memory_space<vmem>>, vector<1x16xf32>,
        %get3A_165 = vector.shape_cast %get3A_164 : vector<1x16xf32> to vector<16xf32>
        %mul3A_166 = arith.mulf %get3A_165, %broadcast_in_dim3A : vector<16xf32>
        %add3A_167 = arith.constant 0 : i32
        %add3A_168 = arith.addi %mul3A_159, %add3A_167 : i32
        %swap3A_169 = arith.index_cast %add3A_168 : i32 to index
        %swap3A_170 = arith.constant 0 : index
        %swap3A_171 = tpu.vector_load %arg14[%swap3A_169, %swap3A_170] {strides = array<i32>} : memref<80x128xf32, #tpu.memory_space<vmem>>, vector<1x16xf32>,
        %swap3A_172 = vector.shape_cast %swap3A_171 : vector<1x16xf32> to vector<16xf32>
        %swap3A_173 = vector.shape_cast %mul3A_166 : vector<16xf32> to vector<1x16xf32>
        tpu.vector_store %arg14[%swap3A_169, %swap3A_170], %swap3A_173 {strides = array<i32>} : memref<80x128xf32, #tpu.memory_space<vmem>>, vector<1x16xf32>,
        %add3A_174 = arith.constant 0 : i32
        %add3A_175 = arith.addi %mul3A_159, %add3A_174 : i32
        %get3A_176 = arith.index_cast %add3A_175 : i32 to index
        %get3A_177 = arith.constant 16 : index
        %get3A_178 = tpu.vector_load %arg14[%get3A_176, %get3A_177] {strides = array<i32>} : memref<80x128xf32, #tpu.memory_space<vmem>>, vector<1x16xf32>,
        %get3A_179 = vector.shape_cast %get3A_178 : vector<1x16xf32> to vector<16xf32>
        %mul3A_180 = arith.mulf %get3A_179, %broadcast_in_dim3A : vector<16xf32>
        %add3A_181 = arith.constant 0 : i32
        %add3A_182 = arith.addi %mul3A_159, %add3A_181 : i32
        %swap3A_183 = arith.index_cast %add3A_182 : i32 to index
        %swap3A_184 = arith.constant 16 : index
        %swap3A_185 = tpu.vector_load %arg14[%swap3A_183, %swap3A_184] {strides = array<i32>} : memref<80x128xf32, #tpu.memory_space<vmem>>, vector<1x16xf32>,
        %swap3A_186 = vector.shape_cast %swap3A_185 : vector<1x16xf32> to vector<16xf32>
        %swap3A_187 = vector.shape_cast %mul3A_180 : vector<16xf32> to vector<1x16xf32>
        tpu.vector_store %arg14[%swap3A_183, %swap3A_184], %swap3A_187 {strides = array<i32>} : memref<80x128xf32, #tpu.memory_space<vmem>>, vector<1x16xf32>,
        %add3A_188 = arith.constant 0 : i32
        %add3A_189 = arith.addi %mul3A_159, %add3A_188 : i32
        %get3A_190 = arith.index_cast %add3A_189 : i32 to index
        %get3A_191 = arith.constant 32 : index
        %get3A_192 = tpu.vector_load %arg14[%get3A_190, %get3A_191] {strides = array<i32>} : memref<80x128xf32, #tpu.memory_space<vmem>>, vector<1x16xf32>,
        %get3A_193 = vector.shape_cast %get3A_192 : vector<1x16xf32> to vector<16xf32>
        %mul3A_194 = arith.mulf %get3A_193, %broadcast_in_dim3A : vector<16xf32>
        %add3A_195 = arith.constant 0 : i32
        %add3A_196 = arith.addi %mul3A_159, %add3A_195 : i32
        %swap3A_197 = arith.index_cast %add3A_196 : i32 to index
        %swap3A_198 = arith.constant 32 : index
        %swap3A_199 = tpu.vector_load %arg14[%swap3A_197, %swap3A_198] {strides = array<i32>} : memref<80x128xf32, #tpu.memory_space<vmem>>, vector<1x16xf32>,
        %swap3A_200 = vector.shape_cast %swap3A_199 : vector<1x16xf32> to vector<16xf32>
        %swap3A_201 = vector.shape_cast %mul3A_194 : vector<16xf32> to vector<1x16xf32>
        tpu.vector_store %arg14[%swap3A_197, %swap3A_198], %swap3A_201 {strides = array<i32>} : memref<80x128xf32, #tpu.memory_space<vmem>>, vector<1x16xf32>,
        %add3A_202 = arith.constant 0 : i32
        %add3A_203 = arith.addi %mul3A_159, %add3A_202 : i32
        %get3A_204 = arith.index_cast %add3A_203 : i32 to index
        %get3A_205 = arith.constant 48 : index
        %get3A_206 = tpu.vector_load %arg14[%get3A_204, %get3A_205] {strides = array<i32>} : memref<80x128xf32, #tpu.memory_space<vmem>>, vector<1x16xf32>,
        %get3A_207 = vector.shape_cast %get3A_206 : vector<1x16xf32> to vector<16xf32>
        %mul3A_208 = arith.mulf %get3A_207, %broadcast_in_dim3A : vector<16xf32>
        %add3A_209 = arith.constant 0 : i32
        %add3A_210 = arith.addi %mul3A_159, %add3A_209 : i32
        %swap3A_211 = arith.index_cast %add3A_210 : i32 to index
        %swap3A_212 = arith.constant 48 : index
        %swap3A_213 = tpu.vector_load %arg14[%swap3A_211, %swap3A_212] {strides = array<i32>} : memref<80x128xf32, #tpu.memory_space<vmem>>, vector<1x16xf32>,
        %swap3A_214 = vector.shape_cast %swap3A_213 : vector<1x16xf32> to vector<16xf32>
        %swap3A_215 = vector.shape_cast %mul3A_208 : vector<16xf32> to vector<1x16xf32>
        tpu.vector_store %arg14[%swap3A_211, %swap3A_212], %swap3A_215 {strides = array<i32>} : memref<80x128xf32, #tpu.memory_space<vmem>>, vector<1x16xf32>,
        %add3A_216 = arith.constant 0 : i32
        %add3A_217 = arith.addi %mul3A_159, %add3A_216 : i32
        %get3A_218 = arith.index_cast %add3A_217 : i32 to index
        %get3A_219 = arith.constant 64 : index
        %get3A_220 = tpu.vector_load %arg14[%get3A_218, %get3A_219] {strides = array<i32>} : memref<80x128xf32, #tpu.memory_space<vmem>>, vector<1x16xf32>,
        %get3A_221 = vector.shape_cast %get3A_220 : vector<1x16xf32> to vector<16xf32>
        %mul3A_222 = arith.mulf %get3A_221, %broadcast_in_dim3A : vector<16xf32>
        %add3A_223 = arith.constant 0 : i32
        %add3A_224 = arith.addi %mul3A_159, %add3A_223 : i32
        %swap3A_225 = arith.index_cast %add3A_224 : i32 to index
        %swap3A_226 = arith.constant 64 : index
        %swap3A_227 = tpu.vector_load %arg14[%swap3A_225, %swap3A_226] {strides = array<i32>} : memref<80x128xf32, #tpu.memory_space<vmem>>, vector<1x16xf32>,
        %swap3A_228 = vector.shape_cast %swap3A_227 : vector<1x16xf32> to vector<16xf32>
        %swap3A_229 = vector.shape_cast %mul3A_222 : vector<16xf32> to vector<1x16xf32>
        tpu.vector_store %arg14[%swap3A_225, %swap3A_226], %swap3A_229 {strides = array<i32>} : memref<80x128xf32, #tpu.memory_space<vmem>>, vector<1x16xf32>,
        %add3A_230 = arith.constant 0 : i32
        %add3A_231 = arith.addi %mul3A_159, %add3A_230 : i32
        %get3A_232 = arith.index_cast %add3A_231 : i32 to index
        %get3A_233 = arith.constant 80 : index
        %get3A_234 = tpu.vector_load %arg14[%get3A_232, %get3A_233] {strides = array<i32>} : memref<80x128xf32, #tpu.memory_space<vmem>>, vector<1x16xf32>,
        %get3A_235 = vector.shape_cast %get3A_234 : vector<1x16xf32> to vector<16xf32>
        %mul3A_236 = arith.mulf %get3A_235, %broadcast_in_dim3A : vector<16xf32>
        %add3A_237 = arith.constant 0 : i32
        %add3A_238 = arith.addi %mul3A_159, %add3A_237 : i32
        %swap3A_239 = arith.index_cast %add3A_238 : i32 to index
        %swap3A_240 = arith.constant 80 : index
        %swap3A_241 = tpu.vector_load %arg14[%swap3A_239, %swap3A_240] {strides = array<i32>} : memref<80x128xf32, #tpu.memory_space<vmem>>, vector<1x16xf32>,
        %swap3A_242 = vector.shape_cast %swap3A_241 : vector<1x16xf32> to vector<16xf32>
        %swap3A_243 = vector.shape_cast %mul3A_236 : vector<16xf32> to vector<1x16xf32>
        tpu.vector_store %arg14[%swap3A_239, %swap3A_240], %swap3A_243 {strides = array<i32>} : memref<80x128xf32, #tpu.memory_space<vmem>>, vector<1x16xf32>,
        %add3A_244 = arith.constant 0 : i32
        %add3A_245 = arith.addi %mul3A_159, %add3A_244 : i32
        %get3A_246 = arith.index_cast %add3A_245 : i32 to index
        %get3A_247 = arith.constant 96 : index
        %get3A_248 = tpu.vector_load %arg14[%get3A_246, %get3A_247] {strides = array<i32>} : memref<80x128xf32, #tpu.memory_space<vmem>>, vector<1x16xf32>,
        %get3A_249 = vector.shape_cast %get3A_248 : vector<1x16xf32> to vector<16xf32>
        %mul3A_250 = arith.mulf %get3A_249, %broadcast_in_dim3A : vector<16xf32>
        %add3A_251 = arith.constant 0 : i32
        %add3A_252 = arith.addi %mul3A_159, %add3A_251 : i32
        %swap3A_253 = arith.index_cast %add3A_252 : i32 to index
        %swap3A_254 = arith.constant 96 : index
        %swap3A_255 = tpu.vector_load %arg14[%swap3A_253, %swap3A_254] {strides = array<i32>} : memref<80x128xf32, #tpu.memory_space<vmem>>, vector<1x16xf32>,
        %swap3A_256 = vector.shape_cast %swap3A_255 : vector<1x16xf32> to vector<16xf32>
        %swap3A_257 = vector.shape_cast %mul3A_250 : vector<16xf32> to vector<1x16xf32>
        tpu.vector_store %arg14[%swap3A_253, %swap3A_254], %swap3A_257 {strides = array<i32>} : memref<80x128xf32, #tpu.memory_space<vmem>>, vector<1x16xf32>,
        %add3A_258 = arith.constant 0 : i32
        %add3A_259 = arith.addi %mul3A_159, %add3A_258 : i32
        %get3A_260 = arith.index_cast %add3A_259 : i32 to index
        %get3A_261 = arith.constant 112 : index
        %get3A_262 = tpu.vector_load %arg14[%get3A_260, %get3A_261] {strides = array<i32>} : memref<80x128xf32, #tpu.memory_space<vmem>>, vector<1x16xf32>,
        %get3A_263 = vector.shape_cast %get3A_262 : vector<1x16xf32> to vector<16xf32>
        %mul3A_264 = arith.mulf %get3A_263, %broadcast_in_dim3A : vector<16xf32>
        %add3A_265 = arith.constant 0 : i32
        %add3A_266 = arith.addi %mul3A_159, %add3A_265 : i32
        %swap3A_267 = arith.index_cast %add3A_266 : i32 to index
        %swap3A_268 = arith.constant 112 : index
        %swap3A_269 = tpu.vector_load %arg14[%swap3A_267, %swap3A_268] {strides = array<i32>} : memref<80x128xf32, #tpu.memory_space<vmem>>, vector<1x16xf32>,
        %swap3A_270 = vector.shape_cast %swap3A_269 : vector<1x16xf32> to vector<16xf32>
        %swap3A_271 = vector.shape_cast %mul3A_264 : vector<16xf32> to vector<1x16xf32>
        tpu.vector_store %arg14[%swap3A_267, %swap3A_268], %swap3A_271 {strides = array<i32>} : memref<80x128xf32, #tpu.memory_space<vmem>>, vector<1x16xf32>,
        %slice3A_272 = vector.extract_strided_slice %get3A_157 {offsets = [1], sizes = [1], strides = [1]} : vector<16xf32> to vector<1xf32>
        %squeeze3A_273 = vector.extract %slice3A_272[0] : f32 from vector<1xf32>
        %broadcast_in_dim3A_274 = vector.broadcast %squeeze3A_273 : f32 to vector<16xf32>
        %add3A_275 = arith.constant 1 : i32
        %add3A_276 = arith.addi %mul3A_159, %add3A_275 : i32
        %get3A_277 = arith.index_cast %add3A_276 : i32 to index
        %get3A_278 = arith.constant 0 : index
        %get3A_279 = tpu.vector_load %arg14[%get3A_277, %get3A_278] {strides = array<i32>} : memref<80x128xf32, #tpu.memory_space<vmem>>, vector<1x16xf32>,
        %get3A_280 = vector.shape_cast %get3A_279 : vector<1x16xf32> to vector<16xf32>
        %mul3A_281 = arith.mulf %get3A_280, %broadcast_in_dim3A_274 : vector<16xf32>
        %add3A_282 = arith.constant 1 : i32
        %add3A_283 = arith.addi %mul3A_159, %add3A_282 : i32
        %swap3A_284 = arith.index_cast %add3A_283 : i32 to index
        %swap3A_285 = arith.constant 0 : index
        %swap3A_286 = tpu.vector_load %arg14[%swap3A_284, %swap3A_285] {strides = array<i32>} : memref<80x128xf32, #tpu.memory_space<vmem>>, vector<1x16xf32>,
        %swap3A_287 = vector.shape_cast %swap3A_286 : vector<1x16xf32> to vector<16xf32>
        %swap3A_288 = vector.shape_cast %mul3A_281 : vector<16xf32> to vector<1x16xf32>
        tpu.vector_store %arg14[%swap3A_284, %swap3A_285], %swap3A_288 {strides = array<i32>} : memref<80x128xf32, #tpu.memory_space<vmem>>, vector<1x16xf32>,
        %add3A_289 = arith.constant 1 : i32
        %add3A_290 = arith.addi %mul3A_159, %add3A_289 : i32
        %get3A_291 = arith.index_cast %add3A_290 : i32 to index
        %get3A_292 = arith.constant 16 : index
        %get3A_293 = tpu.vector_load %arg14[%get3A_291, %get3A_292] {strides = array<i32>} : memref<80x128xf32, #tpu.memory_space<vmem>>, vector<1x16xf32>,
        %get3A_294 = vector.shape_cast %get3A_293 : vector<1x16xf32> to vector<16xf32>
        %mul3A_295 = arith.mulf %get3A_294, %broadcast_in_dim3A_274 : vector<16xf32>
        %add3A_296 = arith.constant 1 : i32
        %add3A_297 = arith.addi %mul3A_159, %add3A_296 : i32
        %swap3A_298 = arith.index_cast %add3A_297 : i32 to index
        %swap3A_299 = arith.constant 16 : index
        %swap3A_300 = tpu.vector_load %arg14[%swap3A_298, %swap3A_299] {strides = array<i32>} : memref<80x128xf32, #tpu.memory_space<vmem>>, vector<1x16xf32>,
        %swap3A_301 = vector.shape_cast %swap3A_300 : vector<1x16xf32> to vector<16xf32>
        %swap3A_302 = vector.shape_cast %mul3A_295 : vector<16xf32> to vector<1x16xf32>
        tpu.vector_store %arg14[%swap3A_298, %swap3A_299], %swap3A_302 {strides = array<i32>} : memref<80x128xf32, #tpu.memory_space<vmem>>, vector<1x16xf32>,
        %add3A_303 = arith.constant 1 : i32
        %add3A_304 = arith.addi %mul3A_159, %add3A_303 : i32
        %get3A_305 = arith.index_cast %add3A_304 : i32 to index
        %get3A_306 = arith.constant 32 : index
        %get3A_307 = tpu.vector_load %arg14[%get3A_305, %get3A_306] {strides = array<i32>} : memref<80x128xf32, #tpu.memory_space<vmem>>, vector<1x16xf32>,
        %get3A_308 = vector.shape_cast %get3A_307 : vector<1x16xf32> to vector<16xf32>
        %mul3A_309 = arith.mulf %get3A_308, %broadcast_in_dim3A_274 : vector<16xf32>
        %add3A_310 = arith.constant 1 : i32
        %add3A_311 = arith.addi %mul3A_159, %add3A_310 : i32
        %swap3A_312 = arith.index_cast %add3A_311 : i32 to index
        %swap3A_313 = arith.constant 32 : index
        %swap3A_314 = tpu.vector_load %arg14[%swap3A_312, %swap3A_313] {strides = array<i32>} : memref<80x128xf32, #tpu.memory_space<vmem>>, vector<1x16xf32>,
        %swap3A_315 = vector.shape_cast %swap3A_314 : vector<1x16xf32> to vector<16xf32>
        %swap3A_316 = vector.shape_cast %mul3A_309 : vector<16xf32> to vector<1x16xf32>
        tpu.vector_store %arg14[%swap3A_312, %swap3A_313], %swap3A_316 {strides = array<i32>} : memref<80x128xf32, #tpu.memory_space<vmem>>, vector<1x16xf32>,
        %add3A_317 = arith.constant 1 : i32
        %add3A_318 = arith.addi %mul3A_159, %add3A_317 : i32
        %get3A_319 = arith.index_cast %add3A_318 : i32 to index
        %get3A_320 = arith.constant 48 : index
        %get3A_321 = tpu.vector_load %arg14[%get3A_319, %get3A_320] {strides = array<i32>} : memref<80x128xf32, #tpu.memory_space<vmem>>, vector<1x16xf32>,
        %get3A_322 = vector.shape_cast %get3A_321 : vector<1x16xf32> to vector<16xf32>
        %mul3A_323 = arith.mulf %get3A_322, %broadcast_in_dim3A_274 : vector<16xf32>
        %add3A_324 = arith.constant 1 : i32
        %add3A_325 = arith.addi %mul3A_159, %add3A_324 : i32
        %swap3A_326 = arith.index_cast %add3A_325 : i32 to index
        %swap3A_327 = arith.constant 48 : index
        %swap3A_328 = tpu.vector_load %arg14[%swap3A_326, %swap3A_327] {strides = array<i32>} : memref<80x128xf32, #tpu.memory_space<vmem>>, vector<1x16xf32>,
        %swap3A_329 = vector.shape_cast %swap3A_328 : vector<1x16xf32> to vector<16xf32>
        %swap3A_330 = vector.shape_cast %mul3A_323 : vector<16xf32> to vector<1x16xf32>
        tpu.vector_store %arg14[%swap3A_326, %swap3A_327], %swap3A_330 {strides = array<i32>} : memref<80x128xf32, #tpu.memory_space<vmem>>, vector<1x16xf32>,
        %add3A_331 = arith.constant 1 : i32
        %add3A_332 = arith.addi %mul3A_159, %add3A_331 : i32
        %get3A_333 = arith.index_cast %add3A_332 : i32 to index
        %get3A_334 = arith.constant 64 : index
        %get3A_335 = tpu.vector_load %arg14[%get3A_333, %get3A_334] {strides = array<i32>} : memref<80x128xf32, #tpu.memory_space<vmem>>, vector<1x16xf32>,
        %get3A_336 = vector.shape_cast %get3A_335 : vector<1x16xf32> to vector<16xf32>
        %mul3A_337 = arith.mulf %get3A_336, %broadcast_in_dim3A_274 : vector<16xf32>
        %add3A_338 = arith.constant 1 : i32
        %add3A_339 = arith.addi %mul3A_159, %add3A_338 : i32
        %swap3A_340 = arith.index_cast %add3A_339 : i32 to index
        %swap3A_341 = arith.constant 64 : index
        %swap3A_342 = tpu.vector_load %arg14[%swap3A_340, %swap3A_341] {strides = array<i32>} : memref<80x128xf32, #tpu.memory_space<vmem>>, vector<1x16xf32>,
        %swap3A_343 = vector.shape_cast %swap3A_342 : vector<1x16xf32> to vector<16xf32>
        %swap3A_344 = vector.shape_cast %mul3A_337 : vector<16xf32> to vector<1x16xf32>
        tpu.vector_store %arg14[%swap3A_340, %swap3A_341], %swap3A_344 {strides = array<i32>} : memref<80x128xf32, #tpu.memory_space<vmem>>, vector<1x16xf32>,
        %add3A_345 = arith.constant 1 : i32
        %add3A_346 = arith.addi %mul3A_159, %add3A_345 : i32
        %get3A_347 = arith.index_cast %add3A_346 : i32 to index
        %get3A_348 = arith.constant 80 : index
        %get3A_349 = tpu.vector_load %arg14[%get3A_347, %get3A_348] {strides = array<i32>} : memref<80x128xf32, #tpu.memory_space<vmem>>, vector<1x16xf32>,
        %get3A_350 = vector.shape_cast %get3A_349 : vector<1x16xf32> to vector<16xf32>
        %mul3A_351 = arith.mulf %get3A_350, %broadcast_in_dim3A_274 : vector<16xf32>
        %add3A_352 = arith.constant 1 : i32
        %add3A_353 = arith.addi %mul3A_159, %add3A_352 : i32
        %swap3A_354 = arith.index_cast %add3A_353 : i32 to index
        %swap3A_355 = arith.constant 80 : index
        %swap3A_356 = tpu.vector_load %arg14[%swap3A_354, %swap3A_355] {strides = array<i32>} : memref<80x128xf32, #tpu.memory_space<vmem>>, vector<1x16xf32>,
        %swap3A_357 = vector.shape_cast %swap3A_356 : vector<1x16xf32> to vector<16xf32>
        %swap3A_358 = vector.shape_cast %mul3A_351 : vector<16xf32> to vector<1x16xf32>
        tpu.vector_store %arg14[%swap3A_354, %swap3A_355], %swap3A_358 {strides = array<i32>} : memref<80x128xf32, #tpu.memory_space<vmem>>, vector<1x16xf32>,
        %add3A_359 = arith.constant 1 : i32
        %add3A_360 = arith.addi %mul3A_159, %add3A_359 : i32
        %get3A_361 = arith.index_cast %add3A_360 : i32 to index
        %get3A_362 = arith.constant 96 : index
        %get3A_363 = tpu.vector_load %arg14[%get3A_361, %get3A_362] {strides = array<i32>} : memref<80x128xf32, #tpu.memory_space<vmem>>, vector<1x16xf32>,
        %get3A_364 = vector.shape_cast %get3A_363 : vector<1x16xf32> to vector<16xf32>
        %mul3A_365 = arith.mulf %get3A_364, %broadcast_in_dim3A_274 : vector<16xf32>
        %add3A_366 = arith.constant 1 : i32
        %add3A_367 = arith.addi %mul3A_159, %add3A_366 : i32
        %swap3A_368 = arith.index_cast %add3A_367 : i32 to index
        %swap3A_369 = arith.constant 96 : index
        %swap3A_370 = tpu.vector_load %arg14[%swap3A_368, %swap3A_369] {strides = array<i32>} : memref<80x128xf32, #tpu.memory_space<vmem>>, vector<1x16xf32>,
        %swap3A_371 = vector.shape_cast %swap3A_370 : vector<1x16xf32> to vector<16xf32>
        %swap3A_372 = vector.shape_cast %mul3A_365 : vector<16xf32> to vector<1x16xf32>
        tpu.vector_store %arg14[%swap3A_368, %swap3A_369], %swap3A_372 {strides = array<i32>} : memref<80x128xf32, #tpu.memory_space<vmem>>, vector<1x16xf32>,
        %add3A_373 = arith.constant 1 : i32
        %add3A_374 = arith.addi %mul3A_159, %add3A_373 : i32
        %get3A_375 = arith.index_cast %add3A_374 : i32 to index
        %get3A_376 = arith.constant 112 : index
        %get3A_377 = tpu.vector_load %arg14[%get3A_375, %get3A_376] {strides = array<i32>} : memref<80x128xf32, #tpu.memory_space<vmem>>, vector<1x16xf32>,
        %get3A_378 = vector.shape_cast %get3A_377 : vector<1x16xf32> to vector<16xf32>
        %mul3A_379 = arith.mulf %get3A_378, %broadcast_in_dim3A_274 : vector<16xf32>
        %add3A_380 = arith.constant 1 : i32
        %add3A_381 = arith.addi %mul3A_159, %add3A_380 : i32
        %swap3A_382 = arith.index_cast %add3A_381 : i32 to index
        %swap3A_383 = arith.constant 112 : index
        %swap3A_384 = tpu.vector_load %arg14[%swap3A_382, %swap3A_383] {strides = array<i32>} : memref<80x128xf32, #tpu.memory_space<vmem>>, vector<1x16xf32>,
        %swap3A_385 = vector.shape_cast %swap3A_384 : vector<1x16xf32> to vector<16xf32>
        %swap3A_386 = vector.shape_cast %mul3A_379 : vector<16xf32> to vector<1x16xf32>
        tpu.vector_store %arg14[%swap3A_382, %swap3A_383], %swap3A_386 {strides = array<i32>} : memref<80x128xf32, #tpu.memory_space<vmem>>, vector<1x16xf32>,
        %slice3A_387 = vector.extract_strided_slice %get3A_157 {offsets = [2], sizes = [1], strides = [1]} : vector<16xf32> to vector<1xf32>
        %squeeze3A_388 = vector.extract %slice3A_387[0] : f32 from vector<1xf32>
        %broadcast_in_dim3A_389 = vector.broadcast %squeeze3A_388 : f32 to vector<16xf32>
        %add3A_390 = arith.constant 2 : i32
        %add3A_391 = arith.addi %mul3A_159, %add3A_390 : i32
        %get3A_392 = arith.index_cast %add3A_391 : i32 to index
        %get3A_393 = arith.constant 0 : index
        %get3A_394 = tpu.vector_load %arg14[%get3A_392, %get3A_393] {strides = array<i32>} : memref<80x128xf32, #tpu.memory_space<vmem>>, vector<1x16xf32>,
        %get3A_395 = vector.shape_cast %get3A_394 : vector<1x16xf32> to vector<16xf32>
        %mul3A_396 = arith.mulf %get3A_395, %broadcast_in_dim3A_389 : vector<16xf32>
        %add3A_397 = arith.constant 2 : i32
        %add3A_398 = arith.addi %mul3A_159, %add3A_397 : i32
        %swap3A_399 = arith.index_cast %add3A_398 : i32 to index
        %swap3A_400 = arith.constant 0 : index
        %swap3A_401 = tpu.vector_load %arg14[%swap3A_399, %swap3A_400] {strides = array<i32>} : memref<80x128xf32, #tpu.memory_space<vmem>>, vector<1x16xf32>,
        %swap3A_402 = vector.shape_cast %swap3A_401 : vector<1x16xf32> to vector<16xf32>
        %swap3A_403 = vector.shape_cast %mul3A_396 : vector<16xf32> to vector<1x16xf32>
        tpu.vector_store %arg14[%swap3A_399, %swap3A_400], %swap3A_403 {strides = array<i32>} : memref<80x128xf32, #tpu.memory_space<vmem>>, vector<1x16xf32>,
        %add3A_404 = arith.constant 2 : i32
        %add3A_405 = arith.addi %mul3A_159, %add3A_404 : i32
        %get3A_406 = arith.index_cast %add3A_405 : i32 to index
        %get3A_407 = arith.constant 16 : index
        %get3A_408 = tpu.vector_load %arg14[%get3A_406, %get3A_407] {strides = array<i32>} : memref<80x128xf32, #tpu.memory_space<vmem>>, vector<1x16xf32>,
        %get3A_409 = vector.shape_cast %get3A_408 : vector<1x16xf32> to vector<16xf32>
        %mul3A_410 = arith.mulf %get3A_409, %broadcast_in_dim3A_389 : vector<16xf32>
        %add3A_411 = arith.constant 2 : i32
        %add3A_412 = arith.addi %mul3A_159, %add3A_411 : i32
        %swap3A_413 = arith.index_cast %add3A_412 : i32 to index
        %swap3A_414 = arith.constant 16 : index
        %swap3A_415 = tpu.vector_load %arg14[%swap3A_413, %swap3A_414] {strides = array<i32>} : memref<80x128xf32, #tpu.memory_space<vmem>>, vector<1x16xf32>,
        %swap3A_416 = vector.shape_cast %swap3A_415 : vector<1x16xf32> to vector<16xf32>
        %swap3A_417 = vector.shape_cast %mul3A_410 : vector<16xf32> to vector<1x16xf32>
        tpu.vector_store %arg14[%swap3A_413, %swap3A_414], %swap3A_417 {strides = array<i32>} : memref<80x128xf32, #tpu.memory_space<vmem>>, vector<1x16xf32>,
        %add3A_418 = arith.constant 2 : i32
        %add3A_419 = arith.addi %mul3A_159, %add3A_418 : i32
        %get3A_420 = arith.index_cast %add3A_419 : i32 to index
        %get3A_421 = arith.constant 32 : index
        %get3A_422 = tpu.vector_load %arg14[%get3A_420, %get3A_421] {strides = array<i32>} : memref<80x128xf32, #tpu.memory_space<vmem>>, vector<1x16xf32>,
        %get3A_423 = vector.shape_cast %get3A_422 : vector<1x16xf32> to vector<16xf32>
        %mul3A_424 = arith.mulf %get3A_423, %broadcast_in_dim3A_389 : vector<16xf32>
        %add3A_425 = arith.constant 2 : i32
        %add3A_426 = arith.addi %mul3A_159, %add3A_425 : i32
        %swap3A_427 = arith.index_cast %add3A_426 : i32 to index
        %swap3A_428 = arith.constant 32 : index
        %swap3A_429 = tpu.vector_load %arg14[%swap3A_427, %swap3A_428] {strides = array<i32>} : memref<80x128xf32, #tpu.memory_space<vmem>>, vector<1x16xf32>,
        %swap3A_430 = vector.shape_cast %swap3A_429 : vector<1x16xf32> to vector<16xf32>
        %swap3A_431 = vector.shape_cast %mul3A_424 : vector<16xf32> to vector<1x16xf32>
        tpu.vector_store %arg14[%swap3A_427, %swap3A_428], %swap3A_431 {strides = array<i32>} : memref<80x128xf32, #tpu.memory_space<vmem>>, vector<1x16xf32>,
        %add3A_432 = arith.constant 2 : i32
        %add3A_433 = arith.addi %mul3A_159, %add3A_432 : i32
        %get3A_434 = arith.index_cast %add3A_433 : i32 to index
        %get3A_435 = arith.constant 48 : index
        %get3A_436 = tpu.vector_load %arg14[%get3A_434, %get3A_435] {strides = array<i32>} : memref<80x128xf32, #tpu.memory_space<vmem>>, vector<1x16xf32>,
        %get3A_437 = vector.shape_cast %get3A_436 : vector<1x16xf32> to vector<16xf32>
        %mul3A_438 = arith.mulf %get3A_437, %broadcast_in_dim3A_389 : vector<16xf32>
        %add3A_439 = arith.constant 2 : i32
        %add3A_440 = arith.addi %mul3A_159, %add3A_439 : i32
        %swap3A_441 = arith.index_cast %add3A_440 : i32 to index
        %swap3A_442 = arith.constant 48 : index
        %swap3A_443 = tpu.vector_load %arg14[%swap3A_441, %swap3A_442] {strides = array<i32>} : memref<80x128xf32, #tpu.memory_space<vmem>>, vector<1x16xf32>,
        %swap3A_444 = vector.shape_cast %swap3A_443 : vector<1x16xf32> to vector<16xf32>
        %swap3A_445 = vector.shape_cast %mul3A_438 : vector<16xf32> to vector<1x16xf32>
        tpu.vector_store %arg14[%swap3A_441, %swap3A_442], %swap3A_445 {strides = array<i32>} : memref<80x128xf32, #tpu.memory_space<vmem>>, vector<1x16xf32>,
        %add3A_446 = arith.constant 2 : i32
        %add3A_447 = arith.addi %mul3A_159, %add3A_446 : i32
        %get3A_448 = arith.index_cast %add3A_447 : i32 to index
        %get3A_449 = arith.constant 64 : index
        %get3A_450 = tpu.vector_load %arg14[%get3A_448, %get3A_449] {strides = array<i32>} : memref<80x128xf32, #tpu.memory_space<vmem>>, vector<1x16xf32>,
        %get3A_451 = vector.shape_cast %get3A_450 : vector<1x16xf32> to vector<16xf32>
        %mul3A_452 = arith.mulf %get3A_451, %broadcast_in_dim3A_389 : vector<16xf32>
        %add3A_453 = arith.constant 2 : i32
        %add3A_454 = arith.addi %mul3A_159, %add3A_453 : i32
        %swap3A_455 = arith.index_cast %add3A_454 : i32 to index
        %swap3A_456 = arith.constant 64 : index
        %swap3A_457 = tpu.vector_load %arg14[%swap3A_455, %swap3A_456] {strides = array<i32>} : memref<80x128xf32, #tpu.memory_space<vmem>>, vector<1x16xf32>,
        %swap3A_458 = vector.shape_cast %swap3A_457 : vector<1x16xf32> to vector<16xf32>
        %swap3A_459 = vector.shape_cast %mul3A_452 : vector<16xf32> to vector<1x16xf32>
        tpu.vector_store %arg14[%swap3A_455, %swap3A_456], %swap3A_459 {strides = array<i32>} : memref<80x128xf32, #tpu.memory_space<vmem>>, vector<1x16xf32>,
        %add3A_460 = arith.constant 2 : i32
        %add3A_461 = arith.addi %mul3A_159, %add3A_460 : i32
        %get3A_462 = arith.index_cast %add3A_461 : i32 to index
        %get3A_463 = arith.constant 80 : index
        %get3A_464 = tpu.vector_load %arg14[%get3A_462, %get3A_463] {strides = array<i32>} : memref<80x128xf32, #tpu.memory_space<vmem>>, vector<1x16xf32>,
        %get3A_465 = vector.shape_cast %get3A_464 : vector<1x16xf32> to vector<16xf32>
        %mul3A_466 = arith.mulf %get3A_465, %broadcast_in_dim3A_389 : vector<16xf32>
        %add3A_467 = arith.constant 2 : i32
        %add3A_468 = arith.addi %mul3A_159, %add3A_467 : i32
        %swap3A_469 = arith.index_cast %add3A_468 : i32 to index
        %swap3A_470 = arith.constant 80 : index
        %swap3A_471 = tpu.vector_load %arg14[%swap3A_469, %swap3A_470] {strides = array<i32>} : memref<80x128xf32, #tpu.memory_space<vmem>>, vector<1x16xf32>,
        %swap3A_472 = vector.shape_cast %swap3A_471 : vector<1x16xf32> to vector<16xf32>
        %swap3A_473 = vector.shape_cast %mul3A_466 : vector<16xf32> to vector<1x16xf32>
        tpu.vector_store %arg14[%swap3A_469, %swap3A_470], %swap3A_473 {strides = array<i32>} : memref<80x128xf32, #tpu.memory_space<vmem>>, vector<1x16xf32>,
        %add3A_474 = arith.constant 2 : i32
        %add3A_475 = arith.addi %mul3A_159, %add3A_474 : i32
        %get3A_476 = arith.index_cast %add3A_475 : i32 to index
        %get3A_477 = arith.constant 96 : index
        %get3A_478 = tpu.vector_load %arg14[%get3A_476, %get3A_477] {strides = array<i32>} : memref<80x128xf32, #tpu.memory_space<vmem>>, vector<1x16xf32>,
        %get3A_479 = vector.shape_cast %get3A_478 : vector<1x16xf32> to vector<16xf32>
        %mul3A_480 = arith.mulf %get3A_479, %broadcast_in_dim3A_389 : vector<16xf32>
        %add3A_481 = arith.constant 2 : i32
        %add3A_482 = arith.addi %mul3A_159, %add3A_481 : i32
        %swap3A_483 = arith.index_cast %add3A_482 : i32 to index
        %swap3A_484 = arith.constant 96 : index
        %swap3A_485 = tpu.vector_load %arg14[%swap3A_483, %swap3A_484] {strides = array<i32>} : memref<80x128xf32, #tpu.memory_space<vmem>>, vector<1x16xf32>,
        %swap3A_486 = vector.shape_cast %swap3A_485 : vector<1x16xf32> to vector<16xf32>
        %swap3A_487 = vector.shape_cast %mul3A_480 : vector<16xf32> to vector<1x16xf32>
        tpu.vector_store %arg14[%swap3A_483, %swap3A_484], %swap3A_487 {strides = array<i32>} : memref<80x128xf32, #tpu.memory_space<vmem>>, vector<1x16xf32>,
        %add3A_488 = arith.constant 2 : i32
        %add3A_489 = arith.addi %mul3A_159, %add3A_488 : i32
        %get3A_490 = arith.index_cast %add3A_489 : i32 to index
        %get3A_491 = arith.constant 112 : index
        %get3A_492 = tpu.vector_load %arg14[%get3A_490, %get3A_491] {strides = array<i32>} : memref<80x128xf32, #tpu.memory_space<vmem>>, vector<1x16xf32>,
        %get3A_493 = vector.shape_cast %get3A_492 : vector<1x16xf32> to vector<16xf32>
        %mul3A_494 = arith.mulf %get3A_493, %broadcast_in_dim3A_389 : vector<16xf32>
        %add3A_495 = arith.constant 2 : i32
        %add3A_496 = arith.addi %mul3A_159, %add3A_495 : i32
        %swap3A_497 = arith.index_cast %add3A_496 : i32 to index
        %swap3A_498 = arith.constant 112 : index
        %swap3A_499 = tpu.vector_load %arg14[%swap3A_497, %swap3A_498] {strides = array<i32>} : memref<80x128xf32, #tpu.memory_space<vmem>>, vector<1x16xf32>,
        %swap3A_500 = vector.shape_cast %swap3A_499 : vector<1x16xf32> to vector<16xf32>
        %swap3A_501 = vector.shape_cast %mul3A_494 : vector<16xf32> to vector<1x16xf32>
        tpu.vector_store %arg14[%swap3A_497, %swap3A_498], %swap3A_501 {strides = array<i32>} : memref<80x128xf32, #tpu.memory_space<vmem>>, vector<1x16xf32>,
        %slice3A_502 = vector.extract_strided_slice %get3A_157 {offsets = [3], sizes = [1], strides = [1]} : vector<16xf32> to vector<1xf32>
        %squeeze3A_503 = vector.extract %slice3A_502[0] : f32 from vector<1xf32>
        %broadcast_in_dim3A_504 = vector.broadcast %squeeze3A_503 : f32 to vector<16xf32>
        %add3A_505 = arith.constant 3 : i32
        %add3A_506 = arith.addi %mul3A_159, %add3A_505 : i32
        %get3A_507 = arith.index_cast %add3A_506 : i32 to index
        %get3A_508 = arith.constant 0 : index
        %get3A_509 = tpu.vector_load %arg14[%get3A_507, %get3A_508] {strides = array<i32>} : memref<80x128xf32, #tpu.memory_space<vmem>>, vector<1x16xf32>,
        %get3A_510 = vector.shape_cast %get3A_509 : vector<1x16xf32> to vector<16xf32>
        %mul3A_511 = arith.mulf %get3A_510, %broadcast_in_dim3A_504 : vector<16xf32>
        %add3A_512 = arith.constant 3 : i32
        %add3A_513 = arith.addi %mul3A_159, %add3A_512 : i32
        %swap3A_514 = arith.index_cast %add3A_513 : i32 to index
        %swap3A_515 = arith.constant 0 : index
        %swap3A_516 = tpu.vector_load %arg14[%swap3A_514, %swap3A_515] {strides = array<i32>} : memref<80x128xf32, #tpu.memory_space<vmem>>, vector<1x16xf32>,
        %swap3A_517 = vector.shape_cast %swap3A_516 : vector<1x16xf32> to vector<16xf32>
        %swap3A_518 = vector.shape_cast %mul3A_511 : vector<16xf32> to vector<1x16xf32>
        tpu.vector_store %arg14[%swap3A_514, %swap3A_515], %swap3A_518 {strides = array<i32>} : memref<80x128xf32, #tpu.memory_space<vmem>>, vector<1x16xf32>,
        %add3A_519 = arith.constant 3 : i32
        %add3A_520 = arith.addi %mul3A_159, %add3A_519 : i32
        %get3A_521 = arith.index_cast %add3A_520 : i32 to index
        %get3A_522 = arith.constant 16 : index
        %get3A_523 = tpu.vector_load %arg14[%get3A_521, %get3A_522] {strides = array<i32>} : memref<80x128xf32, #tpu.memory_space<vmem>>, vector<1x16xf32>,
        %get3A_524 = vector.shape_cast %get3A_523 : vector<1x16xf32> to vector<16xf32>
        %mul3A_525 = arith.mulf %get3A_524, %broadcast_in_dim3A_504 : vector<16xf32>
        %add3A_526 = arith.constant 3 : i32
        %add3A_527 = arith.addi %mul3A_159, %add3A_526 : i32
        %swap3A_528 = arith.index_cast %add3A_527 : i32 to index
        %swap3A_529 = arith.constant 16 : index
        %swap3A_530 = tpu.vector_load %arg14[%swap3A_528, %swap3A_529] {strides = array<i32>} : memref<80x128xf32, #tpu.memory_space<vmem>>, vector<1x16xf32>,
        %swap3A_531 = vector.shape_cast %swap3A_530 : vector<1x16xf32> to vector<16xf32>
        %swap3A_532 = vector.shape_cast %mul3A_525 : vector<16xf32> to vector<1x16xf32>
        tpu.vector_store %arg14[%swap3A_528, %swap3A_529], %swap3A_532 {strides = array<i32>} : memref<80x128xf32, #tpu.memory_space<vmem>>, vector<1x16xf32>,
        %add3A_533 = arith.constant 3 : i32
        %add3A_534 = arith.addi %mul3A_159, %add3A_533 : i32
        %get3A_535 = arith.index_cast %add3A_534 : i32 to index
        %get3A_536 = arith.constant 32 : index
        %get3A_537 = tpu.vector_load %arg14[%get3A_535, %get3A_536] {strides = array<i32>} : memref<80x128xf32, #tpu.memory_space<vmem>>, vector<1x16xf32>,
        %get3A_538 = vector.shape_cast %get3A_537 : vector<1x16xf32> to vector<16xf32>
        %mul3A_539 = arith.mulf %get3A_538, %broadcast_in_dim3A_504 : vector<16xf32>
        %add3A_540 = arith.constant 3 : i32
        %add3A_541 = arith.addi %mul3A_159, %add3A_540 : i32
        %swap3A_542 = arith.index_cast %add3A_541 : i32 to index
        %swap3A_543 = arith.constant 32 : index
        %swap3A_544 = tpu.vector_load %arg14[%swap3A_542, %swap3A_543] {strides = array<i32>} : memref<80x128xf32, #tpu.memory_space<vmem>>, vector<1x16xf32>,
        %swap3A_545 = vector.shape_cast %swap3A_544 : vector<1x16xf32> to vector<16xf32>
        %swap3A_546 = vector.shape_cast %mul3A_539 : vector<16xf32> to vector<1x16xf32>
        tpu.vector_store %arg14[%swap3A_542, %swap3A_543], %swap3A_546 {strides = array<i32>} : memref<80x128xf32, #tpu.memory_space<vmem>>, vector<1x16xf32>,
        %add3A_547 = arith.constant 3 : i32
        %add3A_548 = arith.addi %mul3A_159, %add3A_547 : i32
        %get3A_549 = arith.index_cast %add3A_548 : i32 to index
        %get3A_550 = arith.constant 48 : index
        %get3A_551 = tpu.vector_load %arg14[%get3A_549, %get3A_550] {strides = array<i32>} : memref<80x128xf32, #tpu.memory_space<vmem>>, vector<1x16xf32>,
        %get3A_552 = vector.shape_cast %get3A_551 : vector<1x16xf32> to vector<16xf32>
        %mul3A_553 = arith.mulf %get3A_552, %broadcast_in_dim3A_504 : vector<16xf32>
        %add3A_554 = arith.constant 3 : i32
        %add3A_555 = arith.addi %mul3A_159, %add3A_554 : i32
        %swap3A_556 = arith.index_cast %add3A_555 : i32 to index
        %swap3A_557 = arith.constant 48 : index
        %swap3A_558 = tpu.vector_load %arg14[%swap3A_556, %swap3A_557] {strides = array<i32>} : memref<80x128xf32, #tpu.memory_space<vmem>>, vector<1x16xf32>,
        %swap3A_559 = vector.shape_cast %swap3A_558 : vector<1x16xf32> to vector<16xf32>
        %swap3A_560 = vector.shape_cast %mul3A_553 : vector<16xf32> to vector<1x16xf32>
        tpu.vector_store %arg14[%swap3A_556, %swap3A_557], %swap3A_560 {strides = array<i32>} : memref<80x128xf32, #tpu.memory_space<vmem>>, vector<1x16xf32>,
        %add3A_561 = arith.constant 3 : i32
        %add3A_562 = arith.addi %mul3A_159, %add3A_561 : i32
        %get3A_563 = arith.index_cast %add3A_562 : i32 to index
        %get3A_564 = arith.constant 64 : index
        %get3A_565 = tpu.vector_load %arg14[%get3A_563, %get3A_564] {strides = array<i32>} : memref<80x128xf32, #tpu.memory_space<vmem>>, vector<1x16xf32>,
        %get3A_566 = vector.shape_cast %get3A_565 : vector<1x16xf32> to vector<16xf32>
        %mul3A_567 = arith.mulf %get3A_566, %broadcast_in_dim3A_504 : vector<16xf32>
        %add3A_568 = arith.constant 3 : i32
        %add3A_569 = arith.addi %mul3A_159, %add3A_568 : i32
        %swap3A_570 = arith.index_cast %add3A_569 : i32 to index
        %swap3A_571 = arith.constant 64 : index
        %swap3A_572 = tpu.vector_load %arg14[%swap3A_570, %swap3A_571] {strides = array<i32>} : memref<80x128xf32, #tpu.memory_space<vmem>>, vector<1x16xf32>,
        %swap3A_573 = vector.shape_cast %swap3A_572 : vector<1x16xf32> to vector<16xf32>
        %swap3A_574 = vector.shape_cast %mul3A_567 : vector<16xf32> to vector<1x16xf32>
        tpu.vector_store %arg14[%swap3A_570, %swap3A_571], %swap3A_574 {strides = array<i32>} : memref<80x128xf32, #tpu.memory_space<vmem>>, vector<1x16xf32>,
        %add3A_575 = arith.constant 3 : i32
        %add3A_576 = arith.addi %mul3A_159, %add3A_575 : i32
        %get3A_577 = arith.index_cast %add3A_576 : i32 to index
        %get3A_578 = arith.constant 80 : index
        %get3A_579 = tpu.vector_load %arg14[%get3A_577, %get3A_578] {strides = array<i32>} : memref<80x128xf32, #tpu.memory_space<vmem>>, vector<1x16xf32>,
        %get3A_580 = vector.shape_cast %get3A_579 : vector<1x16xf32> to vector<16xf32>
        %mul3A_581 = arith.mulf %get3A_580, %broadcast_in_dim3A_504 : vector<16xf32>
        %add3A_582 = arith.constant 3 : i32
        %add3A_583 = arith.addi %mul3A_159, %add3A_582 : i32
        %swap3A_584 = arith.index_cast %add3A_583 : i32 to index
        %swap3A_585 = arith.constant 80 : index
        %swap3A_586 = tpu.vector_load %arg14[%swap3A_584, %swap3A_585] {strides = array<i32>} : memref<80x128xf32, #tpu.memory_space<vmem>>, vector<1x16xf32>,
        %swap3A_587 = vector.shape_cast %swap3A_586 : vector<1x16xf32> to vector<16xf32>
        %swap3A_588 = vector.shape_cast %mul3A_581 : vector<16xf32> to vector<1x16xf32>
        tpu.vector_store %arg14[%swap3A_584, %swap3A_585], %swap3A_588 {strides = array<i32>} : memref<80x128xf32, #tpu.memory_space<vmem>>, vector<1x16xf32>,
        %add3A_589 = arith.constant 3 : i32
        %add3A_590 = arith.addi %mul3A_159, %add3A_589 : i32
        %get3A_591 = arith.index_cast %add3A_590 : i32 to index
        %get3A_592 = arith.constant 96 : index
        %get3A_593 = tpu.vector_load %arg14[%get3A_591, %get3A_592] {strides = array<i32>} : memref<80x128xf32, #tpu.memory_space<vmem>>, vector<1x16xf32>,
        %get3A_594 = vector.shape_cast %get3A_593 : vector<1x16xf32> to vector<16xf32>
        %mul3A_595 = arith.mulf %get3A_594, %broadcast_in_dim3A_504 : vector<16xf32>
        %add3A_596 = arith.constant 3 : i32
        %add3A_597 = arith.addi %mul3A_159, %add3A_596 : i32
        %swap3A_598 = arith.index_cast %add3A_597 : i32 to index
        %swap3A_599 = arith.constant 96 : index
        %swap3A_600 = tpu.vector_load %arg14[%swap3A_598, %swap3A_599] {strides = array<i32>} : memref<80x128xf32, #tpu.memory_space<vmem>>, vector<1x16xf32>,
        %swap3A_601 = vector.shape_cast %swap3A_600 : vector<1x16xf32> to vector<16xf32>
        %swap3A_602 = vector.shape_cast %mul3A_595 : vector<16xf32> to vector<1x16xf32>
        tpu.vector_store %arg14[%swap3A_598, %swap3A_599], %swap3A_602 {strides = array<i32>} : memref<80x128xf32, #tpu.memory_space<vmem>>, vector<1x16xf32>,
        %add3A_603 = arith.constant 3 : i32
        %add3A_604 = arith.addi %mul3A_159, %add3A_603 : i32
        %get3A_605 = arith.index_cast %add3A_604 : i32 to index
        %get3A_606 = arith.constant 112 : index
        %get3A_607 = tpu.vector_load %arg14[%get3A_605, %get3A_606] {strides = array<i32>} : memref<80x128xf32, #tpu.memory_space<vmem>>, vector<1x16xf32>,
        %get3A_608 = vector.shape_cast %get3A_607 : vector<1x16xf32> to vector<16xf32>
        %mul3A_609 = arith.mulf %get3A_608, %broadcast_in_dim3A_504 : vector<16xf32>
        %add3A_610 = arith.constant 3 : i32
        %add3A_611 = arith.addi %mul3A_159, %add3A_610 : i32
        %swap3A_612 = arith.index_cast %add3A_611 : i32 to index
        %swap3A_613 = arith.constant 112 : index
        %swap3A_614 = tpu.vector_load %arg14[%swap3A_612, %swap3A_613] {strides = array<i32>} : memref<80x128xf32, #tpu.memory_space<vmem>>, vector<1x16xf32>,
        %swap3A_615 = vector.shape_cast %swap3A_614 : vector<1x16xf32> to vector<16xf32>
        %swap3A_616 = vector.shape_cast %mul3A_609 : vector<16xf32> to vector<1x16xf32>
        tpu.vector_store %arg14[%swap3A_612, %swap3A_613], %swap3A_616 {strides = array<i32>} : memref<80x128xf32, #tpu.memory_space<vmem>>, vector<1x16xf32>,
        %slice3A_617 = vector.extract_strided_slice %get3A_157 {offsets = [4], sizes = [1], strides = [1]} : vector<16xf32> to vector<1xf32>
        %squeeze3A_618 = vector.extract %slice3A_617[0] : f32 from vector<1xf32>
        %broadcast_in_dim3A_619 = vector.broadcast %squeeze3A_618 : f32 to vector<16xf32>
        %add3A_620 = arith.constant 4 : i32
        %add3A_621 = arith.addi %mul3A_159, %add3A_620 : i32
        %get3A_622 = arith.index_cast %add3A_621 : i32 to index
        %get3A_623 = arith.constant 0 : index
        %get3A_624 = tpu.vector_load %arg14[%get3A_622, %get3A_623] {strides = array<i32>} : memref<80x128xf32, #tpu.memory_space<vmem>>, vector<1x16xf32>,
        %get3A_625 = vector.shape_cast %get3A_624 : vector<1x16xf32> to vector<16xf32>
        %mul3A_626 = arith.mulf %get3A_625, %broadcast_in_dim3A_619 : vector<16xf32>
        %add3A_627 = arith.constant 4 : i32
        %add3A_628 = arith.addi %mul3A_159, %add3A_627 : i32
        %swap3A_629 = arith.index_cast %add3A_628 : i32 to index
        %swap3A_630 = arith.constant 0 : index
        %swap3A_631 = tpu.vector_load %arg14[%swap3A_629, %swap3A_630] {strides = array<i32>} : memref<80x128xf32, #tpu.memory_space<vmem>>, vector<1x16xf32>,
        %swap3A_632 = vector.shape_cast %swap3A_631 : vector<1x16xf32> to vector<16xf32>
        %swap3A_633 = vector.shape_cast %mul3A_626 : vector<16xf32> to vector<1x16xf32>
        tpu.vector_store %arg14[%swap3A_629, %swap3A_630], %swap3A_633 {strides = array<i32>} : memref<80x128xf32, #tpu.memory_space<vmem>>, vector<1x16xf32>,
        %add3A_634 = arith.constant 4 : i32
        %add3A_635 = arith.addi %mul3A_159, %add3A_634 : i32
        %get3A_636 = arith.index_cast %add3A_635 : i32 to index
        %get3A_637 = arith.constant 16 : index
        %get3A_638 = tpu.vector_load %arg14[%get3A_636, %get3A_637] {strides = array<i32>} : memref<80x128xf32, #tpu.memory_space<vmem>>, vector<1x16xf32>,
        %get3A_639 = vector.shape_cast %get3A_638 : vector<1x16xf32> to vector<16xf32>
        %mul3A_640 = arith.mulf %get3A_639, %broadcast_in_dim3A_619 : vector<16xf32>
        %add3A_641 = arith.constant 4 : i32
        %add3A_642 = arith.addi %mul3A_159, %add3A_641 : i32
        %swap3A_643 = arith.index_cast %add3A_642 : i32 to index
        %swap3A_644 = arith.constant 16 : index
        %swap3A_645 = tpu.vector_load %arg14[%swap3A_643, %swap3A_644] {strides = array<i32>} : memref<80x128xf32, #tpu.memory_space<vmem>>, vector<1x16xf32>,
        %swap3A_646 = vector.shape_cast %swap3A_645 : vector<1x16xf32> to vector<16xf32>
        %swap3A_647 = vector.shape_cast %mul3A_640 : vector<16xf32> to vector<1x16xf32>
        tpu.vector_store %arg14[%swap3A_643, %swap3A_644], %swap3A_647 {strides = array<i32>} : memref<80x128xf32, #tpu.memory_space<vmem>>, vector<1x16xf32>,
        %add3A_648 = arith.constant 4 : i32
        %add3A_649 = arith.addi %mul3A_159, %add3A_648 : i32
        %get3A_650 = arith.index_cast %add3A_649 : i32 to index
        %get3A_651 = arith.constant 32 : index
        %get3A_652 = tpu.vector_load %arg14[%get3A_650, %get3A_651] {strides = array<i32>} : memref<80x128xf32, #tpu.memory_space<vmem>>, vector<1x16xf32>,
        %get3A_653 = vector.shape_cast %get3A_652 : vector<1x16xf32> to vector<16xf32>
        %mul3A_654 = arith.mulf %get3A_653, %broadcast_in_dim3A_619 : vector<16xf32>
        %add3A_655 = arith.constant 4 : i32
        %add3A_656 = arith.addi %mul3A_159, %add3A_655 : i32
        %swap3A_657 = arith.index_cast %add3A_656 : i32 to index
        %swap3A_658 = arith.constant 32 : index
        %swap3A_659 = tpu.vector_load %arg14[%swap3A_657, %swap3A_658] {strides = array<i32>} : memref<80x128xf32, #tpu.memory_space<vmem>>, vector<1x16xf32>,
        %swap3A_660 = vector.shape_cast %swap3A_659 : vector<1x16xf32> to vector<16xf32>
        %swap3A_661 = vector.shape_cast %mul3A_654 : vector<16xf32> to vector<1x16xf32>
        tpu.vector_store %arg14[%swap3A_657, %swap3A_658], %swap3A_661 {strides = array<i32>} : memref<80x128xf32, #tpu.memory_space<vmem>>, vector<1x16xf32>,
        %add3A_662 = arith.constant 4 : i32
        %add3A_663 = arith.addi %mul3A_159, %add3A_662 : i32
        %get3A_664 = arith.index_cast %add3A_663 : i32 to index
        %get3A_665 = arith.constant 48 : index
        %get3A_666 = tpu.vector_load %arg14[%get3A_664, %get3A_665] {strides = array<i32>} : memref<80x128xf32, #tpu.memory_space<vmem>>, vector<1x16xf32>,
        %get3A_667 = vector.shape_cast %get3A_666 : vector<1x16xf32> to vector<16xf32>
        %mul3A_668 = arith.mulf %get3A_667, %broadcast_in_dim3A_619 : vector<16xf32>
        %add3A_669 = arith.constant 4 : i32
        %add3A_670 = arith.addi %mul3A_159, %add3A_669 : i32
        %swap3A_671 = arith.index_cast %add3A_670 : i32 to index
        %swap3A_672 = arith.constant 48 : index
        %swap3A_673 = tpu.vector_load %arg14[%swap3A_671, %swap3A_672] {strides = array<i32>} : memref<80x128xf32, #tpu.memory_space<vmem>>, vector<1x16xf32>,
        %swap3A_674 = vector.shape_cast %swap3A_673 : vector<1x16xf32> to vector<16xf32>
        %swap3A_675 = vector.shape_cast %mul3A_668 : vector<16xf32> to vector<1x16xf32>
        tpu.vector_store %arg14[%swap3A_671, %swap3A_672], %swap3A_675 {strides = array<i32>} : memref<80x128xf32, #tpu.memory_space<vmem>>, vector<1x16xf32>,
        %add3A_676 = arith.constant 4 : i32
        %add3A_677 = arith.addi %mul3A_159, %add3A_676 : i32
        %get3A_678 = arith.index_cast %add3A_677 : i32 to index
        %get3A_679 = arith.constant 64 : index
        %get3A_680 = tpu.vector_load %arg14[%get3A_678, %get3A_679] {strides = array<i32>} : memref<80x128xf32, #tpu.memory_space<vmem>>, vector<1x16xf32>,
        %get3A_681 = vector.shape_cast %get3A_680 : vector<1x16xf32> to vector<16xf32>
        %mul3A_682 = arith.mulf %get3A_681, %broadcast_in_dim3A_619 : vector<16xf32>
        %add3A_683 = arith.constant 4 : i32
        %add3A_684 = arith.addi %mul3A_159, %add3A_683 : i32
        %swap3A_685 = arith.index_cast %add3A_684 : i32 to index
        %swap3A_686 = arith.constant 64 : index
        %swap3A_687 = tpu.vector_load %arg14[%swap3A_685, %swap3A_686] {strides = array<i32>} : memref<80x128xf32, #tpu.memory_space<vmem>>, vector<1x16xf32>,
        %swap3A_688 = vector.shape_cast %swap3A_687 : vector<1x16xf32> to vector<16xf32>
        %swap3A_689 = vector.shape_cast %mul3A_682 : vector<16xf32> to vector<1x16xf32>
        tpu.vector_store %arg14[%swap3A_685, %swap3A_686], %swap3A_689 {strides = array<i32>} : memref<80x128xf32, #tpu.memory_space<vmem>>, vector<1x16xf32>,
        %add3A_690 = arith.constant 4 : i32
        %add3A_691 = arith.addi %mul3A_159, %add3A_690 : i32
        %get3A_692 = arith.index_cast %add3A_691 : i32 to index
        %get3A_693 = arith.constant 80 : index
        %get3A_694 = tpu.vector_load %arg14[%get3A_692, %get3A_693] {strides = array<i32>} : memref<80x128xf32, #tpu.memory_space<vmem>>, vector<1x16xf32>,
        %get3A_695 = vector.shape_cast %get3A_694 : vector<1x16xf32> to vector<16xf32>
        %mul3A_696 = arith.mulf %get3A_695, %broadcast_in_dim3A_619 : vector<16xf32>
        %add3A_697 = arith.constant 4 : i32
        %add3A_698 = arith.addi %mul3A_159, %add3A_697 : i32
        %swap3A_699 = arith.index_cast %add3A_698 : i32 to index
        %swap3A_700 = arith.constant 80 : index
        %swap3A_701 = tpu.vector_load %arg14[%swap3A_699, %swap3A_700] {strides = array<i32>} : memref<80x128xf32, #tpu.memory_space<vmem>>, vector<1x16xf32>,
        %swap3A_702 = vector.shape_cast %swap3A_701 : vector<1x16xf32> to vector<16xf32>
        %swap3A_703 = vector.shape_cast %mul3A_696 : vector<16xf32> to vector<1x16xf32>
        tpu.vector_store %arg14[%swap3A_699, %swap3A_700], %swap3A_703 {strides = array<i32>} : memref<80x128xf32, #tpu.memory_space<vmem>>, vector<1x16xf32>,
        %add3A_704 = arith.constant 4 : i32
        %add3A_705 = arith.addi %mul3A_159, %add3A_704 : i32
        %get3A_706 = arith.index_cast %add3A_705 : i32 to index
        %get3A_707 = arith.constant 96 : index
        %get3A_708 = tpu.vector_load %arg14[%get3A_706, %get3A_707] {strides = array<i32>} : memref<80x128xf32, #tpu.memory_space<vmem>>, vector<1x16xf32>,
        %get3A_709 = vector.shape_cast %get3A_708 : vector<1x16xf32> to vector<16xf32>
        %mul3A_710 = arith.mulf %get3A_709, %broadcast_in_dim3A_619 : vector<16xf32>
        %add3A_711 = arith.constant 4 : i32
        %add3A_712 = arith.addi %mul3A_159, %add3A_711 : i32
        %swap3A_713 = arith.index_cast %add3A_712 : i32 to index
        %swap3A_714 = arith.constant 96 : index
        %swap3A_715 = tpu.vector_load %arg14[%swap3A_713, %swap3A_714] {strides = array<i32>} : memref<80x128xf32, #tpu.memory_space<vmem>>, vector<1x16xf32>,
        %swap3A_716 = vector.shape_cast %swap3A_715 : vector<1x16xf32> to vector<16xf32>
        %swap3A_717 = vector.shape_cast %mul3A_710 : vector<16xf32> to vector<1x16xf32>
        tpu.vector_store %arg14[%swap3A_713, %swap3A_714], %swap3A_717 {strides = array<i32>} : memref<80x128xf32, #tpu.memory_space<vmem>>, vector<1x16xf32>,
        %add3A_718 = arith.constant 4 : i32
        %add3A_719 = arith.addi %mul3A_159, %add3A_718 : i32
        %get3A_720 = arith.index_cast %add3A_719 : i32 to index
        %get3A_721 = arith.constant 112 : index
        %get3A_722 = tpu.vector_load %arg14[%get3A_720, %get3A_721] {strides = array<i32>} : memref<80x128xf32, #tpu.memory_space<vmem>>, vector<1x16xf32>,
        %get3A_723 = vector.shape_cast %get3A_722 : vector<1x16xf32> to vector<16xf32>
        %mul3A_724 = arith.mulf %get3A_723, %broadcast_in_dim3A_619 : vector<16xf32>
        %add3A_725 = arith.constant 4 : i32
        %add3A_726 = arith.addi %mul3A_159, %add3A_725 : i32
        %swap3A_727 = arith.index_cast %add3A_726 : i32 to index
        %swap3A_728 = arith.constant 112 : index
        %swap3A_729 = tpu.vector_load %arg14[%swap3A_727, %swap3A_728] {strides = array<i32>} : memref<80x128xf32, #tpu.memory_space<vmem>>, vector<1x16xf32>,
        %swap3A_730 = vector.shape_cast %swap3A_729 : vector<1x16xf32> to vector<16xf32>
        %swap3A_731 = vector.shape_cast %mul3A_724 : vector<16xf32> to vector<1x16xf32>
        tpu.vector_store %arg14[%swap3A_727, %swap3A_728], %swap3A_731 {strides = array<i32>} : memref<80x128xf32, #tpu.memory_space<vmem>>, vector<1x16xf32>,
        %slice3A_732 = vector.extract_strided_slice %get3A_157 {offsets = [5], sizes = [1], strides = [1]} : vector<16xf32> to vector<1xf32>
        %squeeze3A_733 = vector.extract %slice3A_732[0] : f32 from vector<1xf32>
        %broadcast_in_dim3A_734 = vector.broadcast %squeeze3A_733 : f32 to vector<16xf32>
        %add3A_735 = arith.constant 5 : i32
        %add3A_736 = arith.addi %mul3A_159, %add3A_735 : i32
        %get3A_737 = arith.index_cast %add3A_736 : i32 to index
        %get3A_738 = arith.constant 0 : index
        %get3A_739 = tpu.vector_load %arg14[%get3A_737, %get3A_738] {strides = array<i32>} : memref<80x128xf32, #tpu.memory_space<vmem>>, vector<1x16xf32>,
        %get3A_740 = vector.shape_cast %get3A_739 : vector<1x16xf32> to vector<16xf32>
        %mul3A_741 = arith.mulf %get3A_740, %broadcast_in_dim3A_734 : vector<16xf32>
        %add3A_742 = arith.constant 5 : i32
        %add3A_743 = arith.addi %mul3A_159, %add3A_742 : i32
        %swap3A_744 = arith.index_cast %add3A_743 : i32 to index
        %swap3A_745 = arith.constant 0 : index
        %swap3A_746 = tpu.vector_load %arg14[%swap3A_744, %swap3A_745] {strides = array<i32>} : memref<80x128xf32, #tpu.memory_space<vmem>>, vector<1x16xf32>,
        %swap3A_747 = vector.shape_cast %swap3A_746 : vector<1x16xf32> to vector<16xf32>
        %swap3A_748 = vector.shape_cast %mul3A_741 : vector<16xf32> to vector<1x16xf32>
        tpu.vector_store %arg14[%swap3A_744, %swap3A_745], %swap3A_748 {strides = array<i32>} : memref<80x128xf32, #tpu.memory_space<vmem>>, vector<1x16xf32>,
        %add3A_749 = arith.constant 5 : i32
        %add3A_750 = arith.addi %mul3A_159, %add3A_749 : i32
        %get3A_751 = arith.index_cast %add3A_750 : i32 to index
        %get3A_752 = arith.constant 16 : index
        %get3A_753 = tpu.vector_load %arg14[%get3A_751, %get3A_752] {strides = array<i32>} : memref<80x128xf32, #tpu.memory_space<vmem>>, vector<1x16xf32>,
        %get3A_754 = vector.shape_cast %get3A_753 : vector<1x16xf32> to vector<16xf32>
        %mul3A_755 = arith.mulf %get3A_754, %broadcast_in_dim3A_734 : vector<16xf32>
        %add3A_756 = arith.constant 5 : i32
        %add3A_757 = arith.addi %mul3A_159, %add3A_756 : i32
        %swap3A_758 = arith.index_cast %add3A_757 : i32 to index
        %swap3A_759 = arith.constant 16 : index
        %swap3A_760 = tpu.vector_load %arg14[%swap3A_758, %swap3A_759] {strides = array<i32>} : memref<80x128xf32, #tpu.memory_space<vmem>>, vector<1x16xf32>,
        %swap3A_761 = vector.shape_cast %swap3A_760 : vector<1x16xf32> to vector<16xf32>
        %swap3A_762 = vector.shape_cast %mul3A_755 : vector<16xf32> to vector<1x16xf32>
        tpu.vector_store %arg14[%swap3A_758, %swap3A_759], %swap3A_762 {strides = array<i32>} : memref<80x128xf32, #tpu.memory_space<vmem>>, vector<1x16xf32>,
        %add3A_763 = arith.constant 5 : i32
        %add3A_764 = arith.addi %mul3A_159, %add3A_763 : i32
        %get3A_765 = arith.index_cast %add3A_764 : i32 to index
        %get3A_766 = arith.constant 32 : index
        %get3A_767 = tpu.vector_load %arg14[%get3A_765, %get3A_766] {strides = array<i32>} : memref<80x128xf32, #tpu.memory_space<vmem>>, vector<1x16xf32>,
        %get3A_768 = vector.shape_cast %get3A_767 : vector<1x16xf32> to vector<16xf32>
        %mul3A_769 = arith.mulf %get3A_768, %broadcast_in_dim3A_734 : vector<16xf32>
        %add3A_770 = arith.constant 5 : i32
        %add3A_771 = arith.addi %mul3A_159, %add3A_770 : i32
        %swap3A_772 = arith.index_cast %add3A_771 : i32 to index
        %swap3A_773 = arith.constant 32 : index
        %swap3A_774 = tpu.vector_load %arg14[%swap3A_772, %swap3A_773] {strides = array<i32>} : memref<80x128xf32, #tpu.memory_space<vmem>>, vector<1x16xf32>,
        %swap3A_775 = vector.shape_cast %swap3A_774 : vector<1x16xf32> to vector<16xf32>
        %swap3A_776 = vector.shape_cast %mul3A_769 : vector<16xf32> to vector<1x16xf32>
        tpu.vector_store %arg14[%swap3A_772, %swap3A_773], %swap3A_776 {strides = array<i32>} : memref<80x128xf32, #tpu.memory_space<vmem>>, vector<1x16xf32>,
        %add3A_777 = arith.constant 5 : i32
        %add3A_778 = arith.addi %mul3A_159, %add3A_777 : i32
        %get3A_779 = arith.index_cast %add3A_778 : i32 to index
        %get3A_780 = arith.constant 48 : index
        %get3A_781 = tpu.vector_load %arg14[%get3A_779, %get3A_780] {strides = array<i32>} : memref<80x128xf32, #tpu.memory_space<vmem>>, vector<1x16xf32>,
        %get3A_782 = vector.shape_cast %get3A_781 : vector<1x16xf32> to vector<16xf32>
        %mul3A_783 = arith.mulf %get3A_782, %broadcast_in_dim3A_734 : vector<16xf32>
        %add3A_784 = arith.constant 5 : i32
        %add3A_785 = arith.addi %mul3A_159, %add3A_784 : i32
        %swap3A_786 = arith.index_cast %add3A_785 : i32 to index
        %swap3A_787 = arith.constant 48 : index
        %swap3A_788 = tpu.vector_load %arg14[%swap3A_786, %swap3A_787] {strides = array<i32>} : memref<80x128xf32, #tpu.memory_space<vmem>>, vector<1x16xf32>,
        %swap3A_789 = vector.shape_cast %swap3A_788 : vector<1x16xf32> to vector<16xf32>
        %swap3A_790 = vector.shape_cast %mul3A_783 : vector<16xf32> to vector<1x16xf32>
        tpu.vector_store %arg14[%swap3A_786, %swap3A_787], %swap3A_790 {strides = array<i32>} : memref<80x128xf32, #tpu.memory_space<vmem>>, vector<1x16xf32>,
        %add3A_791 = arith.constant 5 : i32
        %add3A_792 = arith.addi %mul3A_159, %add3A_791 : i32
        %get3A_793 = arith.index_cast %add3A_792 : i32 to index
        %get3A_794 = arith.constant 64 : index
        %get3A_795 = tpu.vector_load %arg14[%get3A_793, %get3A_794] {strides = array<i32>} : memref<80x128xf32, #tpu.memory_space<vmem>>, vector<1x16xf32>,
        %get3A_796 = vector.shape_cast %get3A_795 : vector<1x16xf32> to vector<16xf32>
        %mul3A_797 = arith.mulf %get3A_796, %broadcast_in_dim3A_734 : vector<16xf32>
        %add3A_798 = arith.constant 5 : i32
        %add3A_799 = arith.addi %mul3A_159, %add3A_798 : i32
        %swap3A_800 = arith.index_cast %add3A_799 : i32 to index
        %swap3A_801 = arith.constant 64 : index
        %swap3A_802 = tpu.vector_load %arg14[%swap3A_800, %swap3A_801] {strides = array<i32>} : memref<80x128xf32, #tpu.memory_space<vmem>>, vector<1x16xf32>,
        %swap3A_803 = vector.shape_cast %swap3A_802 : vector<1x16xf32> to vector<16xf32>
        %swap3A_804 = vector.shape_cast %mul3A_797 : vector<16xf32> to vector<1x16xf32>
        tpu.vector_store %arg14[%swap3A_800, %swap3A_801], %swap3A_804 {strides = array<i32>} : memref<80x128xf32, #tpu.memory_space<vmem>>, vector<1x16xf32>,
        %add3A_805 = arith.constant 5 : i32
        %add3A_806 = arith.addi %mul3A_159, %add3A_805 : i32
        %get3A_807 = arith.index_cast %add3A_806 : i32 to index
        %get3A_808 = arith.constant 80 : index
        %get3A_809 = tpu.vector_load %arg14[%get3A_807, %get3A_808] {strides = array<i32>} : memref<80x128xf32, #tpu.memory_space<vmem>>, vector<1x16xf32>,
        %get3A_810 = vector.shape_cast %get3A_809 : vector<1x16xf32> to vector<16xf32>
        %mul3A_811 = arith.mulf %get3A_810, %broadcast_in_dim3A_734 : vector<16xf32>
        %add3A_812 = arith.constant 5 : i32
        %add3A_813 = arith.addi %mul3A_159, %add3A_812 : i32
        %swap3A_814 = arith.index_cast %add3A_813 : i32 to index
        %swap3A_815 = arith.constant 80 : index
        %swap3A_816 = tpu.vector_load %arg14[%swap3A_814, %swap3A_815] {strides = array<i32>} : memref<80x128xf32, #tpu.memory_space<vmem>>, vector<1x16xf32>,
        %swap3A_817 = vector.shape_cast %swap3A_816 : vector<1x16xf32> to vector<16xf32>
        %swap3A_818 = vector.shape_cast %mul3A_811 : vector<16xf32> to vector<1x16xf32>
        tpu.vector_store %arg14[%swap3A_814, %swap3A_815], %swap3A_818 {strides = array<i32>} : memref<80x128xf32, #tpu.memory_space<vmem>>, vector<1x16xf32>,
        %add3A_819 = arith.constant 5 : i32
        %add3A_820 = arith.addi %mul3A_159, %add3A_819 : i32
        %get3A_821 = arith.index_cast %add3A_820 : i32 to index
        %get3A_822 = arith.constant 96 : index
        %get3A_823 = tpu.vector_load %arg14[%get3A_821, %get3A_822] {strides = array<i32>} : memref<80x128xf32, #tpu.memory_space<vmem>>, vector<1x16xf32>,
        %get3A_824 = vector.shape_cast %get3A_823 : vector<1x16xf32> to vector<16xf32>
        %mul3A_825 = arith.mulf %get3A_824, %broadcast_in_dim3A_734 : vector<16xf32>
        %add3A_826 = arith.constant 5 : i32
        %add3A_827 = arith.addi %mul3A_159, %add3A_826 : i32
        %swap3A_828 = arith.index_cast %add3A_827 : i32 to index
        %swap3A_829 = arith.constant 96 : index
        %swap3A_830 = tpu.vector_load %arg14[%swap3A_828, %swap3A_829] {strides = array<i32>} : memref<80x128xf32, #tpu.memory_space<vmem>>, vector<1x16xf32>,
        %swap3A_831 = vector.shape_cast %swap3A_830 : vector<1x16xf32> to vector<16xf32>
        %swap3A_832 = vector.shape_cast %mul3A_825 : vector<16xf32> to vector<1x16xf32>
        tpu.vector_store %arg14[%swap3A_828, %swap3A_829], %swap3A_832 {strides = array<i32>} : memref<80x128xf32, #tpu.memory_space<vmem>>, vector<1x16xf32>,
        %add3A_833 = arith.constant 5 : i32
        %add3A_834 = arith.addi %mul3A_159, %add3A_833 : i32
        %get3A_835 = arith.index_cast %add3A_834 : i32 to index
        %get3A_836 = arith.constant 112 : index
        %get3A_837 = tpu.vector_load %arg14[%get3A_835, %get3A_836] {strides = array<i32>} : memref<80x128xf32, #tpu.memory_space<vmem>>, vector<1x16xf32>,
        %get3A_838 = vector.shape_cast %get3A_837 : vector<1x16xf32> to vector<16xf32>
        %mul3A_839 = arith.mulf %get3A_838, %broadcast_in_dim3A_734 : vector<16xf32>
        %add3A_840 = arith.constant 5 : i32
        %add3A_841 = arith.addi %mul3A_159, %add3A_840 : i32
        %swap3A_842 = arith.index_cast %add3A_841 : i32 to index
        %swap3A_843 = arith.constant 112 : index
        %swap3A_844 = tpu.vector_load %arg14[%swap3A_842, %swap3A_843] {strides = array<i32>} : memref<80x128xf32, #tpu.memory_space<vmem>>, vector<1x16xf32>,
        %swap3A_845 = vector.shape_cast %swap3A_844 : vector<1x16xf32> to vector<16xf32>
        %swap3A_846 = vector.shape_cast %mul3A_839 : vector<16xf32> to vector<1x16xf32>
        tpu.vector_store %arg14[%swap3A_842, %swap3A_843], %swap3A_846 {strides = array<i32>} : memref<80x128xf32, #tpu.memory_space<vmem>>, vector<1x16xf32>,
        %slice3A_847 = vector.extract_strided_slice %get3A_157 {offsets = [6], sizes = [1], strides = [1]} : vector<16xf32> to vector<1xf32>
        %squeeze3A_848 = vector.extract %slice3A_847[0] : f32 from vector<1xf32>
        %broadcast_in_dim3A_849 = vector.broadcast %squeeze3A_848 : f32 to vector<16xf32>
        %add3A_850 = arith.constant 6 : i32
        %add3A_851 = arith.addi %mul3A_159, %add3A_850 : i32
        %get3A_852 = arith.index_cast %add3A_851 : i32 to index
        %get3A_853 = arith.constant 0 : index
        %get3A_854 = tpu.vector_load %arg14[%get3A_852, %get3A_853] {strides = array<i32>} : memref<80x128xf32, #tpu.memory_space<vmem>>, vector<1x16xf32>,
        %get3A_855 = vector.shape_cast %get3A_854 : vector<1x16xf32> to vector<16xf32>
        %mul3A_856 = arith.mulf %get3A_855, %broadcast_in_dim3A_849 : vector<16xf32>
        %add3A_857 = arith.constant 6 : i32
        %add3A_858 = arith.addi %mul3A_159, %add3A_857 : i32
        %swap3A_859 = arith.index_cast %add3A_858 : i32 to index
        %swap3A_860 = arith.constant 0 : index
        %swap3A_861 = tpu.vector_load %arg14[%swap3A_859, %swap3A_860] {strides = array<i32>} : memref<80x128xf32, #tpu.memory_space<vmem>>, vector<1x16xf32>,
        %swap3A_862 = vector.shape_cast %swap3A_861 : vector<1x16xf32> to vector<16xf32>
        %swap3A_863 = vector.shape_cast %mul3A_856 : vector<16xf32> to vector<1x16xf32>
        tpu.vector_store %arg14[%swap3A_859, %swap3A_860], %swap3A_863 {strides = array<i32>} : memref<80x128xf32, #tpu.memory_space<vmem>>, vector<1x16xf32>,
        %add3A_864 = arith.constant 6 : i32
        %add3A_865 = arith.addi %mul3A_159, %add3A_864 : i32
        %get3A_866 = arith.index_cast %add3A_865 : i32 to index
        %get3A_867 = arith.constant 16 : index
        %get3A_868 = tpu.vector_load %arg14[%get3A_866, %get3A_867] {strides = array<i32>} : memref<80x128xf32, #tpu.memory_space<vmem>>, vector<1x16xf32>,
        %get3A_869 = vector.shape_cast %get3A_868 : vector<1x16xf32> to vector<16xf32>
        %mul3A_870 = arith.mulf %get3A_869, %broadcast_in_dim3A_849 : vector<16xf32>
        %add3A_871 = arith.constant 6 : i32
        %add3A_872 = arith.addi %mul3A_159, %add3A_871 : i32
        %swap3A_873 = arith.index_cast %add3A_872 : i32 to index
        %swap3A_874 = arith.constant 16 : index
        %swap3A_875 = tpu.vector_load %arg14[%swap3A_873, %swap3A_874] {strides = array<i32>} : memref<80x128xf32, #tpu.memory_space<vmem>>, vector<1x16xf32>,
        %swap3A_876 = vector.shape_cast %swap3A_875 : vector<1x16xf32> to vector<16xf32>
        %swap3A_877 = vector.shape_cast %mul3A_870 : vector<16xf32> to vector<1x16xf32>
        tpu.vector_store %arg14[%swap3A_873, %swap3A_874], %swap3A_877 {strides = array<i32>} : memref<80x128xf32, #tpu.memory_space<vmem>>, vector<1x16xf32>,
        %add3A_878 = arith.constant 6 : i32
        %add3A_879 = arith.addi %mul3A_159, %add3A_878 : i32
        %get3A_880 = arith.index_cast %add3A_879 : i32 to index
        %get3A_881 = arith.constant 32 : index
        %get3A_882 = tpu.vector_load %arg14[%get3A_880, %get3A_881] {strides = array<i32>} : memref<80x128xf32, #tpu.memory_space<vmem>>, vector<1x16xf32>,
        %get3A_883 = vector.shape_cast %get3A_882 : vector<1x16xf32> to vector<16xf32>
        %mul3A_884 = arith.mulf %get3A_883, %broadcast_in_dim3A_849 : vector<16xf32>
        %add3A_885 = arith.constant 6 : i32
        %add3A_886 = arith.addi %mul3A_159, %add3A_885 : i32
        %swap3A_887 = arith.index_cast %add3A_886 : i32 to index
        %swap3A_888 = arith.constant 32 : index
        %swap3A_889 = tpu.vector_load %arg14[%swap3A_887, %swap3A_888] {strides = array<i32>} : memref<80x128xf32, #tpu.memory_space<vmem>>, vector<1x16xf32>,
        %swap3A_890 = vector.shape_cast %swap3A_889 : vector<1x16xf32> to vector<16xf32>
        %swap3A_891 = vector.shape_cast %mul3A_884 : vector<16xf32> to vector<1x16xf32>
        tpu.vector_store %arg14[%swap3A_887, %swap3A_888], %swap3A_891 {strides = array<i32>} : memref<80x128xf32, #tpu.memory_space<vmem>>, vector<1x16xf32>,
        %add3A_892 = arith.constant 6 : i32
        %add3A_893 = arith.addi %mul3A_159, %add3A_892 : i32
        %get3A_894 = arith.index_cast %add3A_893 : i32 to index
        %get3A_895 = arith.constant 48 : index
        %get3A_896 = tpu.vector_load %arg14[%get3A_894, %get3A_895] {strides = array<i32>} : memref<80x128xf32, #tpu.memory_space<vmem>>, vector<1x16xf32>,
        %get3A_897 = vector.shape_cast %get3A_896 : vector<1x16xf32> to vector<16xf32>
        %mul3A_898 = arith.mulf %get3A_897, %broadcast_in_dim3A_849 : vector<16xf32>
        %add3A_899 = arith.constant 6 : i32
        %add3A_900 = arith.addi %mul3A_159, %add3A_899 : i32
        %swap3A_901 = arith.index_cast %add3A_900 : i32 to index
        %swap3A_902 = arith.constant 48 : index
        %swap3A_903 = tpu.vector_load %arg14[%swap3A_901, %swap3A_902] {strides = array<i32>} : memref<80x128xf32, #tpu.memory_space<vmem>>, vector<1x16xf32>,
        %swap3A_904 = vector.shape_cast %swap3A_903 : vector<1x16xf32> to vector<16xf32>
        %swap3A_905 = vector.shape_cast %mul3A_898 : vector<16xf32> to vector<1x16xf32>
        tpu.vector_store %arg14[%swap3A_901, %swap3A_902], %swap3A_905 {strides = array<i32>} : memref<80x128xf32, #tpu.memory_space<vmem>>, vector<1x16xf32>,
        %add3A_906 = arith.constant 6 : i32
        %add3A_907 = arith.addi %mul3A_159, %add3A_906 : i32
        %get3A_908 = arith.index_cast %add3A_907 : i32 to index
        %get3A_909 = arith.constant 64 : index
        %get3A_910 = tpu.vector_load %arg14[%get3A_908, %get3A_909] {strides = array<i32>} : memref<80x128xf32, #tpu.memory_space<vmem>>, vector<1x16xf32>,
        %get3A_911 = vector.shape_cast %get3A_910 : vector<1x16xf32> to vector<16xf32>
        %mul3A_912 = arith.mulf %get3A_911, %broadcast_in_dim3A_849 : vector<16xf32>
        %add3A_913 = arith.constant 6 : i32
        %add3A_914 = arith.addi %mul3A_159, %add3A_913 : i32
        %swap3A_915 = arith.index_cast %add3A_914 : i32 to index
        %swap3A_916 = arith.constant 64 : index
        %swap3A_917 = tpu.vector_load %arg14[%swap3A_915, %swap3A_916] {strides = array<i32>} : memref<80x128xf32, #tpu.memory_space<vmem>>, vector<1x16xf32>,
        %swap3A_918 = vector.shape_cast %swap3A_917 : vector<1x16xf32> to vector<16xf32>
        %swap3A_919 = vector.shape_cast %mul3A_912 : vector<16xf32> to vector<1x16xf32>
        tpu.vector_store %arg14[%swap3A_915, %swap3A_916], %swap3A_919 {strides = array<i32>} : memref<80x128xf32, #tpu.memory_space<vmem>>, vector<1x16xf32>,
        %add3A_920 = arith.constant 6 : i32
        %add3A_921 = arith.addi %mul3A_159, %add3A_920 : i32
        %get3A_922 = arith.index_cast %add3A_921 : i32 to index
        %get3A_923 = arith.constant 80 : index
        %get3A_924 = tpu.vector_load %arg14[%get3A_922, %get3A_923] {strides = array<i32>} : memref<80x128xf32, #tpu.memory_space<vmem>>, vector<1x16xf32>,
        %get3A_925 = vector.shape_cast %get3A_924 : vector<1x16xf32> to vector<16xf32>
        %mul3A_926 = arith.mulf %get3A_925, %broadcast_in_dim3A_849 : vector<16xf32>
        %add3A_927 = arith.constant 6 : i32
        %add3A_928 = arith.addi %mul3A_159, %add3A_927 : i32
        %swap3A_929 = arith.index_cast %add3A_928 : i32 to index
        %swap3A_930 = arith.constant 80 : index
        %swap3A_931 = tpu.vector_load %arg14[%swap3A_929, %swap3A_930] {strides = array<i32>} : memref<80x128xf32, #tpu.memory_space<vmem>>, vector<1x16xf32>,
        %swap3A_932 = vector.shape_cast %swap3A_931 : vector<1x16xf32> to vector<16xf32>
        %swap3A_933 = vector.shape_cast %mul3A_926 : vector<16xf32> to vector<1x16xf32>
        tpu.vector_store %arg14[%swap3A_929, %swap3A_930], %swap3A_933 {strides = array<i32>} : memref<80x128xf32, #tpu.memory_space<vmem>>, vector<1x16xf32>,
        %add3A_934 = arith.constant 6 : i32
        %add3A_935 = arith.addi %mul3A_159, %add3A_934 : i32
        %get3A_936 = arith.index_cast %add3A_935 : i32 to index
        %get3A_937 = arith.constant 96 : index
        %get3A_938 = tpu.vector_load %arg14[%get3A_936, %get3A_937] {strides = array<i32>} : memref<80x128xf32, #tpu.memory_space<vmem>>, vector<1x16xf32>,
        %get3A_939 = vector.shape_cast %get3A_938 : vector<1x16xf32> to vector<16xf32>
        %mul3A_940 = arith.mulf %get3A_939, %broadcast_in_dim3A_849 : vector<16xf32>
        %add3A_941 = arith.constant 6 : i32
        %add3A_942 = arith.addi %mul3A_159, %add3A_941 : i32
        %swap3A_943 = arith.index_cast %add3A_942 : i32 to index
        %swap3A_944 = arith.constant 96 : index
        %swap3A_945 = tpu.vector_load %arg14[%swap3A_943, %swap3A_944] {strides = array<i32>} : memref<80x128xf32, #tpu.memory_space<vmem>>, vector<1x16xf32>,
        %swap3A_946 = vector.shape_cast %swap3A_945 : vector<1x16xf32> to vector<16xf32>
        %swap3A_947 = vector.shape_cast %mul3A_940 : vector<16xf32> to vector<1x16xf32>
        tpu.vector_store %arg14[%swap3A_943, %swap3A_944], %swap3A_947 {strides = array<i32>} : memref<80x128xf32, #tpu.memory_space<vmem>>, vector<1x16xf32>,
        %add3A_948 = arith.constant 6 : i32
        %add3A_949 = arith.addi %mul3A_159, %add3A_948 : i32
        %get3A_950 = arith.index_cast %add3A_949 : i32 to index
        %get3A_951 = arith.constant 112 : index
        %get3A_952 = tpu.vector_load %arg14[%get3A_950, %get3A_951] {strides = array<i32>} : memref<80x128xf32, #tpu.memory_space<vmem>>, vector<1x16xf32>,
        %get3A_953 = vector.shape_cast %get3A_952 : vector<1x16xf32> to vector<16xf32>
        %mul3A_954 = arith.mulf %get3A_953, %broadcast_in_dim3A_849 : vector<16xf32>
        %add3A_955 = arith.constant 6 : i32
        %add3A_956 = arith.addi %mul3A_159, %add3A_955 : i32
        %swap3A_957 = arith.index_cast %add3A_956 : i32 to index
        %swap3A_958 = arith.constant 112 : index
        %swap3A_959 = tpu.vector_load %arg14[%swap3A_957, %swap3A_958] {strides = array<i32>} : memref<80x128xf32, #tpu.memory_space<vmem>>, vector<1x16xf32>,
        %swap3A_960 = vector.shape_cast %swap3A_959 : vector<1x16xf32> to vector<16xf32>
        %swap3A_961 = vector.shape_cast %mul3A_954 : vector<16xf32> to vector<1x16xf32>
        tpu.vector_store %arg14[%swap3A_957, %swap3A_958], %swap3A_961 {strides = array<i32>} : memref<80x128xf32, #tpu.memory_space<vmem>>, vector<1x16xf32>,
        %slice3A_962 = vector.extract_strided_slice %get3A_157 {offsets = [7], sizes = [1], strides = [1]} : vector<16xf32> to vector<1xf32>
        %squeeze3A_963 = vector.extract %slice3A_962[0] : f32 from vector<1xf32>
        %broadcast_in_dim3A_964 = vector.broadcast %squeeze3A_963 : f32 to vector<16xf32>
        %add3A_965 = arith.constant 7 : i32
        %add3A_966 = arith.addi %mul3A_159, %add3A_965 : i32
        %get3A_967 = arith.index_cast %add3A_966 : i32 to index
        %get3A_968 = arith.constant 0 : index
        %get3A_969 = tpu.vector_load %arg14[%get3A_967, %get3A_968] {strides = array<i32>} : memref<80x128xf32, #tpu.memory_space<vmem>>, vector<1x16xf32>,
        %get3A_970 = vector.shape_cast %get3A_969 : vector<1x16xf32> to vector<16xf32>
        %mul3A_971 = arith.mulf %get3A_970, %broadcast_in_dim3A_964 : vector<16xf32>
        %add3A_972 = arith.constant 7 : i32
        %add3A_973 = arith.addi %mul3A_159, %add3A_972 : i32
        %swap3A_974 = arith.index_cast %add3A_973 : i32 to index
        %swap3A_975 = arith.constant 0 : index
        %swap3A_976 = tpu.vector_load %arg14[%swap3A_974, %swap3A_975] {strides = array<i32>} : memref<80x128xf32, #tpu.memory_space<vmem>>, vector<1x16xf32>,
        %swap3A_977 = vector.shape_cast %swap3A_976 : vector<1x16xf32> to vector<16xf32>
        %swap3A_978 = vector.shape_cast %mul3A_971 : vector<16xf32> to vector<1x16xf32>
        tpu.vector_store %arg14[%swap3A_974, %swap3A_975], %swap3A_978 {strides = array<i32>} : memref<80x128xf32, #tpu.memory_space<vmem>>, vector<1x16xf32>,
        %add3A_979 = arith.constant 7 : i32
        %add3A_980 = arith.addi %mul3A_159, %add3A_979 : i32
        %get3A_981 = arith.index_cast %add3A_980 : i32 to index
        %get3A_982 = arith.constant 16 : index
        %get3A_983 = tpu.vector_load %arg14[%get3A_981, %get3A_982] {strides = array<i32>} : memref<80x128xf32, #tpu.memory_space<vmem>>, vector<1x16xf32>,
        %get3A_984 = vector.shape_cast %get3A_983 : vector<1x16xf32> to vector<16xf32>
        %mul3A_985 = arith.mulf %get3A_984, %broadcast_in_dim3A_964 : vector<16xf32>
        %add3A_986 = arith.constant 7 : i32
        %add3A_987 = arith.addi %mul3A_159, %add3A_986 : i32
        %swap3A_988 = arith.index_cast %add3A_987 : i32 to index
        %swap3A_989 = arith.constant 16 : index
        %swap3A_990 = tpu.vector_load %arg14[%swap3A_988, %swap3A_989] {strides = array<i32>} : memref<80x128xf32, #tpu.memory_space<vmem>>, vector<1x16xf32>,
        %swap3A_991 = vector.shape_cast %swap3A_990 : vector<1x16xf32> to vector<16xf32>
        %swap3A_992 = vector.shape_cast %mul3A_985 : vector<16xf32> to vector<1x16xf32>
        tpu.vector_store %arg14[%swap3A_988, %swap3A_989], %swap3A_992 {strides = array<i32>} : memref<80x128xf32, #tpu.memory_space<vmem>>, vector<1x16xf32>,
        %add3A_993 = arith.constant 7 : i32
        %add3A_994 = arith.addi %mul3A_159, %add3A_993 : i32
        %get3A_995 = arith.index_cast %add3A_994 : i32 to index
        %get3A_996 = arith.constant 32 : index
        %get3A_997 = tpu.vector_load %arg14[%get3A_995, %get3A_996] {strides = array<i32>} : memref<80x128xf32, #tpu.memory_space<vmem>>, vector<1x16xf32>,
        %get3A_998 = vector.shape_cast %get3A_997 : vector<1x16xf32> to vector<16xf32>
        %mul3A_999 = arith.mulf %get3A_998, %broadcast_in_dim3A_964 : vector<16xf32>
        %add3A_1000 = arith.constant 7 : i32
        %add3A_1001 = arith.addi %mul3A_159, %add3A_1000 : i32
        %swap3A_1002 = arith.index_cast %add3A_1001 : i32 to index
        %swap3A_1003 = arith.constant 32 : index
        %swap3A_1004 = tpu.vector_load %arg14[%swap3A_1002, %swap3A_1003] {strides = array<i32>} : memref<80x128xf32, #tpu.memory_space<vmem>>, vector<1x16xf32>,
        %swap3A_1005 = vector.shape_cast %swap3A_1004 : vector<1x16xf32> to vector<16xf32>
        %swap3A_1006 = vector.shape_cast %mul3A_999 : vector<16xf32> to vector<1x16xf32>
        tpu.vector_store %arg14[%swap3A_1002, %swap3A_1003], %swap3A_1006 {strides = array<i32>} : memref<80x128xf32, #tpu.memory_space<vmem>>, vector<1x16xf32>,
        %add3A_1007 = arith.constant 7 : i32
        %add3A_1008 = arith.addi %mul3A_159, %add3A_1007 : i32
        %get3A_1009 = arith.index_cast %add3A_1008 : i32 to index
        %get3A_1010 = arith.constant 48 : index
        %get3A_1011 = tpu.vector_load %arg14[%get3A_1009, %get3A_1010] {strides = array<i32>} : memref<80x128xf32, #tpu.memory_space<vmem>>, vector<1x16xf32>,
        %get3A_1012 = vector.shape_cast %get3A_1011 : vector<1x16xf32> to vector<16xf32>
        %mul3A_1013 = arith.mulf %get3A_1012, %broadcast_in_dim3A_964 : vector<16xf32>
        %add3A_1014 = arith.constant 7 : i32
        %add3A_1015 = arith.addi %mul3A_159, %add3A_1014 : i32
        %swap3A_1016 = arith.index_cast %add3A_1015 : i32 to index
        %swap3A_1017 = arith.constant 48 : index
        %swap3A_1018 = tpu.vector_load %arg14[%swap3A_1016, %swap3A_1017] {strides = array<i32>} : memref<80x128xf32, #tpu.memory_space<vmem>>, vector<1x16xf32>,
        %swap3A_1019 = vector.shape_cast %swap3A_1018 : vector<1x16xf32> to vector<16xf32>
        %swap3A_1020 = vector.shape_cast %mul3A_1013 : vector<16xf32> to vector<1x16xf32>
        tpu.vector_store %arg14[%swap3A_1016, %swap3A_1017], %swap3A_1020 {strides = array<i32>} : memref<80x128xf32, #tpu.memory_space<vmem>>, vector<1x16xf32>,
        %add3A_1021 = arith.constant 7 : i32
        %add3A_1022 = arith.addi %mul3A_159, %add3A_1021 : i32
        %get3A_1023 = arith.index_cast %add3A_1022 : i32 to index
        %get3A_1024 = arith.constant 64 : index
        %get3A_1025 = tpu.vector_load %arg14[%get3A_1023, %get3A_1024] {strides = array<i32>} : memref<80x128xf32, #tpu.memory_space<vmem>>, vector<1x16xf32>,
        %get3A_1026 = vector.shape_cast %get3A_1025 : vector<1x16xf32> to vector<16xf32>
        %mul3A_1027 = arith.mulf %get3A_1026, %broadcast_in_dim3A_964 : vector<16xf32>
        %add3A_1028 = arith.constant 7 : i32
        %add3A_1029 = arith.addi %mul3A_159, %add3A_1028 : i32
        %swap3A_1030 = arith.index_cast %add3A_1029 : i32 to index
        %swap3A_1031 = arith.constant 64 : index
        %swap3A_1032 = tpu.vector_load %arg14[%swap3A_1030, %swap3A_1031] {strides = array<i32>} : memref<80x128xf32, #tpu.memory_space<vmem>>, vector<1x16xf32>,
        %swap3A_1033 = vector.shape_cast %swap3A_1032 : vector<1x16xf32> to vector<16xf32>
        %swap3A_1034 = vector.shape_cast %mul3A_1027 : vector<16xf32> to vector<1x16xf32>
        tpu.vector_store %arg14[%swap3A_1030, %swap3A_1031], %swap3A_1034 {strides = array<i32>} : memref<80x128xf32, #tpu.memory_space<vmem>>, vector<1x16xf32>,
        %add3A_1035 = arith.constant 7 : i32
        %add3A_1036 = arith.addi %mul3A_159, %add3A_1035 : i32
        %get3A_1037 = arith.index_cast %add3A_1036 : i32 to index
        %get3A_1038 = arith.constant 80 : index
        %get3A_1039 = tpu.vector_load %arg14[%get3A_1037, %get3A_1038] {strides = array<i32>} : memref<80x128xf32, #tpu.memory_space<vmem>>, vector<1x16xf32>,
        %get3A_1040 = vector.shape_cast %get3A_1039 : vector<1x16xf32> to vector<16xf32>
        %mul3A_1041 = arith.mulf %get3A_1040, %broadcast_in_dim3A_964 : vector<16xf32>
        %add3A_1042 = arith.constant 7 : i32
        %add3A_1043 = arith.addi %mul3A_159, %add3A_1042 : i32
        %swap3A_1044 = arith.index_cast %add3A_1043 : i32 to index
        %swap3A_1045 = arith.constant 80 : index
        %swap3A_1046 = tpu.vector_load %arg14[%swap3A_1044, %swap3A_1045] {strides = array<i32>} : memref<80x128xf32, #tpu.memory_space<vmem>>, vector<1x16xf32>,
        %swap3A_1047 = vector.shape_cast %swap3A_1046 : vector<1x16xf32> to vector<16xf32>
        %swap3A_1048 = vector.shape_cast %mul3A_1041 : vector<16xf32> to vector<1x16xf32>
        tpu.vector_store %arg14[%swap3A_1044, %swap3A_1045], %swap3A_1048 {strides = array<i32>} : memref<80x128xf32, #tpu.memory_space<vmem>>, vector<1x16xf32>,
        %add3A_1049 = arith.constant 7 : i32
        %add3A_1050 = arith.addi %mul3A_159, %add3A_1049 : i32
        %get3A_1051 = arith.index_cast %add3A_1050 : i32 to index
        %get3A_1052 = arith.constant 96 : index
        %get3A_1053 = tpu.vector_load %arg14[%get3A_1051, %get3A_1052] {strides = array<i32>} : memref<80x128xf32, #tpu.memory_space<vmem>>, vector<1x16xf32>,
        %get3A_1054 = vector.shape_cast %get3A_1053 : vector<1x16xf32> to vector<16xf32>
        %mul3A_1055 = arith.mulf %get3A_1054, %broadcast_in_dim3A_964 : vector<16xf32>
        %add3A_1056 = arith.constant 7 : i32
        %add3A_1057 = arith.addi %mul3A_159, %add3A_1056 : i32
        %swap3A_1058 = arith.index_cast %add3A_1057 : i32 to index
        %swap3A_1059 = arith.constant 96 : index
        %swap3A_1060 = tpu.vector_load %arg14[%swap3A_1058, %swap3A_1059] {strides = array<i32>} : memref<80x128xf32, #tpu.memory_space<vmem>>, vector<1x16xf32>,
        %swap3A_1061 = vector.shape_cast %swap3A_1060 : vector<1x16xf32> to vector<16xf32>
        %swap3A_1062 = vector.shape_cast %mul3A_1055 : vector<16xf32> to vector<1x16xf32>
        tpu.vector_store %arg14[%swap3A_1058, %swap3A_1059], %swap3A_1062 {strides = array<i32>} : memref<80x128xf32, #tpu.memory_space<vmem>>, vector<1x16xf32>,
        %add3A_1063 = arith.constant 7 : i32
        %add3A_1064 = arith.addi %mul3A_159, %add3A_1063 : i32
        %get3A_1065 = arith.index_cast %add3A_1064 : i32 to index
        %get3A_1066 = arith.constant 112 : index
        %get3A_1067 = tpu.vector_load %arg14[%get3A_1065, %get3A_1066] {strides = array<i32>} : memref<80x128xf32, #tpu.memory_space<vmem>>, vector<1x16xf32>,
        %get3A_1068 = vector.shape_cast %get3A_1067 : vector<1x16xf32> to vector<16xf32>
        %mul3A_1069 = arith.mulf %get3A_1068, %broadcast_in_dim3A_964 : vector<16xf32>
        %add3A_1070 = arith.constant 7 : i32
        %add3A_1071 = arith.addi %mul3A_159, %add3A_1070 : i32
        %swap3A_1072 = arith.index_cast %add3A_1071 : i32 to index
        %swap3A_1073 = arith.constant 112 : index
        %swap3A_1074 = tpu.vector_load %arg14[%swap3A_1072, %swap3A_1073] {strides = array<i32>} : memref<80x128xf32, #tpu.memory_space<vmem>>, vector<1x16xf32>,
        %swap3A_1075 = vector.shape_cast %swap3A_1074 : vector<1x16xf32> to vector<16xf32>
        %swap3A_1076 = vector.shape_cast %mul3A_1069 : vector<16xf32> to vector<1x16xf32>
        tpu.vector_store %arg14[%swap3A_1072, %swap3A_1073], %swap3A_1076 {strides = array<i32>} : memref<80x128xf32, #tpu.memory_space<vmem>>, vector<1x16xf32>,
        %slice3A_1077 = vector.extract_strided_slice %get3A_157 {offsets = [8], sizes = [1], strides = [1]} : vector<16xf32> to vector<1xf32>
        %squeeze3A_1078 = vector.extract %slice3A_1077[0] : f32 from vector<1xf32>
        %broadcast_in_dim3A_1079 = vector.broadcast %squeeze3A_1078 : f32 to vector<16xf32>
        %add3A_1080 = arith.constant 8 : i32
        %add3A_1081 = arith.addi %mul3A_159, %add3A_1080 : i32
        %get3A_1082 = arith.index_cast %add3A_1081 : i32 to index
        %get3A_1083 = arith.constant 0 : index
        %get3A_1084 = tpu.vector_load %arg14[%get3A_1082, %get3A_1083] {strides = array<i32>} : memref<80x128xf32, #tpu.memory_space<vmem>>, vector<1x16xf32>,
        %get3A_1085 = vector.shape_cast %get3A_1084 : vector<1x16xf32> to vector<16xf32>
        %mul3A_1086 = arith.mulf %get3A_1085, %broadcast_in_dim3A_1079 : vector<16xf32>
        %add3A_1087 = arith.constant 8 : i32
        %add3A_1088 = arith.addi %mul3A_159, %add3A_1087 : i32
        %swap3A_1089 = arith.index_cast %add3A_1088 : i32 to index
        %swap3A_1090 = arith.constant 0 : index
        %swap3A_1091 = tpu.vector_load %arg14[%swap3A_1089, %swap3A_1090] {strides = array<i32>} : memref<80x128xf32, #tpu.memory_space<vmem>>, vector<1x16xf32>,
        %swap3A_1092 = vector.shape_cast %swap3A_1091 : vector<1x16xf32> to vector<16xf32>
        %swap3A_1093 = vector.shape_cast %mul3A_1086 : vector<16xf32> to vector<1x16xf32>
        tpu.vector_store %arg14[%swap3A_1089, %swap3A_1090], %swap3A_1093 {strides = array<i32>} : memref<80x128xf32, #tpu.memory_space<vmem>>, vector<1x16xf32>,
        %add3A_1094 = arith.constant 8 : i32
        %add3A_1095 = arith.addi %mul3A_159, %add3A_1094 : i32
        %get3A_1096 = arith.index_cast %add3A_1095 : i32 to index
        %get3A_1097 = arith.constant 16 : index
        %get3A_1098 = tpu.vector_load %arg14[%get3A_1096, %get3A_1097] {strides = array<i32>} : memref<80x128xf32, #tpu.memory_space<vmem>>, vector<1x16xf32>,
        %get3A_1099 = vector.shape_cast %get3A_1098 : vector<1x16xf32> to vector<16xf32>
        %mul3A_1100 = arith.mulf %get3A_1099, %broadcast_in_dim3A_1079 : vector<16xf32>
        %add3A_1101 = arith.constant 8 : i32
        %add3A_1102 = arith.addi %mul3A_159, %add3A_1101 : i32
        %swap3A_1103 = arith.index_cast %add3A_1102 : i32 to index
        %swap3A_1104 = arith.constant 16 : index
        %swap3A_1105 = tpu.vector_load %arg14[%swap3A_1103, %swap3A_1104] {strides = array<i32>} : memref<80x128xf32, #tpu.memory_space<vmem>>, vector<1x16xf32>,
        %swap3A_1106 = vector.shape_cast %swap3A_1105 : vector<1x16xf32> to vector<16xf32>
        %swap3A_1107 = vector.shape_cast %mul3A_1100 : vector<16xf32> to vector<1x16xf32>
        tpu.vector_store %arg14[%swap3A_1103, %swap3A_1104], %swap3A_1107 {strides = array<i32>} : memref<80x128xf32, #tpu.memory_space<vmem>>, vector<1x16xf32>,
        %add3A_1108 = arith.constant 8 : i32
        %add3A_1109 = arith.addi %mul3A_159, %add3A_1108 : i32
        %get3A_1110 = arith.index_cast %add3A_1109 : i32 to index
        %get3A_1111 = arith.constant 32 : index
        %get3A_1112 = tpu.vector_load %arg14[%get3A_1110, %get3A_1111] {strides = array<i32>} : memref<80x128xf32, #tpu.memory_space<vmem>>, vector<1x16xf32>,
        %get3A_1113 = vector.shape_cast %get3A_1112 : vector<1x16xf32> to vector<16xf32>
        %mul3A_1114 = arith.mulf %get3A_1113, %broadcast_in_dim3A_1079 : vector<16xf32>
        %add3A_1115 = arith.constant 8 : i32
        %add3A_1116 = arith.addi %mul3A_159, %add3A_1115 : i32
        %swap3A_1117 = arith.index_cast %add3A_1116 : i32 to index
        %swap3A_1118 = arith.constant 32 : index
        %swap3A_1119 = tpu.vector_load %arg14[%swap3A_1117, %swap3A_1118] {strides = array<i32>} : memref<80x128xf32, #tpu.memory_space<vmem>>, vector<1x16xf32>,
        %swap3A_1120 = vector.shape_cast %swap3A_1119 : vector<1x16xf32> to vector<16xf32>
        %swap3A_1121 = vector.shape_cast %mul3A_1114 : vector<16xf32> to vector<1x16xf32>
        tpu.vector_store %arg14[%swap3A_1117, %swap3A_1118], %swap3A_1121 {strides = array<i32>} : memref<80x128xf32, #tpu.memory_space<vmem>>, vector<1x16xf32>,
        %add3A_1122 = arith.constant 8 : i32
        %add3A_1123 = arith.addi %mul3A_159, %add3A_1122 : i32
        %get3A_1124 = arith.index_cast %add3A_1123 : i32 to index
        %get3A_1125 = arith.constant 48 : index
        %get3A_1126 = tpu.vector_load %arg14[%get3A_1124, %get3A_1125] {strides = array<i32>} : memref<80x128xf32, #tpu.memory_space<vmem>>, vector<1x16xf32>,
        %get3A_1127 = vector.shape_cast %get3A_1126 : vector<1x16xf32> to vector<16xf32>
        %mul3A_1128 = arith.mulf %get3A_1127, %broadcast_in_dim3A_1079 : vector<16xf32>
        %add3A_1129 = arith.constant 8 : i32
        %add3A_1130 = arith.addi %mul3A_159, %add3A_1129 : i32
        %swap3A_1131 = arith.index_cast %add3A_1130 : i32 to index
        %swap3A_1132 = arith.constant 48 : index
        %swap3A_1133 = tpu.vector_load %arg14[%swap3A_1131, %swap3A_1132] {strides = array<i32>} : memref<80x128xf32, #tpu.memory_space<vmem>>, vector<1x16xf32>,
        %swap3A_1134 = vector.shape_cast %swap3A_1133 : vector<1x16xf32> to vector<16xf32>
        %swap3A_1135 = vector.shape_cast %mul3A_1128 : vector<16xf32> to vector<1x16xf32>
        tpu.vector_store %arg14[%swap3A_1131, %swap3A_1132], %swap3A_1135 {strides = array<i32>} : memref<80x128xf32, #tpu.memory_space<vmem>>, vector<1x16xf32>,
        %add3A_1136 = arith.constant 8 : i32
        %add3A_1137 = arith.addi %mul3A_159, %add3A_1136 : i32
        %get3A_1138 = arith.index_cast %add3A_1137 : i32 to index
        %get3A_1139 = arith.constant 64 : index
        %get3A_1140 = tpu.vector_load %arg14[%get3A_1138, %get3A_1139] {strides = array<i32>} : memref<80x128xf32, #tpu.memory_space<vmem>>, vector<1x16xf32>,
        %get3A_1141 = vector.shape_cast %get3A_1140 : vector<1x16xf32> to vector<16xf32>
        %mul3A_1142 = arith.mulf %get3A_1141, %broadcast_in_dim3A_1079 : vector<16xf32>
        %add3A_1143 = arith.constant 8 : i32
        %add3A_1144 = arith.addi %mul3A_159, %add3A_1143 : i32
        %swap3A_1145 = arith.index_cast %add3A_1144 : i32 to index
        %swap3A_1146 = arith.constant 64 : index
        %swap3A_1147 = tpu.vector_load %arg14[%swap3A_1145, %swap3A_1146] {strides = array<i32>} : memref<80x128xf32, #tpu.memory_space<vmem>>, vector<1x16xf32>,
        %swap3A_1148 = vector.shape_cast %swap3A_1147 : vector<1x16xf32> to vector<16xf32>
        %swap3A_1149 = vector.shape_cast %mul3A_1142 : vector<16xf32> to vector<1x16xf32>
        tpu.vector_store %arg14[%swap3A_1145, %swap3A_1146], %swap3A_1149 {strides = array<i32>} : memref<80x128xf32, #tpu.memory_space<vmem>>, vector<1x16xf32>,
        %add3A_1150 = arith.constant 8 : i32
        %add3A_1151 = arith.addi %mul3A_159, %add3A_1150 : i32
        %get3A_1152 = arith.index_cast %add3A_1151 : i32 to index
        %get3A_1153 = arith.constant 80 : index
        %get3A_1154 = tpu.vector_load %arg14[%get3A_1152, %get3A_1153] {strides = array<i32>} : memref<80x128xf32, #tpu.memory_space<vmem>>, vector<1x16xf32>,
        %get3A_1155 = vector.shape_cast %get3A_1154 : vector<1x16xf32> to vector<16xf32>
        %mul3A_1156 = arith.mulf %get3A_1155, %broadcast_in_dim3A_1079 : vector<16xf32>
        %add3A_1157 = arith.constant 8 : i32
        %add3A_1158 = arith.addi %mul3A_159, %add3A_1157 : i32
        %swap3A_1159 = arith.index_cast %add3A_1158 : i32 to index
        %swap3A_1160 = arith.constant 80 : index
        %swap3A_1161 = tpu.vector_load %arg14[%swap3A_1159, %swap3A_1160] {strides = array<i32>} : memref<80x128xf32, #tpu.memory_space<vmem>>, vector<1x16xf32>,
        %swap3A_1162 = vector.shape_cast %swap3A_1161 : vector<1x16xf32> to vector<16xf32>
        %swap3A_1163 = vector.shape_cast %mul3A_1156 : vector<16xf32> to vector<1x16xf32>
        tpu.vector_store %arg14[%swap3A_1159, %swap3A_1160], %swap3A_1163 {strides = array<i32>} : memref<80x128xf32, #tpu.memory_space<vmem>>, vector<1x16xf32>,
        %add3A_1164 = arith.constant 8 : i32
        %add3A_1165 = arith.addi %mul3A_159, %add3A_1164 : i32
        %get3A_1166 = arith.index_cast %add3A_1165 : i32 to index
        %get3A_1167 = arith.constant 96 : index
        %get3A_1168 = tpu.vector_load %arg14[%get3A_1166, %get3A_1167] {strides = array<i32>} : memref<80x128xf32, #tpu.memory_space<vmem>>, vector<1x16xf32>,
        %get3A_1169 = vector.shape_cast %get3A_1168 : vector<1x16xf32> to vector<16xf32>
        %mul3A_1170 = arith.mulf %get3A_1169, %broadcast_in_dim3A_1079 : vector<16xf32>
        %add3A_1171 = arith.constant 8 : i32
        %add3A_1172 = arith.addi %mul3A_159, %add3A_1171 : i32
        %swap3A_1173 = arith.index_cast %add3A_1172 : i32 to index
        %swap3A_1174 = arith.constant 96 : index
        %swap3A_1175 = tpu.vector_load %arg14[%swap3A_1173, %swap3A_1174] {strides = array<i32>} : memref<80x128xf32, #tpu.memory_space<vmem>>, vector<1x16xf32>,
        %swap3A_1176 = vector.shape_cast %swap3A_1175 : vector<1x16xf32> to vector<16xf32>
        %swap3A_1177 = vector.shape_cast %mul3A_1170 : vector<16xf32> to vector<1x16xf32>
        tpu.vector_store %arg14[%swap3A_1173, %swap3A_1174], %swap3A_1177 {strides = array<i32>} : memref<80x128xf32, #tpu.memory_space<vmem>>, vector<1x16xf32>,
        %add3A_1178 = arith.constant 8 : i32
        %add3A_1179 = arith.addi %mul3A_159, %add3A_1178 : i32
        %get3A_1180 = arith.index_cast %add3A_1179 : i32 to index
        %get3A_1181 = arith.constant 112 : index
        %get3A_1182 = tpu.vector_load %arg14[%get3A_1180, %get3A_1181] {strides = array<i32>} : memref<80x128xf32, #tpu.memory_space<vmem>>, vector<1x16xf32>,
        %get3A_1183 = vector.shape_cast %get3A_1182 : vector<1x16xf32> to vector<16xf32>
        %mul3A_1184 = arith.mulf %get3A_1183, %broadcast_in_dim3A_1079 : vector<16xf32>
        %add3A_1185 = arith.constant 8 : i32
        %add3A_1186 = arith.addi %mul3A_159, %add3A_1185 : i32
        %swap3A_1187 = arith.index_cast %add3A_1186 : i32 to index
        %swap3A_1188 = arith.constant 112 : index
        %swap3A_1189 = tpu.vector_load %arg14[%swap3A_1187, %swap3A_1188] {strides = array<i32>} : memref<80x128xf32, #tpu.memory_space<vmem>>, vector<1x16xf32>,
        %swap3A_1190 = vector.shape_cast %swap3A_1189 : vector<1x16xf32> to vector<16xf32>
        %swap3A_1191 = vector.shape_cast %mul3A_1184 : vector<16xf32> to vector<1x16xf32>
        tpu.vector_store %arg14[%swap3A_1187, %swap3A_1188], %swap3A_1191 {strides = array<i32>} : memref<80x128xf32, #tpu.memory_space<vmem>>, vector<1x16xf32>,
        %slice3A_1192 = vector.extract_strided_slice %get3A_157 {offsets = [9], sizes = [1], strides = [1]} : vector<16xf32> to vector<1xf32>
        %squeeze3A_1193 = vector.extract %slice3A_1192[0] : f32 from vector<1xf32>
        %broadcast_in_dim3A_1194 = vector.broadcast %squeeze3A_1193 : f32 to vector<16xf32>
        %add3A_1195 = arith.constant 9 : i32
        %add3A_1196 = arith.addi %mul3A_159, %add3A_1195 : i32
        %get3A_1197 = arith.index_cast %add3A_1196 : i32 to index
        %get3A_1198 = arith.constant 0 : index
        %get3A_1199 = tpu.vector_load %arg14[%get3A_1197, %get3A_1198] {strides = array<i32>} : memref<80x128xf32, #tpu.memory_space<vmem>>, vector<1x16xf32>,
        %get3A_1200 = vector.shape_cast %get3A_1199 : vector<1x16xf32> to vector<16xf32>
        %mul3A_1201 = arith.mulf %get3A_1200, %broadcast_in_dim3A_1194 : vector<16xf32>
        %add3A_1202 = arith.constant 9 : i32
        %add3A_1203 = arith.addi %mul3A_159, %add3A_1202 : i32
        %swap3A_1204 = arith.index_cast %add3A_1203 : i32 to index
        %swap3A_1205 = arith.constant 0 : index
        %swap3A_1206 = tpu.vector_load %arg14[%swap3A_1204, %swap3A_1205] {strides = array<i32>} : memref<80x128xf32, #tpu.memory_space<vmem>>, vector<1x16xf32>,
        %swap3A_1207 = vector.shape_cast %swap3A_1206 : vector<1x16xf32> to vector<16xf32>
        %swap3A_1208 = vector.shape_cast %mul3A_1201 : vector<16xf32> to vector<1x16xf32>
        tpu.vector_store %arg14[%swap3A_1204, %swap3A_1205], %swap3A_1208 {strides = array<i32>} : memref<80x128xf32, #tpu.memory_space<vmem>>, vector<1x16xf32>,
        %add3A_1209 = arith.constant 9 : i32
        %add3A_1210 = arith.addi %mul3A_159, %add3A_1209 : i32
        %get3A_1211 = arith.index_cast %add3A_1210 : i32 to index
        %get3A_1212 = arith.constant 16 : index
        %get3A_1213 = tpu.vector_load %arg14[%get3A_1211, %get3A_1212] {strides = array<i32>} : memref<80x128xf32, #tpu.memory_space<vmem>>, vector<1x16xf32>,
        %get3A_1214 = vector.shape_cast %get3A_1213 : vector<1x16xf32> to vector<16xf32>
        %mul3A_1215 = arith.mulf %get3A_1214, %broadcast_in_dim3A_1194 : vector<16xf32>
        %add3A_1216 = arith.constant 9 : i32
        %add3A_1217 = arith.addi %mul3A_159, %add3A_1216 : i32
        %swap3A_1218 = arith.index_cast %add3A_1217 : i32 to index
        %swap3A_1219 = arith.constant 16 : index
        %swap3A_1220 = tpu.vector_load %arg14[%swap3A_1218, %swap3A_1219] {strides = array<i32>} : memref<80x128xf32, #tpu.memory_space<vmem>>, vector<1x16xf32>,
        %swap3A_1221 = vector.shape_cast %swap3A_1220 : vector<1x16xf32> to vector<16xf32>
        %swap3A_1222 = vector.shape_cast %mul3A_1215 : vector<16xf32> to vector<1x16xf32>
        tpu.vector_store %arg14[%swap3A_1218, %swap3A_1219], %swap3A_1222 {strides = array<i32>} : memref<80x128xf32, #tpu.memory_space<vmem>>, vector<1x16xf32>,
        %add3A_1223 = arith.constant 9 : i32
        %add3A_1224 = arith.addi %mul3A_159, %add3A_1223 : i32
        %get3A_1225 = arith.index_cast %add3A_1224 : i32 to index
        %get3A_1226 = arith.constant 32 : index
        %get3A_1227 = tpu.vector_load %arg14[%get3A_1225, %get3A_1226] {strides = array<i32>} : memref<80x128xf32, #tpu.memory_space<vmem>>, vector<1x16xf32>,
        %get3A_1228 = vector.shape_cast %get3A_1227 : vector<1x16xf32> to vector<16xf32>
        %mul3A_1229 = arith.mulf %get3A_1228, %broadcast_in_dim3A_1194 : vector<16xf32>
        %add3A_1230 = arith.constant 9 : i32
        %add3A_1231 = arith.addi %mul3A_159, %add3A_1230 : i32
        %swap3A_1232 = arith.index_cast %add3A_1231 : i32 to index
        %swap3A_1233 = arith.constant 32 : index
        %swap3A_1234 = tpu.vector_load %arg14[%swap3A_1232, %swap3A_1233] {strides = array<i32>} : memref<80x128xf32, #tpu.memory_space<vmem>>, vector<1x16xf32>,
        %swap3A_1235 = vector.shape_cast %swap3A_1234 : vector<1x16xf32> to vector<16xf32>
        %swap3A_1236 = vector.shape_cast %mul3A_1229 : vector<16xf32> to vector<1x16xf32>
        tpu.vector_store %arg14[%swap3A_1232, %swap3A_1233], %swap3A_1236 {strides = array<i32>} : memref<80x128xf32, #tpu.memory_space<vmem>>, vector<1x16xf32>,
        %add3A_1237 = arith.constant 9 : i32
        %add3A_1238 = arith.addi %mul3A_159, %add3A_1237 : i32
        %get3A_1239 = arith.index_cast %add3A_1238 : i32 to index
        %get3A_1240 = arith.constant 48 : index
        %get3A_1241 = tpu.vector_load %arg14[%get3A_1239, %get3A_1240] {strides = array<i32>} : memref<80x128xf32, #tpu.memory_space<vmem>>, vector<1x16xf32>,
        %get3A_1242 = vector.shape_cast %get3A_1241 : vector<1x16xf32> to vector<16xf32>
        %mul3A_1243 = arith.mulf %get3A_1242, %broadcast_in_dim3A_1194 : vector<16xf32>
        %add3A_1244 = arith.constant 9 : i32
        %add3A_1245 = arith.addi %mul3A_159, %add3A_1244 : i32
        %swap3A_1246 = arith.index_cast %add3A_1245 : i32 to index
        %swap3A_1247 = arith.constant 48 : index
        %swap3A_1248 = tpu.vector_load %arg14[%swap3A_1246, %swap3A_1247] {strides = array<i32>} : memref<80x128xf32, #tpu.memory_space<vmem>>, vector<1x16xf32>,
        %swap3A_1249 = vector.shape_cast %swap3A_1248 : vector<1x16xf32> to vector<16xf32>
        %swap3A_1250 = vector.shape_cast %mul3A_1243 : vector<16xf32> to vector<1x16xf32>
        tpu.vector_store %arg14[%swap3A_1246, %swap3A_1247], %swap3A_1250 {strides = array<i32>} : memref<80x128xf32, #tpu.memory_space<vmem>>, vector<1x16xf32>,
        %add3A_1251 = arith.constant 9 : i32
        %add3A_1252 = arith.addi %mul3A_159, %add3A_1251 : i32
        %get3A_1253 = arith.index_cast %add3A_1252 : i32 to index
        %get3A_1254 = arith.constant 64 : index
        %get3A_1255 = tpu.vector_load %arg14[%get3A_1253, %get3A_1254] {strides = array<i32>} : memref<80x128xf32, #tpu.memory_space<vmem>>, vector<1x16xf32>,
        %get3A_1256 = vector.shape_cast %get3A_1255 : vector<1x16xf32> to vector<16xf32>
        %mul3A_1257 = arith.mulf %get3A_1256, %broadcast_in_dim3A_1194 : vector<16xf32>
        %add3A_1258 = arith.constant 9 : i32
        %add3A_1259 = arith.addi %mul3A_159, %add3A_1258 : i32
        %swap3A_1260 = arith.index_cast %add3A_1259 : i32 to index
        %swap3A_1261 = arith.constant 64 : index
        %swap3A_1262 = tpu.vector_load %arg14[%swap3A_1260, %swap3A_1261] {strides = array<i32>} : memref<80x128xf32, #tpu.memory_space<vmem>>, vector<1x16xf32>,
        %swap3A_1263 = vector.shape_cast %swap3A_1262 : vector<1x16xf32> to vector<16xf32>
        %swap3A_1264 = vector.shape_cast %mul3A_1257 : vector<16xf32> to vector<1x16xf32>
        tpu.vector_store %arg14[%swap3A_1260, %swap3A_1261], %swap3A_1264 {strides = array<i32>} : memref<80x128xf32, #tpu.memory_space<vmem>>, vector<1x16xf32>,
        %add3A_1265 = arith.constant 9 : i32
        %add3A_1266 = arith.addi %mul3A_159, %add3A_1265 : i32
        %get3A_1267 = arith.index_cast %add3A_1266 : i32 to index
        %get3A_1268 = arith.constant 80 : index
        %get3A_1269 = tpu.vector_load %arg14[%get3A_1267, %get3A_1268] {strides = array<i32>} : memref<80x128xf32, #tpu.memory_space<vmem>>, vector<1x16xf32>,
        %get3A_1270 = vector.shape_cast %get3A_1269 : vector<1x16xf32> to vector<16xf32>
        %mul3A_1271 = arith.mulf %get3A_1270, %broadcast_in_dim3A_1194 : vector<16xf32>
        %add3A_1272 = arith.constant 9 : i32
        %add3A_1273 = arith.addi %mul3A_159, %add3A_1272 : i32
        %swap3A_1274 = arith.index_cast %add3A_1273 : i32 to index
        %swap3A_1275 = arith.constant 80 : index
        %swap3A_1276 = tpu.vector_load %arg14[%swap3A_1274, %swap3A_1275] {strides = array<i32>} : memref<80x128xf32, #tpu.memory_space<vmem>>, vector<1x16xf32>,
        %swap3A_1277 = vector.shape_cast %swap3A_1276 : vector<1x16xf32> to vector<16xf32>
        %swap3A_1278 = vector.shape_cast %mul3A_1271 : vector<16xf32> to vector<1x16xf32>
        tpu.vector_store %arg14[%swap3A_1274, %swap3A_1275], %swap3A_1278 {strides = array<i32>} : memref<80x128xf32, #tpu.memory_space<vmem>>, vector<1x16xf32>,
        %add3A_1279 = arith.constant 9 : i32
        %add3A_1280 = arith.addi %mul3A_159, %add3A_1279 : i32
        %get3A_1281 = arith.index_cast %add3A_1280 : i32 to index
        %get3A_1282 = arith.constant 96 : index
        %get3A_1283 = tpu.vector_load %arg14[%get3A_1281, %get3A_1282] {strides = array<i32>} : memref<80x128xf32, #tpu.memory_space<vmem>>, vector<1x16xf32>,
        %get3A_1284 = vector.shape_cast %get3A_1283 : vector<1x16xf32> to vector<16xf32>
        %mul3A_1285 = arith.mulf %get3A_1284, %broadcast_in_dim3A_1194 : vector<16xf32>
        %add3A_1286 = arith.constant 9 : i32
        %add3A_1287 = arith.addi %mul3A_159, %add3A_1286 : i32
        %swap3A_1288 = arith.index_cast %add3A_1287 : i32 to index
        %swap3A_1289 = arith.constant 96 : index
        %swap3A_1290 = tpu.vector_load %arg14[%swap3A_1288, %swap3A_1289] {strides = array<i32>} : memref<80x128xf32, #tpu.memory_space<vmem>>, vector<1x16xf32>,
        %swap3A_1291 = vector.shape_cast %swap3A_1290 : vector<1x16xf32> to vector<16xf32>
        %swap3A_1292 = vector.shape_cast %mul3A_1285 : vector<16xf32> to vector<1x16xf32>
        tpu.vector_store %arg14[%swap3A_1288, %swap3A_1289], %swap3A_1292 {strides = array<i32>} : memref<80x128xf32, #tpu.memory_space<vmem>>, vector<1x16xf32>,
        %add3A_1293 = arith.constant 9 : i32
        %add3A_1294 = arith.addi %mul3A_159, %add3A_1293 : i32
        %get3A_1295 = arith.index_cast %add3A_1294 : i32 to index
        %get3A_1296 = arith.constant 112 : index
        %get3A_1297 = tpu.vector_load %arg14[%get3A_1295, %get3A_1296] {strides = array<i32>} : memref<80x128xf32, #tpu.memory_space<vmem>>, vector<1x16xf32>,
        %get3A_1298 = vector.shape_cast %get3A_1297 : vector<1x16xf32> to vector<16xf32>
        %mul3A_1299 = arith.mulf %get3A_1298, %broadcast_in_dim3A_1194 : vector<16xf32>
        %add3A_1300 = arith.constant 9 : i32
        %add3A_1301 = arith.addi %mul3A_159, %add3A_1300 : i32
        %swap3A_1302 = arith.index_cast %add3A_1301 : i32 to index
        %swap3A_1303 = arith.constant 112 : index
        %swap3A_1304 = tpu.vector_load %arg14[%swap3A_1302, %swap3A_1303] {strides = array<i32>} : memref<80x128xf32, #tpu.memory_space<vmem>>, vector<1x16xf32>,
        %swap3A_1305 = vector.shape_cast %swap3A_1304 : vector<1x16xf32> to vector<16xf32>
        %swap3A_1306 = vector.shape_cast %mul3A_1299 : vector<16xf32> to vector<1x16xf32>
        tpu.vector_store %arg14[%swap3A_1302, %swap3A_1303], %swap3A_1306 {strides = array<i32>} : memref<80x128xf32, #tpu.memory_space<vmem>>, vector<1x16xf32>,
        %slice3A_1307 = vector.extract_strided_slice %get3A_157 {offsets = [10], sizes = [1], strides = [1]} : vector<16xf32> to vector<1xf32>
        %squeeze3A_1308 = vector.extract %slice3A_1307[0] : f32 from vector<1xf32>
        %broadcast_in_dim3A_1309 = vector.broadcast %squeeze3A_1308 : f32 to vector<16xf32>
        %add3A_1310 = arith.constant 10 : i32
        %add3A_1311 = arith.addi %mul3A_159, %add3A_1310 : i32
        %get3A_1312 = arith.index_cast %add3A_1311 : i32 to index
        %get3A_1313 = arith.constant 0 : index
        %get3A_1314 = tpu.vector_load %arg14[%get3A_1312, %get3A_1313] {strides = array<i32>} : memref<80x128xf32, #tpu.memory_space<vmem>>, vector<1x16xf32>,
        %get3A_1315 = vector.shape_cast %get3A_1314 : vector<1x16xf32> to vector<16xf32>
        %mul3A_1316 = arith.mulf %get3A_1315, %broadcast_in_dim3A_1309 : vector<16xf32>
        %add3A_1317 = arith.constant 10 : i32
        %add3A_1318 = arith.addi %mul3A_159, %add3A_1317 : i32
        %swap3A_1319 = arith.index_cast %add3A_1318 : i32 to index
        %swap3A_1320 = arith.constant 0 : index
        %swap3A_1321 = tpu.vector_load %arg14[%swap3A_1319, %swap3A_1320] {strides = array<i32>} : memref<80x128xf32, #tpu.memory_space<vmem>>, vector<1x16xf32>,
        %swap3A_1322 = vector.shape_cast %swap3A_1321 : vector<1x16xf32> to vector<16xf32>
        %swap3A_1323 = vector.shape_cast %mul3A_1316 : vector<16xf32> to vector<1x16xf32>
        tpu.vector_store %arg14[%swap3A_1319, %swap3A_1320], %swap3A_1323 {strides = array<i32>} : memref<80x128xf32, #tpu.memory_space<vmem>>, vector<1x16xf32>,
        %add3A_1324 = arith.constant 10 : i32
        %add3A_1325 = arith.addi %mul3A_159, %add3A_1324 : i32
        %get3A_1326 = arith.index_cast %add3A_1325 : i32 to index
        %get3A_1327 = arith.constant 16 : index
        %get3A_1328 = tpu.vector_load %arg14[%get3A_1326, %get3A_1327] {strides = array<i32>} : memref<80x128xf32, #tpu.memory_space<vmem>>, vector<1x16xf32>,
        %get3A_1329 = vector.shape_cast %get3A_1328 : vector<1x16xf32> to vector<16xf32>
        %mul3A_1330 = arith.mulf %get3A_1329, %broadcast_in_dim3A_1309 : vector<16xf32>
        %add3A_1331 = arith.constant 10 : i32
        %add3A_1332 = arith.addi %mul3A_159, %add3A_1331 : i32
        %swap3A_1333 = arith.index_cast %add3A_1332 : i32 to index
        %swap3A_1334 = arith.constant 16 : index
        %swap3A_1335 = tpu.vector_load %arg14[%swap3A_1333, %swap3A_1334] {strides = array<i32>} : memref<80x128xf32, #tpu.memory_space<vmem>>, vector<1x16xf32>,
        %swap3A_1336 = vector.shape_cast %swap3A_1335 : vector<1x16xf32> to vector<16xf32>
        %swap3A_1337 = vector.shape_cast %mul3A_1330 : vector<16xf32> to vector<1x16xf32>
        tpu.vector_store %arg14[%swap3A_1333, %swap3A_1334], %swap3A_1337 {strides = array<i32>} : memref<80x128xf32, #tpu.memory_space<vmem>>, vector<1x16xf32>,
        %add3A_1338 = arith.constant 10 : i32
        %add3A_1339 = arith.addi %mul3A_159, %add3A_1338 : i32
        %get3A_1340 = arith.index_cast %add3A_1339 : i32 to index
        %get3A_1341 = arith.constant 32 : index
        %get3A_1342 = tpu.vector_load %arg14[%get3A_1340, %get3A_1341] {strides = array<i32>} : memref<80x128xf32, #tpu.memory_space<vmem>>, vector<1x16xf32>,
        %get3A_1343 = vector.shape_cast %get3A_1342 : vector<1x16xf32> to vector<16xf32>
        %mul3A_1344 = arith.mulf %get3A_1343, %broadcast_in_dim3A_1309 : vector<16xf32>
        %add3A_1345 = arith.constant 10 : i32
        %add3A_1346 = arith.addi %mul3A_159, %add3A_1345 : i32
        %swap3A_1347 = arith.index_cast %add3A_1346 : i32 to index
        %swap3A_1348 = arith.constant 32 : index
        %swap3A_1349 = tpu.vector_load %arg14[%swap3A_1347, %swap3A_1348] {strides = array<i32>} : memref<80x128xf32, #tpu.memory_space<vmem>>, vector<1x16xf32>,
        %swap3A_1350 = vector.shape_cast %swap3A_1349 : vector<1x16xf32> to vector<16xf32>
        %swap3A_1351 = vector.shape_cast %mul3A_1344 : vector<16xf32> to vector<1x16xf32>
        tpu.vector_store %arg14[%swap3A_1347, %swap3A_1348], %swap3A_1351 {strides = array<i32>} : memref<80x128xf32, #tpu.memory_space<vmem>>, vector<1x16xf32>,
        %add3A_1352 = arith.constant 10 : i32
        %add3A_1353 = arith.addi %mul3A_159, %add3A_1352 : i32
        %get3A_1354 = arith.index_cast %add3A_1353 : i32 to index
        %get3A_1355 = arith.constant 48 : index
        %get3A_1356 = tpu.vector_load %arg14[%get3A_1354, %get3A_1355] {strides = array<i32>} : memref<80x128xf32, #tpu.memory_space<vmem>>, vector<1x16xf32>,
        %get3A_1357 = vector.shape_cast %get3A_1356 : vector<1x16xf32> to vector<16xf32>
        %mul3A_1358 = arith.mulf %get3A_1357, %broadcast_in_dim3A_1309 : vector<16xf32>
        %add3A_1359 = arith.constant 10 : i32
        %add3A_1360 = arith.addi %mul3A_159, %add3A_1359 : i32
        %swap3A_1361 = arith.index_cast %add3A_1360 : i32 to index
        %swap3A_1362 = arith.constant 48 : index
        %swap3A_1363 = tpu.vector_load %arg14[%swap3A_1361, %swap3A_1362] {strides = array<i32>} : memref<80x128xf32, #tpu.memory_space<vmem>>, vector<1x16xf32>,
        %swap3A_1364 = vector.shape_cast %swap3A_1363 : vector<1x16xf32> to vector<16xf32>
        %swap3A_1365 = vector.shape_cast %mul3A_1358 : vector<16xf32> to vector<1x16xf32>
        tpu.vector_store %arg14[%swap3A_1361, %swap3A_1362], %swap3A_1365 {strides = array<i32>} : memref<80x128xf32, #tpu.memory_space<vmem>>, vector<1x16xf32>,
        %add3A_1366 = arith.constant 10 : i32
        %add3A_1367 = arith.addi %mul3A_159, %add3A_1366 : i32
        %get3A_1368 = arith.index_cast %add3A_1367 : i32 to index
        %get3A_1369 = arith.constant 64 : index
        %get3A_1370 = tpu.vector_load %arg14[%get3A_1368, %get3A_1369] {strides = array<i32>} : memref<80x128xf32, #tpu.memory_space<vmem>>, vector<1x16xf32>,
        %get3A_1371 = vector.shape_cast %get3A_1370 : vector<1x16xf32> to vector<16xf32>
        %mul3A_1372 = arith.mulf %get3A_1371, %broadcast_in_dim3A_1309 : vector<16xf32>
        %add3A_1373 = arith.constant 10 : i32
        %add3A_1374 = arith.addi %mul3A_159, %add3A_1373 : i32
        %swap3A_1375 = arith.index_cast %add3A_1374 : i32 to index
        %swap3A_1376 = arith.constant 64 : index
        %swap3A_1377 = tpu.vector_load %arg14[%swap3A_1375, %swap3A_1376] {strides = array<i32>} : memref<80x128xf32, #tpu.memory_space<vmem>>, vector<1x16xf32>,
        %swap3A_1378 = vector.shape_cast %swap3A_1377 : vector<1x16xf32> to vector<16xf32>
        %swap3A_1379 = vector.shape_cast %mul3A_1372 : vector<16xf32> to vector<1x16xf32>
        tpu.vector_store %arg14[%swap3A_1375, %swap3A_1376], %swap3A_1379 {strides = array<i32>} : memref<80x128xf32, #tpu.memory_space<vmem>>, vector<1x16xf32>,
        %add3A_1380 = arith.constant 10 : i32
        %add3A_1381 = arith.addi %mul3A_159, %add3A_1380 : i32
        %get3A_1382 = arith.index_cast %add3A_1381 : i32 to index
        %get3A_1383 = arith.constant 80 : index
        %get3A_1384 = tpu.vector_load %arg14[%get3A_1382, %get3A_1383] {strides = array<i32>} : memref<80x128xf32, #tpu.memory_space<vmem>>, vector<1x16xf32>,
        %get3A_1385 = vector.shape_cast %get3A_1384 : vector<1x16xf32> to vector<16xf32>
        %mul3A_1386 = arith.mulf %get3A_1385, %broadcast_in_dim3A_1309 : vector<16xf32>
        %add3A_1387 = arith.constant 10 : i32
        %add3A_1388 = arith.addi %mul3A_159, %add3A_1387 : i32
        %swap3A_1389 = arith.index_cast %add3A_1388 : i32 to index
        %swap3A_1390 = arith.constant 80 : index
        %swap3A_1391 = tpu.vector_load %arg14[%swap3A_1389, %swap3A_1390] {strides = array<i32>} : memref<80x128xf32, #tpu.memory_space<vmem>>, vector<1x16xf32>,
        %swap3A_1392 = vector.shape_cast %swap3A_1391 : vector<1x16xf32> to vector<16xf32>
        %swap3A_1393 = vector.shape_cast %mul3A_1386 : vector<16xf32> to vector<1x16xf32>
        tpu.vector_store %arg14[%swap3A_1389, %swap3A_1390], %swap3A_1393 {strides = array<i32>} : memref<80x128xf32, #tpu.memory_space<vmem>>, vector<1x16xf32>,
        %add3A_1394 = arith.constant 10 : i32
        %add3A_1395 = arith.addi %mul3A_159, %add3A_1394 : i32
        %get3A_1396 = arith.index_cast %add3A_1395 : i32 to index
        %get3A_1397 = arith.constant 96 : index
        %get3A_1398 = tpu.vector_load %arg14[%get3A_1396, %get3A_1397] {strides = array<i32>} : memref<80x128xf32, #tpu.memory_space<vmem>>, vector<1x16xf32>,
        %get3A_1399 = vector.shape_cast %get3A_1398 : vector<1x16xf32> to vector<16xf32>
        %mul3A_1400 = arith.mulf %get3A_1399, %broadcast_in_dim3A_1309 : vector<16xf32>
        %add3A_1401 = arith.constant 10 : i32
        %add3A_1402 = arith.addi %mul3A_159, %add3A_1401 : i32
        %swap3A_1403 = arith.index_cast %add3A_1402 : i32 to index
        %swap3A_1404 = arith.constant 96 : index
        %swap3A_1405 = tpu.vector_load %arg14[%swap3A_1403, %swap3A_1404] {strides = array<i32>} : memref<80x128xf32, #tpu.memory_space<vmem>>, vector<1x16xf32>,
        %swap3A_1406 = vector.shape_cast %swap3A_1405 : vector<1x16xf32> to vector<16xf32>
        %swap3A_1407 = vector.shape_cast %mul3A_1400 : vector<16xf32> to vector<1x16xf32>
        tpu.vector_store %arg14[%swap3A_1403, %swap3A_1404], %swap3A_1407 {strides = array<i32>} : memref<80x128xf32, #tpu.memory_space<vmem>>, vector<1x16xf32>,
        %add3A_1408 = arith.constant 10 : i32
        %add3A_1409 = arith.addi %mul3A_159, %add3A_1408 : i32
        %get3A_1410 = arith.index_cast %add3A_1409 : i32 to index
        %get3A_1411 = arith.constant 112 : index
        %get3A_1412 = tpu.vector_load %arg14[%get3A_1410, %get3A_1411] {strides = array<i32>} : memref<80x128xf32, #tpu.memory_space<vmem>>, vector<1x16xf32>,
        %get3A_1413 = vector.shape_cast %get3A_1412 : vector<1x16xf32> to vector<16xf32>
        %mul3A_1414 = arith.mulf %get3A_1413, %broadcast_in_dim3A_1309 : vector<16xf32>
        %add3A_1415 = arith.constant 10 : i32
        %add3A_1416 = arith.addi %mul3A_159, %add3A_1415 : i32
        %swap3A_1417 = arith.index_cast %add3A_1416 : i32 to index
        %swap3A_1418 = arith.constant 112 : index
        %swap3A_1419 = tpu.vector_load %arg14[%swap3A_1417, %swap3A_1418] {strides = array<i32>} : memref<80x128xf32, #tpu.memory_space<vmem>>, vector<1x16xf32>,
        %swap3A_1420 = vector.shape_cast %swap3A_1419 : vector<1x16xf32> to vector<16xf32>
        %swap3A_1421 = vector.shape_cast %mul3A_1414 : vector<16xf32> to vector<1x16xf32>
        tpu.vector_store %arg14[%swap3A_1417, %swap3A_1418], %swap3A_1421 {strides = array<i32>} : memref<80x128xf32, #tpu.memory_space<vmem>>, vector<1x16xf32>,
        %slice3A_1422 = vector.extract_strided_slice %get3A_157 {offsets = [11], sizes = [1], strides = [1]} : vector<16xf32> to vector<1xf32>
        %squeeze3A_1423 = vector.extract %slice3A_1422[0] : f32 from vector<1xf32>
        %broadcast_in_dim3A_1424 = vector.broadcast %squeeze3A_1423 : f32 to vector<16xf32>
        %add3A_1425 = arith.constant 11 : i32
        %add3A_1426 = arith.addi %mul3A_159, %add3A_1425 : i32
        %get3A_1427 = arith.index_cast %add3A_1426 : i32 to index
        %get3A_1428 = arith.constant 0 : index
        %get3A_1429 = tpu.vector_load %arg14[%get3A_1427, %get3A_1428] {strides = array<i32>} : memref<80x128xf32, #tpu.memory_space<vmem>>, vector<1x16xf32>,
        %get3A_1430 = vector.shape_cast %get3A_1429 : vector<1x16xf32> to vector<16xf32>
        %mul3A_1431 = arith.mulf %get3A_1430, %broadcast_in_dim3A_1424 : vector<16xf32>
        %add3A_1432 = arith.constant 11 : i32
        %add3A_1433 = arith.addi %mul3A_159, %add3A_1432 : i32
        %swap3A_1434 = arith.index_cast %add3A_1433 : i32 to index
        %swap3A_1435 = arith.constant 0 : index
        %swap3A_1436 = tpu.vector_load %arg14[%swap3A_1434, %swap3A_1435] {strides = array<i32>} : memref<80x128xf32, #tpu.memory_space<vmem>>, vector<1x16xf32>,
        %swap3A_1437 = vector.shape_cast %swap3A_1436 : vector<1x16xf32> to vector<16xf32>
        %swap3A_1438 = vector.shape_cast %mul3A_1431 : vector<16xf32> to vector<1x16xf32>
        tpu.vector_store %arg14[%swap3A_1434, %swap3A_1435], %swap3A_1438 {strides = array<i32>} : memref<80x128xf32, #tpu.memory_space<vmem>>, vector<1x16xf32>,
        %add3A_1439 = arith.constant 11 : i32
        %add3A_1440 = arith.addi %mul3A_159, %add3A_1439 : i32
        %get3A_1441 = arith.index_cast %add3A_1440 : i32 to index
        %get3A_1442 = arith.constant 16 : index
        %get3A_1443 = tpu.vector_load %arg14[%get3A_1441, %get3A_1442] {strides = array<i32>} : memref<80x128xf32, #tpu.memory_space<vmem>>, vector<1x16xf32>,
        %get3A_1444 = vector.shape_cast %get3A_1443 : vector<1x16xf32> to vector<16xf32>
        %mul3A_1445 = arith.mulf %get3A_1444, %broadcast_in_dim3A_1424 : vector<16xf32>
        %add3A_1446 = arith.constant 11 : i32
        %add3A_1447 = arith.addi %mul3A_159, %add3A_1446 : i32
        %swap3A_1448 = arith.index_cast %add3A_1447 : i32 to index
        %swap3A_1449 = arith.constant 16 : index
        %swap3A_1450 = tpu.vector_load %arg14[%swap3A_1448, %swap3A_1449] {strides = array<i32>} : memref<80x128xf32, #tpu.memory_space<vmem>>, vector<1x16xf32>,
        %swap3A_1451 = vector.shape_cast %swap3A_1450 : vector<1x16xf32> to vector<16xf32>
        %swap3A_1452 = vector.shape_cast %mul3A_1445 : vector<16xf32> to vector<1x16xf32>
        tpu.vector_store %arg14[%swap3A_1448, %swap3A_1449], %swap3A_1452 {strides = array<i32>} : memref<80x128xf32, #tpu.memory_space<vmem>>, vector<1x16xf32>,
        %add3A_1453 = arith.constant 11 : i32
        %add3A_1454 = arith.addi %mul3A_159, %add3A_1453 : i32
        %get3A_1455 = arith.index_cast %add3A_1454 : i32 to index
        %get3A_1456 = arith.constant 32 : index
        %get3A_1457 = tpu.vector_load %arg14[%get3A_1455, %get3A_1456] {strides = array<i32>} : memref<80x128xf32, #tpu.memory_space<vmem>>, vector<1x16xf32>,
        %get3A_1458 = vector.shape_cast %get3A_1457 : vector<1x16xf32> to vector<16xf32>
        %mul3A_1459 = arith.mulf %get3A_1458, %broadcast_in_dim3A_1424 : vector<16xf32>
        %add3A_1460 = arith.constant 11 : i32
        %add3A_1461 = arith.addi %mul3A_159, %add3A_1460 : i32
        %swap3A_1462 = arith.index_cast %add3A_1461 : i32 to index
        %swap3A_1463 = arith.constant 32 : index
        %swap3A_1464 = tpu.vector_load %arg14[%swap3A_1462, %swap3A_1463] {strides = array<i32>} : memref<80x128xf32, #tpu.memory_space<vmem>>, vector<1x16xf32>,
        %swap3A_1465 = vector.shape_cast %swap3A_1464 : vector<1x16xf32> to vector<16xf32>
        %swap3A_1466 = vector.shape_cast %mul3A_1459 : vector<16xf32> to vector<1x16xf32>
        tpu.vector_store %arg14[%swap3A_1462, %swap3A_1463], %swap3A_1466 {strides = array<i32>} : memref<80x128xf32, #tpu.memory_space<vmem>>, vector<1x16xf32>,
        %add3A_1467 = arith.constant 11 : i32
        %add3A_1468 = arith.addi %mul3A_159, %add3A_1467 : i32
        %get3A_1469 = arith.index_cast %add3A_1468 : i32 to index
        %get3A_1470 = arith.constant 48 : index
        %get3A_1471 = tpu.vector_load %arg14[%get3A_1469, %get3A_1470] {strides = array<i32>} : memref<80x128xf32, #tpu.memory_space<vmem>>, vector<1x16xf32>,
        %get3A_1472 = vector.shape_cast %get3A_1471 : vector<1x16xf32> to vector<16xf32>
        %mul3A_1473 = arith.mulf %get3A_1472, %broadcast_in_dim3A_1424 : vector<16xf32>
        %add3A_1474 = arith.constant 11 : i32
        %add3A_1475 = arith.addi %mul3A_159, %add3A_1474 : i32
        %swap3A_1476 = arith.index_cast %add3A_1475 : i32 to index
        %swap3A_1477 = arith.constant 48 : index
        %swap3A_1478 = tpu.vector_load %arg14[%swap3A_1476, %swap3A_1477] {strides = array<i32>} : memref<80x128xf32, #tpu.memory_space<vmem>>, vector<1x16xf32>,
        %swap3A_1479 = vector.shape_cast %swap3A_1478 : vector<1x16xf32> to vector<16xf32>
        %swap3A_1480 = vector.shape_cast %mul3A_1473 : vector<16xf32> to vector<1x16xf32>
        tpu.vector_store %arg14[%swap3A_1476, %swap3A_1477], %swap3A_1480 {strides = array<i32>} : memref<80x128xf32, #tpu.memory_space<vmem>>, vector<1x16xf32>,
        %add3A_1481 = arith.constant 11 : i32
        %add3A_1482 = arith.addi %mul3A_159, %add3A_1481 : i32
        %get3A_1483 = arith.index_cast %add3A_1482 : i32 to index
        %get3A_1484 = arith.constant 64 : index
        %get3A_1485 = tpu.vector_load %arg14[%get3A_1483, %get3A_1484] {strides = array<i32>} : memref<80x128xf32, #tpu.memory_space<vmem>>, vector<1x16xf32>,
        %get3A_1486 = vector.shape_cast %get3A_1485 : vector<1x16xf32> to vector<16xf32>
        %mul3A_1487 = arith.mulf %get3A_1486, %broadcast_in_dim3A_1424 : vector<16xf32>
        %add3A_1488 = arith.constant 11 : i32
        %add3A_1489 = arith.addi %mul3A_159, %add3A_1488 : i32
        %swap3A_1490 = arith.index_cast %add3A_1489 : i32 to index
        %swap3A_1491 = arith.constant 64 : index
        %swap3A_1492 = tpu.vector_load %arg14[%swap3A_1490, %swap3A_1491] {strides = array<i32>} : memref<80x128xf32, #tpu.memory_space<vmem>>, vector<1x16xf32>,
        %swap3A_1493 = vector.shape_cast %swap3A_1492 : vector<1x16xf32> to vector<16xf32>
        %swap3A_1494 = vector.shape_cast %mul3A_1487 : vector<16xf32> to vector<1x16xf32>
        tpu.vector_store %arg14[%swap3A_1490, %swap3A_1491], %swap3A_1494 {strides = array<i32>} : memref<80x128xf32, #tpu.memory_space<vmem>>, vector<1x16xf32>,
        %add3A_1495 = arith.constant 11 : i32
        %add3A_1496 = arith.addi %mul3A_159, %add3A_1495 : i32
        %get3A_1497 = arith.index_cast %add3A_1496 : i32 to index
        %get3A_1498 = arith.constant 80 : index
        %get3A_1499 = tpu.vector_load %arg14[%get3A_1497, %get3A_1498] {strides = array<i32>} : memref<80x128xf32, #tpu.memory_space<vmem>>, vector<1x16xf32>,
        %get3A_1500 = vector.shape_cast %get3A_1499 : vector<1x16xf32> to vector<16xf32>
        %mul3A_1501 = arith.mulf %get3A_1500, %broadcast_in_dim3A_1424 : vector<16xf32>
        %add3A_1502 = arith.constant 11 : i32
        %add3A_1503 = arith.addi %mul3A_159, %add3A_1502 : i32
        %swap3A_1504 = arith.index_cast %add3A_1503 : i32 to index
        %swap3A_1505 = arith.constant 80 : index
        %swap3A_1506 = tpu.vector_load %arg14[%swap3A_1504, %swap3A_1505] {strides = array<i32>} : memref<80x128xf32, #tpu.memory_space<vmem>>, vector<1x16xf32>,
        %swap3A_1507 = vector.shape_cast %swap3A_1506 : vector<1x16xf32> to vector<16xf32>
        %swap3A_1508 = vector.shape_cast %mul3A_1501 : vector<16xf32> to vector<1x16xf32>
        tpu.vector_store %arg14[%swap3A_1504, %swap3A_1505], %swap3A_1508 {strides = array<i32>} : memref<80x128xf32, #tpu.memory_space<vmem>>, vector<1x16xf32>,
        %add3A_1509 = arith.constant 11 : i32
        %add3A_1510 = arith.addi %mul3A_159, %add3A_1509 : i32
        %get3A_1511 = arith.index_cast %add3A_1510 : i32 to index
        %get3A_1512 = arith.constant 96 : index
        %get3A_1513 = tpu.vector_load %arg14[%get3A_1511, %get3A_1512] {strides = array<i32>} : memref<80x128xf32, #tpu.memory_space<vmem>>, vector<1x16xf32>,
        %get3A_1514 = vector.shape_cast %get3A_1513 : vector<1x16xf32> to vector<16xf32>
        %mul3A_1515 = arith.mulf %get3A_1514, %broadcast_in_dim3A_1424 : vector<16xf32>
        %add3A_1516 = arith.constant 11 : i32
        %add3A_1517 = arith.addi %mul3A_159, %add3A_1516 : i32
        %swap3A_1518 = arith.index_cast %add3A_1517 : i32 to index
        %swap3A_1519 = arith.constant 96 : index
        %swap3A_1520 = tpu.vector_load %arg14[%swap3A_1518, %swap3A_1519] {strides = array<i32>} : memref<80x128xf32, #tpu.memory_space<vmem>>, vector<1x16xf32>,
        %swap3A_1521 = vector.shape_cast %swap3A_1520 : vector<1x16xf32> to vector<16xf32>
        %swap3A_1522 = vector.shape_cast %mul3A_1515 : vector<16xf32> to vector<1x16xf32>
        tpu.vector_store %arg14[%swap3A_1518, %swap3A_1519], %swap3A_1522 {strides = array<i32>} : memref<80x128xf32, #tpu.memory_space<vmem>>, vector<1x16xf32>,
        %add3A_1523 = arith.constant 11 : i32
        %add3A_1524 = arith.addi %mul3A_159, %add3A_1523 : i32
        %get3A_1525 = arith.index_cast %add3A_1524 : i32 to index
        %get3A_1526 = arith.constant 112 : index
        %get3A_1527 = tpu.vector_load %arg14[%get3A_1525, %get3A_1526] {strides = array<i32>} : memref<80x128xf32, #tpu.memory_space<vmem>>, vector<1x16xf32>,
        %get3A_1528 = vector.shape_cast %get3A_1527 : vector<1x16xf32> to vector<16xf32>
        %mul3A_1529 = arith.mulf %get3A_1528, %broadcast_in_dim3A_1424 : vector<16xf32>
        %add3A_1530 = arith.constant 11 : i32
        %add3A_1531 = arith.addi %mul3A_159, %add3A_1530 : i32
        %swap3A_1532 = arith.index_cast %add3A_1531 : i32 to index
        %swap3A_1533 = arith.constant 112 : index
        %swap3A_1534 = tpu.vector_load %arg14[%swap3A_1532, %swap3A_1533] {strides = array<i32>} : memref<80x128xf32, #tpu.memory_space<vmem>>, vector<1x16xf32>,
        %swap3A_1535 = vector.shape_cast %swap3A_1534 : vector<1x16xf32> to vector<16xf32>
        %swap3A_1536 = vector.shape_cast %mul3A_1529 : vector<16xf32> to vector<1x16xf32>
        tpu.vector_store %arg14[%swap3A_1532, %swap3A_1533], %swap3A_1536 {strides = array<i32>} : memref<80x128xf32, #tpu.memory_space<vmem>>, vector<1x16xf32>,
        %slice3A_1537 = vector.extract_strided_slice %get3A_157 {offsets = [12], sizes = [1], strides = [1]} : vector<16xf32> to vector<1xf32>
        %squeeze3A_1538 = vector.extract %slice3A_1537[0] : f32 from vector<1xf32>
        %broadcast_in_dim3A_1539 = vector.broadcast %squeeze3A_1538 : f32 to vector<16xf32>
        %add3A_1540 = arith.constant 12 : i32
        %add3A_1541 = arith.addi %mul3A_159, %add3A_1540 : i32
        %get3A_1542 = arith.index_cast %add3A_1541 : i32 to index
        %get3A_1543 = arith.constant 0 : index
        %get3A_1544 = tpu.vector_load %arg14[%get3A_1542, %get3A_1543] {strides = array<i32>} : memref<80x128xf32, #tpu.memory_space<vmem>>, vector<1x16xf32>,
        %get3A_1545 = vector.shape_cast %get3A_1544 : vector<1x16xf32> to vector<16xf32>
        %mul3A_1546 = arith.mulf %get3A_1545, %broadcast_in_dim3A_1539 : vector<16xf32>
        %add3A_1547 = arith.constant 12 : i32
        %add3A_1548 = arith.addi %mul3A_159, %add3A_1547 : i32
        %swap3A_1549 = arith.index_cast %add3A_1548 : i32 to index
        %swap3A_1550 = arith.constant 0 : index
        %swap3A_1551 = tpu.vector_load %arg14[%swap3A_1549, %swap3A_1550] {strides = array<i32>} : memref<80x128xf32, #tpu.memory_space<vmem>>, vector<1x16xf32>,
        %swap3A_1552 = vector.shape_cast %swap3A_1551 : vector<1x16xf32> to vector<16xf32>
        %swap3A_1553 = vector.shape_cast %mul3A_1546 : vector<16xf32> to vector<1x16xf32>
        tpu.vector_store %arg14[%swap3A_1549, %swap3A_1550], %swap3A_1553 {strides = array<i32>} : memref<80x128xf32, #tpu.memory_space<vmem>>, vector<1x16xf32>,
        %add3A_1554 = arith.constant 12 : i32
        %add3A_1555 = arith.addi %mul3A_159, %add3A_1554 : i32
        %get3A_1556 = arith.index_cast %add3A_1555 : i32 to index
        %get3A_1557 = arith.constant 16 : index
        %get3A_1558 = tpu.vector_load %arg14[%get3A_1556, %get3A_1557] {strides = array<i32>} : memref<80x128xf32, #tpu.memory_space<vmem>>, vector<1x16xf32>,
        %get3A_1559 = vector.shape_cast %get3A_1558 : vector<1x16xf32> to vector<16xf32>
        %mul3A_1560 = arith.mulf %get3A_1559, %broadcast_in_dim3A_1539 : vector<16xf32>
        %add3A_1561 = arith.constant 12 : i32
        %add3A_1562 = arith.addi %mul3A_159, %add3A_1561 : i32
        %swap3A_1563 = arith.index_cast %add3A_1562 : i32 to index
        %swap3A_1564 = arith.constant 16 : index
        %swap3A_1565 = tpu.vector_load %arg14[%swap3A_1563, %swap3A_1564] {strides = array<i32>} : memref<80x128xf32, #tpu.memory_space<vmem>>, vector<1x16xf32>,
        %swap3A_1566 = vector.shape_cast %swap3A_1565 : vector<1x16xf32> to vector<16xf32>
        %swap3A_1567 = vector.shape_cast %mul3A_1560 : vector<16xf32> to vector<1x16xf32>
        tpu.vector_store %arg14[%swap3A_1563, %swap3A_1564], %swap3A_1567 {strides = array<i32>} : memref<80x128xf32, #tpu.memory_space<vmem>>, vector<1x16xf32>,
        %add3A_1568 = arith.constant 12 : i32
        %add3A_1569 = arith.addi %mul3A_159, %add3A_1568 : i32
        %get3A_1570 = arith.index_cast %add3A_1569 : i32 to index
        %get3A_1571 = arith.constant 32 : index
        %get3A_1572 = tpu.vector_load %arg14[%get3A_1570, %get3A_1571] {strides = array<i32>} : memref<80x128xf32, #tpu.memory_space<vmem>>, vector<1x16xf32>,
        %get3A_1573 = vector.shape_cast %get3A_1572 : vector<1x16xf32> to vector<16xf32>
        %mul3A_1574 = arith.mulf %get3A_1573, %broadcast_in_dim3A_1539 : vector<16xf32>
        %add3A_1575 = arith.constant 12 : i32
        %add3A_1576 = arith.addi %mul3A_159, %add3A_1575 : i32
        %swap3A_1577 = arith.index_cast %add3A_1576 : i32 to index
        %swap3A_1578 = arith.constant 32 : index
        %swap3A_1579 = tpu.vector_load %arg14[%swap3A_1577, %swap3A_1578] {strides = array<i32>} : memref<80x128xf32, #tpu.memory_space<vmem>>, vector<1x16xf32>,
        %swap3A_1580 = vector.shape_cast %swap3A_1579 : vector<1x16xf32> to vector<16xf32>
        %swap3A_1581 = vector.shape_cast %mul3A_1574 : vector<16xf32> to vector<1x16xf32>
        tpu.vector_store %arg14[%swap3A_1577, %swap3A_1578], %swap3A_1581 {strides = array<i32>} : memref<80x128xf32, #tpu.memory_space<vmem>>, vector<1x16xf32>,
        %add3A_1582 = arith.constant 12 : i32
        %add3A_1583 = arith.addi %mul3A_159, %add3A_1582 : i32
        %get3A_1584 = arith.index_cast %add3A_1583 : i32 to index
        %get3A_1585 = arith.constant 48 : index
        %get3A_1586 = tpu.vector_load %arg14[%get3A_1584, %get3A_1585] {strides = array<i32>} : memref<80x128xf32, #tpu.memory_space<vmem>>, vector<1x16xf32>,
        %get3A_1587 = vector.shape_cast %get3A_1586 : vector<1x16xf32> to vector<16xf32>
        %mul3A_1588 = arith.mulf %get3A_1587, %broadcast_in_dim3A_1539 : vector<16xf32>
        %add3A_1589 = arith.constant 12 : i32
        %add3A_1590 = arith.addi %mul3A_159, %add3A_1589 : i32
        %swap3A_1591 = arith.index_cast %add3A_1590 : i32 to index
        %swap3A_1592 = arith.constant 48 : index
        %swap3A_1593 = tpu.vector_load %arg14[%swap3A_1591, %swap3A_1592] {strides = array<i32>} : memref<80x128xf32, #tpu.memory_space<vmem>>, vector<1x16xf32>,
        %swap3A_1594 = vector.shape_cast %swap3A_1593 : vector<1x16xf32> to vector<16xf32>
        %swap3A_1595 = vector.shape_cast %mul3A_1588 : vector<16xf32> to vector<1x16xf32>
        tpu.vector_store %arg14[%swap3A_1591, %swap3A_1592], %swap3A_1595 {strides = array<i32>} : memref<80x128xf32, #tpu.memory_space<vmem>>, vector<1x16xf32>,
        %add3A_1596 = arith.constant 12 : i32
        %add3A_1597 = arith.addi %mul3A_159, %add3A_1596 : i32
        %get3A_1598 = arith.index_cast %add3A_1597 : i32 to index
        %get3A_1599 = arith.constant 64 : index
        %get3A_1600 = tpu.vector_load %arg14[%get3A_1598, %get3A_1599] {strides = array<i32>} : memref<80x128xf32, #tpu.memory_space<vmem>>, vector<1x16xf32>,
        %get3A_1601 = vector.shape_cast %get3A_1600 : vector<1x16xf32> to vector<16xf32>
        %mul3A_1602 = arith.mulf %get3A_1601, %broadcast_in_dim3A_1539 : vector<16xf32>
        %add3A_1603 = arith.constant 12 : i32
        %add3A_1604 = arith.addi %mul3A_159, %add3A_1603 : i32
        %swap3A_1605 = arith.index_cast %add3A_1604 : i32 to index
        %swap3A_1606 = arith.constant 64 : index
        %swap3A_1607 = tpu.vector_load %arg14[%swap3A_1605, %swap3A_1606] {strides = array<i32>} : memref<80x128xf32, #tpu.memory_space<vmem>>, vector<1x16xf32>,
        %swap3A_1608 = vector.shape_cast %swap3A_1607 : vector<1x16xf32> to vector<16xf32>
        %swap3A_1609 = vector.shape_cast %mul3A_1602 : vector<16xf32> to vector<1x16xf32>
        tpu.vector_store %arg14[%swap3A_1605, %swap3A_1606], %swap3A_1609 {strides = array<i32>} : memref<80x128xf32, #tpu.memory_space<vmem>>, vector<1x16xf32>,
        %add3A_1610 = arith.constant 12 : i32
        %add3A_1611 = arith.addi %mul3A_159, %add3A_1610 : i32
        %get3A_1612 = arith.index_cast %add3A_1611 : i32 to index
        %get3A_1613 = arith.constant 80 : index
        %get3A_1614 = tpu.vector_load %arg14[%get3A_1612, %get3A_1613] {strides = array<i32>} : memref<80x128xf32, #tpu.memory_space<vmem>>, vector<1x16xf32>,
        %get3A_1615 = vector.shape_cast %get3A_1614 : vector<1x16xf32> to vector<16xf32>
        %mul3A_1616 = arith.mulf %get3A_1615, %broadcast_in_dim3A_1539 : vector<16xf32>
        %add3A_1617 = arith.constant 12 : i32
        %add3A_1618 = arith.addi %mul3A_159, %add3A_1617 : i32
        %swap3A_1619 = arith.index_cast %add3A_1618 : i32 to index
        %swap3A_1620 = arith.constant 80 : index
        %swap3A_1621 = tpu.vector_load %arg14[%swap3A_1619, %swap3A_1620] {strides = array<i32>} : memref<80x128xf32, #tpu.memory_space<vmem>>, vector<1x16xf32>,
        %swap3A_1622 = vector.shape_cast %swap3A_1621 : vector<1x16xf32> to vector<16xf32>
        %swap3A_1623 = vector.shape_cast %mul3A_1616 : vector<16xf32> to vector<1x16xf32>
        tpu.vector_store %arg14[%swap3A_1619, %swap3A_1620], %swap3A_1623 {strides = array<i32>} : memref<80x128xf32, #tpu.memory_space<vmem>>, vector<1x16xf32>,
        %add3A_1624 = arith.constant 12 : i32
        %add3A_1625 = arith.addi %mul3A_159, %add3A_1624 : i32
        %get3A_1626 = arith.index_cast %add3A_1625 : i32 to index
        %get3A_1627 = arith.constant 96 : index
        %get3A_1628 = tpu.vector_load %arg14[%get3A_1626, %get3A_1627] {strides = array<i32>} : memref<80x128xf32, #tpu.memory_space<vmem>>, vector<1x16xf32>,
        %get3A_1629 = vector.shape_cast %get3A_1628 : vector<1x16xf32> to vector<16xf32>
        %mul3A_1630 = arith.mulf %get3A_1629, %broadcast_in_dim3A_1539 : vector<16xf32>
        %add3A_1631 = arith.constant 12 : i32
        %add3A_1632 = arith.addi %mul3A_159, %add3A_1631 : i32
        %swap3A_1633 = arith.index_cast %add3A_1632 : i32 to index
        %swap3A_1634 = arith.constant 96 : index
        %swap3A_1635 = tpu.vector_load %arg14[%swap3A_1633, %swap3A_1634] {strides = array<i32>} : memref<80x128xf32, #tpu.memory_space<vmem>>, vector<1x16xf32>,
        %swap3A_1636 = vector.shape_cast %swap3A_1635 : vector<1x16xf32> to vector<16xf32>
        %swap3A_1637 = vector.shape_cast %mul3A_1630 : vector<16xf32> to vector<1x16xf32>
        tpu.vector_store %arg14[%swap3A_1633, %swap3A_1634], %swap3A_1637 {strides = array<i32>} : memref<80x128xf32, #tpu.memory_space<vmem>>, vector<1x16xf32>,
        %add3A_1638 = arith.constant 12 : i32
        %add3A_1639 = arith.addi %mul3A_159, %add3A_1638 : i32
        %get3A_1640 = arith.index_cast %add3A_1639 : i32 to index
        %get3A_1641 = arith.constant 112 : index
        %get3A_1642 = tpu.vector_load %arg14[%get3A_1640, %get3A_1641] {strides = array<i32>} : memref<80x128xf32, #tpu.memory_space<vmem>>, vector<1x16xf32>,
        %get3A_1643 = vector.shape_cast %get3A_1642 : vector<1x16xf32> to vector<16xf32>
        %mul3A_1644 = arith.mulf %get3A_1643, %broadcast_in_dim3A_1539 : vector<16xf32>
        %add3A_1645 = arith.constant 12 : i32
        %add3A_1646 = arith.addi %mul3A_159, %add3A_1645 : i32
        %swap3A_1647 = arith.index_cast %add3A_1646 : i32 to index
        %swap3A_1648 = arith.constant 112 : index
        %swap3A_1649 = tpu.vector_load %arg14[%swap3A_1647, %swap3A_1648] {strides = array<i32>} : memref<80x128xf32, #tpu.memory_space<vmem>>, vector<1x16xf32>,
        %swap3A_1650 = vector.shape_cast %swap3A_1649 : vector<1x16xf32> to vector<16xf32>
        %swap3A_1651 = vector.shape_cast %mul3A_1644 : vector<16xf32> to vector<1x16xf32>
        tpu.vector_store %arg14[%swap3A_1647, %swap3A_1648], %swap3A_1651 {strides = array<i32>} : memref<80x128xf32, #tpu.memory_space<vmem>>, vector<1x16xf32>,
        %slice3A_1652 = vector.extract_strided_slice %get3A_157 {offsets = [13], sizes = [1], strides = [1]} : vector<16xf32> to vector<1xf32>
        %squeeze3A_1653 = vector.extract %slice3A_1652[0] : f32 from vector<1xf32>
        %broadcast_in_dim3A_1654 = vector.broadcast %squeeze3A_1653 : f32 to vector<16xf32>
        %add3A_1655 = arith.constant 13 : i32
        %add3A_1656 = arith.addi %mul3A_159, %add3A_1655 : i32
        %get3A_1657 = arith.index_cast %add3A_1656 : i32 to index
        %get3A_1658 = arith.constant 0 : index
        %get3A_1659 = tpu.vector_load %arg14[%get3A_1657, %get3A_1658] {strides = array<i32>} : memref<80x128xf32, #tpu.memory_space<vmem>>, vector<1x16xf32>,
        %get3A_1660 = vector.shape_cast %get3A_1659 : vector<1x16xf32> to vector<16xf32>
        %mul3A_1661 = arith.mulf %get3A_1660, %broadcast_in_dim3A_1654 : vector<16xf32>
        %add3A_1662 = arith.constant 13 : i32
        %add3A_1663 = arith.addi %mul3A_159, %add3A_1662 : i32
        %swap3A_1664 = arith.index_cast %add3A_1663 : i32 to index
        %swap3A_1665 = arith.constant 0 : index
        %swap3A_1666 = tpu.vector_load %arg14[%swap3A_1664, %swap3A_1665] {strides = array<i32>} : memref<80x128xf32, #tpu.memory_space<vmem>>, vector<1x16xf32>,
        %swap3A_1667 = vector.shape_cast %swap3A_1666 : vector<1x16xf32> to vector<16xf32>
        %swap3A_1668 = vector.shape_cast %mul3A_1661 : vector<16xf32> to vector<1x16xf32>
        tpu.vector_store %arg14[%swap3A_1664, %swap3A_1665], %swap3A_1668 {strides = array<i32>} : memref<80x128xf32, #tpu.memory_space<vmem>>, vector<1x16xf32>,
        %add3A_1669 = arith.constant 13 : i32
        %add3A_1670 = arith.addi %mul3A_159, %add3A_1669 : i32
        %get3A_1671 = arith.index_cast %add3A_1670 : i32 to index
        %get3A_1672 = arith.constant 16 : index
        %get3A_1673 = tpu.vector_load %arg14[%get3A_1671, %get3A_1672] {strides = array<i32>} : memref<80x128xf32, #tpu.memory_space<vmem>>, vector<1x16xf32>,
        %get3A_1674 = vector.shape_cast %get3A_1673 : vector<1x16xf32> to vector<16xf32>
        %mul3A_1675 = arith.mulf %get3A_1674, %broadcast_in_dim3A_1654 : vector<16xf32>
        %add3A_1676 = arith.constant 13 : i32
        %add3A_1677 = arith.addi %mul3A_159, %add3A_1676 : i32
        %swap3A_1678 = arith.index_cast %add3A_1677 : i32 to index
        %swap3A_1679 = arith.constant 16 : index
        %swap3A_1680 = tpu.vector_load %arg14[%swap3A_1678, %swap3A_1679] {strides = array<i32>} : memref<80x128xf32, #tpu.memory_space<vmem>>, vector<1x16xf32>,
        %swap3A_1681 = vector.shape_cast %swap3A_1680 : vector<1x16xf32> to vector<16xf32>
        %swap3A_1682 = vector.shape_cast %mul3A_1675 : vector<16xf32> to vector<1x16xf32>
        tpu.vector_store %arg14[%swap3A_1678, %swap3A_1679], %swap3A_1682 {strides = array<i32>} : memref<80x128xf32, #tpu.memory_space<vmem>>, vector<1x16xf32>,
        %add3A_1683 = arith.constant 13 : i32
        %add3A_1684 = arith.addi %mul3A_159, %add3A_1683 : i32
        %get3A_1685 = arith.index_cast %add3A_1684 : i32 to index
        %get3A_1686 = arith.constant 32 : index
        %get3A_1687 = tpu.vector_load %arg14[%get3A_1685, %get3A_1686] {strides = array<i32>} : memref<80x128xf32, #tpu.memory_space<vmem>>, vector<1x16xf32>,
        %get3A_1688 = vector.shape_cast %get3A_1687 : vector<1x16xf32> to vector<16xf32>
        %mul3A_1689 = arith.mulf %get3A_1688, %broadcast_in_dim3A_1654 : vector<16xf32>
        %add3A_1690 = arith.constant 13 : i32
        %add3A_1691 = arith.addi %mul3A_159, %add3A_1690 : i32
        %swap3A_1692 = arith.index_cast %add3A_1691 : i32 to index
        %swap3A_1693 = arith.constant 32 : index
        %swap3A_1694 = tpu.vector_load %arg14[%swap3A_1692, %swap3A_1693] {strides = array<i32>} : memref<80x128xf32, #tpu.memory_space<vmem>>, vector<1x16xf32>,
        %swap3A_1695 = vector.shape_cast %swap3A_1694 : vector<1x16xf32> to vector<16xf32>
        %swap3A_1696 = vector.shape_cast %mul3A_1689 : vector<16xf32> to vector<1x16xf32>
        tpu.vector_store %arg14[%swap3A_1692, %swap3A_1693], %swap3A_1696 {strides = array<i32>} : memref<80x128xf32, #tpu.memory_space<vmem>>, vector<1x16xf32>,
        %add3A_1697 = arith.constant 13 : i32
        %add3A_1698 = arith.addi %mul3A_159, %add3A_1697 : i32
        %get3A_1699 = arith.index_cast %add3A_1698 : i32 to index
        %get3A_1700 = arith.constant 48 : index
        %get3A_1701 = tpu.vector_load %arg14[%get3A_1699, %get3A_1700] {strides = array<i32>} : memref<80x128xf32, #tpu.memory_space<vmem>>, vector<1x16xf32>,
        %get3A_1702 = vector.shape_cast %get3A_1701 : vector<1x16xf32> to vector<16xf32>
        %mul3A_1703 = arith.mulf %get3A_1702, %broadcast_in_dim3A_1654 : vector<16xf32>
        %add3A_1704 = arith.constant 13 : i32
        %add3A_1705 = arith.addi %mul3A_159, %add3A_1704 : i32
        %swap3A_1706 = arith.index_cast %add3A_1705 : i32 to index
        %swap3A_1707 = arith.constant 48 : index
        %swap3A_1708 = tpu.vector_load %arg14[%swap3A_1706, %swap3A_1707] {strides = array<i32>} : memref<80x128xf32, #tpu.memory_space<vmem>>, vector<1x16xf32>,
        %swap3A_1709 = vector.shape_cast %swap3A_1708 : vector<1x16xf32> to vector<16xf32>
        %swap3A_1710 = vector.shape_cast %mul3A_1703 : vector<16xf32> to vector<1x16xf32>
        tpu.vector_store %arg14[%swap3A_1706, %swap3A_1707], %swap3A_1710 {strides = array<i32>} : memref<80x128xf32, #tpu.memory_space<vmem>>, vector<1x16xf32>,
        %add3A_1711 = arith.constant 13 : i32
        %add3A_1712 = arith.addi %mul3A_159, %add3A_1711 : i32
        %get3A_1713 = arith.index_cast %add3A_1712 : i32 to index
        %get3A_1714 = arith.constant 64 : index
        %get3A_1715 = tpu.vector_load %arg14[%get3A_1713, %get3A_1714] {strides = array<i32>} : memref<80x128xf32, #tpu.memory_space<vmem>>, vector<1x16xf32>,
        %get3A_1716 = vector.shape_cast %get3A_1715 : vector<1x16xf32> to vector<16xf32>
        %mul3A_1717 = arith.mulf %get3A_1716, %broadcast_in_dim3A_1654 : vector<16xf32>
        %add3A_1718 = arith.constant 13 : i32
        %add3A_1719 = arith.addi %mul3A_159, %add3A_1718 : i32
        %swap3A_1720 = arith.index_cast %add3A_1719 : i32 to index
        %swap3A_1721 = arith.constant 64 : index
        %swap3A_1722 = tpu.vector_load %arg14[%swap3A_1720, %swap3A_1721] {strides = array<i32>} : memref<80x128xf32, #tpu.memory_space<vmem>>, vector<1x16xf32>,
        %swap3A_1723 = vector.shape_cast %swap3A_1722 : vector<1x16xf32> to vector<16xf32>
        %swap3A_1724 = vector.shape_cast %mul3A_1717 : vector<16xf32> to vector<1x16xf32>
        tpu.vector_store %arg14[%swap3A_1720, %swap3A_1721], %swap3A_1724 {strides = array<i32>} : memref<80x128xf32, #tpu.memory_space<vmem>>, vector<1x16xf32>,
        %add3A_1725 = arith.constant 13 : i32
        %add3A_1726 = arith.addi %mul3A_159, %add3A_1725 : i32
        %get3A_1727 = arith.index_cast %add3A_1726 : i32 to index
        %get3A_1728 = arith.constant 80 : index
        %get3A_1729 = tpu.vector_load %arg14[%get3A_1727, %get3A_1728] {strides = array<i32>} : memref<80x128xf32, #tpu.memory_space<vmem>>, vector<1x16xf32>,
        %get3A_1730 = vector.shape_cast %get3A_1729 : vector<1x16xf32> to vector<16xf32>
        %mul3A_1731 = arith.mulf %get3A_1730, %broadcast_in_dim3A_1654 : vector<16xf32>
        %add3A_1732 = arith.constant 13 : i32
        %add3A_1733 = arith.addi %mul3A_159, %add3A_1732 : i32
        %swap3A_1734 = arith.index_cast %add3A_1733 : i32 to index
        %swap3A_1735 = arith.constant 80 : index
        %swap3A_1736 = tpu.vector_load %arg14[%swap3A_1734, %swap3A_1735] {strides = array<i32>} : memref<80x128xf32, #tpu.memory_space<vmem>>, vector<1x16xf32>,
        %swap3A_1737 = vector.shape_cast %swap3A_1736 : vector<1x16xf32> to vector<16xf32>
        %swap3A_1738 = vector.shape_cast %mul3A_1731 : vector<16xf32> to vector<1x16xf32>
        tpu.vector_store %arg14[%swap3A_1734, %swap3A_1735], %swap3A_1738 {strides = array<i32>} : memref<80x128xf32, #tpu.memory_space<vmem>>, vector<1x16xf32>,
        %add3A_1739 = arith.constant 13 : i32
        %add3A_1740 = arith.addi %mul3A_159, %add3A_1739 : i32
        %get3A_1741 = arith.index_cast %add3A_1740 : i32 to index
        %get3A_1742 = arith.constant 96 : index
        %get3A_1743 = tpu.vector_load %arg14[%get3A_1741, %get3A_1742] {strides = array<i32>} : memref<80x128xf32, #tpu.memory_space<vmem>>, vector<1x16xf32>,
        %get3A_1744 = vector.shape_cast %get3A_1743 : vector<1x16xf32> to vector<16xf32>
        %mul3A_1745 = arith.mulf %get3A_1744, %broadcast_in_dim3A_1654 : vector<16xf32>
        %add3A_1746 = arith.constant 13 : i32
        %add3A_1747 = arith.addi %mul3A_159, %add3A_1746 : i32
        %swap3A_1748 = arith.index_cast %add3A_1747 : i32 to index
        %swap3A_1749 = arith.constant 96 : index
        %swap3A_1750 = tpu.vector_load %arg14[%swap3A_1748, %swap3A_1749] {strides = array<i32>} : memref<80x128xf32, #tpu.memory_space<vmem>>, vector<1x16xf32>,
        %swap3A_1751 = vector.shape_cast %swap3A_1750 : vector<1x16xf32> to vector<16xf32>
        %swap3A_1752 = vector.shape_cast %mul3A_1745 : vector<16xf32> to vector<1x16xf32>
        tpu.vector_store %arg14[%swap3A_1748, %swap3A_1749], %swap3A_1752 {strides = array<i32>} : memref<80x128xf32, #tpu.memory_space<vmem>>, vector<1x16xf32>,
        %add3A_1753 = arith.constant 13 : i32
        %add3A_1754 = arith.addi %mul3A_159, %add3A_1753 : i32
        %get3A_1755 = arith.index_cast %add3A_1754 : i32 to index
        %get3A_1756 = arith.constant 112 : index
        %get3A_1757 = tpu.vector_load %arg14[%get3A_1755, %get3A_1756] {strides = array<i32>} : memref<80x128xf32, #tpu.memory_space<vmem>>, vector<1x16xf32>,
        %get3A_1758 = vector.shape_cast %get3A_1757 : vector<1x16xf32> to vector<16xf32>
        %mul3A_1759 = arith.mulf %get3A_1758, %broadcast_in_dim3A_1654 : vector<16xf32>
        %add3A_1760 = arith.constant 13 : i32
        %add3A_1761 = arith.addi %mul3A_159, %add3A_1760 : i32
        %swap3A_1762 = arith.index_cast %add3A_1761 : i32 to index
        %swap3A_1763 = arith.constant 112 : index
        %swap3A_1764 = tpu.vector_load %arg14[%swap3A_1762, %swap3A_1763] {strides = array<i32>} : memref<80x128xf32, #tpu.memory_space<vmem>>, vector<1x16xf32>,
        %swap3A_1765 = vector.shape_cast %swap3A_1764 : vector<1x16xf32> to vector<16xf32>
        %swap3A_1766 = vector.shape_cast %mul3A_1759 : vector<16xf32> to vector<1x16xf32>
        tpu.vector_store %arg14[%swap3A_1762, %swap3A_1763], %swap3A_1766 {strides = array<i32>} : memref<80x128xf32, #tpu.memory_space<vmem>>, vector<1x16xf32>,
        %slice3A_1767 = vector.extract_strided_slice %get3A_157 {offsets = [14], sizes = [1], strides = [1]} : vector<16xf32> to vector<1xf32>
        %squeeze3A_1768 = vector.extract %slice3A_1767[0] : f32 from vector<1xf32>
        %broadcast_in_dim3A_1769 = vector.broadcast %squeeze3A_1768 : f32 to vector<16xf32>
        %add3A_1770 = arith.constant 14 : i32
        %add3A_1771 = arith.addi %mul3A_159, %add3A_1770 : i32
        %get3A_1772 = arith.index_cast %add3A_1771 : i32 to index
        %get3A_1773 = arith.constant 0 : index
        %get3A_1774 = tpu.vector_load %arg14[%get3A_1772, %get3A_1773] {strides = array<i32>} : memref<80x128xf32, #tpu.memory_space<vmem>>, vector<1x16xf32>,
        %get3A_1775 = vector.shape_cast %get3A_1774 : vector<1x16xf32> to vector<16xf32>
        %mul3A_1776 = arith.mulf %get3A_1775, %broadcast_in_dim3A_1769 : vector<16xf32>
        %add3A_1777 = arith.constant 14 : i32
        %add3A_1778 = arith.addi %mul3A_159, %add3A_1777 : i32
        %swap3A_1779 = arith.index_cast %add3A_1778 : i32 to index
        %swap3A_1780 = arith.constant 0 : index
        %swap3A_1781 = tpu.vector_load %arg14[%swap3A_1779, %swap3A_1780] {strides = array<i32>} : memref<80x128xf32, #tpu.memory_space<vmem>>, vector<1x16xf32>,
        %swap3A_1782 = vector.shape_cast %swap3A_1781 : vector<1x16xf32> to vector<16xf32>
        %swap3A_1783 = vector.shape_cast %mul3A_1776 : vector<16xf32> to vector<1x16xf32>
        tpu.vector_store %arg14[%swap3A_1779, %swap3A_1780], %swap3A_1783 {strides = array<i32>} : memref<80x128xf32, #tpu.memory_space<vmem>>, vector<1x16xf32>,
        %add3A_1784 = arith.constant 14 : i32
        %add3A_1785 = arith.addi %mul3A_159, %add3A_1784 : i32
        %get3A_1786 = arith.index_cast %add3A_1785 : i32 to index
        %get3A_1787 = arith.constant 16 : index
        %get3A_1788 = tpu.vector_load %arg14[%get3A_1786, %get3A_1787] {strides = array<i32>} : memref<80x128xf32, #tpu.memory_space<vmem>>, vector<1x16xf32>,
        %get3A_1789 = vector.shape_cast %get3A_1788 : vector<1x16xf32> to vector<16xf32>
        %mul3A_1790 = arith.mulf %get3A_1789, %broadcast_in_dim3A_1769 : vector<16xf32>
        %add3A_1791 = arith.constant 14 : i32
        %add3A_1792 = arith.addi %mul3A_159, %add3A_1791 : i32
        %swap3A_1793 = arith.index_cast %add3A_1792 : i32 to index
        %swap3A_1794 = arith.constant 16 : index
        %swap3A_1795 = tpu.vector_load %arg14[%swap3A_1793, %swap3A_1794] {strides = array<i32>} : memref<80x128xf32, #tpu.memory_space<vmem>>, vector<1x16xf32>,
        %swap3A_1796 = vector.shape_cast %swap3A_1795 : vector<1x16xf32> to vector<16xf32>
        %swap3A_1797 = vector.shape_cast %mul3A_1790 : vector<16xf32> to vector<1x16xf32>
        tpu.vector_store %arg14[%swap3A_1793, %swap3A_1794], %swap3A_1797 {strides = array<i32>} : memref<80x128xf32, #tpu.memory_space<vmem>>, vector<1x16xf32>,
        %add3A_1798 = arith.constant 14 : i32
        %add3A_1799 = arith.addi %mul3A_159, %add3A_1798 : i32
        %get3A_1800 = arith.index_cast %add3A_1799 : i32 to index
        %get3A_1801 = arith.constant 32 : index
        %get3A_1802 = tpu.vector_load %arg14[%get3A_1800, %get3A_1801] {strides = array<i32>} : memref<80x128xf32, #tpu.memory_space<vmem>>, vector<1x16xf32>,
        %get3A_1803 = vector.shape_cast %get3A_1802 : vector<1x16xf32> to vector<16xf32>
        %mul3A_1804 = arith.mulf %get3A_1803, %broadcast_in_dim3A_1769 : vector<16xf32>
        %add3A_1805 = arith.constant 14 : i32
        %add3A_1806 = arith.addi %mul3A_159, %add3A_1805 : i32
        %swap3A_1807 = arith.index_cast %add3A_1806 : i32 to index
        %swap3A_1808 = arith.constant 32 : index
        %swap3A_1809 = tpu.vector_load %arg14[%swap3A_1807, %swap3A_1808] {strides = array<i32>} : memref<80x128xf32, #tpu.memory_space<vmem>>, vector<1x16xf32>,
        %swap3A_1810 = vector.shape_cast %swap3A_1809 : vector<1x16xf32> to vector<16xf32>
        %swap3A_1811 = vector.shape_cast %mul3A_1804 : vector<16xf32> to vector<1x16xf32>
        tpu.vector_store %arg14[%swap3A_1807, %swap3A_1808], %swap3A_1811 {strides = array<i32>} : memref<80x128xf32, #tpu.memory_space<vmem>>, vector<1x16xf32>,
        %add3A_1812 = arith.constant 14 : i32
        %add3A_1813 = arith.addi %mul3A_159, %add3A_1812 : i32
        %get3A_1814 = arith.index_cast %add3A_1813 : i32 to index
        %get3A_1815 = arith.constant 48 : index
        %get3A_1816 = tpu.vector_load %arg14[%get3A_1814, %get3A_1815] {strides = array<i32>} : memref<80x128xf32, #tpu.memory_space<vmem>>, vector<1x16xf32>,
        %get3A_1817 = vector.shape_cast %get3A_1816 : vector<1x16xf32> to vector<16xf32>
        %mul3A_1818 = arith.mulf %get3A_1817, %broadcast_in_dim3A_1769 : vector<16xf32>
        %add3A_1819 = arith.constant 14 : i32
        %add3A_1820 = arith.addi %mul3A_159, %add3A_1819 : i32
        %swap3A_1821 = arith.index_cast %add3A_1820 : i32 to index
        %swap3A_1822 = arith.constant 48 : index
        %swap3A_1823 = tpu.vector_load %arg14[%swap3A_1821, %swap3A_1822] {strides = array<i32>} : memref<80x128xf32, #tpu.memory_space<vmem>>, vector<1x16xf32>,
        %swap3A_1824 = vector.shape_cast %swap3A_1823 : vector<1x16xf32> to vector<16xf32>
        %swap3A_1825 = vector.shape_cast %mul3A_1818 : vector<16xf32> to vector<1x16xf32>
        tpu.vector_store %arg14[%swap3A_1821, %swap3A_1822], %swap3A_1825 {strides = array<i32>} : memref<80x128xf32, #tpu.memory_space<vmem>>, vector<1x16xf32>,
        %add3A_1826 = arith.constant 14 : i32
        %add3A_1827 = arith.addi %mul3A_159, %add3A_1826 : i32
        %get3A_1828 = arith.index_cast %add3A_1827 : i32 to index
        %get3A_1829 = arith.constant 64 : index
        %get3A_1830 = tpu.vector_load %arg14[%get3A_1828, %get3A_1829] {strides = array<i32>} : memref<80x128xf32, #tpu.memory_space<vmem>>, vector<1x16xf32>,
        %get3A_1831 = vector.shape_cast %get3A_1830 : vector<1x16xf32> to vector<16xf32>
        %mul3A_1832 = arith.mulf %get3A_1831, %broadcast_in_dim3A_1769 : vector<16xf32>
        %add3A_1833 = arith.constant 14 : i32
        %add3A_1834 = arith.addi %mul3A_159, %add3A_1833 : i32
        %swap3A_1835 = arith.index_cast %add3A_1834 : i32 to index
        %swap3A_1836 = arith.constant 64 : index
        %swap3A_1837 = tpu.vector_load %arg14[%swap3A_1835, %swap3A_1836] {strides = array<i32>} : memref<80x128xf32, #tpu.memory_space<vmem>>, vector<1x16xf32>,
        %swap3A_1838 = vector.shape_cast %swap3A_1837 : vector<1x16xf32> to vector<16xf32>
        %swap3A_1839 = vector.shape_cast %mul3A_1832 : vector<16xf32> to vector<1x16xf32>
        tpu.vector_store %arg14[%swap3A_1835, %swap3A_1836], %swap3A_1839 {strides = array<i32>} : memref<80x128xf32, #tpu.memory_space<vmem>>, vector<1x16xf32>,
        %add3A_1840 = arith.constant 14 : i32
        %add3A_1841 = arith.addi %mul3A_159, %add3A_1840 : i32
        %get3A_1842 = arith.index_cast %add3A_1841 : i32 to index
        %get3A_1843 = arith.constant 80 : index
        %get3A_1844 = tpu.vector_load %arg14[%get3A_1842, %get3A_1843] {strides = array<i32>} : memref<80x128xf32, #tpu.memory_space<vmem>>, vector<1x16xf32>,
        %get3A_1845 = vector.shape_cast %get3A_1844 : vector<1x16xf32> to vector<16xf32>
        %mul3A_1846 = arith.mulf %get3A_1845, %broadcast_in_dim3A_1769 : vector<16xf32>
        %add3A_1847 = arith.constant 14 : i32
        %add3A_1848 = arith.addi %mul3A_159, %add3A_1847 : i32
        %swap3A_1849 = arith.index_cast %add3A_1848 : i32 to index
        %swap3A_1850 = arith.constant 80 : index
        %swap3A_1851 = tpu.vector_load %arg14[%swap3A_1849, %swap3A_1850] {strides = array<i32>} : memref<80x128xf32, #tpu.memory_space<vmem>>, vector<1x16xf32>,
        %swap3A_1852 = vector.shape_cast %swap3A_1851 : vector<1x16xf32> to vector<16xf32>
        %swap3A_1853 = vector.shape_cast %mul3A_1846 : vector<16xf32> to vector<1x16xf32>
        tpu.vector_store %arg14[%swap3A_1849, %swap3A_1850], %swap3A_1853 {strides = array<i32>} : memref<80x128xf32, #tpu.memory_space<vmem>>, vector<1x16xf32>,
        %add3A_1854 = arith.constant 14 : i32
        %add3A_1855 = arith.addi %mul3A_159, %add3A_1854 : i32
        %get3A_1856 = arith.index_cast %add3A_1855 : i32 to index
        %get3A_1857 = arith.constant 96 : index
        %get3A_1858 = tpu.vector_load %arg14[%get3A_1856, %get3A_1857] {strides = array<i32>} : memref<80x128xf32, #tpu.memory_space<vmem>>, vector<1x16xf32>,
        %get3A_1859 = vector.shape_cast %get3A_1858 : vector<1x16xf32> to vector<16xf32>
        %mul3A_1860 = arith.mulf %get3A_1859, %broadcast_in_dim3A_1769 : vector<16xf32>
        %add3A_1861 = arith.constant 14 : i32
        %add3A_1862 = arith.addi %mul3A_159, %add3A_1861 : i32
        %swap3A_1863 = arith.index_cast %add3A_1862 : i32 to index
        %swap3A_1864 = arith.constant 96 : index
        %swap3A_1865 = tpu.vector_load %arg14[%swap3A_1863, %swap3A_1864] {strides = array<i32>} : memref<80x128xf32, #tpu.memory_space<vmem>>, vector<1x16xf32>,
        %swap3A_1866 = vector.shape_cast %swap3A_1865 : vector<1x16xf32> to vector<16xf32>
        %swap3A_1867 = vector.shape_cast %mul3A_1860 : vector<16xf32> to vector<1x16xf32>
        tpu.vector_store %arg14[%swap3A_1863, %swap3A_1864], %swap3A_1867 {strides = array<i32>} : memref<80x128xf32, #tpu.memory_space<vmem>>, vector<1x16xf32>,
        %add3A_1868 = arith.constant 14 : i32
        %add3A_1869 = arith.addi %mul3A_159, %add3A_1868 : i32
        %get3A_1870 = arith.index_cast %add3A_1869 : i32 to index
        %get3A_1871 = arith.constant 112 : index
        %get3A_1872 = tpu.vector_load %arg14[%get3A_1870, %get3A_1871] {strides = array<i32>} : memref<80x128xf32, #tpu.memory_space<vmem>>, vector<1x16xf32>,
        %get3A_1873 = vector.shape_cast %get3A_1872 : vector<1x16xf32> to vector<16xf32>
        %mul3A_1874 = arith.mulf %get3A_1873, %broadcast_in_dim3A_1769 : vector<16xf32>
        %add3A_1875 = arith.constant 14 : i32
        %add3A_1876 = arith.addi %mul3A_159, %add3A_1875 : i32
        %swap3A_1877 = arith.index_cast %add3A_1876 : i32 to index
        %swap3A_1878 = arith.constant 112 : index
        %swap3A_1879 = tpu.vector_load %arg14[%swap3A_1877, %swap3A_1878] {strides = array<i32>} : memref<80x128xf32, #tpu.memory_space<vmem>>, vector<1x16xf32>,
        %swap3A_1880 = vector.shape_cast %swap3A_1879 : vector<1x16xf32> to vector<16xf32>
        %swap3A_1881 = vector.shape_cast %mul3A_1874 : vector<16xf32> to vector<1x16xf32>
        tpu.vector_store %arg14[%swap3A_1877, %swap3A_1878], %swap3A_1881 {strides = array<i32>} : memref<80x128xf32, #tpu.memory_space<vmem>>, vector<1x16xf32>,
        %slice3A_1882 = vector.extract_strided_slice %get3A_157 {offsets = [15], sizes = [1], strides = [1]} : vector<16xf32> to vector<1xf32>
        %squeeze3A_1883 = vector.extract %slice3A_1882[0] : f32 from vector<1xf32>
        %broadcast_in_dim3A_1884 = vector.broadcast %squeeze3A_1883 : f32 to vector<16xf32>
        %add3A_1885 = arith.constant 15 : i32
        %add3A_1886 = arith.addi %mul3A_159, %add3A_1885 : i32
        %get3A_1887 = arith.index_cast %add3A_1886 : i32 to index
        %get3A_1888 = arith.constant 0 : index
        %get3A_1889 = tpu.vector_load %arg14[%get3A_1887, %get3A_1888] {strides = array<i32>} : memref<80x128xf32, #tpu.memory_space<vmem>>, vector<1x16xf32>,
        %get3A_1890 = vector.shape_cast %get3A_1889 : vector<1x16xf32> to vector<16xf32>
        %mul3A_1891 = arith.mulf %get3A_1890, %broadcast_in_dim3A_1884 : vector<16xf32>
        %add3A_1892 = arith.constant 15 : i32
        %add3A_1893 = arith.addi %mul3A_159, %add3A_1892 : i32
        %swap3A_1894 = arith.index_cast %add3A_1893 : i32 to index
        %swap3A_1895 = arith.constant 0 : index
        %swap3A_1896 = tpu.vector_load %arg14[%swap3A_1894, %swap3A_1895] {strides = array<i32>} : memref<80x128xf32, #tpu.memory_space<vmem>>, vector<1x16xf32>,
        %swap3A_1897 = vector.shape_cast %swap3A_1896 : vector<1x16xf32> to vector<16xf32>
        %swap3A_1898 = vector.shape_cast %mul3A_1891 : vector<16xf32> to vector<1x16xf32>
        tpu.vector_store %arg14[%swap3A_1894, %swap3A_1895], %swap3A_1898 {strides = array<i32>} : memref<80x128xf32, #tpu.memory_space<vmem>>, vector<1x16xf32>,
        %add3A_1899 = arith.constant 15 : i32
        %add3A_1900 = arith.addi %mul3A_159, %add3A_1899 : i32
        %get3A_1901 = arith.index_cast %add3A_1900 : i32 to index
        %get3A_1902 = arith.constant 16 : index
        %get3A_1903 = tpu.vector_load %arg14[%get3A_1901, %get3A_1902] {strides = array<i32>} : memref<80x128xf32, #tpu.memory_space<vmem>>, vector<1x16xf32>,
        %get3A_1904 = vector.shape_cast %get3A_1903 : vector<1x16xf32> to vector<16xf32>
        %mul3A_1905 = arith.mulf %get3A_1904, %broadcast_in_dim3A_1884 : vector<16xf32>
        %add3A_1906 = arith.constant 15 : i32
        %add3A_1907 = arith.addi %mul3A_159, %add3A_1906 : i32
        %swap3A_1908 = arith.index_cast %add3A_1907 : i32 to index
        %swap3A_1909 = arith.constant 16 : index
        %swap3A_1910 = tpu.vector_load %arg14[%swap3A_1908, %swap3A_1909] {strides = array<i32>} : memref<80x128xf32, #tpu.memory_space<vmem>>, vector<1x16xf32>,
        %swap3A_1911 = vector.shape_cast %swap3A_1910 : vector<1x16xf32> to vector<16xf32>
        %swap3A_1912 = vector.shape_cast %mul3A_1905 : vector<16xf32> to vector<1x16xf32>
        tpu.vector_store %arg14[%swap3A_1908, %swap3A_1909], %swap3A_1912 {strides = array<i32>} : memref<80x128xf32, #tpu.memory_space<vmem>>, vector<1x16xf32>,
        %add3A_1913 = arith.constant 15 : i32
        %add3A_1914 = arith.addi %mul3A_159, %add3A_1913 : i32
        %get3A_1915 = arith.index_cast %add3A_1914 : i32 to index
        %get3A_1916 = arith.constant 32 : index
        %get3A_1917 = tpu.vector_load %arg14[%get3A_1915, %get3A_1916] {strides = array<i32>} : memref<80x128xf32, #tpu.memory_space<vmem>>, vector<1x16xf32>,
        %get3A_1918 = vector.shape_cast %get3A_1917 : vector<1x16xf32> to vector<16xf32>
        %mul3A_1919 = arith.mulf %get3A_1918, %broadcast_in_dim3A_1884 : vector<16xf32>
        %add3A_1920 = arith.constant 15 : i32
        %add3A_1921 = arith.addi %mul3A_159, %add3A_1920 : i32
        %swap3A_1922 = arith.index_cast %add3A_1921 : i32 to index
        %swap3A_1923 = arith.constant 32 : index
        %swap3A_1924 = tpu.vector_load %arg14[%swap3A_1922, %swap3A_1923] {strides = array<i32>} : memref<80x128xf32, #tpu.memory_space<vmem>>, vector<1x16xf32>,
        %swap3A_1925 = vector.shape_cast %swap3A_1924 : vector<1x16xf32> to vector<16xf32>
        %swap3A_1926 = vector.shape_cast %mul3A_1919 : vector<16xf32> to vector<1x16xf32>
        tpu.vector_store %arg14[%swap3A_1922, %swap3A_1923], %swap3A_1926 {strides = array<i32>} : memref<80x128xf32, #tpu.memory_space<vmem>>, vector<1x16xf32>,
        %add3A_1927 = arith.constant 15 : i32
        %add3A_1928 = arith.addi %mul3A_159, %add3A_1927 : i32
        %get3A_1929 = arith.index_cast %add3A_1928 : i32 to index
        %get3A_1930 = arith.constant 48 : index
        %get3A_1931 = tpu.vector_load %arg14[%get3A_1929, %get3A_1930] {strides = array<i32>} : memref<80x128xf32, #tpu.memory_space<vmem>>, vector<1x16xf32>,
        %get3A_1932 = vector.shape_cast %get3A_1931 : vector<1x16xf32> to vector<16xf32>
        %mul3A_1933 = arith.mulf %get3A_1932, %broadcast_in_dim3A_1884 : vector<16xf32>
        %add3A_1934 = arith.constant 15 : i32
        %add3A_1935 = arith.addi %mul3A_159, %add3A_1934 : i32
        %swap3A_1936 = arith.index_cast %add3A_1935 : i32 to index
        %swap3A_1937 = arith.constant 48 : index
        %swap3A_1938 = tpu.vector_load %arg14[%swap3A_1936, %swap3A_1937] {strides = array<i32>} : memref<80x128xf32, #tpu.memory_space<vmem>>, vector<1x16xf32>,
        %swap3A_1939 = vector.shape_cast %swap3A_1938 : vector<1x16xf32> to vector<16xf32>
        %swap3A_1940 = vector.shape_cast %mul3A_1933 : vector<16xf32> to vector<1x16xf32>
        tpu.vector_store %arg14[%swap3A_1936, %swap3A_1937], %swap3A_1940 {strides = array<i32>} : memref<80x128xf32, #tpu.memory_space<vmem>>, vector<1x16xf32>,
        %add3A_1941 = arith.constant 15 : i32
        %add3A_1942 = arith.addi %mul3A_159, %add3A_1941 : i32
        %get3A_1943 = arith.index_cast %add3A_1942 : i32 to index
        %get3A_1944 = arith.constant 64 : index
        %get3A_1945 = tpu.vector_load %arg14[%get3A_1943, %get3A_1944] {strides = array<i32>} : memref<80x128xf32, #tpu.memory_space<vmem>>, vector<1x16xf32>,
        %get3A_1946 = vector.shape_cast %get3A_1945 : vector<1x16xf32> to vector<16xf32>
        %mul3A_1947 = arith.mulf %get3A_1946, %broadcast_in_dim3A_1884 : vector<16xf32>
        %add3A_1948 = arith.constant 15 : i32
        %add3A_1949 = arith.addi %mul3A_159, %add3A_1948 : i32
        %swap3A_1950 = arith.index_cast %add3A_1949 : i32 to index
        %swap3A_1951 = arith.constant 64 : index
        %swap3A_1952 = tpu.vector_load %arg14[%swap3A_1950, %swap3A_1951] {strides = array<i32>} : memref<80x128xf32, #tpu.memory_space<vmem>>, vector<1x16xf32>,
        %swap3A_1953 = vector.shape_cast %swap3A_1952 : vector<1x16xf32> to vector<16xf32>
        %swap3A_1954 = vector.shape_cast %mul3A_1947 : vector<16xf32> to vector<1x16xf32>
        tpu.vector_store %arg14[%swap3A_1950, %swap3A_1951], %swap3A_1954 {strides = array<i32>} : memref<80x128xf32, #tpu.memory_space<vmem>>, vector<1x16xf32>,
        %add3A_1955 = arith.constant 15 : i32
        %add3A_1956 = arith.addi %mul3A_159, %add3A_1955 : i32
        %get3A_1957 = arith.index_cast %add3A_1956 : i32 to index
        %get3A_1958 = arith.constant 80 : index
        %get3A_1959 = tpu.vector_load %arg14[%get3A_1957, %get3A_1958] {strides = array<i32>} : memref<80x128xf32, #tpu.memory_space<vmem>>, vector<1x16xf32>,
        %get3A_1960 = vector.shape_cast %get3A_1959 : vector<1x16xf32> to vector<16xf32>
        %mul3A_1961 = arith.mulf %get3A_1960, %broadcast_in_dim3A_1884 : vector<16xf32>
        %add3A_1962 = arith.constant 15 : i32
        %add3A_1963 = arith.addi %mul3A_159, %add3A_1962 : i32
        %swap3A_1964 = arith.index_cast %add3A_1963 : i32 to index
        %swap3A_1965 = arith.constant 80 : index
        %swap3A_1966 = tpu.vector_load %arg14[%swap3A_1964, %swap3A_1965] {strides = array<i32>} : memref<80x128xf32, #tpu.memory_space<vmem>>, vector<1x16xf32>,
        %swap3A_1967 = vector.shape_cast %swap3A_1966 : vector<1x16xf32> to vector<16xf32>
        %swap3A_1968 = vector.shape_cast %mul3A_1961 : vector<16xf32> to vector<1x16xf32>
        tpu.vector_store %arg14[%swap3A_1964, %swap3A_1965], %swap3A_1968 {strides = array<i32>} : memref<80x128xf32, #tpu.memory_space<vmem>>, vector<1x16xf32>,
        %add3A_1969 = arith.constant 15 : i32
        %add3A_1970 = arith.addi %mul3A_159, %add3A_1969 : i32
        %get3A_1971 = arith.index_cast %add3A_1970 : i32 to index
        %get3A_1972 = arith.constant 96 : index
        %get3A_1973 = tpu.vector_load %arg14[%get3A_1971, %get3A_1972] {strides = array<i32>} : memref<80x128xf32, #tpu.memory_space<vmem>>, vector<1x16xf32>,
        %get3A_1974 = vector.shape_cast %get3A_1973 : vector<1x16xf32> to vector<16xf32>
        %mul3A_1975 = arith.mulf %get3A_1974, %broadcast_in_dim3A_1884 : vector<16xf32>
        %add3A_1976 = arith.constant 15 : i32
        %add3A_1977 = arith.addi %mul3A_159, %add3A_1976 : i32
        %swap3A_1978 = arith.index_cast %add3A_1977 : i32 to index
        %swap3A_1979 = arith.constant 96 : index
        %swap3A_1980 = tpu.vector_load %arg14[%swap3A_1978, %swap3A_1979] {strides = array<i32>} : memref<80x128xf32, #tpu.memory_space<vmem>>, vector<1x16xf32>,
        %swap3A_1981 = vector.shape_cast %swap3A_1980 : vector<1x16xf32> to vector<16xf32>
        %swap3A_1982 = vector.shape_cast %mul3A_1975 : vector<16xf32> to vector<1x16xf32>
        tpu.vector_store %arg14[%swap3A_1978, %swap3A_1979], %swap3A_1982 {strides = array<i32>} : memref<80x128xf32, #tpu.memory_space<vmem>>, vector<1x16xf32>,
        %add3A_1983 = arith.constant 15 : i32
        %add3A_1984 = arith.addi %mul3A_159, %add3A_1983 : i32
        %get3A_1985 = arith.index_cast %add3A_1984 : i32 to index
        %get3A_1986 = arith.constant 112 : index
        %get3A_1987 = tpu.vector_load %arg14[%get3A_1985, %get3A_1986] {strides = array<i32>} : memref<80x128xf32, #tpu.memory_space<vmem>>, vector<1x16xf32>,
        %get3A_1988 = vector.shape_cast %get3A_1987 : vector<1x16xf32> to vector<16xf32>
        %mul3A_1989 = arith.mulf %get3A_1988, %broadcast_in_dim3A_1884 : vector<16xf32>
        %add3A_1990 = arith.constant 15 : i32
        %add3A_1991 = arith.addi %mul3A_159, %add3A_1990 : i32
        %swap3A_1992 = arith.index_cast %add3A_1991 : i32 to index
        %swap3A_1993 = arith.constant 112 : index
        %swap3A_1994 = tpu.vector_load %arg14[%swap3A_1992, %swap3A_1993] {strides = array<i32>} : memref<80x128xf32, #tpu.memory_space<vmem>>, vector<1x16xf32>,
        %swap3A_1995 = vector.shape_cast %swap3A_1994 : vector<1x16xf32> to vector<16xf32>
        %swap3A_1996 = vector.shape_cast %mul3A_1989 : vector<16xf32> to vector<1x16xf32>
        tpu.vector_store %arg14[%swap3A_1992, %swap3A_1993], %swap3A_1996 {strides = array<i32>} : memref<80x128xf32, #tpu.memory_space<vmem>>, vector<1x16xf32>,
        %scan3A_1997 = arith.constant 0 : i32
        scf.yield %scan3A_1997 : i32
      }
      %scan3A_149 = arith.constant 5 : i32
      "tpu.region"() ({
        %run_scoped3A = tpu.sem_alloc : memref<!tpu.dma_semaphore, #tpu.memory_space<semaphore_mem>>
        %dma_start3A_151 = arith.constant 0 : i32
        %dma_start3A_152 = arith.constant 0 : i32
        %dma_start3A_153 = tpu.memref_slice %arg18[%dma_start3A_151, %dma_start3A_152] : memref<10240x128xf32, #tpu.memory_space<vmem_shared>> -> memref<10240x128xf32, #tpu.memory_space<vmem_shared>>
        tpu.enqueue_indirect_dma source(%arg14 : memref<80x128xf32, #tpu.memory_space<vmem>>) target(%dma_start3A_153 : memref<10240x128xf32, #tpu.memory_space<vmem_shared>>) offsets(%arg10 : memref<80xi32, #tpu.memory_space<vmem>>) semaphore(%run_scoped3A : memref<!tpu.dma_semaphore, #tpu.memory_space<semaphore_mem>>) {add = true}
        %dma_wait3A_154 = arith.constant 0 : i32
        %dma_wait3A_155 = arith.constant 0 : i32
        %dma_wait3A_156 = tpu.memref_slice %arg18[%dma_wait3A_154, %dma_wait3A_155] : memref<10240x128xf32, #tpu.memory_space<vmem_shared>> -> memref<10240x128xf32, #tpu.memory_space<vmem_shared>>
        tpu.wait_indirect_dma semaphore(%run_scoped3A : memref<!tpu.dma_semaphore, #tpu.memory_space<semaphore_mem>>) src(%arg14 : memref<80x128xf32, #tpu.memory_space<vmem>>) dst(%dma_wait3A_156 : memref<10240x128xf32, #tpu.memory_space<vmem_shared>>)
        tpu.yield
      }) : () -> ()
      "tpu.region"() ({
        %run_scoped3A = tpu.sem_alloc : memref<!tpu.dma_semaphore, #tpu.memory_space<semaphore_mem>>
        %dma_start3A_151 = arith.constant 0 : i32
        %dma_start3A_152 = tpu.memref_slice %arg19[%dma_start3A_151] : memref<10240xf32, #tpu.memory_space<vmem_shared>> -> memref<10240xf32, #tpu.memory_space<vmem_shared>>
        tpu.enqueue_indirect_dma source(%arg13 : memref<80xf32, #tpu.memory_space<vmem>>) target(%dma_start3A_152 : memref<10240xf32, #tpu.memory_space<vmem_shared>>) offsets(%arg10 : memref<80xi32, #tpu.memory_space<vmem>>) semaphore(%run_scoped3A : memref<!tpu.dma_semaphore, #tpu.memory_space<semaphore_mem>>) {add = true}
        %dma_wait3A_153 = arith.constant 0 : i32
        %dma_wait3A_154 = tpu.memref_slice %arg19[%dma_wait3A_153] : memref<10240xf32, #tpu.memory_space<vmem_shared>> -> memref<10240xf32, #tpu.memory_space<vmem_shared>>
        tpu.wait_indirect_dma semaphore(%run_scoped3A : memref<!tpu.dma_semaphore, #tpu.memory_space<semaphore_mem>>) src(%arg13 : memref<80xf32, #tpu.memory_space<vmem>>) dst(%dma_wait3A_154 : memref<10240xf32, #tpu.memory_space<vmem_shared>>)
        tpu.yield
      }) : () -> ()
      %scan3A_150 = arith.constant 0 : i32
      scf.yield %scan3A_150 : i32
    }
    %scan3A_42 = arith.constant 125 : i32
    %barrier3A_43 = arith.constant 0 : index
    tpu.barrier barrier_id(%barrier3A_43)
    "tpu.region"() ({
      %run_scoped3A = tpu.sem_alloc : memref<!tpu.dma_semaphore, #tpu.memory_space<semaphore_mem>>
      %dma_start3A = arith.constant 0 : i32
      %dma_start3A_44 = tpu.memref_slice %arg7[%arg0, %mul3A_15, %dma_start3A] : memref<2x10240x128xf32, #tpu.memory_space<hbm>> -> memref<1x640x128xf32, #tpu.memory_space<hbm>>
      %dma_start3A_45 = tpu.memref_squeeze %dma_start3A_44 : memref<1x640x128xf32, #tpu.memory_space<hbm>> -> memref<640x128xf32, #tpu.memory_space<hbm>>
      %dma_start3A_46 = arith.constant 0 : i32
      %dma_start3A_47 = tpu.memref_slice %arg18[%mul3A_15, %dma_start3A_46] : memref<10240x128xf32, #tpu.memory_space<vmem_shared>> -> memref<640x128xf32, #tpu.memory_space<vmem_shared>>
      tpu.enqueue_dma source(%dma_start3A_47 : memref<640x128xf32, #tpu.memory_space<vmem_shared>>) target(%dma_start3A_45 : memref<640x128xf32, #tpu.memory_space<hbm>>) target_semaphore(%run_scoped3A : memref<!tpu.dma_semaphore, #tpu.memory_space<semaphore_mem>>)
      %dma_wait3A = arith.constant 0 : i32
      %dma_wait3A_48 = tpu.memref_slice %arg7[%arg0, %mul3A_15, %dma_wait3A] : memref<2x10240x128xf32, #tpu.memory_space<hbm>> -> memref<1x640x128xf32, #tpu.memory_space<hbm>>
      %dma_wait3A_49 = tpu.memref_squeeze %dma_wait3A_48 : memref<1x640x128xf32, #tpu.memory_space<hbm>> -> memref<640x128xf32, #tpu.memory_space<hbm>>
      %dma_wait3A_50 = arith.constant 0 : i32
      %dma_wait3A_51 = tpu.memref_slice %arg18[%mul3A_15, %dma_wait3A_50] : memref<10240x128xf32, #tpu.memory_space<vmem_shared>> -> memref<640x128xf32, #tpu.memory_space<vmem_shared>>
      tpu.wait_dma2 semaphore(%run_scoped3A : memref<!tpu.dma_semaphore, #tpu.memory_space<semaphore_mem>>) src(%dma_wait3A_51 : memref<640x128xf32, #tpu.memory_space<vmem_shared>>) dst(%dma_wait3A_49 : memref<640x128xf32, #tpu.memory_space<hbm>>)
      tpu.yield
    }) : () -> ()
    "tpu.region"() ({
      %run_scoped3A = tpu.sem_alloc : memref<!tpu.dma_semaphore, #tpu.memory_space<semaphore_mem>>
      %dma_start3A = tpu.memref_slice %arg8[%arg0, %mul3A_15] : memref<2x10240xf32, #tpu.memory_space<hbm>> -> memref<1x640xf32, #tpu.memory_space<hbm>>
      %dma_start3A_44 = tpu.memref_squeeze %dma_start3A : memref<1x640xf32, #tpu.memory_space<hbm>> -> memref<640xf32, #tpu.memory_space<hbm>>
      %dma_start3A_45 = tpu.memref_slice %arg19[%mul3A_15] : memref<10240xf32, #tpu.memory_space<vmem_shared>> -> memref<640xf32, #tpu.memory_space<vmem_shared>>
      tpu.enqueue_dma source(%dma_start3A_45 : memref<640xf32, #tpu.memory_space<vmem_shared>>) target(%dma_start3A_44 : memref<640xf32, #tpu.memory_space<hbm>>) target_semaphore(%run_scoped3A : memref<!tpu.dma_semaphore, #tpu.memory_space<semaphore_mem>>)
      %dma_wait3A = tpu.memref_slice %arg8[%arg0, %mul3A_15] : memref<2x10240xf32, #tpu.memory_space<hbm>> -> memref<1x640xf32, #tpu.memory_space<hbm>>
      %dma_wait3A_46 = tpu.memref_squeeze %dma_wait3A : memref<1x640xf32, #tpu.memory_space<hbm>> -> memref<640xf32, #tpu.memory_space<hbm>>
      %dma_wait3A_47 = tpu.memref_slice %arg19[%mul3A_15] : memref<10240xf32, #tpu.memory_space<vmem_shared>> -> memref<640xf32, #tpu.memory_space<vmem_shared>>
      tpu.wait_dma2 semaphore(%run_scoped3A : memref<!tpu.dma_semaphore, #tpu.memory_space<semaphore_mem>>) src(%dma_wait3A_47 : memref<640xf32, #tpu.memory_space<vmem_shared>>) dst(%dma_wait3A_46 : memref<640xf32, #tpu.memory_space<hbm>>)
      tpu.yield
    }) : () -> ()
    return
  }
}

#map = affine_map<(d0, d1) -> (0, 0)>
#map1 = affine_map<(d0, d1) -> (0)>
#map2 = affine_map<(d0, d1) -> (0, 0, 0)>
module attributes {stable_mosaic.version = 14 : i64} {
  func.func @_edge_body(%arg0: i32, %arg1: i32, %arg2: memref<10000x128xf32, #tpu.memory_space<hbm>>, %arg3: memref<10240xf32, #tpu.memory_space<hbm>>, %arg4: memref<10240xf32, #tpu.memory_space<hbm>>, %arg5: memref<320000xi32, #tpu.memory_space<hbm>>, %arg6: memref<320000xi32, #tpu.memory_space<hbm>>, %arg7: memref<2x10240x128xf32, #tpu.memory_space<hbm>>, %arg8: memref<2x10240xf32, #tpu.memory_space<hbm>>, %arg9: memref<80xi32, #tpu.memory_space<vmem>>, %arg10: memref<80xi32, #tpu.memory_space<vmem>>, %arg11: memref<80xf32, #tpu.memory_space<vmem>>, %arg12: memref<80xf32, #tpu.memory_space<vmem>>, %arg13: memref<80xf32, #tpu.memory_space<vmem>>, %arg14: memref<80x128xf32, #tpu.memory_space<vmem>>, %arg15: memref<640xf32, #tpu.memory_space<vmem>>, %arg16: memref<10240xf32, #tpu.memory_space<vmem_shared>>, %arg17: memref<10240xf32, #tpu.memory_space<vmem_shared>>, %arg18: memref<10240x128xf32, #tpu.memory_space<vmem_shared>>, %arg19: memref<10240xf32, #tpu.memory_space<vmem_shared>>, %arg20: memref<!tpu.dma_semaphore, #tpu.memory_space<semaphore_mem>>) attributes {dimension_semantics = [#tpu.dimension_semantics<core_parallel>, #tpu.dimension_semantics<subcore_parallel>], iteration_bounds = array<i64: 2, 16>, scalar_prefetch = 0 : i64, scratch_operands = 12 : i64, tpu.core_type = #tpu.core_type<sc_vector_subcore>, window_params = [{transform_indices = #map}, {transform_indices = #map1}, {transform_indices = #map1}, {transform_indices = #map1}, {transform_indices = #map1}, {transform_indices = #map2}, {transform_indices = #map}]} {
    %eq3A = arith.constant 0 : i32
    %eq3A_0 = arith.cmpi eq, %arg1, %eq3A : i32
    %convert_element_type3A = arith.extui %eq3A_0 : i1 to i32
    %cond3A = arith.constant 0 : i32
    %cond3A_1 = arith.cmpi ne, %convert_element_type3A, %cond3A : i32
    scf.if %cond3A_1 {
      "tpu.region"() ({
        %run_scoped3A = tpu.sem_alloc : memref<!tpu.dma_semaphore, #tpu.memory_space<semaphore_mem>>
        tpu.enqueue_dma source(%arg3 : memref<10240xf32, #tpu.memory_space<hbm>>) target(%arg16 : memref<10240xf32, #tpu.memory_space<vmem_shared>>) target_semaphore(%run_scoped3A : memref<!tpu.dma_semaphore, #tpu.memory_space<semaphore_mem>>)
        tpu.wait_dma2 semaphore(%run_scoped3A : memref<!tpu.dma_semaphore, #tpu.memory_space<semaphore_mem>>) src(%arg3 : memref<10240xf32, #tpu.memory_space<hbm>>) dst(%arg16 : memref<10240xf32, #tpu.memory_space<vmem_shared>>)
        tpu.yield
      }) : () -> ()
      "tpu.region"() ({
        %run_scoped3A = tpu.sem_alloc : memref<!tpu.dma_semaphore, #tpu.memory_space<semaphore_mem>>
        tpu.enqueue_dma source(%arg4 : memref<10240xf32, #tpu.memory_space<hbm>>) target(%arg17 : memref<10240xf32, #tpu.memory_space<vmem_shared>>) target_semaphore(%run_scoped3A : memref<!tpu.dma_semaphore, #tpu.memory_space<semaphore_mem>>)
        tpu.wait_dma2 semaphore(%run_scoped3A : memref<!tpu.dma_semaphore, #tpu.memory_space<semaphore_mem>>) src(%arg4 : memref<10240xf32, #tpu.memory_space<hbm>>) dst(%arg17 : memref<10240xf32, #tpu.memory_space<vmem_shared>>)
        tpu.yield
      }) : () -> ()
    } else {
    }
    %scan3A = arith.constant 0 : i32
    %scan3A_2 = arith.constant 0 : i32
    %scan3A_3 = arith.constant 80 : i32
    %scan3A_4 = arith.addi %scan3A_2, %scan3A_3 : i32
    %scan3A_5 = arith.constant 1 : i32
    %scan3A_6 = scf.for %scan3A_44 = %scan3A_2 to %scan3A_4 step %scan3A_5 iter_args(%scan3A_45 = %scan3A) -> (i32)  : i32 {
      %broadcast_in_dim3A = arith.constant 0.000000e+00 : f32
      %broadcast_in_dim3A_46 = vector.broadcast %broadcast_in_dim3A : f32 to vector<16xf32>
      %swap3A = arith.index_cast %scan3A_44 : i32 to index
      %swap3A_47 = arith.constant 0 : index
      %swap3A_48 = tpu.vector_load %arg14[%swap3A, %swap3A_47] {strides = array<i32>} : memref<80x128xf32, #tpu.memory_space<vmem>>, vector<1x16xf32>,
      %swap3A_49 = vector.shape_cast %swap3A_48 : vector<1x16xf32> to vector<16xf32>
      %swap3A_50 = vector.shape_cast %broadcast_in_dim3A_46 : vector<16xf32> to vector<1x16xf32>
      tpu.vector_store %arg14[%swap3A, %swap3A_47], %swap3A_50 {strides = array<i32>} : memref<80x128xf32, #tpu.memory_space<vmem>>, vector<1x16xf32>,
      %broadcast_in_dim3A_51 = arith.constant 0.000000e+00 : f32
      %broadcast_in_dim3A_52 = vector.broadcast %broadcast_in_dim3A_51 : f32 to vector<16xf32>
      %swap3A_53 = arith.index_cast %scan3A_44 : i32 to index
      %swap3A_54 = arith.constant 16 : index
      %swap3A_55 = tpu.vector_load %arg14[%swap3A_53, %swap3A_54] {strides = array<i32>} : memref<80x128xf32, #tpu.memory_space<vmem>>, vector<1x16xf32>,
      %swap3A_56 = vector.shape_cast %swap3A_55 : vector<1x16xf32> to vector<16xf32>
      %swap3A_57 = vector.shape_cast %broadcast_in_dim3A_52 : vector<16xf32> to vector<1x16xf32>
      tpu.vector_store %arg14[%swap3A_53, %swap3A_54], %swap3A_57 {strides = array<i32>} : memref<80x128xf32, #tpu.memory_space<vmem>>, vector<1x16xf32>,
      %broadcast_in_dim3A_58 = arith.constant 0.000000e+00 : f32
      %broadcast_in_dim3A_59 = vector.broadcast %broadcast_in_dim3A_58 : f32 to vector<16xf32>
      %swap3A_60 = arith.index_cast %scan3A_44 : i32 to index
      %swap3A_61 = arith.constant 32 : index
      %swap3A_62 = tpu.vector_load %arg14[%swap3A_60, %swap3A_61] {strides = array<i32>} : memref<80x128xf32, #tpu.memory_space<vmem>>, vector<1x16xf32>,
      %swap3A_63 = vector.shape_cast %swap3A_62 : vector<1x16xf32> to vector<16xf32>
      %swap3A_64 = vector.shape_cast %broadcast_in_dim3A_59 : vector<16xf32> to vector<1x16xf32>
      tpu.vector_store %arg14[%swap3A_60, %swap3A_61], %swap3A_64 {strides = array<i32>} : memref<80x128xf32, #tpu.memory_space<vmem>>, vector<1x16xf32>,
      %broadcast_in_dim3A_65 = arith.constant 0.000000e+00 : f32
      %broadcast_in_dim3A_66 = vector.broadcast %broadcast_in_dim3A_65 : f32 to vector<16xf32>
      %swap3A_67 = arith.index_cast %scan3A_44 : i32 to index
      %swap3A_68 = arith.constant 48 : index
      %swap3A_69 = tpu.vector_load %arg14[%swap3A_67, %swap3A_68] {strides = array<i32>} : memref<80x128xf32, #tpu.memory_space<vmem>>, vector<1x16xf32>,
      %swap3A_70 = vector.shape_cast %swap3A_69 : vector<1x16xf32> to vector<16xf32>
      %swap3A_71 = vector.shape_cast %broadcast_in_dim3A_66 : vector<16xf32> to vector<1x16xf32>
      tpu.vector_store %arg14[%swap3A_67, %swap3A_68], %swap3A_71 {strides = array<i32>} : memref<80x128xf32, #tpu.memory_space<vmem>>, vector<1x16xf32>,
      %broadcast_in_dim3A_72 = arith.constant 0.000000e+00 : f32
      %broadcast_in_dim3A_73 = vector.broadcast %broadcast_in_dim3A_72 : f32 to vector<16xf32>
      %swap3A_74 = arith.index_cast %scan3A_44 : i32 to index
      %swap3A_75 = arith.constant 64 : index
      %swap3A_76 = tpu.vector_load %arg14[%swap3A_74, %swap3A_75] {strides = array<i32>} : memref<80x128xf32, #tpu.memory_space<vmem>>, vector<1x16xf32>,
      %swap3A_77 = vector.shape_cast %swap3A_76 : vector<1x16xf32> to vector<16xf32>
      %swap3A_78 = vector.shape_cast %broadcast_in_dim3A_73 : vector<16xf32> to vector<1x16xf32>
      tpu.vector_store %arg14[%swap3A_74, %swap3A_75], %swap3A_78 {strides = array<i32>} : memref<80x128xf32, #tpu.memory_space<vmem>>, vector<1x16xf32>,
      %broadcast_in_dim3A_79 = arith.constant 0.000000e+00 : f32
      %broadcast_in_dim3A_80 = vector.broadcast %broadcast_in_dim3A_79 : f32 to vector<16xf32>
      %swap3A_81 = arith.index_cast %scan3A_44 : i32 to index
      %swap3A_82 = arith.constant 80 : index
      %swap3A_83 = tpu.vector_load %arg14[%swap3A_81, %swap3A_82] {strides = array<i32>} : memref<80x128xf32, #tpu.memory_space<vmem>>, vector<1x16xf32>,
      %swap3A_84 = vector.shape_cast %swap3A_83 : vector<1x16xf32> to vector<16xf32>
      %swap3A_85 = vector.shape_cast %broadcast_in_dim3A_80 : vector<16xf32> to vector<1x16xf32>
      tpu.vector_store %arg14[%swap3A_81, %swap3A_82], %swap3A_85 {strides = array<i32>} : memref<80x128xf32, #tpu.memory_space<vmem>>, vector<1x16xf32>,
      %broadcast_in_dim3A_86 = arith.constant 0.000000e+00 : f32
      %broadcast_in_dim3A_87 = vector.broadcast %broadcast_in_dim3A_86 : f32 to vector<16xf32>
      %swap3A_88 = arith.index_cast %scan3A_44 : i32 to index
      %swap3A_89 = arith.constant 96 : index
      %swap3A_90 = tpu.vector_load %arg14[%swap3A_88, %swap3A_89] {strides = array<i32>} : memref<80x128xf32, #tpu.memory_space<vmem>>, vector<1x16xf32>,
      %swap3A_91 = vector.shape_cast %swap3A_90 : vector<1x16xf32> to vector<16xf32>
      %swap3A_92 = vector.shape_cast %broadcast_in_dim3A_87 : vector<16xf32> to vector<1x16xf32>
      tpu.vector_store %arg14[%swap3A_88, %swap3A_89], %swap3A_92 {strides = array<i32>} : memref<80x128xf32, #tpu.memory_space<vmem>>, vector<1x16xf32>,
      %broadcast_in_dim3A_93 = arith.constant 0.000000e+00 : f32
      %broadcast_in_dim3A_94 = vector.broadcast %broadcast_in_dim3A_93 : f32 to vector<16xf32>
      %swap3A_95 = arith.index_cast %scan3A_44 : i32 to index
      %swap3A_96 = arith.constant 112 : index
      %swap3A_97 = tpu.vector_load %arg14[%swap3A_95, %swap3A_96] {strides = array<i32>} : memref<80x128xf32, #tpu.memory_space<vmem>>, vector<1x16xf32>,
      %swap3A_98 = vector.shape_cast %swap3A_97 : vector<1x16xf32> to vector<16xf32>
      %swap3A_99 = vector.shape_cast %broadcast_in_dim3A_94 : vector<16xf32> to vector<1x16xf32>
      tpu.vector_store %arg14[%swap3A_95, %swap3A_96], %swap3A_99 {strides = array<i32>} : memref<80x128xf32, #tpu.memory_space<vmem>>, vector<1x16xf32>,
      %scan3A_100 = arith.constant 0 : i32
      scf.yield %scan3A_100 : i32
    }
    %scan3A_7 = arith.constant 80 : i32
    %scan3A_8 = arith.constant 0 : i32
    %scan3A_9 = arith.constant 0 : i32
    %scan3A_10 = arith.constant 40 : i32
    %scan3A_11 = arith.addi %scan3A_9, %scan3A_10 : i32
    %scan3A_12 = arith.constant 1 : i32
    %scan3A_13 = scf.for %scan3A_44 = %scan3A_9 to %scan3A_11 step %scan3A_12 iter_args(%scan3A_45 = %scan3A_8) -> (i32)  : i32 {
      %broadcast_in_dim3A = arith.constant 0.000000e+00 : f32
      %broadcast_in_dim3A_46 = vector.broadcast %broadcast_in_dim3A : f32 to vector<16xf32>
      %mul3A_47 = arith.constant 16 : i32
      %mul3A_48 = arith.muli %scan3A_44, %mul3A_47 : i32
      %swap3A = arith.index_cast %mul3A_48 : i32 to index
      %swap3A_49 = tpu.vector_load %arg15[%swap3A] {strides = array<i32>} : memref<640xf32, #tpu.memory_space<vmem>>, vector<16xf32>,
      %swap3A_50 = vector.shape_cast %swap3A_49 : vector<16xf32> to vector<16xf32>
      %swap3A_51 = vector.shape_cast %broadcast_in_dim3A_46 : vector<16xf32> to vector<16xf32>
      tpu.vector_store %arg15[%swap3A], %swap3A_51 {strides = array<i32>} : memref<640xf32, #tpu.memory_space<vmem>>, vector<16xf32>,
      %scan3A_52 = arith.constant 0 : i32
      scf.yield %scan3A_52 : i32
    }
    %scan3A_14 = arith.constant 40 : i32
    %mul3A = arith.constant 640 : i32
    %mul3A_15 = arith.muli %arg1, %mul3A : i32
    %add3A = arith.constant 0 : i32
    %add3A_16 = arith.addi %mul3A_15, %add3A : i32
    "tpu.region"() ({
      %run_scoped3A = tpu.sem_alloc : memref<!tpu.dma_semaphore, #tpu.memory_space<semaphore_mem>>
      %dma_start3A = arith.constant 0 : i32
      %dma_start3A_44 = tpu.memref_slice %arg18[%add3A_16, %dma_start3A] : memref<10240x128xf32, #tpu.memory_space<vmem_shared>> -> memref<80x128xf32, #tpu.memory_space<vmem_shared>>
      %dma_start3A_45 = arith.constant 0 : i32
      %dma_start3A_46 = tpu.memref_slice %arg18[%add3A_16, %dma_start3A_45] : memref<10240x128xf32, #tpu.memory_space<vmem_shared>> -> memref<80x128xf32, #tpu.memory_space<vmem_shared>>
      tpu.enqueue_dma source(%arg14 : memref<80x128xf32, #tpu.memory_space<vmem>>) target(%dma_start3A_46 : memref<80x128xf32, #tpu.memory_space<vmem_shared>>) target_semaphore(%run_scoped3A : memref<!tpu.dma_semaphore, #tpu.memory_space<semaphore_mem>>)
      %dma_wait3A = arith.constant 0 : i32
      %dma_wait3A_47 = tpu.memref_slice %arg18[%add3A_16, %dma_wait3A] : memref<10240x128xf32, #tpu.memory_space<vmem_shared>> -> memref<80x128xf32, #tpu.memory_space<vmem_shared>>
      %dma_wait3A_48 = arith.constant 0 : i32
      %dma_wait3A_49 = tpu.memref_slice %arg18[%add3A_16, %dma_wait3A_48] : memref<10240x128xf32, #tpu.memory_space<vmem_shared>> -> memref<80x128xf32, #tpu.memory_space<vmem_shared>>
      tpu.wait_dma2 semaphore(%run_scoped3A : memref<!tpu.dma_semaphore, #tpu.memory_space<semaphore_mem>>) src(%arg14 : memref<80x128xf32, #tpu.memory_space<vmem>>) dst(%dma_wait3A_49 : memref<80x128xf32, #tpu.memory_space<vmem_shared>>)
      tpu.yield
    }) : () -> ()
    %add3A_17 = arith.constant 80 : i32
    %add3A_18 = arith.addi %mul3A_15, %add3A_17 : i32
    "tpu.region"() ({
      %run_scoped3A = tpu.sem_alloc : memref<!tpu.dma_semaphore, #tpu.memory_space<semaphore_mem>>
      %dma_start3A = arith.constant 0 : i32
      %dma_start3A_44 = tpu.memref_slice %arg18[%add3A_18, %dma_start3A] : memref<10240x128xf32, #tpu.memory_space<vmem_shared>> -> memref<80x128xf32, #tpu.memory_space<vmem_shared>>
      %dma_start3A_45 = arith.constant 0 : i32
      %dma_start3A_46 = tpu.memref_slice %arg18[%add3A_18, %dma_start3A_45] : memref<10240x128xf32, #tpu.memory_space<vmem_shared>> -> memref<80x128xf32, #tpu.memory_space<vmem_shared>>
      tpu.enqueue_dma source(%arg14 : memref<80x128xf32, #tpu.memory_space<vmem>>) target(%dma_start3A_46 : memref<80x128xf32, #tpu.memory_space<vmem_shared>>) target_semaphore(%run_scoped3A : memref<!tpu.dma_semaphore, #tpu.memory_space<semaphore_mem>>)
      %dma_wait3A = arith.constant 0 : i32
      %dma_wait3A_47 = tpu.memref_slice %arg18[%add3A_18, %dma_wait3A] : memref<10240x128xf32, #tpu.memory_space<vmem_shared>> -> memref<80x128xf32, #tpu.memory_space<vmem_shared>>
      %dma_wait3A_48 = arith.constant 0 : i32
      %dma_wait3A_49 = tpu.memref_slice %arg18[%add3A_18, %dma_wait3A_48] : memref<10240x128xf32, #tpu.memory_space<vmem_shared>> -> memref<80x128xf32, #tpu.memory_space<vmem_shared>>
      tpu.wait_dma2 semaphore(%run_scoped3A : memref<!tpu.dma_semaphore, #tpu.memory_space<semaphore_mem>>) src(%arg14 : memref<80x128xf32, #tpu.memory_space<vmem>>) dst(%dma_wait3A_49 : memref<80x128xf32, #tpu.memory_space<vmem_shared>>)
      tpu.yield
    }) : () -> ()
    %add3A_19 = arith.constant 160 : i32
    %add3A_20 = arith.addi %mul3A_15, %add3A_19 : i32
    "tpu.region"() ({
      %run_scoped3A = tpu.sem_alloc : memref<!tpu.dma_semaphore, #tpu.memory_space<semaphore_mem>>
      %dma_start3A = arith.constant 0 : i32
      %dma_start3A_44 = tpu.memref_slice %arg18[%add3A_20, %dma_start3A] : memref<10240x128xf32, #tpu.memory_space<vmem_shared>> -> memref<80x128xf32, #tpu.memory_space<vmem_shared>>
      %dma_start3A_45 = arith.constant 0 : i32
      %dma_start3A_46 = tpu.memref_slice %arg18[%add3A_20, %dma_start3A_45] : memref<10240x128xf32, #tpu.memory_space<vmem_shared>> -> memref<80x128xf32, #tpu.memory_space<vmem_shared>>
      tpu.enqueue_dma source(%arg14 : memref<80x128xf32, #tpu.memory_space<vmem>>) target(%dma_start3A_46 : memref<80x128xf32, #tpu.memory_space<vmem_shared>>) target_semaphore(%run_scoped3A : memref<!tpu.dma_semaphore, #tpu.memory_space<semaphore_mem>>)
      %dma_wait3A = arith.constant 0 : i32
      %dma_wait3A_47 = tpu.memref_slice %arg18[%add3A_20, %dma_wait3A] : memref<10240x128xf32, #tpu.memory_space<vmem_shared>> -> memref<80x128xf32, #tpu.memory_space<vmem_shared>>
      %dma_wait3A_48 = arith.constant 0 : i32
      %dma_wait3A_49 = tpu.memref_slice %arg18[%add3A_20, %dma_wait3A_48] : memref<10240x128xf32, #tpu.memory_space<vmem_shared>> -> memref<80x128xf32, #tpu.memory_space<vmem_shared>>
      tpu.wait_dma2 semaphore(%run_scoped3A : memref<!tpu.dma_semaphore, #tpu.memory_space<semaphore_mem>>) src(%arg14 : memref<80x128xf32, #tpu.memory_space<vmem>>) dst(%dma_wait3A_49 : memref<80x128xf32, #tpu.memory_space<vmem_shared>>)
      tpu.yield
    }) : () -> ()
    %add3A_21 = arith.constant 240 : i32
    %add3A_22 = arith.addi %mul3A_15, %add3A_21 : i32
    "tpu.region"() ({
      %run_scoped3A = tpu.sem_alloc : memref<!tpu.dma_semaphore, #tpu.memory_space<semaphore_mem>>
      %dma_start3A = arith.constant 0 : i32
      %dma_start3A_44 = tpu.memref_slice %arg18[%add3A_22, %dma_start3A] : memref<10240x128xf32, #tpu.memory_space<vmem_shared>> -> memref<80x128xf32, #tpu.memory_space<vmem_shared>>
      %dma_start3A_45 = arith.constant 0 : i32
      %dma_start3A_46 = tpu.memref_slice %arg18[%add3A_22, %dma_start3A_45] : memref<10240x128xf32, #tpu.memory_space<vmem_shared>> -> memref<80x128xf32, #tpu.memory_space<vmem_shared>>
      tpu.enqueue_dma source(%arg14 : memref<80x128xf32, #tpu.memory_space<vmem>>) target(%dma_start3A_46 : memref<80x128xf32, #tpu.memory_space<vmem_shared>>) target_semaphore(%run_scoped3A : memref<!tpu.dma_semaphore, #tpu.memory_space<semaphore_mem>>)
      %dma_wait3A = arith.constant 0 : i32
      %dma_wait3A_47 = tpu.memref_slice %arg18[%add3A_22, %dma_wait3A] : memref<10240x128xf32, #tpu.memory_space<vmem_shared>> -> memref<80x128xf32, #tpu.memory_space<vmem_shared>>
      %dma_wait3A_48 = arith.constant 0 : i32
      %dma_wait3A_49 = tpu.memref_slice %arg18[%add3A_22, %dma_wait3A_48] : memref<10240x128xf32, #tpu.memory_space<vmem_shared>> -> memref<80x128xf32, #tpu.memory_space<vmem_shared>>
      tpu.wait_dma2 semaphore(%run_scoped3A : memref<!tpu.dma_semaphore, #tpu.memory_space<semaphore_mem>>) src(%arg14 : memref<80x128xf32, #tpu.memory_space<vmem>>) dst(%dma_wait3A_49 : memref<80x128xf32, #tpu.memory_space<vmem_shared>>)
      tpu.yield
    }) : () -> ()
    %add3A_23 = arith.constant 320 : i32
    %add3A_24 = arith.addi %mul3A_15, %add3A_23 : i32
    "tpu.region"() ({
      %run_scoped3A = tpu.sem_alloc : memref<!tpu.dma_semaphore, #tpu.memory_space<semaphore_mem>>
      %dma_start3A = arith.constant 0 : i32
      %dma_start3A_44 = tpu.memref_slice %arg18[%add3A_24, %dma_start3A] : memref<10240x128xf32, #tpu.memory_space<vmem_shared>> -> memref<80x128xf32, #tpu.memory_space<vmem_shared>>
      %dma_start3A_45 = arith.constant 0 : i32
      %dma_start3A_46 = tpu.memref_slice %arg18[%add3A_24, %dma_start3A_45] : memref<10240x128xf32, #tpu.memory_space<vmem_shared>> -> memref<80x128xf32, #tpu.memory_space<vmem_shared>>
      tpu.enqueue_dma source(%arg14 : memref<80x128xf32, #tpu.memory_space<vmem>>) target(%dma_start3A_46 : memref<80x128xf32, #tpu.memory_space<vmem_shared>>) target_semaphore(%run_scoped3A : memref<!tpu.dma_semaphore, #tpu.memory_space<semaphore_mem>>)
      %dma_wait3A = arith.constant 0 : i32
      %dma_wait3A_47 = tpu.memref_slice %arg18[%add3A_24, %dma_wait3A] : memref<10240x128xf32, #tpu.memory_space<vmem_shared>> -> memref<80x128xf32, #tpu.memory_space<vmem_shared>>
      %dma_wait3A_48 = arith.constant 0 : i32
      %dma_wait3A_49 = tpu.memref_slice %arg18[%add3A_24, %dma_wait3A_48] : memref<10240x128xf32, #tpu.memory_space<vmem_shared>> -> memref<80x128xf32, #tpu.memory_space<vmem_shared>>
      tpu.wait_dma2 semaphore(%run_scoped3A : memref<!tpu.dma_semaphore, #tpu.memory_space<semaphore_mem>>) src(%arg14 : memref<80x128xf32, #tpu.memory_space<vmem>>) dst(%dma_wait3A_49 : memref<80x128xf32, #tpu.memory_space<vmem_shared>>)
      tpu.yield
    }) : () -> ()
    %add3A_25 = arith.constant 400 : i32
    %add3A_26 = arith.addi %mul3A_15, %add3A_25 : i32
    "tpu.region"() ({
      %run_scoped3A = tpu.sem_alloc : memref<!tpu.dma_semaphore, #tpu.memory_space<semaphore_mem>>
      %dma_start3A = arith.constant 0 : i32
      %dma_start3A_44 = tpu.memref_slice %arg18[%add3A_26, %dma_start3A] : memref<10240x128xf32, #tpu.memory_space<vmem_shared>> -> memref<80x128xf32, #tpu.memory_space<vmem_shared>>
      %dma_start3A_45 = arith.constant 0 : i32
      %dma_start3A_46 = tpu.memref_slice %arg18[%add3A_26, %dma_start3A_45] : memref<10240x128xf32, #tpu.memory_space<vmem_shared>> -> memref<80x128xf32, #tpu.memory_space<vmem_shared>>
      tpu.enqueue_dma source(%arg14 : memref<80x128xf32, #tpu.memory_space<vmem>>) target(%dma_start3A_46 : memref<80x128xf32, #tpu.memory_space<vmem_shared>>) target_semaphore(%run_scoped3A : memref<!tpu.dma_semaphore, #tpu.memory_space<semaphore_mem>>)
      %dma_wait3A = arith.constant 0 : i32
      %dma_wait3A_47 = tpu.memref_slice %arg18[%add3A_26, %dma_wait3A] : memref<10240x128xf32, #tpu.memory_space<vmem_shared>> -> memref<80x128xf32, #tpu.memory_space<vmem_shared>>
      %dma_wait3A_48 = arith.constant 0 : i32
      %dma_wait3A_49 = tpu.memref_slice %arg18[%add3A_26, %dma_wait3A_48] : memref<10240x128xf32, #tpu.memory_space<vmem_shared>> -> memref<80x128xf32, #tpu.memory_space<vmem_shared>>
      tpu.wait_dma2 semaphore(%run_scoped3A : memref<!tpu.dma_semaphore, #tpu.memory_space<semaphore_mem>>) src(%arg14 : memref<80x128xf32, #tpu.memory_space<vmem>>) dst(%dma_wait3A_49 : memref<80x128xf32, #tpu.memory_space<vmem_shared>>)
      tpu.yield
    }) : () -> ()
    %add3A_27 = arith.constant 480 : i32
    %add3A_28 = arith.addi %mul3A_15, %add3A_27 : i32
    "tpu.region"() ({
      %run_scoped3A = tpu.sem_alloc : memref<!tpu.dma_semaphore, #tpu.memory_space<semaphore_mem>>
      %dma_start3A = arith.constant 0 : i32
      %dma_start3A_44 = tpu.memref_slice %arg18[%add3A_28, %dma_start3A] : memref<10240x128xf32, #tpu.memory_space<vmem_shared>> -> memref<80x128xf32, #tpu.memory_space<vmem_shared>>
      %dma_start3A_45 = arith.constant 0 : i32
      %dma_start3A_46 = tpu.memref_slice %arg18[%add3A_28, %dma_start3A_45] : memref<10240x128xf32, #tpu.memory_space<vmem_shared>> -> memref<80x128xf32, #tpu.memory_space<vmem_shared>>
      tpu.enqueue_dma source(%arg14 : memref<80x128xf32, #tpu.memory_space<vmem>>) target(%dma_start3A_46 : memref<80x128xf32, #tpu.memory_space<vmem_shared>>) target_semaphore(%run_scoped3A : memref<!tpu.dma_semaphore, #tpu.memory_space<semaphore_mem>>)
      %dma_wait3A = arith.constant 0 : i32
      %dma_wait3A_47 = tpu.memref_slice %arg18[%add3A_28, %dma_wait3A] : memref<10240x128xf32, #tpu.memory_space<vmem_shared>> -> memref<80x128xf32, #tpu.memory_space<vmem_shared>>
      %dma_wait3A_48 = arith.constant 0 : i32
      %dma_wait3A_49 = tpu.memref_slice %arg18[%add3A_28, %dma_wait3A_48] : memref<10240x128xf32, #tpu.memory_space<vmem_shared>> -> memref<80x128xf32, #tpu.memory_space<vmem_shared>>
      tpu.wait_dma2 semaphore(%run_scoped3A : memref<!tpu.dma_semaphore, #tpu.memory_space<semaphore_mem>>) src(%arg14 : memref<80x128xf32, #tpu.memory_space<vmem>>) dst(%dma_wait3A_49 : memref<80x128xf32, #tpu.memory_space<vmem_shared>>)
      tpu.yield
    }) : () -> ()
    %add3A_29 = arith.constant 560 : i32
    %add3A_30 = arith.addi %mul3A_15, %add3A_29 : i32
    "tpu.region"() ({
      %run_scoped3A = tpu.sem_alloc : memref<!tpu.dma_semaphore, #tpu.memory_space<semaphore_mem>>
      %dma_start3A = arith.constant 0 : i32
      %dma_start3A_44 = tpu.memref_slice %arg18[%add3A_30, %dma_start3A] : memref<10240x128xf32, #tpu.memory_space<vmem_shared>> -> memref<80x128xf32, #tpu.memory_space<vmem_shared>>
      %dma_start3A_45 = arith.constant 0 : i32
      %dma_start3A_46 = tpu.memref_slice %arg18[%add3A_30, %dma_start3A_45] : memref<10240x128xf32, #tpu.memory_space<vmem_shared>> -> memref<80x128xf32, #tpu.memory_space<vmem_shared>>
      tpu.enqueue_dma source(%arg14 : memref<80x128xf32, #tpu.memory_space<vmem>>) target(%dma_start3A_46 : memref<80x128xf32, #tpu.memory_space<vmem_shared>>) target_semaphore(%run_scoped3A : memref<!tpu.dma_semaphore, #tpu.memory_space<semaphore_mem>>)
      %dma_wait3A = arith.constant 0 : i32
      %dma_wait3A_47 = tpu.memref_slice %arg18[%add3A_30, %dma_wait3A] : memref<10240x128xf32, #tpu.memory_space<vmem_shared>> -> memref<80x128xf32, #tpu.memory_space<vmem_shared>>
      %dma_wait3A_48 = arith.constant 0 : i32
      %dma_wait3A_49 = tpu.memref_slice %arg18[%add3A_30, %dma_wait3A_48] : memref<10240x128xf32, #tpu.memory_space<vmem_shared>> -> memref<80x128xf32, #tpu.memory_space<vmem_shared>>
      tpu.wait_dma2 semaphore(%run_scoped3A : memref<!tpu.dma_semaphore, #tpu.memory_space<semaphore_mem>>) src(%arg14 : memref<80x128xf32, #tpu.memory_space<vmem>>) dst(%dma_wait3A_49 : memref<80x128xf32, #tpu.memory_space<vmem_shared>>)
      tpu.yield
    }) : () -> ()
    "tpu.region"() ({
      %run_scoped3A = tpu.sem_alloc : memref<!tpu.dma_semaphore, #tpu.memory_space<semaphore_mem>>
      %dma_start3A = tpu.memref_slice %arg19[%mul3A_15] : memref<10240xf32, #tpu.memory_space<vmem_shared>> -> memref<640xf32, #tpu.memory_space<vmem_shared>>
      %dma_start3A_44 = tpu.memref_slice %arg19[%mul3A_15] : memref<10240xf32, #tpu.memory_space<vmem_shared>> -> memref<640xf32, #tpu.memory_space<vmem_shared>>
      tpu.enqueue_dma source(%arg15 : memref<640xf32, #tpu.memory_space<vmem>>) target(%dma_start3A_44 : memref<640xf32, #tpu.memory_space<vmem_shared>>) target_semaphore(%run_scoped3A : memref<!tpu.dma_semaphore, #tpu.memory_space<semaphore_mem>>)
      %dma_wait3A = tpu.memref_slice %arg19[%mul3A_15] : memref<10240xf32, #tpu.memory_space<vmem_shared>> -> memref<640xf32, #tpu.memory_space<vmem_shared>>
      %dma_wait3A_45 = tpu.memref_slice %arg19[%mul3A_15] : memref<10240xf32, #tpu.memory_space<vmem_shared>> -> memref<640xf32, #tpu.memory_space<vmem_shared>>
      tpu.wait_dma2 semaphore(%run_scoped3A : memref<!tpu.dma_semaphore, #tpu.memory_space<semaphore_mem>>) src(%arg15 : memref<640xf32, #tpu.memory_space<vmem>>) dst(%dma_wait3A_45 : memref<640xf32, #tpu.memory_space<vmem_shared>>)
      tpu.yield
    }) : () -> ()
    %barrier3A = arith.constant 0 : index
    tpu.barrier barrier_id(%barrier3A)
    %mul3A_31 = arith.constant 2 : i32
    %mul3A_32 = arith.muli %arg1, %mul3A_31 : i32
    %add3A_33 = arith.addi %mul3A_32, %arg0 : i32
    %mul3A_34 = arith.constant 10000 : i32
    %mul3A_35 = arith.muli %add3A_33, %mul3A_34 : i32
    %scan3A_36 = arith.constant 0 : i32
    %scan3A_37 = arith.constant 0 : i32
    %scan3A_38 = arith.constant 125 : i32
    %scan3A_39 = arith.addi %scan3A_37, %scan3A_38 : i32
    %scan3A_40 = arith.constant 1 : i32
    %scan3A_41 = scf.for %scan3A_44 = %scan3A_37 to %scan3A_39 step %scan3A_40 iter_args(%scan3A_45 = %scan3A_36) -> (i32)  : i32 {
      %mul3A_46 = arith.constant 80 : i32
      %mul3A_47 = arith.muli %scan3A_44, %mul3A_46 : i32
      %add3A_48 = arith.addi %mul3A_35, %mul3A_47 : i32
      "tpu.region"() ({
        %run_scoped3A = tpu.sem_alloc : memref<!tpu.dma_semaphore, #tpu.memory_space<semaphore_mem>>
        %dma_start3A_151 = tpu.memref_slice %arg5[%add3A_48] : memref<320000xi32, #tpu.memory_space<hbm>> -> memref<80xi32, #tpu.memory_space<hbm>>
        %dma_start3A_152 = tpu.memref_slice %arg5[%add3A_48] : memref<320000xi32, #tpu.memory_space<hbm>> -> memref<80xi32, #tpu.memory_space<hbm>>
        tpu.enqueue_dma source(%dma_start3A_152 : memref<80xi32, #tpu.memory_space<hbm>>) target(%arg9 : memref<80xi32, #tpu.memory_space<vmem>>) target_semaphore(%run_scoped3A : memref<!tpu.dma_semaphore, #tpu.memory_space<semaphore_mem>>)
        %dma_wait3A_153 = tpu.memref_slice %arg5[%add3A_48] : memref<320000xi32, #tpu.memory_space<hbm>> -> memref<80xi32, #tpu.memory_space<hbm>>
        %dma_wait3A_154 = tpu.memref_slice %arg5[%add3A_48] : memref<320000xi32, #tpu.memory_space<hbm>> -> memref<80xi32, #tpu.memory_space<hbm>>
        tpu.wait_dma2 semaphore(%run_scoped3A : memref<!tpu.dma_semaphore, #tpu.memory_space<semaphore_mem>>) src(%dma_wait3A_154 : memref<80xi32, #tpu.memory_space<hbm>>) dst(%arg9 : memref<80xi32, #tpu.memory_space<vmem>>)
        tpu.yield
      }) : () -> ()
      "tpu.region"() ({
        %run_scoped3A = tpu.sem_alloc : memref<!tpu.dma_semaphore, #tpu.memory_space<semaphore_mem>>
        %dma_start3A_151 = tpu.memref_slice %arg6[%add3A_48] : memref<320000xi32, #tpu.memory_space<hbm>> -> memref<80xi32, #tpu.memory_space<hbm>>
        %dma_start3A_152 = tpu.memref_slice %arg6[%add3A_48] : memref<320000xi32, #tpu.memory_space<hbm>> -> memref<80xi32, #tpu.memory_space<hbm>>
        tpu.enqueue_dma source(%dma_start3A_152 : memref<80xi32, #tpu.memory_space<hbm>>) target(%arg10 : memref<80xi32, #tpu.memory_space<vmem>>) target_semaphore(%run_scoped3A : memref<!tpu.dma_semaphore, #tpu.memory_space<semaphore_mem>>)
        %dma_wait3A_153 = tpu.memref_slice %arg6[%add3A_48] : memref<320000xi32, #tpu.memory_space<hbm>> -> memref<80xi32, #tpu.memory_space<hbm>>
        %dma_wait3A_154 = tpu.memref_slice %arg6[%add3A_48] : memref<320000xi32, #tpu.memory_space<hbm>> -> memref<80xi32, #tpu.memory_space<hbm>>
        tpu.wait_dma2 semaphore(%run_scoped3A : memref<!tpu.dma_semaphore, #tpu.memory_space<semaphore_mem>>) src(%dma_wait3A_154 : memref<80xi32, #tpu.memory_space<hbm>>) dst(%arg10 : memref<80xi32, #tpu.memory_space<vmem>>)
        tpu.yield
      }) : () -> ()
      %dma_start3A = arith.constant 0 : i32
      %dma_start3A_49 = arith.constant 0 : i32
      %dma_start3A_50 = tpu.memref_slice %arg2[%dma_start3A, %dma_start3A_49] : memref<10000x128xf32, #tpu.memory_space<hbm>> -> memref<10000x128xf32, #tpu.memory_space<hbm>>
      tpu.enqueue_indirect_dma source(%dma_start3A_50 : memref<10000x128xf32, #tpu.memory_space<hbm>>) target(%arg14 : memref<80x128xf32, #tpu.memory_space<vmem>>) offsets(%arg9 : memref<80xi32, #tpu.memory_space<vmem>>) semaphore(%arg20 : memref<!tpu.dma_semaphore, #tpu.memory_space<semaphore_mem>>)
      "tpu.region"() ({
        %run_scoped3A = tpu.sem_alloc : memref<!tpu.dma_semaphore, #tpu.memory_space<semaphore_mem>>
        %dma_start3A_151 = arith.constant 0 : i32
        %dma_start3A_152 = tpu.memref_slice %arg16[%dma_start3A_151] : memref<10240xf32, #tpu.memory_space<vmem_shared>> -> memref<10240xf32, #tpu.memory_space<vmem_shared>>
        tpu.enqueue_indirect_dma source(%dma_start3A_152 : memref<10240xf32, #tpu.memory_space<vmem_shared>>) target(%arg11 : memref<80xf32, #tpu.memory_space<vmem>>) offsets(%arg9 : memref<80xi32, #tpu.memory_space<vmem>>) semaphore(%run_scoped3A : memref<!tpu.dma_semaphore, #tpu.memory_space<semaphore_mem>>)
        %dma_wait3A_153 = arith.constant 0 : i32
        %dma_wait3A_154 = tpu.memref_slice %arg16[%dma_wait3A_153] : memref<10240xf32, #tpu.memory_space<vmem_shared>> -> memref<10240xf32, #tpu.memory_space<vmem_shared>>
        tpu.wait_indirect_dma semaphore(%run_scoped3A : memref<!tpu.dma_semaphore, #tpu.memory_space<semaphore_mem>>) src(%dma_wait3A_154 : memref<10240xf32, #tpu.memory_space<vmem_shared>>) dst(%arg11 : memref<80xf32, #tpu.memory_space<vmem>>)
        tpu.yield
      }) : () -> ()
      "tpu.region"() ({
        %run_scoped3A = tpu.sem_alloc : memref<!tpu.dma_semaphore, #tpu.memory_space<semaphore_mem>>
        %dma_start3A_151 = arith.constant 0 : i32
        %dma_start3A_152 = tpu.memref_slice %arg17[%dma_start3A_151] : memref<10240xf32, #tpu.memory_space<vmem_shared>> -> memref<10240xf32, #tpu.memory_space<vmem_shared>>
        tpu.enqueue_indirect_dma source(%dma_start3A_152 : memref<10240xf32, #tpu.memory_space<vmem_shared>>) target(%arg12 : memref<80xf32, #tpu.memory_space<vmem>>) offsets(%arg10 : memref<80xi32, #tpu.memory_space<vmem>>) semaphore(%run_scoped3A : memref<!tpu.dma_semaphore, #tpu.memory_space<semaphore_mem>>)
        %dma_wait3A_153 = arith.constant 0 : i32
        %dma_wait3A_154 = tpu.memref_slice %arg17[%dma_wait3A_153] : memref<10240xf32, #tpu.memory_space<vmem_shared>> -> memref<10240xf32, #tpu.memory_space<vmem_shared>>
        tpu.wait_indirect_dma semaphore(%run_scoped3A : memref<!tpu.dma_semaphore, #tpu.memory_space<semaphore_mem>>) src(%dma_wait3A_154 : memref<10240xf32, #tpu.memory_space<vmem_shared>>) dst(%arg12 : memref<80xf32, #tpu.memory_space<vmem>>)
        tpu.yield
      }) : () -> ()
      %get3A = arith.constant 0 : index
      %get3A_51 = tpu.vector_load %arg11[%get3A] {strides = array<i32>} : memref<80xf32, #tpu.memory_space<vmem>>, vector<16xf32>,
      %get3A_52 = vector.shape_cast %get3A_51 : vector<16xf32> to vector<16xf32>
      %get3A_53 = arith.constant 0 : index
      %get3A_54 = tpu.vector_load %arg12[%get3A_53] {strides = array<i32>} : memref<80xf32, #tpu.memory_space<vmem>>, vector<16xf32>,
      %get3A_55 = vector.shape_cast %get3A_54 : vector<16xf32> to vector<16xf32>
      %add3A_56 = arith.addf %get3A_52, %get3A_55 : vector<16xf32>
      %ge3A = arith.constant 0.000000e+00 : f32
      %ge3A_57 = vector.broadcast %ge3A : f32 to vector<16xf32>
      %ge3A_58 = arith.cmpf oge, %add3A_56, %ge3A_57 : vector<16xf32>
      %mul3A_59 = arith.constant 2.000000e-01 : f32
      %mul3A_60 = vector.broadcast %mul3A_59 : f32 to vector<16xf32>
      %mul3A_61 = arith.mulf %mul3A_60, %add3A_56 : vector<16xf32>
      %select_n3A = arith.select %ge3A_58, %add3A_56, %mul3A_61 : vector<16xi1>, vector<16xf32>
      %exp3A = math.exp %select_n3A : vector<16xf32>
      %swap3A = arith.constant 0 : index
      %swap3A_62 = tpu.vector_load %arg13[%swap3A] {strides = array<i32>} : memref<80xf32, #tpu.memory_space<vmem>>, vector<16xf32>,
      %swap3A_63 = vector.shape_cast %swap3A_62 : vector<16xf32> to vector<16xf32>
      %swap3A_64 = vector.shape_cast %exp3A : vector<16xf32> to vector<16xf32>
      tpu.vector_store %arg13[%swap3A], %swap3A_64 {strides = array<i32>} : memref<80xf32, #tpu.memory_space<vmem>>, vector<16xf32>,
      %get3A_65 = arith.constant 16 : index
      %get3A_66 = tpu.vector_load %arg11[%get3A_65] {strides = array<i32>} : memref<80xf32, #tpu.memory_space<vmem>>, vector<16xf32>,
      %get3A_67 = vector.shape_cast %get3A_66 : vector<16xf32> to vector<16xf32>
      %get3A_68 = arith.constant 16 : index
      %get3A_69 = tpu.vector_load %arg12[%get3A_68] {strides = array<i32>} : memref<80xf32, #tpu.memory_space<vmem>>, vector<16xf32>,
      %get3A_70 = vector.shape_cast %get3A_69 : vector<16xf32> to vector<16xf32>
      %add3A_71 = arith.addf %get3A_67, %get3A_70 : vector<16xf32>
      %ge3A_72 = arith.constant 0.000000e+00 : f32
      %ge3A_73 = vector.broadcast %ge3A_72 : f32 to vector<16xf32>
      %ge3A_74 = arith.cmpf oge, %add3A_71, %ge3A_73 : vector<16xf32>
      %mul3A_75 = arith.constant 2.000000e-01 : f32
      %mul3A_76 = vector.broadcast %mul3A_75 : f32 to vector<16xf32>
      %mul3A_77 = arith.mulf %mul3A_76, %add3A_71 : vector<16xf32>
      %select_n3A_78 = arith.select %ge3A_74, %add3A_71, %mul3A_77 : vector<16xi1>, vector<16xf32>
      %exp3A_79 = math.exp %select_n3A_78 : vector<16xf32>
      %swap3A_80 = arith.constant 16 : index
      %swap3A_81 = tpu.vector_load %arg13[%swap3A_80] {strides = array<i32>} : memref<80xf32, #tpu.memory_space<vmem>>, vector<16xf32>,
      %swap3A_82 = vector.shape_cast %swap3A_81 : vector<16xf32> to vector<16xf32>
      %swap3A_83 = vector.shape_cast %exp3A_79 : vector<16xf32> to vector<16xf32>
      tpu.vector_store %arg13[%swap3A_80], %swap3A_83 {strides = array<i32>} : memref<80xf32, #tpu.memory_space<vmem>>, vector<16xf32>,
      %get3A_84 = arith.constant 32 : index
      %get3A_85 = tpu.vector_load %arg11[%get3A_84] {strides = array<i32>} : memref<80xf32, #tpu.memory_space<vmem>>, vector<16xf32>,
      %get3A_86 = vector.shape_cast %get3A_85 : vector<16xf32> to vector<16xf32>
      %get3A_87 = arith.constant 32 : index
      %get3A_88 = tpu.vector_load %arg12[%get3A_87] {strides = array<i32>} : memref<80xf32, #tpu.memory_space<vmem>>, vector<16xf32>,
      %get3A_89 = vector.shape_cast %get3A_88 : vector<16xf32> to vector<16xf32>
      %add3A_90 = arith.addf %get3A_86, %get3A_89 : vector<16xf32>
      %ge3A_91 = arith.constant 0.000000e+00 : f32
      %ge3A_92 = vector.broadcast %ge3A_91 : f32 to vector<16xf32>
      %ge3A_93 = arith.cmpf oge, %add3A_90, %ge3A_92 : vector<16xf32>
      %mul3A_94 = arith.constant 2.000000e-01 : f32
      %mul3A_95 = vector.broadcast %mul3A_94 : f32 to vector<16xf32>
      %mul3A_96 = arith.mulf %mul3A_95, %add3A_90 : vector<16xf32>
      %select_n3A_97 = arith.select %ge3A_93, %add3A_90, %mul3A_96 : vector<16xi1>, vector<16xf32>
      %exp3A_98 = math.exp %select_n3A_97 : vector<16xf32>
      %swap3A_99 = arith.constant 32 : index
      %swap3A_100 = tpu.vector_load %arg13[%swap3A_99] {strides = array<i32>} : memref<80xf32, #tpu.memory_space<vmem>>, vector<16xf32>,
      %swap3A_101 = vector.shape_cast %swap3A_100 : vector<16xf32> to vector<16xf32>
      %swap3A_102 = vector.shape_cast %exp3A_98 : vector<16xf32> to vector<16xf32>
      tpu.vector_store %arg13[%swap3A_99], %swap3A_102 {strides = array<i32>} : memref<80xf32, #tpu.memory_space<vmem>>, vector<16xf32>,
      %get3A_103 = arith.constant 48 : index
      %get3A_104 = tpu.vector_load %arg11[%get3A_103] {strides = array<i32>} : memref<80xf32, #tpu.memory_space<vmem>>, vector<16xf32>,
      %get3A_105 = vector.shape_cast %get3A_104 : vector<16xf32> to vector<16xf32>
      %get3A_106 = arith.constant 48 : index
      %get3A_107 = tpu.vector_load %arg12[%get3A_106] {strides = array<i32>} : memref<80xf32, #tpu.memory_space<vmem>>, vector<16xf32>,
      %get3A_108 = vector.shape_cast %get3A_107 : vector<16xf32> to vector<16xf32>
      %add3A_109 = arith.addf %get3A_105, %get3A_108 : vector<16xf32>
      %ge3A_110 = arith.constant 0.000000e+00 : f32
      %ge3A_111 = vector.broadcast %ge3A_110 : f32 to vector<16xf32>
      %ge3A_112 = arith.cmpf oge, %add3A_109, %ge3A_111 : vector<16xf32>
      %mul3A_113 = arith.constant 2.000000e-01 : f32
      %mul3A_114 = vector.broadcast %mul3A_113 : f32 to vector<16xf32>
      %mul3A_115 = arith.mulf %mul3A_114, %add3A_109 : vector<16xf32>
      %select_n3A_116 = arith.select %ge3A_112, %add3A_109, %mul3A_115 : vector<16xi1>, vector<16xf32>
      %exp3A_117 = math.exp %select_n3A_116 : vector<16xf32>
      %swap3A_118 = arith.constant 48 : index
      %swap3A_119 = tpu.vector_load %arg13[%swap3A_118] {strides = array<i32>} : memref<80xf32, #tpu.memory_space<vmem>>, vector<16xf32>,
      %swap3A_120 = vector.shape_cast %swap3A_119 : vector<16xf32> to vector<16xf32>
      %swap3A_121 = vector.shape_cast %exp3A_117 : vector<16xf32> to vector<16xf32>
      tpu.vector_store %arg13[%swap3A_118], %swap3A_121 {strides = array<i32>} : memref<80xf32, #tpu.memory_space<vmem>>, vector<16xf32>,
      %get3A_122 = arith.constant 64 : index
      %get3A_123 = tpu.vector_load %arg11[%get3A_122] {strides = array<i32>} : memref<80xf32, #tpu.memory_space<vmem>>, vector<16xf32>,
      %get3A_124 = vector.shape_cast %get3A_123 : vector<16xf32> to vector<16xf32>
      %get3A_125 = arith.constant 64 : index
      %get3A_126 = tpu.vector_load %arg12[%get3A_125] {strides = array<i32>} : memref<80xf32, #tpu.memory_space<vmem>>, vector<16xf32>,
      %get3A_127 = vector.shape_cast %get3A_126 : vector<16xf32> to vector<16xf32>
      %add3A_128 = arith.addf %get3A_124, %get3A_127 : vector<16xf32>
      %ge3A_129 = arith.constant 0.000000e+00 : f32
      %ge3A_130 = vector.broadcast %ge3A_129 : f32 to vector<16xf32>
      %ge3A_131 = arith.cmpf oge, %add3A_128, %ge3A_130 : vector<16xf32>
      %mul3A_132 = arith.constant 2.000000e-01 : f32
      %mul3A_133 = vector.broadcast %mul3A_132 : f32 to vector<16xf32>
      %mul3A_134 = arith.mulf %mul3A_133, %add3A_128 : vector<16xf32>
      %select_n3A_135 = arith.select %ge3A_131, %add3A_128, %mul3A_134 : vector<16xi1>, vector<16xf32>
      %exp3A_136 = math.exp %select_n3A_135 : vector<16xf32>
      %swap3A_137 = arith.constant 64 : index
      %swap3A_138 = tpu.vector_load %arg13[%swap3A_137] {strides = array<i32>} : memref<80xf32, #tpu.memory_space<vmem>>, vector<16xf32>,
      %swap3A_139 = vector.shape_cast %swap3A_138 : vector<16xf32> to vector<16xf32>
      %swap3A_140 = vector.shape_cast %exp3A_136 : vector<16xf32> to vector<16xf32>
      tpu.vector_store %arg13[%swap3A_137], %swap3A_140 {strides = array<i32>} : memref<80xf32, #tpu.memory_space<vmem>>, vector<16xf32>,
      %dma_wait3A = arith.constant 0 : i32
      %dma_wait3A_141 = arith.constant 0 : i32
      %dma_wait3A_142 = tpu.memref_slice %arg2[%dma_wait3A, %dma_wait3A_141] : memref<10000x128xf32, #tpu.memory_space<hbm>> -> memref<10000x128xf32, #tpu.memory_space<hbm>>
      tpu.wait_indirect_dma semaphore(%arg20 : memref<!tpu.dma_semaphore, #tpu.memory_space<semaphore_mem>>) src(%dma_wait3A_142 : memref<10000x128xf32, #tpu.memory_space<hbm>>) dst(%arg14 : memref<80x128xf32, #tpu.memory_space<vmem>>)
      %scan3A_143 = arith.constant 0 : i32
      %scan3A_144 = arith.constant 0 : i32
      %scan3A_145 = arith.constant 5 : i32
      %scan3A_146 = arith.addi %scan3A_144, %scan3A_145 : i32
      %scan3A_147 = arith.constant 1 : i32
      %scan3A_148 = scf.for %scan3A_151 = %scan3A_144 to %scan3A_146 step %scan3A_147 iter_args(%scan3A_152 = %scan3A_143) -> (i32)  : i32 {
        %mul3A_153 = arith.constant 16 : i32
        %mul3A_154 = arith.muli %scan3A_151, %mul3A_153 : i32
        %get3A_155 = arith.index_cast %mul3A_154 : i32 to index
        %get3A_156 = tpu.vector_load %arg13[%get3A_155] {strides = array<i32>} : memref<80xf32, #tpu.memory_space<vmem>>, vector<16xf32>,
        %get3A_157 = vector.shape_cast %get3A_156 : vector<16xf32> to vector<16xf32>
        %mul3A_158 = arith.constant 16 : i32
        %mul3A_159 = arith.muli %scan3A_151, %mul3A_158 : i32
        %slice3A = vector.extract_strided_slice %get3A_157 {offsets = [0], sizes = [1], strides = [1]} : vector<16xf32> to vector<1xf32>
        %squeeze3A = vector.extract %slice3A[0] : f32 from vector<1xf32>
        %broadcast_in_dim3A = vector.broadcast %squeeze3A : f32 to vector<16xf32>
        %add3A_160 = arith.constant 0 : i32
        %add3A_161 = arith.addi %mul3A_159, %add3A_160 : i32
        %get3A_162 = arith.index_cast %add3A_161 : i32 to index
        %get3A_163 = arith.constant 0 : index
        %get3A_164 = tpu.vector_load %arg14[%get3A_162, %get3A_163] {strides = array<i32>} : memref<80x128xf32, #tpu.memory_space<vmem>>, vector<1x16xf32>,
        %get3A_165 = vector.shape_cast %get3A_164 : vector<1x16xf32> to vector<16xf32>
        %mul3A_166 = arith.mulf %get3A_165, %broadcast_in_dim3A : vector<16xf32>
        %add3A_167 = arith.constant 0 : i32
        %add3A_168 = arith.addi %mul3A_159, %add3A_167 : i32
        %swap3A_169 = arith.index_cast %add3A_168 : i32 to index
        %swap3A_170 = arith.constant 0 : index
        %swap3A_171 = tpu.vector_load %arg14[%swap3A_169, %swap3A_170] {strides = array<i32>} : memref<80x128xf32, #tpu.memory_space<vmem>>, vector<1x16xf32>,
        %swap3A_172 = vector.shape_cast %swap3A_171 : vector<1x16xf32> to vector<16xf32>
        %swap3A_173 = vector.shape_cast %mul3A_166 : vector<16xf32> to vector<1x16xf32>
        tpu.vector_store %arg14[%swap3A_169, %swap3A_170], %swap3A_173 {strides = array<i32>} : memref<80x128xf32, #tpu.memory_space<vmem>>, vector<1x16xf32>,
        %add3A_174 = arith.constant 0 : i32
        %add3A_175 = arith.addi %mul3A_159, %add3A_174 : i32
        %get3A_176 = arith.index_cast %add3A_175 : i32 to index
        %get3A_177 = arith.constant 16 : index
        %get3A_178 = tpu.vector_load %arg14[%get3A_176, %get3A_177] {strides = array<i32>} : memref<80x128xf32, #tpu.memory_space<vmem>>, vector<1x16xf32>,
        %get3A_179 = vector.shape_cast %get3A_178 : vector<1x16xf32> to vector<16xf32>
        %mul3A_180 = arith.mulf %get3A_179, %broadcast_in_dim3A : vector<16xf32>
        %add3A_181 = arith.constant 0 : i32
        %add3A_182 = arith.addi %mul3A_159, %add3A_181 : i32
        %swap3A_183 = arith.index_cast %add3A_182 : i32 to index
        %swap3A_184 = arith.constant 16 : index
        %swap3A_185 = tpu.vector_load %arg14[%swap3A_183, %swap3A_184] {strides = array<i32>} : memref<80x128xf32, #tpu.memory_space<vmem>>, vector<1x16xf32>,
        %swap3A_186 = vector.shape_cast %swap3A_185 : vector<1x16xf32> to vector<16xf32>
        %swap3A_187 = vector.shape_cast %mul3A_180 : vector<16xf32> to vector<1x16xf32>
        tpu.vector_store %arg14[%swap3A_183, %swap3A_184], %swap3A_187 {strides = array<i32>} : memref<80x128xf32, #tpu.memory_space<vmem>>, vector<1x16xf32>,
        %add3A_188 = arith.constant 0 : i32
        %add3A_189 = arith.addi %mul3A_159, %add3A_188 : i32
        %get3A_190 = arith.index_cast %add3A_189 : i32 to index
        %get3A_191 = arith.constant 32 : index
        %get3A_192 = tpu.vector_load %arg14[%get3A_190, %get3A_191] {strides = array<i32>} : memref<80x128xf32, #tpu.memory_space<vmem>>, vector<1x16xf32>,
        %get3A_193 = vector.shape_cast %get3A_192 : vector<1x16xf32> to vector<16xf32>
        %mul3A_194 = arith.mulf %get3A_193, %broadcast_in_dim3A : vector<16xf32>
        %add3A_195 = arith.constant 0 : i32
        %add3A_196 = arith.addi %mul3A_159, %add3A_195 : i32
        %swap3A_197 = arith.index_cast %add3A_196 : i32 to index
        %swap3A_198 = arith.constant 32 : index
        %swap3A_199 = tpu.vector_load %arg14[%swap3A_197, %swap3A_198] {strides = array<i32>} : memref<80x128xf32, #tpu.memory_space<vmem>>, vector<1x16xf32>,
        %swap3A_200 = vector.shape_cast %swap3A_199 : vector<1x16xf32> to vector<16xf32>
        %swap3A_201 = vector.shape_cast %mul3A_194 : vector<16xf32> to vector<1x16xf32>
        tpu.vector_store %arg14[%swap3A_197, %swap3A_198], %swap3A_201 {strides = array<i32>} : memref<80x128xf32, #tpu.memory_space<vmem>>, vector<1x16xf32>,
        %add3A_202 = arith.constant 0 : i32
        %add3A_203 = arith.addi %mul3A_159, %add3A_202 : i32
        %get3A_204 = arith.index_cast %add3A_203 : i32 to index
        %get3A_205 = arith.constant 48 : index
        %get3A_206 = tpu.vector_load %arg14[%get3A_204, %get3A_205] {strides = array<i32>} : memref<80x128xf32, #tpu.memory_space<vmem>>, vector<1x16xf32>,
        %get3A_207 = vector.shape_cast %get3A_206 : vector<1x16xf32> to vector<16xf32>
        %mul3A_208 = arith.mulf %get3A_207, %broadcast_in_dim3A : vector<16xf32>
        %add3A_209 = arith.constant 0 : i32
        %add3A_210 = arith.addi %mul3A_159, %add3A_209 : i32
        %swap3A_211 = arith.index_cast %add3A_210 : i32 to index
        %swap3A_212 = arith.constant 48 : index
        %swap3A_213 = tpu.vector_load %arg14[%swap3A_211, %swap3A_212] {strides = array<i32>} : memref<80x128xf32, #tpu.memory_space<vmem>>, vector<1x16xf32>,
        %swap3A_214 = vector.shape_cast %swap3A_213 : vector<1x16xf32> to vector<16xf32>
        %swap3A_215 = vector.shape_cast %mul3A_208 : vector<16xf32> to vector<1x16xf32>
        tpu.vector_store %arg14[%swap3A_211, %swap3A_212], %swap3A_215 {strides = array<i32>} : memref<80x128xf32, #tpu.memory_space<vmem>>, vector<1x16xf32>,
        %add3A_216 = arith.constant 0 : i32
        %add3A_217 = arith.addi %mul3A_159, %add3A_216 : i32
        %get3A_218 = arith.index_cast %add3A_217 : i32 to index
        %get3A_219 = arith.constant 64 : index
        %get3A_220 = tpu.vector_load %arg14[%get3A_218, %get3A_219] {strides = array<i32>} : memref<80x128xf32, #tpu.memory_space<vmem>>, vector<1x16xf32>,
        %get3A_221 = vector.shape_cast %get3A_220 : vector<1x16xf32> to vector<16xf32>
        %mul3A_222 = arith.mulf %get3A_221, %broadcast_in_dim3A : vector<16xf32>
        %add3A_223 = arith.constant 0 : i32
        %add3A_224 = arith.addi %mul3A_159, %add3A_223 : i32
        %swap3A_225 = arith.index_cast %add3A_224 : i32 to index
        %swap3A_226 = arith.constant 64 : index
        %swap3A_227 = tpu.vector_load %arg14[%swap3A_225, %swap3A_226] {strides = array<i32>} : memref<80x128xf32, #tpu.memory_space<vmem>>, vector<1x16xf32>,
        %swap3A_228 = vector.shape_cast %swap3A_227 : vector<1x16xf32> to vector<16xf32>
        %swap3A_229 = vector.shape_cast %mul3A_222 : vector<16xf32> to vector<1x16xf32>
        tpu.vector_store %arg14[%swap3A_225, %swap3A_226], %swap3A_229 {strides = array<i32>} : memref<80x128xf32, #tpu.memory_space<vmem>>, vector<1x16xf32>,
        %add3A_230 = arith.constant 0 : i32
        %add3A_231 = arith.addi %mul3A_159, %add3A_230 : i32
        %get3A_232 = arith.index_cast %add3A_231 : i32 to index
        %get3A_233 = arith.constant 80 : index
        %get3A_234 = tpu.vector_load %arg14[%get3A_232, %get3A_233] {strides = array<i32>} : memref<80x128xf32, #tpu.memory_space<vmem>>, vector<1x16xf32>,
        %get3A_235 = vector.shape_cast %get3A_234 : vector<1x16xf32> to vector<16xf32>
        %mul3A_236 = arith.mulf %get3A_235, %broadcast_in_dim3A : vector<16xf32>
        %add3A_237 = arith.constant 0 : i32
        %add3A_238 = arith.addi %mul3A_159, %add3A_237 : i32
        %swap3A_239 = arith.index_cast %add3A_238 : i32 to index
        %swap3A_240 = arith.constant 80 : index
        %swap3A_241 = tpu.vector_load %arg14[%swap3A_239, %swap3A_240] {strides = array<i32>} : memref<80x128xf32, #tpu.memory_space<vmem>>, vector<1x16xf32>,
        %swap3A_242 = vector.shape_cast %swap3A_241 : vector<1x16xf32> to vector<16xf32>
        %swap3A_243 = vector.shape_cast %mul3A_236 : vector<16xf32> to vector<1x16xf32>
        tpu.vector_store %arg14[%swap3A_239, %swap3A_240], %swap3A_243 {strides = array<i32>} : memref<80x128xf32, #tpu.memory_space<vmem>>, vector<1x16xf32>,
        %add3A_244 = arith.constant 0 : i32
        %add3A_245 = arith.addi %mul3A_159, %add3A_244 : i32
        %get3A_246 = arith.index_cast %add3A_245 : i32 to index
        %get3A_247 = arith.constant 96 : index
        %get3A_248 = tpu.vector_load %arg14[%get3A_246, %get3A_247] {strides = array<i32>} : memref<80x128xf32, #tpu.memory_space<vmem>>, vector<1x16xf32>,
        %get3A_249 = vector.shape_cast %get3A_248 : vector<1x16xf32> to vector<16xf32>
        %mul3A_250 = arith.mulf %get3A_249, %broadcast_in_dim3A : vector<16xf32>
        %add3A_251 = arith.constant 0 : i32
        %add3A_252 = arith.addi %mul3A_159, %add3A_251 : i32
        %swap3A_253 = arith.index_cast %add3A_252 : i32 to index
        %swap3A_254 = arith.constant 96 : index
        %swap3A_255 = tpu.vector_load %arg14[%swap3A_253, %swap3A_254] {strides = array<i32>} : memref<80x128xf32, #tpu.memory_space<vmem>>, vector<1x16xf32>,
        %swap3A_256 = vector.shape_cast %swap3A_255 : vector<1x16xf32> to vector<16xf32>
        %swap3A_257 = vector.shape_cast %mul3A_250 : vector<16xf32> to vector<1x16xf32>
        tpu.vector_store %arg14[%swap3A_253, %swap3A_254], %swap3A_257 {strides = array<i32>} : memref<80x128xf32, #tpu.memory_space<vmem>>, vector<1x16xf32>,
        %add3A_258 = arith.constant 0 : i32
        %add3A_259 = arith.addi %mul3A_159, %add3A_258 : i32
        %get3A_260 = arith.index_cast %add3A_259 : i32 to index
        %get3A_261 = arith.constant 112 : index
        %get3A_262 = tpu.vector_load %arg14[%get3A_260, %get3A_261] {strides = array<i32>} : memref<80x128xf32, #tpu.memory_space<vmem>>, vector<1x16xf32>,
        %get3A_263 = vector.shape_cast %get3A_262 : vector<1x16xf32> to vector<16xf32>
        %mul3A_264 = arith.mulf %get3A_263, %broadcast_in_dim3A : vector<16xf32>
        %add3A_265 = arith.constant 0 : i32
        %add3A_266 = arith.addi %mul3A_159, %add3A_265 : i32
        %swap3A_267 = arith.index_cast %add3A_266 : i32 to index
        %swap3A_268 = arith.constant 112 : index
        %swap3A_269 = tpu.vector_load %arg14[%swap3A_267, %swap3A_268] {strides = array<i32>} : memref<80x128xf32, #tpu.memory_space<vmem>>, vector<1x16xf32>,
        %swap3A_270 = vector.shape_cast %swap3A_269 : vector<1x16xf32> to vector<16xf32>
        %swap3A_271 = vector.shape_cast %mul3A_264 : vector<16xf32> to vector<1x16xf32>
        tpu.vector_store %arg14[%swap3A_267, %swap3A_268], %swap3A_271 {strides = array<i32>} : memref<80x128xf32, #tpu.memory_space<vmem>>, vector<1x16xf32>,
        %slice3A_272 = vector.extract_strided_slice %get3A_157 {offsets = [1], sizes = [1], strides = [1]} : vector<16xf32> to vector<1xf32>
        %squeeze3A_273 = vector.extract %slice3A_272[0] : f32 from vector<1xf32>
        %broadcast_in_dim3A_274 = vector.broadcast %squeeze3A_273 : f32 to vector<16xf32>
        %add3A_275 = arith.constant 1 : i32
        %add3A_276 = arith.addi %mul3A_159, %add3A_275 : i32
        %get3A_277 = arith.index_cast %add3A_276 : i32 to index
        %get3A_278 = arith.constant 0 : index
        %get3A_279 = tpu.vector_load %arg14[%get3A_277, %get3A_278] {strides = array<i32>} : memref<80x128xf32, #tpu.memory_space<vmem>>, vector<1x16xf32>,
        %get3A_280 = vector.shape_cast %get3A_279 : vector<1x16xf32> to vector<16xf32>
        %mul3A_281 = arith.mulf %get3A_280, %broadcast_in_dim3A_274 : vector<16xf32>
        %add3A_282 = arith.constant 1 : i32
        %add3A_283 = arith.addi %mul3A_159, %add3A_282 : i32
        %swap3A_284 = arith.index_cast %add3A_283 : i32 to index
        %swap3A_285 = arith.constant 0 : index
        %swap3A_286 = tpu.vector_load %arg14[%swap3A_284, %swap3A_285] {strides = array<i32>} : memref<80x128xf32, #tpu.memory_space<vmem>>, vector<1x16xf32>,
        %swap3A_287 = vector.shape_cast %swap3A_286 : vector<1x16xf32> to vector<16xf32>
        %swap3A_288 = vector.shape_cast %mul3A_281 : vector<16xf32> to vector<1x16xf32>
        tpu.vector_store %arg14[%swap3A_284, %swap3A_285], %swap3A_288 {strides = array<i32>} : memref<80x128xf32, #tpu.memory_space<vmem>>, vector<1x16xf32>,
        %add3A_289 = arith.constant 1 : i32
        %add3A_290 = arith.addi %mul3A_159, %add3A_289 : i32
        %get3A_291 = arith.index_cast %add3A_290 : i32 to index
        %get3A_292 = arith.constant 16 : index
        %get3A_293 = tpu.vector_load %arg14[%get3A_291, %get3A_292] {strides = array<i32>} : memref<80x128xf32, #tpu.memory_space<vmem>>, vector<1x16xf32>,
        %get3A_294 = vector.shape_cast %get3A_293 : vector<1x16xf32> to vector<16xf32>
        %mul3A_295 = arith.mulf %get3A_294, %broadcast_in_dim3A_274 : vector<16xf32>
        %add3A_296 = arith.constant 1 : i32
        %add3A_297 = arith.addi %mul3A_159, %add3A_296 : i32
        %swap3A_298 = arith.index_cast %add3A_297 : i32 to index
        %swap3A_299 = arith.constant 16 : index
        %swap3A_300 = tpu.vector_load %arg14[%swap3A_298, %swap3A_299] {strides = array<i32>} : memref<80x128xf32, #tpu.memory_space<vmem>>, vector<1x16xf32>,
        %swap3A_301 = vector.shape_cast %swap3A_300 : vector<1x16xf32> to vector<16xf32>
        %swap3A_302 = vector.shape_cast %mul3A_295 : vector<16xf32> to vector<1x16xf32>
        tpu.vector_store %arg14[%swap3A_298, %swap3A_299], %swap3A_302 {strides = array<i32>} : memref<80x128xf32, #tpu.memory_space<vmem>>, vector<1x16xf32>,
        %add3A_303 = arith.constant 1 : i32
        %add3A_304 = arith.addi %mul3A_159, %add3A_303 : i32
        %get3A_305 = arith.index_cast %add3A_304 : i32 to index
        %get3A_306 = arith.constant 32 : index
        %get3A_307 = tpu.vector_load %arg14[%get3A_305, %get3A_306] {strides = array<i32>} : memref<80x128xf32, #tpu.memory_space<vmem>>, vector<1x16xf32>,
        %get3A_308 = vector.shape_cast %get3A_307 : vector<1x16xf32> to vector<16xf32>
        %mul3A_309 = arith.mulf %get3A_308, %broadcast_in_dim3A_274 : vector<16xf32>
        %add3A_310 = arith.constant 1 : i32
        %add3A_311 = arith.addi %mul3A_159, %add3A_310 : i32
        %swap3A_312 = arith.index_cast %add3A_311 : i32 to index
        %swap3A_313 = arith.constant 32 : index
        %swap3A_314 = tpu.vector_load %arg14[%swap3A_312, %swap3A_313] {strides = array<i32>} : memref<80x128xf32, #tpu.memory_space<vmem>>, vector<1x16xf32>,
        %swap3A_315 = vector.shape_cast %swap3A_314 : vector<1x16xf32> to vector<16xf32>
        %swap3A_316 = vector.shape_cast %mul3A_309 : vector<16xf32> to vector<1x16xf32>
        tpu.vector_store %arg14[%swap3A_312, %swap3A_313], %swap3A_316 {strides = array<i32>} : memref<80x128xf32, #tpu.memory_space<vmem>>, vector<1x16xf32>,
        %add3A_317 = arith.constant 1 : i32
        %add3A_318 = arith.addi %mul3A_159, %add3A_317 : i32
        %get3A_319 = arith.index_cast %add3A_318 : i32 to index
        %get3A_320 = arith.constant 48 : index
        %get3A_321 = tpu.vector_load %arg14[%get3A_319, %get3A_320] {strides = array<i32>} : memref<80x128xf32, #tpu.memory_space<vmem>>, vector<1x16xf32>,
        %get3A_322 = vector.shape_cast %get3A_321 : vector<1x16xf32> to vector<16xf32>
        %mul3A_323 = arith.mulf %get3A_322, %broadcast_in_dim3A_274 : vector<16xf32>
        %add3A_324 = arith.constant 1 : i32
        %add3A_325 = arith.addi %mul3A_159, %add3A_324 : i32
        %swap3A_326 = arith.index_cast %add3A_325 : i32 to index
        %swap3A_327 = arith.constant 48 : index
        %swap3A_328 = tpu.vector_load %arg14[%swap3A_326, %swap3A_327] {strides = array<i32>} : memref<80x128xf32, #tpu.memory_space<vmem>>, vector<1x16xf32>,
        %swap3A_329 = vector.shape_cast %swap3A_328 : vector<1x16xf32> to vector<16xf32>
        %swap3A_330 = vector.shape_cast %mul3A_323 : vector<16xf32> to vector<1x16xf32>
        tpu.vector_store %arg14[%swap3A_326, %swap3A_327], %swap3A_330 {strides = array<i32>} : memref<80x128xf32, #tpu.memory_space<vmem>>, vector<1x16xf32>,
        %add3A_331 = arith.constant 1 : i32
        %add3A_332 = arith.addi %mul3A_159, %add3A_331 : i32
        %get3A_333 = arith.index_cast %add3A_332 : i32 to index
        %get3A_334 = arith.constant 64 : index
        %get3A_335 = tpu.vector_load %arg14[%get3A_333, %get3A_334] {strides = array<i32>} : memref<80x128xf32, #tpu.memory_space<vmem>>, vector<1x16xf32>,
        %get3A_336 = vector.shape_cast %get3A_335 : vector<1x16xf32> to vector<16xf32>
        %mul3A_337 = arith.mulf %get3A_336, %broadcast_in_dim3A_274 : vector<16xf32>
        %add3A_338 = arith.constant 1 : i32
        %add3A_339 = arith.addi %mul3A_159, %add3A_338 : i32
        %swap3A_340 = arith.index_cast %add3A_339 : i32 to index
        %swap3A_341 = arith.constant 64 : index
        %swap3A_342 = tpu.vector_load %arg14[%swap3A_340, %swap3A_341] {strides = array<i32>} : memref<80x128xf32, #tpu.memory_space<vmem>>, vector<1x16xf32>,
        %swap3A_343 = vector.shape_cast %swap3A_342 : vector<1x16xf32> to vector<16xf32>
        %swap3A_344 = vector.shape_cast %mul3A_337 : vector<16xf32> to vector<1x16xf32>
        tpu.vector_store %arg14[%swap3A_340, %swap3A_341], %swap3A_344 {strides = array<i32>} : memref<80x128xf32, #tpu.memory_space<vmem>>, vector<1x16xf32>,
        %add3A_345 = arith.constant 1 : i32
        %add3A_346 = arith.addi %mul3A_159, %add3A_345 : i32
        %get3A_347 = arith.index_cast %add3A_346 : i32 to index
        %get3A_348 = arith.constant 80 : index
        %get3A_349 = tpu.vector_load %arg14[%get3A_347, %get3A_348] {strides = array<i32>} : memref<80x128xf32, #tpu.memory_space<vmem>>, vector<1x16xf32>,
        %get3A_350 = vector.shape_cast %get3A_349 : vector<1x16xf32> to vector<16xf32>
        %mul3A_351 = arith.mulf %get3A_350, %broadcast_in_dim3A_274 : vector<16xf32>
        %add3A_352 = arith.constant 1 : i32
        %add3A_353 = arith.addi %mul3A_159, %add3A_352 : i32
        %swap3A_354 = arith.index_cast %add3A_353 : i32 to index
        %swap3A_355 = arith.constant 80 : index
        %swap3A_356 = tpu.vector_load %arg14[%swap3A_354, %swap3A_355] {strides = array<i32>} : memref<80x128xf32, #tpu.memory_space<vmem>>, vector<1x16xf32>,
        %swap3A_357 = vector.shape_cast %swap3A_356 : vector<1x16xf32> to vector<16xf32>
        %swap3A_358 = vector.shape_cast %mul3A_351 : vector<16xf32> to vector<1x16xf32>
        tpu.vector_store %arg14[%swap3A_354, %swap3A_355], %swap3A_358 {strides = array<i32>} : memref<80x128xf32, #tpu.memory_space<vmem>>, vector<1x16xf32>,
        %add3A_359 = arith.constant 1 : i32
        %add3A_360 = arith.addi %mul3A_159, %add3A_359 : i32
        %get3A_361 = arith.index_cast %add3A_360 : i32 to index
        %get3A_362 = arith.constant 96 : index
        %get3A_363 = tpu.vector_load %arg14[%get3A_361, %get3A_362] {strides = array<i32>} : memref<80x128xf32, #tpu.memory_space<vmem>>, vector<1x16xf32>,
        %get3A_364 = vector.shape_cast %get3A_363 : vector<1x16xf32> to vector<16xf32>
        %mul3A_365 = arith.mulf %get3A_364, %broadcast_in_dim3A_274 : vector<16xf32>
        %add3A_366 = arith.constant 1 : i32
        %add3A_367 = arith.addi %mul3A_159, %add3A_366 : i32
        %swap3A_368 = arith.index_cast %add3A_367 : i32 to index
        %swap3A_369 = arith.constant 96 : index
        %swap3A_370 = tpu.vector_load %arg14[%swap3A_368, %swap3A_369] {strides = array<i32>} : memref<80x128xf32, #tpu.memory_space<vmem>>, vector<1x16xf32>,
        %swap3A_371 = vector.shape_cast %swap3A_370 : vector<1x16xf32> to vector<16xf32>
        %swap3A_372 = vector.shape_cast %mul3A_365 : vector<16xf32> to vector<1x16xf32>
        tpu.vector_store %arg14[%swap3A_368, %swap3A_369], %swap3A_372 {strides = array<i32>} : memref<80x128xf32, #tpu.memory_space<vmem>>, vector<1x16xf32>,
        %add3A_373 = arith.constant 1 : i32
        %add3A_374 = arith.addi %mul3A_159, %add3A_373 : i32
        %get3A_375 = arith.index_cast %add3A_374 : i32 to index
        %get3A_376 = arith.constant 112 : index
        %get3A_377 = tpu.vector_load %arg14[%get3A_375, %get3A_376] {strides = array<i32>} : memref<80x128xf32, #tpu.memory_space<vmem>>, vector<1x16xf32>,
        %get3A_378 = vector.shape_cast %get3A_377 : vector<1x16xf32> to vector<16xf32>
        %mul3A_379 = arith.mulf %get3A_378, %broadcast_in_dim3A_274 : vector<16xf32>
        %add3A_380 = arith.constant 1 : i32
        %add3A_381 = arith.addi %mul3A_159, %add3A_380 : i32
        %swap3A_382 = arith.index_cast %add3A_381 : i32 to index
        %swap3A_383 = arith.constant 112 : index
        %swap3A_384 = tpu.vector_load %arg14[%swap3A_382, %swap3A_383] {strides = array<i32>} : memref<80x128xf32, #tpu.memory_space<vmem>>, vector<1x16xf32>,
        %swap3A_385 = vector.shape_cast %swap3A_384 : vector<1x16xf32> to vector<16xf32>
        %swap3A_386 = vector.shape_cast %mul3A_379 : vector<16xf32> to vector<1x16xf32>
        tpu.vector_store %arg14[%swap3A_382, %swap3A_383], %swap3A_386 {strides = array<i32>} : memref<80x128xf32, #tpu.memory_space<vmem>>, vector<1x16xf32>,
        %slice3A_387 = vector.extract_strided_slice %get3A_157 {offsets = [2], sizes = [1], strides = [1]} : vector<16xf32> to vector<1xf32>
        %squeeze3A_388 = vector.extract %slice3A_387[0] : f32 from vector<1xf32>
        %broadcast_in_dim3A_389 = vector.broadcast %squeeze3A_388 : f32 to vector<16xf32>
        %add3A_390 = arith.constant 2 : i32
        %add3A_391 = arith.addi %mul3A_159, %add3A_390 : i32
        %get3A_392 = arith.index_cast %add3A_391 : i32 to index
        %get3A_393 = arith.constant 0 : index
        %get3A_394 = tpu.vector_load %arg14[%get3A_392, %get3A_393] {strides = array<i32>} : memref<80x128xf32, #tpu.memory_space<vmem>>, vector<1x16xf32>,
        %get3A_395 = vector.shape_cast %get3A_394 : vector<1x16xf32> to vector<16xf32>
        %mul3A_396 = arith.mulf %get3A_395, %broadcast_in_dim3A_389 : vector<16xf32>
        %add3A_397 = arith.constant 2 : i32
        %add3A_398 = arith.addi %mul3A_159, %add3A_397 : i32
        %swap3A_399 = arith.index_cast %add3A_398 : i32 to index
        %swap3A_400 = arith.constant 0 : index
        %swap3A_401 = tpu.vector_load %arg14[%swap3A_399, %swap3A_400] {strides = array<i32>} : memref<80x128xf32, #tpu.memory_space<vmem>>, vector<1x16xf32>,
        %swap3A_402 = vector.shape_cast %swap3A_401 : vector<1x16xf32> to vector<16xf32>
        %swap3A_403 = vector.shape_cast %mul3A_396 : vector<16xf32> to vector<1x16xf32>
        tpu.vector_store %arg14[%swap3A_399, %swap3A_400], %swap3A_403 {strides = array<i32>} : memref<80x128xf32, #tpu.memory_space<vmem>>, vector<1x16xf32>,
        %add3A_404 = arith.constant 2 : i32
        %add3A_405 = arith.addi %mul3A_159, %add3A_404 : i32
        %get3A_406 = arith.index_cast %add3A_405 : i32 to index
        %get3A_407 = arith.constant 16 : index
        %get3A_408 = tpu.vector_load %arg14[%get3A_406, %get3A_407] {strides = array<i32>} : memref<80x128xf32, #tpu.memory_space<vmem>>, vector<1x16xf32>,
        %get3A_409 = vector.shape_cast %get3A_408 : vector<1x16xf32> to vector<16xf32>
        %mul3A_410 = arith.mulf %get3A_409, %broadcast_in_dim3A_389 : vector<16xf32>
        %add3A_411 = arith.constant 2 : i32
        %add3A_412 = arith.addi %mul3A_159, %add3A_411 : i32
        %swap3A_413 = arith.index_cast %add3A_412 : i32 to index
        %swap3A_414 = arith.constant 16 : index
        %swap3A_415 = tpu.vector_load %arg14[%swap3A_413, %swap3A_414] {strides = array<i32>} : memref<80x128xf32, #tpu.memory_space<vmem>>, vector<1x16xf32>,
        %swap3A_416 = vector.shape_cast %swap3A_415 : vector<1x16xf32> to vector<16xf32>
        %swap3A_417 = vector.shape_cast %mul3A_410 : vector<16xf32> to vector<1x16xf32>
        tpu.vector_store %arg14[%swap3A_413, %swap3A_414], %swap3A_417 {strides = array<i32>} : memref<80x128xf32, #tpu.memory_space<vmem>>, vector<1x16xf32>,
        %add3A_418 = arith.constant 2 : i32
        %add3A_419 = arith.addi %mul3A_159, %add3A_418 : i32
        %get3A_420 = arith.index_cast %add3A_419 : i32 to index
        %get3A_421 = arith.constant 32 : index
        %get3A_422 = tpu.vector_load %arg14[%get3A_420, %get3A_421] {strides = array<i32>} : memref<80x128xf32, #tpu.memory_space<vmem>>, vector<1x16xf32>,
        %get3A_423 = vector.shape_cast %get3A_422 : vector<1x16xf32> to vector<16xf32>
        %mul3A_424 = arith.mulf %get3A_423, %broadcast_in_dim3A_389 : vector<16xf32>
        %add3A_425 = arith.constant 2 : i32
        %add3A_426 = arith.addi %mul3A_159, %add3A_425 : i32
        %swap3A_427 = arith.index_cast %add3A_426 : i32 to index
        %swap3A_428 = arith.constant 32 : index
        %swap3A_429 = tpu.vector_load %arg14[%swap3A_427, %swap3A_428] {strides = array<i32>} : memref<80x128xf32, #tpu.memory_space<vmem>>, vector<1x16xf32>,
        %swap3A_430 = vector.shape_cast %swap3A_429 : vector<1x16xf32> to vector<16xf32>
        %swap3A_431 = vector.shape_cast %mul3A_424 : vector<16xf32> to vector<1x16xf32>
        tpu.vector_store %arg14[%swap3A_427, %swap3A_428], %swap3A_431 {strides = array<i32>} : memref<80x128xf32, #tpu.memory_space<vmem>>, vector<1x16xf32>,
        %add3A_432 = arith.constant 2 : i32
        %add3A_433 = arith.addi %mul3A_159, %add3A_432 : i32
        %get3A_434 = arith.index_cast %add3A_433 : i32 to index
        %get3A_435 = arith.constant 48 : index
        %get3A_436 = tpu.vector_load %arg14[%get3A_434, %get3A_435] {strides = array<i32>} : memref<80x128xf32, #tpu.memory_space<vmem>>, vector<1x16xf32>,
        %get3A_437 = vector.shape_cast %get3A_436 : vector<1x16xf32> to vector<16xf32>
        %mul3A_438 = arith.mulf %get3A_437, %broadcast_in_dim3A_389 : vector<16xf32>
        %add3A_439 = arith.constant 2 : i32
        %add3A_440 = arith.addi %mul3A_159, %add3A_439 : i32
        %swap3A_441 = arith.index_cast %add3A_440 : i32 to index
        %swap3A_442 = arith.constant 48 : index
        %swap3A_443 = tpu.vector_load %arg14[%swap3A_441, %swap3A_442] {strides = array<i32>} : memref<80x128xf32, #tpu.memory_space<vmem>>, vector<1x16xf32>,
        %swap3A_444 = vector.shape_cast %swap3A_443 : vector<1x16xf32> to vector<16xf32>
        %swap3A_445 = vector.shape_cast %mul3A_438 : vector<16xf32> to vector<1x16xf32>
        tpu.vector_store %arg14[%swap3A_441, %swap3A_442], %swap3A_445 {strides = array<i32>} : memref<80x128xf32, #tpu.memory_space<vmem>>, vector<1x16xf32>,
        %add3A_446 = arith.constant 2 : i32
        %add3A_447 = arith.addi %mul3A_159, %add3A_446 : i32
        %get3A_448 = arith.index_cast %add3A_447 : i32 to index
        %get3A_449 = arith.constant 64 : index
        %get3A_450 = tpu.vector_load %arg14[%get3A_448, %get3A_449] {strides = array<i32>} : memref<80x128xf32, #tpu.memory_space<vmem>>, vector<1x16xf32>,
        %get3A_451 = vector.shape_cast %get3A_450 : vector<1x16xf32> to vector<16xf32>
        %mul3A_452 = arith.mulf %get3A_451, %broadcast_in_dim3A_389 : vector<16xf32>
        %add3A_453 = arith.constant 2 : i32
        %add3A_454 = arith.addi %mul3A_159, %add3A_453 : i32
        %swap3A_455 = arith.index_cast %add3A_454 : i32 to index
        %swap3A_456 = arith.constant 64 : index
        %swap3A_457 = tpu.vector_load %arg14[%swap3A_455, %swap3A_456] {strides = array<i32>} : memref<80x128xf32, #tpu.memory_space<vmem>>, vector<1x16xf32>,
        %swap3A_458 = vector.shape_cast %swap3A_457 : vector<1x16xf32> to vector<16xf32>
        %swap3A_459 = vector.shape_cast %mul3A_452 : vector<16xf32> to vector<1x16xf32>
        tpu.vector_store %arg14[%swap3A_455, %swap3A_456], %swap3A_459 {strides = array<i32>} : memref<80x128xf32, #tpu.memory_space<vmem>>, vector<1x16xf32>,
        %add3A_460 = arith.constant 2 : i32
        %add3A_461 = arith.addi %mul3A_159, %add3A_460 : i32
        %get3A_462 = arith.index_cast %add3A_461 : i32 to index
        %get3A_463 = arith.constant 80 : index
        %get3A_464 = tpu.vector_load %arg14[%get3A_462, %get3A_463] {strides = array<i32>} : memref<80x128xf32, #tpu.memory_space<vmem>>, vector<1x16xf32>,
        %get3A_465 = vector.shape_cast %get3A_464 : vector<1x16xf32> to vector<16xf32>
        %mul3A_466 = arith.mulf %get3A_465, %broadcast_in_dim3A_389 : vector<16xf32>
        %add3A_467 = arith.constant 2 : i32
        %add3A_468 = arith.addi %mul3A_159, %add3A_467 : i32
        %swap3A_469 = arith.index_cast %add3A_468 : i32 to index
        %swap3A_470 = arith.constant 80 : index
        %swap3A_471 = tpu.vector_load %arg14[%swap3A_469, %swap3A_470] {strides = array<i32>} : memref<80x128xf32, #tpu.memory_space<vmem>>, vector<1x16xf32>,
        %swap3A_472 = vector.shape_cast %swap3A_471 : vector<1x16xf32> to vector<16xf32>
        %swap3A_473 = vector.shape_cast %mul3A_466 : vector<16xf32> to vector<1x16xf32>
        tpu.vector_store %arg14[%swap3A_469, %swap3A_470], %swap3A_473 {strides = array<i32>} : memref<80x128xf32, #tpu.memory_space<vmem>>, vector<1x16xf32>,
        %add3A_474 = arith.constant 2 : i32
        %add3A_475 = arith.addi %mul3A_159, %add3A_474 : i32
        %get3A_476 = arith.index_cast %add3A_475 : i32 to index
        %get3A_477 = arith.constant 96 : index
        %get3A_478 = tpu.vector_load %arg14[%get3A_476, %get3A_477] {strides = array<i32>} : memref<80x128xf32, #tpu.memory_space<vmem>>, vector<1x16xf32>,
        %get3A_479 = vector.shape_cast %get3A_478 : vector<1x16xf32> to vector<16xf32>
        %mul3A_480 = arith.mulf %get3A_479, %broadcast_in_dim3A_389 : vector<16xf32>
        %add3A_481 = arith.constant 2 : i32
        %add3A_482 = arith.addi %mul3A_159, %add3A_481 : i32
        %swap3A_483 = arith.index_cast %add3A_482 : i32 to index
        %swap3A_484 = arith.constant 96 : index
        %swap3A_485 = tpu.vector_load %arg14[%swap3A_483, %swap3A_484] {strides = array<i32>} : memref<80x128xf32, #tpu.memory_space<vmem>>, vector<1x16xf32>,
        %swap3A_486 = vector.shape_cast %swap3A_485 : vector<1x16xf32> to vector<16xf32>
        %swap3A_487 = vector.shape_cast %mul3A_480 : vector<16xf32> to vector<1x16xf32>
        tpu.vector_store %arg14[%swap3A_483, %swap3A_484], %swap3A_487 {strides = array<i32>} : memref<80x128xf32, #tpu.memory_space<vmem>>, vector<1x16xf32>,
        %add3A_488 = arith.constant 2 : i32
        %add3A_489 = arith.addi %mul3A_159, %add3A_488 : i32
        %get3A_490 = arith.index_cast %add3A_489 : i32 to index
        %get3A_491 = arith.constant 112 : index
        %get3A_492 = tpu.vector_load %arg14[%get3A_490, %get3A_491] {strides = array<i32>} : memref<80x128xf32, #tpu.memory_space<vmem>>, vector<1x16xf32>,
        %get3A_493 = vector.shape_cast %get3A_492 : vector<1x16xf32> to vector<16xf32>
        %mul3A_494 = arith.mulf %get3A_493, %broadcast_in_dim3A_389 : vector<16xf32>
        %add3A_495 = arith.constant 2 : i32
        %add3A_496 = arith.addi %mul3A_159, %add3A_495 : i32
        %swap3A_497 = arith.index_cast %add3A_496 : i32 to index
        %swap3A_498 = arith.constant 112 : index
        %swap3A_499 = tpu.vector_load %arg14[%swap3A_497, %swap3A_498] {strides = array<i32>} : memref<80x128xf32, #tpu.memory_space<vmem>>, vector<1x16xf32>,
        %swap3A_500 = vector.shape_cast %swap3A_499 : vector<1x16xf32> to vector<16xf32>
        %swap3A_501 = vector.shape_cast %mul3A_494 : vector<16xf32> to vector<1x16xf32>
        tpu.vector_store %arg14[%swap3A_497, %swap3A_498], %swap3A_501 {strides = array<i32>} : memref<80x128xf32, #tpu.memory_space<vmem>>, vector<1x16xf32>,
        %slice3A_502 = vector.extract_strided_slice %get3A_157 {offsets = [3], sizes = [1], strides = [1]} : vector<16xf32> to vector<1xf32>
        %squeeze3A_503 = vector.extract %slice3A_502[0] : f32 from vector<1xf32>
        %broadcast_in_dim3A_504 = vector.broadcast %squeeze3A_503 : f32 to vector<16xf32>
        %add3A_505 = arith.constant 3 : i32
        %add3A_506 = arith.addi %mul3A_159, %add3A_505 : i32
        %get3A_507 = arith.index_cast %add3A_506 : i32 to index
        %get3A_508 = arith.constant 0 : index
        %get3A_509 = tpu.vector_load %arg14[%get3A_507, %get3A_508] {strides = array<i32>} : memref<80x128xf32, #tpu.memory_space<vmem>>, vector<1x16xf32>,
        %get3A_510 = vector.shape_cast %get3A_509 : vector<1x16xf32> to vector<16xf32>
        %mul3A_511 = arith.mulf %get3A_510, %broadcast_in_dim3A_504 : vector<16xf32>
        %add3A_512 = arith.constant 3 : i32
        %add3A_513 = arith.addi %mul3A_159, %add3A_512 : i32
        %swap3A_514 = arith.index_cast %add3A_513 : i32 to index
        %swap3A_515 = arith.constant 0 : index
        %swap3A_516 = tpu.vector_load %arg14[%swap3A_514, %swap3A_515] {strides = array<i32>} : memref<80x128xf32, #tpu.memory_space<vmem>>, vector<1x16xf32>,
        %swap3A_517 = vector.shape_cast %swap3A_516 : vector<1x16xf32> to vector<16xf32>
        %swap3A_518 = vector.shape_cast %mul3A_511 : vector<16xf32> to vector<1x16xf32>
        tpu.vector_store %arg14[%swap3A_514, %swap3A_515], %swap3A_518 {strides = array<i32>} : memref<80x128xf32, #tpu.memory_space<vmem>>, vector<1x16xf32>,
        %add3A_519 = arith.constant 3 : i32
        %add3A_520 = arith.addi %mul3A_159, %add3A_519 : i32
        %get3A_521 = arith.index_cast %add3A_520 : i32 to index
        %get3A_522 = arith.constant 16 : index
        %get3A_523 = tpu.vector_load %arg14[%get3A_521, %get3A_522] {strides = array<i32>} : memref<80x128xf32, #tpu.memory_space<vmem>>, vector<1x16xf32>,
        %get3A_524 = vector.shape_cast %get3A_523 : vector<1x16xf32> to vector<16xf32>
        %mul3A_525 = arith.mulf %get3A_524, %broadcast_in_dim3A_504 : vector<16xf32>
        %add3A_526 = arith.constant 3 : i32
        %add3A_527 = arith.addi %mul3A_159, %add3A_526 : i32
        %swap3A_528 = arith.index_cast %add3A_527 : i32 to index
        %swap3A_529 = arith.constant 16 : index
        %swap3A_530 = tpu.vector_load %arg14[%swap3A_528, %swap3A_529] {strides = array<i32>} : memref<80x128xf32, #tpu.memory_space<vmem>>, vector<1x16xf32>,
        %swap3A_531 = vector.shape_cast %swap3A_530 : vector<1x16xf32> to vector<16xf32>
        %swap3A_532 = vector.shape_cast %mul3A_525 : vector<16xf32> to vector<1x16xf32>
        tpu.vector_store %arg14[%swap3A_528, %swap3A_529], %swap3A_532 {strides = array<i32>} : memref<80x128xf32, #tpu.memory_space<vmem>>, vector<1x16xf32>,
        %add3A_533 = arith.constant 3 : i32
        %add3A_534 = arith.addi %mul3A_159, %add3A_533 : i32
        %get3A_535 = arith.index_cast %add3A_534 : i32 to index
        %get3A_536 = arith.constant 32 : index
        %get3A_537 = tpu.vector_load %arg14[%get3A_535, %get3A_536] {strides = array<i32>} : memref<80x128xf32, #tpu.memory_space<vmem>>, vector<1x16xf32>,
        %get3A_538 = vector.shape_cast %get3A_537 : vector<1x16xf32> to vector<16xf32>
        %mul3A_539 = arith.mulf %get3A_538, %broadcast_in_dim3A_504 : vector<16xf32>
        %add3A_540 = arith.constant 3 : i32
        %add3A_541 = arith.addi %mul3A_159, %add3A_540 : i32
        %swap3A_542 = arith.index_cast %add3A_541 : i32 to index
        %swap3A_543 = arith.constant 32 : index
        %swap3A_544 = tpu.vector_load %arg14[%swap3A_542, %swap3A_543] {strides = array<i32>} : memref<80x128xf32, #tpu.memory_space<vmem>>, vector<1x16xf32>,
        %swap3A_545 = vector.shape_cast %swap3A_544 : vector<1x16xf32> to vector<16xf32>
        %swap3A_546 = vector.shape_cast %mul3A_539 : vector<16xf32> to vector<1x16xf32>
        tpu.vector_store %arg14[%swap3A_542, %swap3A_543], %swap3A_546 {strides = array<i32>} : memref<80x128xf32, #tpu.memory_space<vmem>>, vector<1x16xf32>,
        %add3A_547 = arith.constant 3 : i32
        %add3A_548 = arith.addi %mul3A_159, %add3A_547 : i32
        %get3A_549 = arith.index_cast %add3A_548 : i32 to index
        %get3A_550 = arith.constant 48 : index
        %get3A_551 = tpu.vector_load %arg14[%get3A_549, %get3A_550] {strides = array<i32>} : memref<80x128xf32, #tpu.memory_space<vmem>>, vector<1x16xf32>,
        %get3A_552 = vector.shape_cast %get3A_551 : vector<1x16xf32> to vector<16xf32>
        %mul3A_553 = arith.mulf %get3A_552, %broadcast_in_dim3A_504 : vector<16xf32>
        %add3A_554 = arith.constant 3 : i32
        %add3A_555 = arith.addi %mul3A_159, %add3A_554 : i32
        %swap3A_556 = arith.index_cast %add3A_555 : i32 to index
        %swap3A_557 = arith.constant 48 : index
        %swap3A_558 = tpu.vector_load %arg14[%swap3A_556, %swap3A_557] {strides = array<i32>} : memref<80x128xf32, #tpu.memory_space<vmem>>, vector<1x16xf32>,
        %swap3A_559 = vector.shape_cast %swap3A_558 : vector<1x16xf32> to vector<16xf32>
        %swap3A_560 = vector.shape_cast %mul3A_553 : vector<16xf32> to vector<1x16xf32>
        tpu.vector_store %arg14[%swap3A_556, %swap3A_557], %swap3A_560 {strides = array<i32>} : memref<80x128xf32, #tpu.memory_space<vmem>>, vector<1x16xf32>,
        %add3A_561 = arith.constant 3 : i32
        %add3A_562 = arith.addi %mul3A_159, %add3A_561 : i32
        %get3A_563 = arith.index_cast %add3A_562 : i32 to index
        %get3A_564 = arith.constant 64 : index
        %get3A_565 = tpu.vector_load %arg14[%get3A_563, %get3A_564] {strides = array<i32>} : memref<80x128xf32, #tpu.memory_space<vmem>>, vector<1x16xf32>,
        %get3A_566 = vector.shape_cast %get3A_565 : vector<1x16xf32> to vector<16xf32>
        %mul3A_567 = arith.mulf %get3A_566, %broadcast_in_dim3A_504 : vector<16xf32>
        %add3A_568 = arith.constant 3 : i32
        %add3A_569 = arith.addi %mul3A_159, %add3A_568 : i32
        %swap3A_570 = arith.index_cast %add3A_569 : i32 to index
        %swap3A_571 = arith.constant 64 : index
        %swap3A_572 = tpu.vector_load %arg14[%swap3A_570, %swap3A_571] {strides = array<i32>} : memref<80x128xf32, #tpu.memory_space<vmem>>, vector<1x16xf32>,
        %swap3A_573 = vector.shape_cast %swap3A_572 : vector<1x16xf32> to vector<16xf32>
        %swap3A_574 = vector.shape_cast %mul3A_567 : vector<16xf32> to vector<1x16xf32>
        tpu.vector_store %arg14[%swap3A_570, %swap3A_571], %swap3A_574 {strides = array<i32>} : memref<80x128xf32, #tpu.memory_space<vmem>>, vector<1x16xf32>,
        %add3A_575 = arith.constant 3 : i32
        %add3A_576 = arith.addi %mul3A_159, %add3A_575 : i32
        %get3A_577 = arith.index_cast %add3A_576 : i32 to index
        %get3A_578 = arith.constant 80 : index
        %get3A_579 = tpu.vector_load %arg14[%get3A_577, %get3A_578] {strides = array<i32>} : memref<80x128xf32, #tpu.memory_space<vmem>>, vector<1x16xf32>,
        %get3A_580 = vector.shape_cast %get3A_579 : vector<1x16xf32> to vector<16xf32>
        %mul3A_581 = arith.mulf %get3A_580, %broadcast_in_dim3A_504 : vector<16xf32>
        %add3A_582 = arith.constant 3 : i32
        %add3A_583 = arith.addi %mul3A_159, %add3A_582 : i32
        %swap3A_584 = arith.index_cast %add3A_583 : i32 to index
        %swap3A_585 = arith.constant 80 : index
        %swap3A_586 = tpu.vector_load %arg14[%swap3A_584, %swap3A_585] {strides = array<i32>} : memref<80x128xf32, #tpu.memory_space<vmem>>, vector<1x16xf32>,
        %swap3A_587 = vector.shape_cast %swap3A_586 : vector<1x16xf32> to vector<16xf32>
        %swap3A_588 = vector.shape_cast %mul3A_581 : vector<16xf32> to vector<1x16xf32>
        tpu.vector_store %arg14[%swap3A_584, %swap3A_585], %swap3A_588 {strides = array<i32>} : memref<80x128xf32, #tpu.memory_space<vmem>>, vector<1x16xf32>,
        %add3A_589 = arith.constant 3 : i32
        %add3A_590 = arith.addi %mul3A_159, %add3A_589 : i32
        %get3A_591 = arith.index_cast %add3A_590 : i32 to index
        %get3A_592 = arith.constant 96 : index
        %get3A_593 = tpu.vector_load %arg14[%get3A_591, %get3A_592] {strides = array<i32>} : memref<80x128xf32, #tpu.memory_space<vmem>>, vector<1x16xf32>,
        %get3A_594 = vector.shape_cast %get3A_593 : vector<1x16xf32> to vector<16xf32>
        %mul3A_595 = arith.mulf %get3A_594, %broadcast_in_dim3A_504 : vector<16xf32>
        %add3A_596 = arith.constant 3 : i32
        %add3A_597 = arith.addi %mul3A_159, %add3A_596 : i32
        %swap3A_598 = arith.index_cast %add3A_597 : i32 to index
        %swap3A_599 = arith.constant 96 : index
        %swap3A_600 = tpu.vector_load %arg14[%swap3A_598, %swap3A_599] {strides = array<i32>} : memref<80x128xf32, #tpu.memory_space<vmem>>, vector<1x16xf32>,
        %swap3A_601 = vector.shape_cast %swap3A_600 : vector<1x16xf32> to vector<16xf32>
        %swap3A_602 = vector.shape_cast %mul3A_595 : vector<16xf32> to vector<1x16xf32>
        tpu.vector_store %arg14[%swap3A_598, %swap3A_599], %swap3A_602 {strides = array<i32>} : memref<80x128xf32, #tpu.memory_space<vmem>>, vector<1x16xf32>,
        %add3A_603 = arith.constant 3 : i32
        %add3A_604 = arith.addi %mul3A_159, %add3A_603 : i32
        %get3A_605 = arith.index_cast %add3A_604 : i32 to index
        %get3A_606 = arith.constant 112 : index
        %get3A_607 = tpu.vector_load %arg14[%get3A_605, %get3A_606] {strides = array<i32>} : memref<80x128xf32, #tpu.memory_space<vmem>>, vector<1x16xf32>,
        %get3A_608 = vector.shape_cast %get3A_607 : vector<1x16xf32> to vector<16xf32>
        %mul3A_609 = arith.mulf %get3A_608, %broadcast_in_dim3A_504 : vector<16xf32>
        %add3A_610 = arith.constant 3 : i32
        %add3A_611 = arith.addi %mul3A_159, %add3A_610 : i32
        %swap3A_612 = arith.index_cast %add3A_611 : i32 to index
        %swap3A_613 = arith.constant 112 : index
        %swap3A_614 = tpu.vector_load %arg14[%swap3A_612, %swap3A_613] {strides = array<i32>} : memref<80x128xf32, #tpu.memory_space<vmem>>, vector<1x16xf32>,
        %swap3A_615 = vector.shape_cast %swap3A_614 : vector<1x16xf32> to vector<16xf32>
        %swap3A_616 = vector.shape_cast %mul3A_609 : vector<16xf32> to vector<1x16xf32>
        tpu.vector_store %arg14[%swap3A_612, %swap3A_613], %swap3A_616 {strides = array<i32>} : memref<80x128xf32, #tpu.memory_space<vmem>>, vector<1x16xf32>,
        %slice3A_617 = vector.extract_strided_slice %get3A_157 {offsets = [4], sizes = [1], strides = [1]} : vector<16xf32> to vector<1xf32>
        %squeeze3A_618 = vector.extract %slice3A_617[0] : f32 from vector<1xf32>
        %broadcast_in_dim3A_619 = vector.broadcast %squeeze3A_618 : f32 to vector<16xf32>
        %add3A_620 = arith.constant 4 : i32
        %add3A_621 = arith.addi %mul3A_159, %add3A_620 : i32
        %get3A_622 = arith.index_cast %add3A_621 : i32 to index
        %get3A_623 = arith.constant 0 : index
        %get3A_624 = tpu.vector_load %arg14[%get3A_622, %get3A_623] {strides = array<i32>} : memref<80x128xf32, #tpu.memory_space<vmem>>, vector<1x16xf32>,
        %get3A_625 = vector.shape_cast %get3A_624 : vector<1x16xf32> to vector<16xf32>
        %mul3A_626 = arith.mulf %get3A_625, %broadcast_in_dim3A_619 : vector<16xf32>
        %add3A_627 = arith.constant 4 : i32
        %add3A_628 = arith.addi %mul3A_159, %add3A_627 : i32
        %swap3A_629 = arith.index_cast %add3A_628 : i32 to index
        %swap3A_630 = arith.constant 0 : index
        %swap3A_631 = tpu.vector_load %arg14[%swap3A_629, %swap3A_630] {strides = array<i32>} : memref<80x128xf32, #tpu.memory_space<vmem>>, vector<1x16xf32>,
        %swap3A_632 = vector.shape_cast %swap3A_631 : vector<1x16xf32> to vector<16xf32>
        %swap3A_633 = vector.shape_cast %mul3A_626 : vector<16xf32> to vector<1x16xf32>
        tpu.vector_store %arg14[%swap3A_629, %swap3A_630], %swap3A_633 {strides = array<i32>} : memref<80x128xf32, #tpu.memory_space<vmem>>, vector<1x16xf32>,
        %add3A_634 = arith.constant 4 : i32
        %add3A_635 = arith.addi %mul3A_159, %add3A_634 : i32
        %get3A_636 = arith.index_cast %add3A_635 : i32 to index
        %get3A_637 = arith.constant 16 : index
        %get3A_638 = tpu.vector_load %arg14[%get3A_636, %get3A_637] {strides = array<i32>} : memref<80x128xf32, #tpu.memory_space<vmem>>, vector<1x16xf32>,
        %get3A_639 = vector.shape_cast %get3A_638 : vector<1x16xf32> to vector<16xf32>
        %mul3A_640 = arith.mulf %get3A_639, %broadcast_in_dim3A_619 : vector<16xf32>
        %add3A_641 = arith.constant 4 : i32
        %add3A_642 = arith.addi %mul3A_159, %add3A_641 : i32
        %swap3A_643 = arith.index_cast %add3A_642 : i32 to index
        %swap3A_644 = arith.constant 16 : index
        %swap3A_645 = tpu.vector_load %arg14[%swap3A_643, %swap3A_644] {strides = array<i32>} : memref<80x128xf32, #tpu.memory_space<vmem>>, vector<1x16xf32>,
        %swap3A_646 = vector.shape_cast %swap3A_645 : vector<1x16xf32> to vector<16xf32>
        %swap3A_647 = vector.shape_cast %mul3A_640 : vector<16xf32> to vector<1x16xf32>
        tpu.vector_store %arg14[%swap3A_643, %swap3A_644], %swap3A_647 {strides = array<i32>} : memref<80x128xf32, #tpu.memory_space<vmem>>, vector<1x16xf32>,
        %add3A_648 = arith.constant 4 : i32
        %add3A_649 = arith.addi %mul3A_159, %add3A_648 : i32
        %get3A_650 = arith.index_cast %add3A_649 : i32 to index
        %get3A_651 = arith.constant 32 : index
        %get3A_652 = tpu.vector_load %arg14[%get3A_650, %get3A_651] {strides = array<i32>} : memref<80x128xf32, #tpu.memory_space<vmem>>, vector<1x16xf32>,
        %get3A_653 = vector.shape_cast %get3A_652 : vector<1x16xf32> to vector<16xf32>
        %mul3A_654 = arith.mulf %get3A_653, %broadcast_in_dim3A_619 : vector<16xf32>
        %add3A_655 = arith.constant 4 : i32
        %add3A_656 = arith.addi %mul3A_159, %add3A_655 : i32
        %swap3A_657 = arith.index_cast %add3A_656 : i32 to index
        %swap3A_658 = arith.constant 32 : index
        %swap3A_659 = tpu.vector_load %arg14[%swap3A_657, %swap3A_658] {strides = array<i32>} : memref<80x128xf32, #tpu.memory_space<vmem>>, vector<1x16xf32>,
        %swap3A_660 = vector.shape_cast %swap3A_659 : vector<1x16xf32> to vector<16xf32>
        %swap3A_661 = vector.shape_cast %mul3A_654 : vector<16xf32> to vector<1x16xf32>
        tpu.vector_store %arg14[%swap3A_657, %swap3A_658], %swap3A_661 {strides = array<i32>} : memref<80x128xf32, #tpu.memory_space<vmem>>, vector<1x16xf32>,
        %add3A_662 = arith.constant 4 : i32
        %add3A_663 = arith.addi %mul3A_159, %add3A_662 : i32
        %get3A_664 = arith.index_cast %add3A_663 : i32 to index
        %get3A_665 = arith.constant 48 : index
        %get3A_666 = tpu.vector_load %arg14[%get3A_664, %get3A_665] {strides = array<i32>} : memref<80x128xf32, #tpu.memory_space<vmem>>, vector<1x16xf32>,
        %get3A_667 = vector.shape_cast %get3A_666 : vector<1x16xf32> to vector<16xf32>
        %mul3A_668 = arith.mulf %get3A_667, %broadcast_in_dim3A_619 : vector<16xf32>
        %add3A_669 = arith.constant 4 : i32
        %add3A_670 = arith.addi %mul3A_159, %add3A_669 : i32
        %swap3A_671 = arith.index_cast %add3A_670 : i32 to index
        %swap3A_672 = arith.constant 48 : index
        %swap3A_673 = tpu.vector_load %arg14[%swap3A_671, %swap3A_672] {strides = array<i32>} : memref<80x128xf32, #tpu.memory_space<vmem>>, vector<1x16xf32>,
        %swap3A_674 = vector.shape_cast %swap3A_673 : vector<1x16xf32> to vector<16xf32>
        %swap3A_675 = vector.shape_cast %mul3A_668 : vector<16xf32> to vector<1x16xf32>
        tpu.vector_store %arg14[%swap3A_671, %swap3A_672], %swap3A_675 {strides = array<i32>} : memref<80x128xf32, #tpu.memory_space<vmem>>, vector<1x16xf32>,
        %add3A_676 = arith.constant 4 : i32
        %add3A_677 = arith.addi %mul3A_159, %add3A_676 : i32
        %get3A_678 = arith.index_cast %add3A_677 : i32 to index
        %get3A_679 = arith.constant 64 : index
        %get3A_680 = tpu.vector_load %arg14[%get3A_678, %get3A_679] {strides = array<i32>} : memref<80x128xf32, #tpu.memory_space<vmem>>, vector<1x16xf32>,
        %get3A_681 = vector.shape_cast %get3A_680 : vector<1x16xf32> to vector<16xf32>
        %mul3A_682 = arith.mulf %get3A_681, %broadcast_in_dim3A_619 : vector<16xf32>
        %add3A_683 = arith.constant 4 : i32
        %add3A_684 = arith.addi %mul3A_159, %add3A_683 : i32
        %swap3A_685 = arith.index_cast %add3A_684 : i32 to index
        %swap3A_686 = arith.constant 64 : index
        %swap3A_687 = tpu.vector_load %arg14[%swap3A_685, %swap3A_686] {strides = array<i32>} : memref<80x128xf32, #tpu.memory_space<vmem>>, vector<1x16xf32>,
        %swap3A_688 = vector.shape_cast %swap3A_687 : vector<1x16xf32> to vector<16xf32>
        %swap3A_689 = vector.shape_cast %mul3A_682 : vector<16xf32> to vector<1x16xf32>
        tpu.vector_store %arg14[%swap3A_685, %swap3A_686], %swap3A_689 {strides = array<i32>} : memref<80x128xf32, #tpu.memory_space<vmem>>, vector<1x16xf32>,
        %add3A_690 = arith.constant 4 : i32
        %add3A_691 = arith.addi %mul3A_159, %add3A_690 : i32
        %get3A_692 = arith.index_cast %add3A_691 : i32 to index
        %get3A_693 = arith.constant 80 : index
        %get3A_694 = tpu.vector_load %arg14[%get3A_692, %get3A_693] {strides = array<i32>} : memref<80x128xf32, #tpu.memory_space<vmem>>, vector<1x16xf32>,
        %get3A_695 = vector.shape_cast %get3A_694 : vector<1x16xf32> to vector<16xf32>
        %mul3A_696 = arith.mulf %get3A_695, %broadcast_in_dim3A_619 : vector<16xf32>
        %add3A_697 = arith.constant 4 : i32
        %add3A_698 = arith.addi %mul3A_159, %add3A_697 : i32
        %swap3A_699 = arith.index_cast %add3A_698 : i32 to index
        %swap3A_700 = arith.constant 80 : index
        %swap3A_701 = tpu.vector_load %arg14[%swap3A_699, %swap3A_700] {strides = array<i32>} : memref<80x128xf32, #tpu.memory_space<vmem>>, vector<1x16xf32>,
        %swap3A_702 = vector.shape_cast %swap3A_701 : vector<1x16xf32> to vector<16xf32>
        %swap3A_703 = vector.shape_cast %mul3A_696 : vector<16xf32> to vector<1x16xf32>
        tpu.vector_store %arg14[%swap3A_699, %swap3A_700], %swap3A_703 {strides = array<i32>} : memref<80x128xf32, #tpu.memory_space<vmem>>, vector<1x16xf32>,
        %add3A_704 = arith.constant 4 : i32
        %add3A_705 = arith.addi %mul3A_159, %add3A_704 : i32
        %get3A_706 = arith.index_cast %add3A_705 : i32 to index
        %get3A_707 = arith.constant 96 : index
        %get3A_708 = tpu.vector_load %arg14[%get3A_706, %get3A_707] {strides = array<i32>} : memref<80x128xf32, #tpu.memory_space<vmem>>, vector<1x16xf32>,
        %get3A_709 = vector.shape_cast %get3A_708 : vector<1x16xf32> to vector<16xf32>
        %mul3A_710 = arith.mulf %get3A_709, %broadcast_in_dim3A_619 : vector<16xf32>
        %add3A_711 = arith.constant 4 : i32
        %add3A_712 = arith.addi %mul3A_159, %add3A_711 : i32
        %swap3A_713 = arith.index_cast %add3A_712 : i32 to index
        %swap3A_714 = arith.constant 96 : index
        %swap3A_715 = tpu.vector_load %arg14[%swap3A_713, %swap3A_714] {strides = array<i32>} : memref<80x128xf32, #tpu.memory_space<vmem>>, vector<1x16xf32>,
        %swap3A_716 = vector.shape_cast %swap3A_715 : vector<1x16xf32> to vector<16xf32>
        %swap3A_717 = vector.shape_cast %mul3A_710 : vector<16xf32> to vector<1x16xf32>
        tpu.vector_store %arg14[%swap3A_713, %swap3A_714], %swap3A_717 {strides = array<i32>} : memref<80x128xf32, #tpu.memory_space<vmem>>, vector<1x16xf32>,
        %add3A_718 = arith.constant 4 : i32
        %add3A_719 = arith.addi %mul3A_159, %add3A_718 : i32
        %get3A_720 = arith.index_cast %add3A_719 : i32 to index
        %get3A_721 = arith.constant 112 : index
        %get3A_722 = tpu.vector_load %arg14[%get3A_720, %get3A_721] {strides = array<i32>} : memref<80x128xf32, #tpu.memory_space<vmem>>, vector<1x16xf32>,
        %get3A_723 = vector.shape_cast %get3A_722 : vector<1x16xf32> to vector<16xf32>
        %mul3A_724 = arith.mulf %get3A_723, %broadcast_in_dim3A_619 : vector<16xf32>
        %add3A_725 = arith.constant 4 : i32
        %add3A_726 = arith.addi %mul3A_159, %add3A_725 : i32
        %swap3A_727 = arith.index_cast %add3A_726 : i32 to index
        %swap3A_728 = arith.constant 112 : index
        %swap3A_729 = tpu.vector_load %arg14[%swap3A_727, %swap3A_728] {strides = array<i32>} : memref<80x128xf32, #tpu.memory_space<vmem>>, vector<1x16xf32>,
        %swap3A_730 = vector.shape_cast %swap3A_729 : vector<1x16xf32> to vector<16xf32>
        %swap3A_731 = vector.shape_cast %mul3A_724 : vector<16xf32> to vector<1x16xf32>
        tpu.vector_store %arg14[%swap3A_727, %swap3A_728], %swap3A_731 {strides = array<i32>} : memref<80x128xf32, #tpu.memory_space<vmem>>, vector<1x16xf32>,
        %slice3A_732 = vector.extract_strided_slice %get3A_157 {offsets = [5], sizes = [1], strides = [1]} : vector<16xf32> to vector<1xf32>
        %squeeze3A_733 = vector.extract %slice3A_732[0] : f32 from vector<1xf32>
        %broadcast_in_dim3A_734 = vector.broadcast %squeeze3A_733 : f32 to vector<16xf32>
        %add3A_735 = arith.constant 5 : i32
        %add3A_736 = arith.addi %mul3A_159, %add3A_735 : i32
        %get3A_737 = arith.index_cast %add3A_736 : i32 to index
        %get3A_738 = arith.constant 0 : index
        %get3A_739 = tpu.vector_load %arg14[%get3A_737, %get3A_738] {strides = array<i32>} : memref<80x128xf32, #tpu.memory_space<vmem>>, vector<1x16xf32>,
        %get3A_740 = vector.shape_cast %get3A_739 : vector<1x16xf32> to vector<16xf32>
        %mul3A_741 = arith.mulf %get3A_740, %broadcast_in_dim3A_734 : vector<16xf32>
        %add3A_742 = arith.constant 5 : i32
        %add3A_743 = arith.addi %mul3A_159, %add3A_742 : i32
        %swap3A_744 = arith.index_cast %add3A_743 : i32 to index
        %swap3A_745 = arith.constant 0 : index
        %swap3A_746 = tpu.vector_load %arg14[%swap3A_744, %swap3A_745] {strides = array<i32>} : memref<80x128xf32, #tpu.memory_space<vmem>>, vector<1x16xf32>,
        %swap3A_747 = vector.shape_cast %swap3A_746 : vector<1x16xf32> to vector<16xf32>
        %swap3A_748 = vector.shape_cast %mul3A_741 : vector<16xf32> to vector<1x16xf32>
        tpu.vector_store %arg14[%swap3A_744, %swap3A_745], %swap3A_748 {strides = array<i32>} : memref<80x128xf32, #tpu.memory_space<vmem>>, vector<1x16xf32>,
        %add3A_749 = arith.constant 5 : i32
        %add3A_750 = arith.addi %mul3A_159, %add3A_749 : i32
        %get3A_751 = arith.index_cast %add3A_750 : i32 to index
        %get3A_752 = arith.constant 16 : index
        %get3A_753 = tpu.vector_load %arg14[%get3A_751, %get3A_752] {strides = array<i32>} : memref<80x128xf32, #tpu.memory_space<vmem>>, vector<1x16xf32>,
        %get3A_754 = vector.shape_cast %get3A_753 : vector<1x16xf32> to vector<16xf32>
        %mul3A_755 = arith.mulf %get3A_754, %broadcast_in_dim3A_734 : vector<16xf32>
        %add3A_756 = arith.constant 5 : i32
        %add3A_757 = arith.addi %mul3A_159, %add3A_756 : i32
        %swap3A_758 = arith.index_cast %add3A_757 : i32 to index
        %swap3A_759 = arith.constant 16 : index
        %swap3A_760 = tpu.vector_load %arg14[%swap3A_758, %swap3A_759] {strides = array<i32>} : memref<80x128xf32, #tpu.memory_space<vmem>>, vector<1x16xf32>,
        %swap3A_761 = vector.shape_cast %swap3A_760 : vector<1x16xf32> to vector<16xf32>
        %swap3A_762 = vector.shape_cast %mul3A_755 : vector<16xf32> to vector<1x16xf32>
        tpu.vector_store %arg14[%swap3A_758, %swap3A_759], %swap3A_762 {strides = array<i32>} : memref<80x128xf32, #tpu.memory_space<vmem>>, vector<1x16xf32>,
        %add3A_763 = arith.constant 5 : i32
        %add3A_764 = arith.addi %mul3A_159, %add3A_763 : i32
        %get3A_765 = arith.index_cast %add3A_764 : i32 to index
        %get3A_766 = arith.constant 32 : index
        %get3A_767 = tpu.vector_load %arg14[%get3A_765, %get3A_766] {strides = array<i32>} : memref<80x128xf32, #tpu.memory_space<vmem>>, vector<1x16xf32>,
        %get3A_768 = vector.shape_cast %get3A_767 : vector<1x16xf32> to vector<16xf32>
        %mul3A_769 = arith.mulf %get3A_768, %broadcast_in_dim3A_734 : vector<16xf32>
        %add3A_770 = arith.constant 5 : i32
        %add3A_771 = arith.addi %mul3A_159, %add3A_770 : i32
        %swap3A_772 = arith.index_cast %add3A_771 : i32 to index
        %swap3A_773 = arith.constant 32 : index
        %swap3A_774 = tpu.vector_load %arg14[%swap3A_772, %swap3A_773] {strides = array<i32>} : memref<80x128xf32, #tpu.memory_space<vmem>>, vector<1x16xf32>,
        %swap3A_775 = vector.shape_cast %swap3A_774 : vector<1x16xf32> to vector<16xf32>
        %swap3A_776 = vector.shape_cast %mul3A_769 : vector<16xf32> to vector<1x16xf32>
        tpu.vector_store %arg14[%swap3A_772, %swap3A_773], %swap3A_776 {strides = array<i32>} : memref<80x128xf32, #tpu.memory_space<vmem>>, vector<1x16xf32>,
        %add3A_777 = arith.constant 5 : i32
        %add3A_778 = arith.addi %mul3A_159, %add3A_777 : i32
        %get3A_779 = arith.index_cast %add3A_778 : i32 to index
        %get3A_780 = arith.constant 48 : index
        %get3A_781 = tpu.vector_load %arg14[%get3A_779, %get3A_780] {strides = array<i32>} : memref<80x128xf32, #tpu.memory_space<vmem>>, vector<1x16xf32>,
        %get3A_782 = vector.shape_cast %get3A_781 : vector<1x16xf32> to vector<16xf32>
        %mul3A_783 = arith.mulf %get3A_782, %broadcast_in_dim3A_734 : vector<16xf32>
        %add3A_784 = arith.constant 5 : i32
        %add3A_785 = arith.addi %mul3A_159, %add3A_784 : i32
        %swap3A_786 = arith.index_cast %add3A_785 : i32 to index
        %swap3A_787 = arith.constant 48 : index
        %swap3A_788 = tpu.vector_load %arg14[%swap3A_786, %swap3A_787] {strides = array<i32>} : memref<80x128xf32, #tpu.memory_space<vmem>>, vector<1x16xf32>,
        %swap3A_789 = vector.shape_cast %swap3A_788 : vector<1x16xf32> to vector<16xf32>
        %swap3A_790 = vector.shape_cast %mul3A_783 : vector<16xf32> to vector<1x16xf32>
        tpu.vector_store %arg14[%swap3A_786, %swap3A_787], %swap3A_790 {strides = array<i32>} : memref<80x128xf32, #tpu.memory_space<vmem>>, vector<1x16xf32>,
        %add3A_791 = arith.constant 5 : i32
        %add3A_792 = arith.addi %mul3A_159, %add3A_791 : i32
        %get3A_793 = arith.index_cast %add3A_792 : i32 to index
        %get3A_794 = arith.constant 64 : index
        %get3A_795 = tpu.vector_load %arg14[%get3A_793, %get3A_794] {strides = array<i32>} : memref<80x128xf32, #tpu.memory_space<vmem>>, vector<1x16xf32>,
        %get3A_796 = vector.shape_cast %get3A_795 : vector<1x16xf32> to vector<16xf32>
        %mul3A_797 = arith.mulf %get3A_796, %broadcast_in_dim3A_734 : vector<16xf32>
        %add3A_798 = arith.constant 5 : i32
        %add3A_799 = arith.addi %mul3A_159, %add3A_798 : i32
        %swap3A_800 = arith.index_cast %add3A_799 : i32 to index
        %swap3A_801 = arith.constant 64 : index
        %swap3A_802 = tpu.vector_load %arg14[%swap3A_800, %swap3A_801] {strides = array<i32>} : memref<80x128xf32, #tpu.memory_space<vmem>>, vector<1x16xf32>,
        %swap3A_803 = vector.shape_cast %swap3A_802 : vector<1x16xf32> to vector<16xf32>
        %swap3A_804 = vector.shape_cast %mul3A_797 : vector<16xf32> to vector<1x16xf32>
        tpu.vector_store %arg14[%swap3A_800, %swap3A_801], %swap3A_804 {strides = array<i32>} : memref<80x128xf32, #tpu.memory_space<vmem>>, vector<1x16xf32>,
        %add3A_805 = arith.constant 5 : i32
        %add3A_806 = arith.addi %mul3A_159, %add3A_805 : i32
        %get3A_807 = arith.index_cast %add3A_806 : i32 to index
        %get3A_808 = arith.constant 80 : index
        %get3A_809 = tpu.vector_load %arg14[%get3A_807, %get3A_808] {strides = array<i32>} : memref<80x128xf32, #tpu.memory_space<vmem>>, vector<1x16xf32>,
        %get3A_810 = vector.shape_cast %get3A_809 : vector<1x16xf32> to vector<16xf32>
        %mul3A_811 = arith.mulf %get3A_810, %broadcast_in_dim3A_734 : vector<16xf32>
        %add3A_812 = arith.constant 5 : i32
        %add3A_813 = arith.addi %mul3A_159, %add3A_812 : i32
        %swap3A_814 = arith.index_cast %add3A_813 : i32 to index
        %swap3A_815 = arith.constant 80 : index
        %swap3A_816 = tpu.vector_load %arg14[%swap3A_814, %swap3A_815] {strides = array<i32>} : memref<80x128xf32, #tpu.memory_space<vmem>>, vector<1x16xf32>,
        %swap3A_817 = vector.shape_cast %swap3A_816 : vector<1x16xf32> to vector<16xf32>
        %swap3A_818 = vector.shape_cast %mul3A_811 : vector<16xf32> to vector<1x16xf32>
        tpu.vector_store %arg14[%swap3A_814, %swap3A_815], %swap3A_818 {strides = array<i32>} : memref<80x128xf32, #tpu.memory_space<vmem>>, vector<1x16xf32>,
        %add3A_819 = arith.constant 5 : i32
        %add3A_820 = arith.addi %mul3A_159, %add3A_819 : i32
        %get3A_821 = arith.index_cast %add3A_820 : i32 to index
        %get3A_822 = arith.constant 96 : index
        %get3A_823 = tpu.vector_load %arg14[%get3A_821, %get3A_822] {strides = array<i32>} : memref<80x128xf32, #tpu.memory_space<vmem>>, vector<1x16xf32>,
        %get3A_824 = vector.shape_cast %get3A_823 : vector<1x16xf32> to vector<16xf32>
        %mul3A_825 = arith.mulf %get3A_824, %broadcast_in_dim3A_734 : vector<16xf32>
        %add3A_826 = arith.constant 5 : i32
        %add3A_827 = arith.addi %mul3A_159, %add3A_826 : i32
        %swap3A_828 = arith.index_cast %add3A_827 : i32 to index
        %swap3A_829 = arith.constant 96 : index
        %swap3A_830 = tpu.vector_load %arg14[%swap3A_828, %swap3A_829] {strides = array<i32>} : memref<80x128xf32, #tpu.memory_space<vmem>>, vector<1x16xf32>,
        %swap3A_831 = vector.shape_cast %swap3A_830 : vector<1x16xf32> to vector<16xf32>
        %swap3A_832 = vector.shape_cast %mul3A_825 : vector<16xf32> to vector<1x16xf32>
        tpu.vector_store %arg14[%swap3A_828, %swap3A_829], %swap3A_832 {strides = array<i32>} : memref<80x128xf32, #tpu.memory_space<vmem>>, vector<1x16xf32>,
        %add3A_833 = arith.constant 5 : i32
        %add3A_834 = arith.addi %mul3A_159, %add3A_833 : i32
        %get3A_835 = arith.index_cast %add3A_834 : i32 to index
        %get3A_836 = arith.constant 112 : index
        %get3A_837 = tpu.vector_load %arg14[%get3A_835, %get3A_836] {strides = array<i32>} : memref<80x128xf32, #tpu.memory_space<vmem>>, vector<1x16xf32>,
        %get3A_838 = vector.shape_cast %get3A_837 : vector<1x16xf32> to vector<16xf32>
        %mul3A_839 = arith.mulf %get3A_838, %broadcast_in_dim3A_734 : vector<16xf32>
        %add3A_840 = arith.constant 5 : i32
        %add3A_841 = arith.addi %mul3A_159, %add3A_840 : i32
        %swap3A_842 = arith.index_cast %add3A_841 : i32 to index
        %swap3A_843 = arith.constant 112 : index
        %swap3A_844 = tpu.vector_load %arg14[%swap3A_842, %swap3A_843] {strides = array<i32>} : memref<80x128xf32, #tpu.memory_space<vmem>>, vector<1x16xf32>,
        %swap3A_845 = vector.shape_cast %swap3A_844 : vector<1x16xf32> to vector<16xf32>
        %swap3A_846 = vector.shape_cast %mul3A_839 : vector<16xf32> to vector<1x16xf32>
        tpu.vector_store %arg14[%swap3A_842, %swap3A_843], %swap3A_846 {strides = array<i32>} : memref<80x128xf32, #tpu.memory_space<vmem>>, vector<1x16xf32>,
        %slice3A_847 = vector.extract_strided_slice %get3A_157 {offsets = [6], sizes = [1], strides = [1]} : vector<16xf32> to vector<1xf32>
        %squeeze3A_848 = vector.extract %slice3A_847[0] : f32 from vector<1xf32>
        %broadcast_in_dim3A_849 = vector.broadcast %squeeze3A_848 : f32 to vector<16xf32>
        %add3A_850 = arith.constant 6 : i32
        %add3A_851 = arith.addi %mul3A_159, %add3A_850 : i32
        %get3A_852 = arith.index_cast %add3A_851 : i32 to index
        %get3A_853 = arith.constant 0 : index
        %get3A_854 = tpu.vector_load %arg14[%get3A_852, %get3A_853] {strides = array<i32>} : memref<80x128xf32, #tpu.memory_space<vmem>>, vector<1x16xf32>,
        %get3A_855 = vector.shape_cast %get3A_854 : vector<1x16xf32> to vector<16xf32>
        %mul3A_856 = arith.mulf %get3A_855, %broadcast_in_dim3A_849 : vector<16xf32>
        %add3A_857 = arith.constant 6 : i32
        %add3A_858 = arith.addi %mul3A_159, %add3A_857 : i32
        %swap3A_859 = arith.index_cast %add3A_858 : i32 to index
        %swap3A_860 = arith.constant 0 : index
        %swap3A_861 = tpu.vector_load %arg14[%swap3A_859, %swap3A_860] {strides = array<i32>} : memref<80x128xf32, #tpu.memory_space<vmem>>, vector<1x16xf32>,
        %swap3A_862 = vector.shape_cast %swap3A_861 : vector<1x16xf32> to vector<16xf32>
        %swap3A_863 = vector.shape_cast %mul3A_856 : vector<16xf32> to vector<1x16xf32>
        tpu.vector_store %arg14[%swap3A_859, %swap3A_860], %swap3A_863 {strides = array<i32>} : memref<80x128xf32, #tpu.memory_space<vmem>>, vector<1x16xf32>,
        %add3A_864 = arith.constant 6 : i32
        %add3A_865 = arith.addi %mul3A_159, %add3A_864 : i32
        %get3A_866 = arith.index_cast %add3A_865 : i32 to index
        %get3A_867 = arith.constant 16 : index
        %get3A_868 = tpu.vector_load %arg14[%get3A_866, %get3A_867] {strides = array<i32>} : memref<80x128xf32, #tpu.memory_space<vmem>>, vector<1x16xf32>,
        %get3A_869 = vector.shape_cast %get3A_868 : vector<1x16xf32> to vector<16xf32>
        %mul3A_870 = arith.mulf %get3A_869, %broadcast_in_dim3A_849 : vector<16xf32>
        %add3A_871 = arith.constant 6 : i32
        %add3A_872 = arith.addi %mul3A_159, %add3A_871 : i32
        %swap3A_873 = arith.index_cast %add3A_872 : i32 to index
        %swap3A_874 = arith.constant 16 : index
        %swap3A_875 = tpu.vector_load %arg14[%swap3A_873, %swap3A_874] {strides = array<i32>} : memref<80x128xf32, #tpu.memory_space<vmem>>, vector<1x16xf32>,
        %swap3A_876 = vector.shape_cast %swap3A_875 : vector<1x16xf32> to vector<16xf32>
        %swap3A_877 = vector.shape_cast %mul3A_870 : vector<16xf32> to vector<1x16xf32>
        tpu.vector_store %arg14[%swap3A_873, %swap3A_874], %swap3A_877 {strides = array<i32>} : memref<80x128xf32, #tpu.memory_space<vmem>>, vector<1x16xf32>,
        %add3A_878 = arith.constant 6 : i32
        %add3A_879 = arith.addi %mul3A_159, %add3A_878 : i32
        %get3A_880 = arith.index_cast %add3A_879 : i32 to index
        %get3A_881 = arith.constant 32 : index
        %get3A_882 = tpu.vector_load %arg14[%get3A_880, %get3A_881] {strides = array<i32>} : memref<80x128xf32, #tpu.memory_space<vmem>>, vector<1x16xf32>,
        %get3A_883 = vector.shape_cast %get3A_882 : vector<1x16xf32> to vector<16xf32>
        %mul3A_884 = arith.mulf %get3A_883, %broadcast_in_dim3A_849 : vector<16xf32>
        %add3A_885 = arith.constant 6 : i32
        %add3A_886 = arith.addi %mul3A_159, %add3A_885 : i32
        %swap3A_887 = arith.index_cast %add3A_886 : i32 to index
        %swap3A_888 = arith.constant 32 : index
        %swap3A_889 = tpu.vector_load %arg14[%swap3A_887, %swap3A_888] {strides = array<i32>} : memref<80x128xf32, #tpu.memory_space<vmem>>, vector<1x16xf32>,
        %swap3A_890 = vector.shape_cast %swap3A_889 : vector<1x16xf32> to vector<16xf32>
        %swap3A_891 = vector.shape_cast %mul3A_884 : vector<16xf32> to vector<1x16xf32>
        tpu.vector_store %arg14[%swap3A_887, %swap3A_888], %swap3A_891 {strides = array<i32>} : memref<80x128xf32, #tpu.memory_space<vmem>>, vector<1x16xf32>,
        %add3A_892 = arith.constant 6 : i32
        %add3A_893 = arith.addi %mul3A_159, %add3A_892 : i32
        %get3A_894 = arith.index_cast %add3A_893 : i32 to index
        %get3A_895 = arith.constant 48 : index
        %get3A_896 = tpu.vector_load %arg14[%get3A_894, %get3A_895] {strides = array<i32>} : memref<80x128xf32, #tpu.memory_space<vmem>>, vector<1x16xf32>,
        %get3A_897 = vector.shape_cast %get3A_896 : vector<1x16xf32> to vector<16xf32>
        %mul3A_898 = arith.mulf %get3A_897, %broadcast_in_dim3A_849 : vector<16xf32>
        %add3A_899 = arith.constant 6 : i32
        %add3A_900 = arith.addi %mul3A_159, %add3A_899 : i32
        %swap3A_901 = arith.index_cast %add3A_900 : i32 to index
        %swap3A_902 = arith.constant 48 : index
        %swap3A_903 = tpu.vector_load %arg14[%swap3A_901, %swap3A_902] {strides = array<i32>} : memref<80x128xf32, #tpu.memory_space<vmem>>, vector<1x16xf32>,
        %swap3A_904 = vector.shape_cast %swap3A_903 : vector<1x16xf32> to vector<16xf32>
        %swap3A_905 = vector.shape_cast %mul3A_898 : vector<16xf32> to vector<1x16xf32>
        tpu.vector_store %arg14[%swap3A_901, %swap3A_902], %swap3A_905 {strides = array<i32>} : memref<80x128xf32, #tpu.memory_space<vmem>>, vector<1x16xf32>,
        %add3A_906 = arith.constant 6 : i32
        %add3A_907 = arith.addi %mul3A_159, %add3A_906 : i32
        %get3A_908 = arith.index_cast %add3A_907 : i32 to index
        %get3A_909 = arith.constant 64 : index
        %get3A_910 = tpu.vector_load %arg14[%get3A_908, %get3A_909] {strides = array<i32>} : memref<80x128xf32, #tpu.memory_space<vmem>>, vector<1x16xf32>,
        %get3A_911 = vector.shape_cast %get3A_910 : vector<1x16xf32> to vector<16xf32>
        %mul3A_912 = arith.mulf %get3A_911, %broadcast_in_dim3A_849 : vector<16xf32>
        %add3A_913 = arith.constant 6 : i32
        %add3A_914 = arith.addi %mul3A_159, %add3A_913 : i32
        %swap3A_915 = arith.index_cast %add3A_914 : i32 to index
        %swap3A_916 = arith.constant 64 : index
        %swap3A_917 = tpu.vector_load %arg14[%swap3A_915, %swap3A_916] {strides = array<i32>} : memref<80x128xf32, #tpu.memory_space<vmem>>, vector<1x16xf32>,
        %swap3A_918 = vector.shape_cast %swap3A_917 : vector<1x16xf32> to vector<16xf32>
        %swap3A_919 = vector.shape_cast %mul3A_912 : vector<16xf32> to vector<1x16xf32>
        tpu.vector_store %arg14[%swap3A_915, %swap3A_916], %swap3A_919 {strides = array<i32>} : memref<80x128xf32, #tpu.memory_space<vmem>>, vector<1x16xf32>,
        %add3A_920 = arith.constant 6 : i32
        %add3A_921 = arith.addi %mul3A_159, %add3A_920 : i32
        %get3A_922 = arith.index_cast %add3A_921 : i32 to index
        %get3A_923 = arith.constant 80 : index
        %get3A_924 = tpu.vector_load %arg14[%get3A_922, %get3A_923] {strides = array<i32>} : memref<80x128xf32, #tpu.memory_space<vmem>>, vector<1x16xf32>,
        %get3A_925 = vector.shape_cast %get3A_924 : vector<1x16xf32> to vector<16xf32>
        %mul3A_926 = arith.mulf %get3A_925, %broadcast_in_dim3A_849 : vector<16xf32>
        %add3A_927 = arith.constant 6 : i32
        %add3A_928 = arith.addi %mul3A_159, %add3A_927 : i32
        %swap3A_929 = arith.index_cast %add3A_928 : i32 to index
        %swap3A_930 = arith.constant 80 : index
        %swap3A_931 = tpu.vector_load %arg14[%swap3A_929, %swap3A_930] {strides = array<i32>} : memref<80x128xf32, #tpu.memory_space<vmem>>, vector<1x16xf32>,
        %swap3A_932 = vector.shape_cast %swap3A_931 : vector<1x16xf32> to vector<16xf32>
        %swap3A_933 = vector.shape_cast %mul3A_926 : vector<16xf32> to vector<1x16xf32>
        tpu.vector_store %arg14[%swap3A_929, %swap3A_930], %swap3A_933 {strides = array<i32>} : memref<80x128xf32, #tpu.memory_space<vmem>>, vector<1x16xf32>,
        %add3A_934 = arith.constant 6 : i32
        %add3A_935 = arith.addi %mul3A_159, %add3A_934 : i32
        %get3A_936 = arith.index_cast %add3A_935 : i32 to index
        %get3A_937 = arith.constant 96 : index
        %get3A_938 = tpu.vector_load %arg14[%get3A_936, %get3A_937] {strides = array<i32>} : memref<80x128xf32, #tpu.memory_space<vmem>>, vector<1x16xf32>,
        %get3A_939 = vector.shape_cast %get3A_938 : vector<1x16xf32> to vector<16xf32>
        %mul3A_940 = arith.mulf %get3A_939, %broadcast_in_dim3A_849 : vector<16xf32>
        %add3A_941 = arith.constant 6 : i32
        %add3A_942 = arith.addi %mul3A_159, %add3A_941 : i32
        %swap3A_943 = arith.index_cast %add3A_942 : i32 to index
        %swap3A_944 = arith.constant 96 : index
        %swap3A_945 = tpu.vector_load %arg14[%swap3A_943, %swap3A_944] {strides = array<i32>} : memref<80x128xf32, #tpu.memory_space<vmem>>, vector<1x16xf32>,
        %swap3A_946 = vector.shape_cast %swap3A_945 : vector<1x16xf32> to vector<16xf32>
        %swap3A_947 = vector.shape_cast %mul3A_940 : vector<16xf32> to vector<1x16xf32>
        tpu.vector_store %arg14[%swap3A_943, %swap3A_944], %swap3A_947 {strides = array<i32>} : memref<80x128xf32, #tpu.memory_space<vmem>>, vector<1x16xf32>,
        %add3A_948 = arith.constant 6 : i32
        %add3A_949 = arith.addi %mul3A_159, %add3A_948 : i32
        %get3A_950 = arith.index_cast %add3A_949 : i32 to index
        %get3A_951 = arith.constant 112 : index
        %get3A_952 = tpu.vector_load %arg14[%get3A_950, %get3A_951] {strides = array<i32>} : memref<80x128xf32, #tpu.memory_space<vmem>>, vector<1x16xf32>,
        %get3A_953 = vector.shape_cast %get3A_952 : vector<1x16xf32> to vector<16xf32>
        %mul3A_954 = arith.mulf %get3A_953, %broadcast_in_dim3A_849 : vector<16xf32>
        %add3A_955 = arith.constant 6 : i32
        %add3A_956 = arith.addi %mul3A_159, %add3A_955 : i32
        %swap3A_957 = arith.index_cast %add3A_956 : i32 to index
        %swap3A_958 = arith.constant 112 : index
        %swap3A_959 = tpu.vector_load %arg14[%swap3A_957, %swap3A_958] {strides = array<i32>} : memref<80x128xf32, #tpu.memory_space<vmem>>, vector<1x16xf32>,
        %swap3A_960 = vector.shape_cast %swap3A_959 : vector<1x16xf32> to vector<16xf32>
        %swap3A_961 = vector.shape_cast %mul3A_954 : vector<16xf32> to vector<1x16xf32>
        tpu.vector_store %arg14[%swap3A_957, %swap3A_958], %swap3A_961 {strides = array<i32>} : memref<80x128xf32, #tpu.memory_space<vmem>>, vector<1x16xf32>,
        %slice3A_962 = vector.extract_strided_slice %get3A_157 {offsets = [7], sizes = [1], strides = [1]} : vector<16xf32> to vector<1xf32>
        %squeeze3A_963 = vector.extract %slice3A_962[0] : f32 from vector<1xf32>
        %broadcast_in_dim3A_964 = vector.broadcast %squeeze3A_963 : f32 to vector<16xf32>
        %add3A_965 = arith.constant 7 : i32
        %add3A_966 = arith.addi %mul3A_159, %add3A_965 : i32
        %get3A_967 = arith.index_cast %add3A_966 : i32 to index
        %get3A_968 = arith.constant 0 : index
        %get3A_969 = tpu.vector_load %arg14[%get3A_967, %get3A_968] {strides = array<i32>} : memref<80x128xf32, #tpu.memory_space<vmem>>, vector<1x16xf32>,
        %get3A_970 = vector.shape_cast %get3A_969 : vector<1x16xf32> to vector<16xf32>
        %mul3A_971 = arith.mulf %get3A_970, %broadcast_in_dim3A_964 : vector<16xf32>
        %add3A_972 = arith.constant 7 : i32
        %add3A_973 = arith.addi %mul3A_159, %add3A_972 : i32
        %swap3A_974 = arith.index_cast %add3A_973 : i32 to index
        %swap3A_975 = arith.constant 0 : index
        %swap3A_976 = tpu.vector_load %arg14[%swap3A_974, %swap3A_975] {strides = array<i32>} : memref<80x128xf32, #tpu.memory_space<vmem>>, vector<1x16xf32>,
        %swap3A_977 = vector.shape_cast %swap3A_976 : vector<1x16xf32> to vector<16xf32>
        %swap3A_978 = vector.shape_cast %mul3A_971 : vector<16xf32> to vector<1x16xf32>
        tpu.vector_store %arg14[%swap3A_974, %swap3A_975], %swap3A_978 {strides = array<i32>} : memref<80x128xf32, #tpu.memory_space<vmem>>, vector<1x16xf32>,
        %add3A_979 = arith.constant 7 : i32
        %add3A_980 = arith.addi %mul3A_159, %add3A_979 : i32
        %get3A_981 = arith.index_cast %add3A_980 : i32 to index
        %get3A_982 = arith.constant 16 : index
        %get3A_983 = tpu.vector_load %arg14[%get3A_981, %get3A_982] {strides = array<i32>} : memref<80x128xf32, #tpu.memory_space<vmem>>, vector<1x16xf32>,
        %get3A_984 = vector.shape_cast %get3A_983 : vector<1x16xf32> to vector<16xf32>
        %mul3A_985 = arith.mulf %get3A_984, %broadcast_in_dim3A_964 : vector<16xf32>
        %add3A_986 = arith.constant 7 : i32
        %add3A_987 = arith.addi %mul3A_159, %add3A_986 : i32
        %swap3A_988 = arith.index_cast %add3A_987 : i32 to index
        %swap3A_989 = arith.constant 16 : index
        %swap3A_990 = tpu.vector_load %arg14[%swap3A_988, %swap3A_989] {strides = array<i32>} : memref<80x128xf32, #tpu.memory_space<vmem>>, vector<1x16xf32>,
        %swap3A_991 = vector.shape_cast %swap3A_990 : vector<1x16xf32> to vector<16xf32>
        %swap3A_992 = vector.shape_cast %mul3A_985 : vector<16xf32> to vector<1x16xf32>
        tpu.vector_store %arg14[%swap3A_988, %swap3A_989], %swap3A_992 {strides = array<i32>} : memref<80x128xf32, #tpu.memory_space<vmem>>, vector<1x16xf32>,
        %add3A_993 = arith.constant 7 : i32
        %add3A_994 = arith.addi %mul3A_159, %add3A_993 : i32
        %get3A_995 = arith.index_cast %add3A_994 : i32 to index
        %get3A_996 = arith.constant 32 : index
        %get3A_997 = tpu.vector_load %arg14[%get3A_995, %get3A_996] {strides = array<i32>} : memref<80x128xf32, #tpu.memory_space<vmem>>, vector<1x16xf32>,
        %get3A_998 = vector.shape_cast %get3A_997 : vector<1x16xf32> to vector<16xf32>
        %mul3A_999 = arith.mulf %get3A_998, %broadcast_in_dim3A_964 : vector<16xf32>
        %add3A_1000 = arith.constant 7 : i32
        %add3A_1001 = arith.addi %mul3A_159, %add3A_1000 : i32
        %swap3A_1002 = arith.index_cast %add3A_1001 : i32 to index
        %swap3A_1003 = arith.constant 32 : index
        %swap3A_1004 = tpu.vector_load %arg14[%swap3A_1002, %swap3A_1003] {strides = array<i32>} : memref<80x128xf32, #tpu.memory_space<vmem>>, vector<1x16xf32>,
        %swap3A_1005 = vector.shape_cast %swap3A_1004 : vector<1x16xf32> to vector<16xf32>
        %swap3A_1006 = vector.shape_cast %mul3A_999 : vector<16xf32> to vector<1x16xf32>
        tpu.vector_store %arg14[%swap3A_1002, %swap3A_1003], %swap3A_1006 {strides = array<i32>} : memref<80x128xf32, #tpu.memory_space<vmem>>, vector<1x16xf32>,
        %add3A_1007 = arith.constant 7 : i32
        %add3A_1008 = arith.addi %mul3A_159, %add3A_1007 : i32
        %get3A_1009 = arith.index_cast %add3A_1008 : i32 to index
        %get3A_1010 = arith.constant 48 : index
        %get3A_1011 = tpu.vector_load %arg14[%get3A_1009, %get3A_1010] {strides = array<i32>} : memref<80x128xf32, #tpu.memory_space<vmem>>, vector<1x16xf32>,
        %get3A_1012 = vector.shape_cast %get3A_1011 : vector<1x16xf32> to vector<16xf32>
        %mul3A_1013 = arith.mulf %get3A_1012, %broadcast_in_dim3A_964 : vector<16xf32>
        %add3A_1014 = arith.constant 7 : i32
        %add3A_1015 = arith.addi %mul3A_159, %add3A_1014 : i32
        %swap3A_1016 = arith.index_cast %add3A_1015 : i32 to index
        %swap3A_1017 = arith.constant 48 : index
        %swap3A_1018 = tpu.vector_load %arg14[%swap3A_1016, %swap3A_1017] {strides = array<i32>} : memref<80x128xf32, #tpu.memory_space<vmem>>, vector<1x16xf32>,
        %swap3A_1019 = vector.shape_cast %swap3A_1018 : vector<1x16xf32> to vector<16xf32>
        %swap3A_1020 = vector.shape_cast %mul3A_1013 : vector<16xf32> to vector<1x16xf32>
        tpu.vector_store %arg14[%swap3A_1016, %swap3A_1017], %swap3A_1020 {strides = array<i32>} : memref<80x128xf32, #tpu.memory_space<vmem>>, vector<1x16xf32>,
        %add3A_1021 = arith.constant 7 : i32
        %add3A_1022 = arith.addi %mul3A_159, %add3A_1021 : i32
        %get3A_1023 = arith.index_cast %add3A_1022 : i32 to index
        %get3A_1024 = arith.constant 64 : index
        %get3A_1025 = tpu.vector_load %arg14[%get3A_1023, %get3A_1024] {strides = array<i32>} : memref<80x128xf32, #tpu.memory_space<vmem>>, vector<1x16xf32>,
        %get3A_1026 = vector.shape_cast %get3A_1025 : vector<1x16xf32> to vector<16xf32>
        %mul3A_1027 = arith.mulf %get3A_1026, %broadcast_in_dim3A_964 : vector<16xf32>
        %add3A_1028 = arith.constant 7 : i32
        %add3A_1029 = arith.addi %mul3A_159, %add3A_1028 : i32
        %swap3A_1030 = arith.index_cast %add3A_1029 : i32 to index
        %swap3A_1031 = arith.constant 64 : index
        %swap3A_1032 = tpu.vector_load %arg14[%swap3A_1030, %swap3A_1031] {strides = array<i32>} : memref<80x128xf32, #tpu.memory_space<vmem>>, vector<1x16xf32>,
        %swap3A_1033 = vector.shape_cast %swap3A_1032 : vector<1x16xf32> to vector<16xf32>
        %swap3A_1034 = vector.shape_cast %mul3A_1027 : vector<16xf32> to vector<1x16xf32>
        tpu.vector_store %arg14[%swap3A_1030, %swap3A_1031], %swap3A_1034 {strides = array<i32>} : memref<80x128xf32, #tpu.memory_space<vmem>>, vector<1x16xf32>,
        %add3A_1035 = arith.constant 7 : i32
        %add3A_1036 = arith.addi %mul3A_159, %add3A_1035 : i32
        %get3A_1037 = arith.index_cast %add3A_1036 : i32 to index
        %get3A_1038 = arith.constant 80 : index
        %get3A_1039 = tpu.vector_load %arg14[%get3A_1037, %get3A_1038] {strides = array<i32>} : memref<80x128xf32, #tpu.memory_space<vmem>>, vector<1x16xf32>,
        %get3A_1040 = vector.shape_cast %get3A_1039 : vector<1x16xf32> to vector<16xf32>
        %mul3A_1041 = arith.mulf %get3A_1040, %broadcast_in_dim3A_964 : vector<16xf32>
        %add3A_1042 = arith.constant 7 : i32
        %add3A_1043 = arith.addi %mul3A_159, %add3A_1042 : i32
        %swap3A_1044 = arith.index_cast %add3A_1043 : i32 to index
        %swap3A_1045 = arith.constant 80 : index
        %swap3A_1046 = tpu.vector_load %arg14[%swap3A_1044, %swap3A_1045] {strides = array<i32>} : memref<80x128xf32, #tpu.memory_space<vmem>>, vector<1x16xf32>,
        %swap3A_1047 = vector.shape_cast %swap3A_1046 : vector<1x16xf32> to vector<16xf32>
        %swap3A_1048 = vector.shape_cast %mul3A_1041 : vector<16xf32> to vector<1x16xf32>
        tpu.vector_store %arg14[%swap3A_1044, %swap3A_1045], %swap3A_1048 {strides = array<i32>} : memref<80x128xf32, #tpu.memory_space<vmem>>, vector<1x16xf32>,
        %add3A_1049 = arith.constant 7 : i32
        %add3A_1050 = arith.addi %mul3A_159, %add3A_1049 : i32
        %get3A_1051 = arith.index_cast %add3A_1050 : i32 to index
        %get3A_1052 = arith.constant 96 : index
        %get3A_1053 = tpu.vector_load %arg14[%get3A_1051, %get3A_1052] {strides = array<i32>} : memref<80x128xf32, #tpu.memory_space<vmem>>, vector<1x16xf32>,
        %get3A_1054 = vector.shape_cast %get3A_1053 : vector<1x16xf32> to vector<16xf32>
        %mul3A_1055 = arith.mulf %get3A_1054, %broadcast_in_dim3A_964 : vector<16xf32>
        %add3A_1056 = arith.constant 7 : i32
        %add3A_1057 = arith.addi %mul3A_159, %add3A_1056 : i32
        %swap3A_1058 = arith.index_cast %add3A_1057 : i32 to index
        %swap3A_1059 = arith.constant 96 : index
        %swap3A_1060 = tpu.vector_load %arg14[%swap3A_1058, %swap3A_1059] {strides = array<i32>} : memref<80x128xf32, #tpu.memory_space<vmem>>, vector<1x16xf32>,
        %swap3A_1061 = vector.shape_cast %swap3A_1060 : vector<1x16xf32> to vector<16xf32>
        %swap3A_1062 = vector.shape_cast %mul3A_1055 : vector<16xf32> to vector<1x16xf32>
        tpu.vector_store %arg14[%swap3A_1058, %swap3A_1059], %swap3A_1062 {strides = array<i32>} : memref<80x128xf32, #tpu.memory_space<vmem>>, vector<1x16xf32>,
        %add3A_1063 = arith.constant 7 : i32
        %add3A_1064 = arith.addi %mul3A_159, %add3A_1063 : i32
        %get3A_1065 = arith.index_cast %add3A_1064 : i32 to index
        %get3A_1066 = arith.constant 112 : index
        %get3A_1067 = tpu.vector_load %arg14[%get3A_1065, %get3A_1066] {strides = array<i32>} : memref<80x128xf32, #tpu.memory_space<vmem>>, vector<1x16xf32>,
        %get3A_1068 = vector.shape_cast %get3A_1067 : vector<1x16xf32> to vector<16xf32>
        %mul3A_1069 = arith.mulf %get3A_1068, %broadcast_in_dim3A_964 : vector<16xf32>
        %add3A_1070 = arith.constant 7 : i32
        %add3A_1071 = arith.addi %mul3A_159, %add3A_1070 : i32
        %swap3A_1072 = arith.index_cast %add3A_1071 : i32 to index
        %swap3A_1073 = arith.constant 112 : index
        %swap3A_1074 = tpu.vector_load %arg14[%swap3A_1072, %swap3A_1073] {strides = array<i32>} : memref<80x128xf32, #tpu.memory_space<vmem>>, vector<1x16xf32>,
        %swap3A_1075 = vector.shape_cast %swap3A_1074 : vector<1x16xf32> to vector<16xf32>
        %swap3A_1076 = vector.shape_cast %mul3A_1069 : vector<16xf32> to vector<1x16xf32>
        tpu.vector_store %arg14[%swap3A_1072, %swap3A_1073], %swap3A_1076 {strides = array<i32>} : memref<80x128xf32, #tpu.memory_space<vmem>>, vector<1x16xf32>,
        %slice3A_1077 = vector.extract_strided_slice %get3A_157 {offsets = [8], sizes = [1], strides = [1]} : vector<16xf32> to vector<1xf32>
        %squeeze3A_1078 = vector.extract %slice3A_1077[0] : f32 from vector<1xf32>
        %broadcast_in_dim3A_1079 = vector.broadcast %squeeze3A_1078 : f32 to vector<16xf32>
        %add3A_1080 = arith.constant 8 : i32
        %add3A_1081 = arith.addi %mul3A_159, %add3A_1080 : i32
        %get3A_1082 = arith.index_cast %add3A_1081 : i32 to index
        %get3A_1083 = arith.constant 0 : index
        %get3A_1084 = tpu.vector_load %arg14[%get3A_1082, %get3A_1083] {strides = array<i32>} : memref<80x128xf32, #tpu.memory_space<vmem>>, vector<1x16xf32>,
        %get3A_1085 = vector.shape_cast %get3A_1084 : vector<1x16xf32> to vector<16xf32>
        %mul3A_1086 = arith.mulf %get3A_1085, %broadcast_in_dim3A_1079 : vector<16xf32>
        %add3A_1087 = arith.constant 8 : i32
        %add3A_1088 = arith.addi %mul3A_159, %add3A_1087 : i32
        %swap3A_1089 = arith.index_cast %add3A_1088 : i32 to index
        %swap3A_1090 = arith.constant 0 : index
        %swap3A_1091 = tpu.vector_load %arg14[%swap3A_1089, %swap3A_1090] {strides = array<i32>} : memref<80x128xf32, #tpu.memory_space<vmem>>, vector<1x16xf32>,
        %swap3A_1092 = vector.shape_cast %swap3A_1091 : vector<1x16xf32> to vector<16xf32>
        %swap3A_1093 = vector.shape_cast %mul3A_1086 : vector<16xf32> to vector<1x16xf32>
        tpu.vector_store %arg14[%swap3A_1089, %swap3A_1090], %swap3A_1093 {strides = array<i32>} : memref<80x128xf32, #tpu.memory_space<vmem>>, vector<1x16xf32>,
        %add3A_1094 = arith.constant 8 : i32
        %add3A_1095 = arith.addi %mul3A_159, %add3A_1094 : i32
        %get3A_1096 = arith.index_cast %add3A_1095 : i32 to index
        %get3A_1097 = arith.constant 16 : index
        %get3A_1098 = tpu.vector_load %arg14[%get3A_1096, %get3A_1097] {strides = array<i32>} : memref<80x128xf32, #tpu.memory_space<vmem>>, vector<1x16xf32>,
        %get3A_1099 = vector.shape_cast %get3A_1098 : vector<1x16xf32> to vector<16xf32>
        %mul3A_1100 = arith.mulf %get3A_1099, %broadcast_in_dim3A_1079 : vector<16xf32>
        %add3A_1101 = arith.constant 8 : i32
        %add3A_1102 = arith.addi %mul3A_159, %add3A_1101 : i32
        %swap3A_1103 = arith.index_cast %add3A_1102 : i32 to index
        %swap3A_1104 = arith.constant 16 : index
        %swap3A_1105 = tpu.vector_load %arg14[%swap3A_1103, %swap3A_1104] {strides = array<i32>} : memref<80x128xf32, #tpu.memory_space<vmem>>, vector<1x16xf32>,
        %swap3A_1106 = vector.shape_cast %swap3A_1105 : vector<1x16xf32> to vector<16xf32>
        %swap3A_1107 = vector.shape_cast %mul3A_1100 : vector<16xf32> to vector<1x16xf32>
        tpu.vector_store %arg14[%swap3A_1103, %swap3A_1104], %swap3A_1107 {strides = array<i32>} : memref<80x128xf32, #tpu.memory_space<vmem>>, vector<1x16xf32>,
        %add3A_1108 = arith.constant 8 : i32
        %add3A_1109 = arith.addi %mul3A_159, %add3A_1108 : i32
        %get3A_1110 = arith.index_cast %add3A_1109 : i32 to index
        %get3A_1111 = arith.constant 32 : index
        %get3A_1112 = tpu.vector_load %arg14[%get3A_1110, %get3A_1111] {strides = array<i32>} : memref<80x128xf32, #tpu.memory_space<vmem>>, vector<1x16xf32>,
        %get3A_1113 = vector.shape_cast %get3A_1112 : vector<1x16xf32> to vector<16xf32>
        %mul3A_1114 = arith.mulf %get3A_1113, %broadcast_in_dim3A_1079 : vector<16xf32>
        %add3A_1115 = arith.constant 8 : i32
        %add3A_1116 = arith.addi %mul3A_159, %add3A_1115 : i32
        %swap3A_1117 = arith.index_cast %add3A_1116 : i32 to index
        %swap3A_1118 = arith.constant 32 : index
        %swap3A_1119 = tpu.vector_load %arg14[%swap3A_1117, %swap3A_1118] {strides = array<i32>} : memref<80x128xf32, #tpu.memory_space<vmem>>, vector<1x16xf32>,
        %swap3A_1120 = vector.shape_cast %swap3A_1119 : vector<1x16xf32> to vector<16xf32>
        %swap3A_1121 = vector.shape_cast %mul3A_1114 : vector<16xf32> to vector<1x16xf32>
        tpu.vector_store %arg14[%swap3A_1117, %swap3A_1118], %swap3A_1121 {strides = array<i32>} : memref<80x128xf32, #tpu.memory_space<vmem>>, vector<1x16xf32>,
        %add3A_1122 = arith.constant 8 : i32
        %add3A_1123 = arith.addi %mul3A_159, %add3A_1122 : i32
        %get3A_1124 = arith.index_cast %add3A_1123 : i32 to index
        %get3A_1125 = arith.constant 48 : index
        %get3A_1126 = tpu.vector_load %arg14[%get3A_1124, %get3A_1125] {strides = array<i32>} : memref<80x128xf32, #tpu.memory_space<vmem>>, vector<1x16xf32>,
        %get3A_1127 = vector.shape_cast %get3A_1126 : vector<1x16xf32> to vector<16xf32>
        %mul3A_1128 = arith.mulf %get3A_1127, %broadcast_in_dim3A_1079 : vector<16xf32>
        %add3A_1129 = arith.constant 8 : i32
        %add3A_1130 = arith.addi %mul3A_159, %add3A_1129 : i32
        %swap3A_1131 = arith.index_cast %add3A_1130 : i32 to index
        %swap3A_1132 = arith.constant 48 : index
        %swap3A_1133 = tpu.vector_load %arg14[%swap3A_1131, %swap3A_1132] {strides = array<i32>} : memref<80x128xf32, #tpu.memory_space<vmem>>, vector<1x16xf32>,
        %swap3A_1134 = vector.shape_cast %swap3A_1133 : vector<1x16xf32> to vector<16xf32>
        %swap3A_1135 = vector.shape_cast %mul3A_1128 : vector<16xf32> to vector<1x16xf32>
        tpu.vector_store %arg14[%swap3A_1131, %swap3A_1132], %swap3A_1135 {strides = array<i32>} : memref<80x128xf32, #tpu.memory_space<vmem>>, vector<1x16xf32>,
        %add3A_1136 = arith.constant 8 : i32
        %add3A_1137 = arith.addi %mul3A_159, %add3A_1136 : i32
        %get3A_1138 = arith.index_cast %add3A_1137 : i32 to index
        %get3A_1139 = arith.constant 64 : index
        %get3A_1140 = tpu.vector_load %arg14[%get3A_1138, %get3A_1139] {strides = array<i32>} : memref<80x128xf32, #tpu.memory_space<vmem>>, vector<1x16xf32>,
        %get3A_1141 = vector.shape_cast %get3A_1140 : vector<1x16xf32> to vector<16xf32>
        %mul3A_1142 = arith.mulf %get3A_1141, %broadcast_in_dim3A_1079 : vector<16xf32>
        %add3A_1143 = arith.constant 8 : i32
        %add3A_1144 = arith.addi %mul3A_159, %add3A_1143 : i32
        %swap3A_1145 = arith.index_cast %add3A_1144 : i32 to index
        %swap3A_1146 = arith.constant 64 : index
        %swap3A_1147 = tpu.vector_load %arg14[%swap3A_1145, %swap3A_1146] {strides = array<i32>} : memref<80x128xf32, #tpu.memory_space<vmem>>, vector<1x16xf32>,
        %swap3A_1148 = vector.shape_cast %swap3A_1147 : vector<1x16xf32> to vector<16xf32>
        %swap3A_1149 = vector.shape_cast %mul3A_1142 : vector<16xf32> to vector<1x16xf32>
        tpu.vector_store %arg14[%swap3A_1145, %swap3A_1146], %swap3A_1149 {strides = array<i32>} : memref<80x128xf32, #tpu.memory_space<vmem>>, vector<1x16xf32>,
        %add3A_1150 = arith.constant 8 : i32
        %add3A_1151 = arith.addi %mul3A_159, %add3A_1150 : i32
        %get3A_1152 = arith.index_cast %add3A_1151 : i32 to index
        %get3A_1153 = arith.constant 80 : index
        %get3A_1154 = tpu.vector_load %arg14[%get3A_1152, %get3A_1153] {strides = array<i32>} : memref<80x128xf32, #tpu.memory_space<vmem>>, vector<1x16xf32>,
        %get3A_1155 = vector.shape_cast %get3A_1154 : vector<1x16xf32> to vector<16xf32>
        %mul3A_1156 = arith.mulf %get3A_1155, %broadcast_in_dim3A_1079 : vector<16xf32>
        %add3A_1157 = arith.constant 8 : i32
        %add3A_1158 = arith.addi %mul3A_159, %add3A_1157 : i32
        %swap3A_1159 = arith.index_cast %add3A_1158 : i32 to index
        %swap3A_1160 = arith.constant 80 : index
        %swap3A_1161 = tpu.vector_load %arg14[%swap3A_1159, %swap3A_1160] {strides = array<i32>} : memref<80x128xf32, #tpu.memory_space<vmem>>, vector<1x16xf32>,
        %swap3A_1162 = vector.shape_cast %swap3A_1161 : vector<1x16xf32> to vector<16xf32>
        %swap3A_1163 = vector.shape_cast %mul3A_1156 : vector<16xf32> to vector<1x16xf32>
        tpu.vector_store %arg14[%swap3A_1159, %swap3A_1160], %swap3A_1163 {strides = array<i32>} : memref<80x128xf32, #tpu.memory_space<vmem>>, vector<1x16xf32>,
        %add3A_1164 = arith.constant 8 : i32
        %add3A_1165 = arith.addi %mul3A_159, %add3A_1164 : i32
        %get3A_1166 = arith.index_cast %add3A_1165 : i32 to index
        %get3A_1167 = arith.constant 96 : index
        %get3A_1168 = tpu.vector_load %arg14[%get3A_1166, %get3A_1167] {strides = array<i32>} : memref<80x128xf32, #tpu.memory_space<vmem>>, vector<1x16xf32>,
        %get3A_1169 = vector.shape_cast %get3A_1168 : vector<1x16xf32> to vector<16xf32>
        %mul3A_1170 = arith.mulf %get3A_1169, %broadcast_in_dim3A_1079 : vector<16xf32>
        %add3A_1171 = arith.constant 8 : i32
        %add3A_1172 = arith.addi %mul3A_159, %add3A_1171 : i32
        %swap3A_1173 = arith.index_cast %add3A_1172 : i32 to index
        %swap3A_1174 = arith.constant 96 : index
        %swap3A_1175 = tpu.vector_load %arg14[%swap3A_1173, %swap3A_1174] {strides = array<i32>} : memref<80x128xf32, #tpu.memory_space<vmem>>, vector<1x16xf32>,
        %swap3A_1176 = vector.shape_cast %swap3A_1175 : vector<1x16xf32> to vector<16xf32>
        %swap3A_1177 = vector.shape_cast %mul3A_1170 : vector<16xf32> to vector<1x16xf32>
        tpu.vector_store %arg14[%swap3A_1173, %swap3A_1174], %swap3A_1177 {strides = array<i32>} : memref<80x128xf32, #tpu.memory_space<vmem>>, vector<1x16xf32>,
        %add3A_1178 = arith.constant 8 : i32
        %add3A_1179 = arith.addi %mul3A_159, %add3A_1178 : i32
        %get3A_1180 = arith.index_cast %add3A_1179 : i32 to index
        %get3A_1181 = arith.constant 112 : index
        %get3A_1182 = tpu.vector_load %arg14[%get3A_1180, %get3A_1181] {strides = array<i32>} : memref<80x128xf32, #tpu.memory_space<vmem>>, vector<1x16xf32>,
        %get3A_1183 = vector.shape_cast %get3A_1182 : vector<1x16xf32> to vector<16xf32>
        %mul3A_1184 = arith.mulf %get3A_1183, %broadcast_in_dim3A_1079 : vector<16xf32>
        %add3A_1185 = arith.constant 8 : i32
        %add3A_1186 = arith.addi %mul3A_159, %add3A_1185 : i32
        %swap3A_1187 = arith.index_cast %add3A_1186 : i32 to index
        %swap3A_1188 = arith.constant 112 : index
        %swap3A_1189 = tpu.vector_load %arg14[%swap3A_1187, %swap3A_1188] {strides = array<i32>} : memref<80x128xf32, #tpu.memory_space<vmem>>, vector<1x16xf32>,
        %swap3A_1190 = vector.shape_cast %swap3A_1189 : vector<1x16xf32> to vector<16xf32>
        %swap3A_1191 = vector.shape_cast %mul3A_1184 : vector<16xf32> to vector<1x16xf32>
        tpu.vector_store %arg14[%swap3A_1187, %swap3A_1188], %swap3A_1191 {strides = array<i32>} : memref<80x128xf32, #tpu.memory_space<vmem>>, vector<1x16xf32>,
        %slice3A_1192 = vector.extract_strided_slice %get3A_157 {offsets = [9], sizes = [1], strides = [1]} : vector<16xf32> to vector<1xf32>
        %squeeze3A_1193 = vector.extract %slice3A_1192[0] : f32 from vector<1xf32>
        %broadcast_in_dim3A_1194 = vector.broadcast %squeeze3A_1193 : f32 to vector<16xf32>
        %add3A_1195 = arith.constant 9 : i32
        %add3A_1196 = arith.addi %mul3A_159, %add3A_1195 : i32
        %get3A_1197 = arith.index_cast %add3A_1196 : i32 to index
        %get3A_1198 = arith.constant 0 : index
        %get3A_1199 = tpu.vector_load %arg14[%get3A_1197, %get3A_1198] {strides = array<i32>} : memref<80x128xf32, #tpu.memory_space<vmem>>, vector<1x16xf32>,
        %get3A_1200 = vector.shape_cast %get3A_1199 : vector<1x16xf32> to vector<16xf32>
        %mul3A_1201 = arith.mulf %get3A_1200, %broadcast_in_dim3A_1194 : vector<16xf32>
        %add3A_1202 = arith.constant 9 : i32
        %add3A_1203 = arith.addi %mul3A_159, %add3A_1202 : i32
        %swap3A_1204 = arith.index_cast %add3A_1203 : i32 to index
        %swap3A_1205 = arith.constant 0 : index
        %swap3A_1206 = tpu.vector_load %arg14[%swap3A_1204, %swap3A_1205] {strides = array<i32>} : memref<80x128xf32, #tpu.memory_space<vmem>>, vector<1x16xf32>,
        %swap3A_1207 = vector.shape_cast %swap3A_1206 : vector<1x16xf32> to vector<16xf32>
        %swap3A_1208 = vector.shape_cast %mul3A_1201 : vector<16xf32> to vector<1x16xf32>
        tpu.vector_store %arg14[%swap3A_1204, %swap3A_1205], %swap3A_1208 {strides = array<i32>} : memref<80x128xf32, #tpu.memory_space<vmem>>, vector<1x16xf32>,
        %add3A_1209 = arith.constant 9 : i32
        %add3A_1210 = arith.addi %mul3A_159, %add3A_1209 : i32
        %get3A_1211 = arith.index_cast %add3A_1210 : i32 to index
        %get3A_1212 = arith.constant 16 : index
        %get3A_1213 = tpu.vector_load %arg14[%get3A_1211, %get3A_1212] {strides = array<i32>} : memref<80x128xf32, #tpu.memory_space<vmem>>, vector<1x16xf32>,
        %get3A_1214 = vector.shape_cast %get3A_1213 : vector<1x16xf32> to vector<16xf32>
        %mul3A_1215 = arith.mulf %get3A_1214, %broadcast_in_dim3A_1194 : vector<16xf32>
        %add3A_1216 = arith.constant 9 : i32
        %add3A_1217 = arith.addi %mul3A_159, %add3A_1216 : i32
        %swap3A_1218 = arith.index_cast %add3A_1217 : i32 to index
        %swap3A_1219 = arith.constant 16 : index
        %swap3A_1220 = tpu.vector_load %arg14[%swap3A_1218, %swap3A_1219] {strides = array<i32>} : memref<80x128xf32, #tpu.memory_space<vmem>>, vector<1x16xf32>,
        %swap3A_1221 = vector.shape_cast %swap3A_1220 : vector<1x16xf32> to vector<16xf32>
        %swap3A_1222 = vector.shape_cast %mul3A_1215 : vector<16xf32> to vector<1x16xf32>
        tpu.vector_store %arg14[%swap3A_1218, %swap3A_1219], %swap3A_1222 {strides = array<i32>} : memref<80x128xf32, #tpu.memory_space<vmem>>, vector<1x16xf32>,
        %add3A_1223 = arith.constant 9 : i32
        %add3A_1224 = arith.addi %mul3A_159, %add3A_1223 : i32
        %get3A_1225 = arith.index_cast %add3A_1224 : i32 to index
        %get3A_1226 = arith.constant 32 : index
        %get3A_1227 = tpu.vector_load %arg14[%get3A_1225, %get3A_1226] {strides = array<i32>} : memref<80x128xf32, #tpu.memory_space<vmem>>, vector<1x16xf32>,
        %get3A_1228 = vector.shape_cast %get3A_1227 : vector<1x16xf32> to vector<16xf32>
        %mul3A_1229 = arith.mulf %get3A_1228, %broadcast_in_dim3A_1194 : vector<16xf32>
        %add3A_1230 = arith.constant 9 : i32
        %add3A_1231 = arith.addi %mul3A_159, %add3A_1230 : i32
        %swap3A_1232 = arith.index_cast %add3A_1231 : i32 to index
        %swap3A_1233 = arith.constant 32 : index
        %swap3A_1234 = tpu.vector_load %arg14[%swap3A_1232, %swap3A_1233] {strides = array<i32>} : memref<80x128xf32, #tpu.memory_space<vmem>>, vector<1x16xf32>,
        %swap3A_1235 = vector.shape_cast %swap3A_1234 : vector<1x16xf32> to vector<16xf32>
        %swap3A_1236 = vector.shape_cast %mul3A_1229 : vector<16xf32> to vector<1x16xf32>
        tpu.vector_store %arg14[%swap3A_1232, %swap3A_1233], %swap3A_1236 {strides = array<i32>} : memref<80x128xf32, #tpu.memory_space<vmem>>, vector<1x16xf32>,
        %add3A_1237 = arith.constant 9 : i32
        %add3A_1238 = arith.addi %mul3A_159, %add3A_1237 : i32
        %get3A_1239 = arith.index_cast %add3A_1238 : i32 to index
        %get3A_1240 = arith.constant 48 : index
        %get3A_1241 = tpu.vector_load %arg14[%get3A_1239, %get3A_1240] {strides = array<i32>} : memref<80x128xf32, #tpu.memory_space<vmem>>, vector<1x16xf32>,
        %get3A_1242 = vector.shape_cast %get3A_1241 : vector<1x16xf32> to vector<16xf32>
        %mul3A_1243 = arith.mulf %get3A_1242, %broadcast_in_dim3A_1194 : vector<16xf32>
        %add3A_1244 = arith.constant 9 : i32
        %add3A_1245 = arith.addi %mul3A_159, %add3A_1244 : i32
        %swap3A_1246 = arith.index_cast %add3A_1245 : i32 to index
        %swap3A_1247 = arith.constant 48 : index
        %swap3A_1248 = tpu.vector_load %arg14[%swap3A_1246, %swap3A_1247] {strides = array<i32>} : memref<80x128xf32, #tpu.memory_space<vmem>>, vector<1x16xf32>,
        %swap3A_1249 = vector.shape_cast %swap3A_1248 : vector<1x16xf32> to vector<16xf32>
        %swap3A_1250 = vector.shape_cast %mul3A_1243 : vector<16xf32> to vector<1x16xf32>
        tpu.vector_store %arg14[%swap3A_1246, %swap3A_1247], %swap3A_1250 {strides = array<i32>} : memref<80x128xf32, #tpu.memory_space<vmem>>, vector<1x16xf32>,
        %add3A_1251 = arith.constant 9 : i32
        %add3A_1252 = arith.addi %mul3A_159, %add3A_1251 : i32
        %get3A_1253 = arith.index_cast %add3A_1252 : i32 to index
        %get3A_1254 = arith.constant 64 : index
        %get3A_1255 = tpu.vector_load %arg14[%get3A_1253, %get3A_1254] {strides = array<i32>} : memref<80x128xf32, #tpu.memory_space<vmem>>, vector<1x16xf32>,
        %get3A_1256 = vector.shape_cast %get3A_1255 : vector<1x16xf32> to vector<16xf32>
        %mul3A_1257 = arith.mulf %get3A_1256, %broadcast_in_dim3A_1194 : vector<16xf32>
        %add3A_1258 = arith.constant 9 : i32
        %add3A_1259 = arith.addi %mul3A_159, %add3A_1258 : i32
        %swap3A_1260 = arith.index_cast %add3A_1259 : i32 to index
        %swap3A_1261 = arith.constant 64 : index
        %swap3A_1262 = tpu.vector_load %arg14[%swap3A_1260, %swap3A_1261] {strides = array<i32>} : memref<80x128xf32, #tpu.memory_space<vmem>>, vector<1x16xf32>,
        %swap3A_1263 = vector.shape_cast %swap3A_1262 : vector<1x16xf32> to vector<16xf32>
        %swap3A_1264 = vector.shape_cast %mul3A_1257 : vector<16xf32> to vector<1x16xf32>
        tpu.vector_store %arg14[%swap3A_1260, %swap3A_1261], %swap3A_1264 {strides = array<i32>} : memref<80x128xf32, #tpu.memory_space<vmem>>, vector<1x16xf32>,
        %add3A_1265 = arith.constant 9 : i32
        %add3A_1266 = arith.addi %mul3A_159, %add3A_1265 : i32
        %get3A_1267 = arith.index_cast %add3A_1266 : i32 to index
        %get3A_1268 = arith.constant 80 : index
        %get3A_1269 = tpu.vector_load %arg14[%get3A_1267, %get3A_1268] {strides = array<i32>} : memref<80x128xf32, #tpu.memory_space<vmem>>, vector<1x16xf32>,
        %get3A_1270 = vector.shape_cast %get3A_1269 : vector<1x16xf32> to vector<16xf32>
        %mul3A_1271 = arith.mulf %get3A_1270, %broadcast_in_dim3A_1194 : vector<16xf32>
        %add3A_1272 = arith.constant 9 : i32
        %add3A_1273 = arith.addi %mul3A_159, %add3A_1272 : i32
        %swap3A_1274 = arith.index_cast %add3A_1273 : i32 to index
        %swap3A_1275 = arith.constant 80 : index
        %swap3A_1276 = tpu.vector_load %arg14[%swap3A_1274, %swap3A_1275] {strides = array<i32>} : memref<80x128xf32, #tpu.memory_space<vmem>>, vector<1x16xf32>,
        %swap3A_1277 = vector.shape_cast %swap3A_1276 : vector<1x16xf32> to vector<16xf32>
        %swap3A_1278 = vector.shape_cast %mul3A_1271 : vector<16xf32> to vector<1x16xf32>
        tpu.vector_store %arg14[%swap3A_1274, %swap3A_1275], %swap3A_1278 {strides = array<i32>} : memref<80x128xf32, #tpu.memory_space<vmem>>, vector<1x16xf32>,
        %add3A_1279 = arith.constant 9 : i32
        %add3A_1280 = arith.addi %mul3A_159, %add3A_1279 : i32
        %get3A_1281 = arith.index_cast %add3A_1280 : i32 to index
        %get3A_1282 = arith.constant 96 : index
        %get3A_1283 = tpu.vector_load %arg14[%get3A_1281, %get3A_1282] {strides = array<i32>} : memref<80x128xf32, #tpu.memory_space<vmem>>, vector<1x16xf32>,
        %get3A_1284 = vector.shape_cast %get3A_1283 : vector<1x16xf32> to vector<16xf32>
        %mul3A_1285 = arith.mulf %get3A_1284, %broadcast_in_dim3A_1194 : vector<16xf32>
        %add3A_1286 = arith.constant 9 : i32
        %add3A_1287 = arith.addi %mul3A_159, %add3A_1286 : i32
        %swap3A_1288 = arith.index_cast %add3A_1287 : i32 to index
        %swap3A_1289 = arith.constant 96 : index
        %swap3A_1290 = tpu.vector_load %arg14[%swap3A_1288, %swap3A_1289] {strides = array<i32>} : memref<80x128xf32, #tpu.memory_space<vmem>>, vector<1x16xf32>,
        %swap3A_1291 = vector.shape_cast %swap3A_1290 : vector<1x16xf32> to vector<16xf32>
        %swap3A_1292 = vector.shape_cast %mul3A_1285 : vector<16xf32> to vector<1x16xf32>
        tpu.vector_store %arg14[%swap3A_1288, %swap3A_1289], %swap3A_1292 {strides = array<i32>} : memref<80x128xf32, #tpu.memory_space<vmem>>, vector<1x16xf32>,
        %add3A_1293 = arith.constant 9 : i32
        %add3A_1294 = arith.addi %mul3A_159, %add3A_1293 : i32
        %get3A_1295 = arith.index_cast %add3A_1294 : i32 to index
        %get3A_1296 = arith.constant 112 : index
        %get3A_1297 = tpu.vector_load %arg14[%get3A_1295, %get3A_1296] {strides = array<i32>} : memref<80x128xf32, #tpu.memory_space<vmem>>, vector<1x16xf32>,
        %get3A_1298 = vector.shape_cast %get3A_1297 : vector<1x16xf32> to vector<16xf32>
        %mul3A_1299 = arith.mulf %get3A_1298, %broadcast_in_dim3A_1194 : vector<16xf32>
        %add3A_1300 = arith.constant 9 : i32
        %add3A_1301 = arith.addi %mul3A_159, %add3A_1300 : i32
        %swap3A_1302 = arith.index_cast %add3A_1301 : i32 to index
        %swap3A_1303 = arith.constant 112 : index
        %swap3A_1304 = tpu.vector_load %arg14[%swap3A_1302, %swap3A_1303] {strides = array<i32>} : memref<80x128xf32, #tpu.memory_space<vmem>>, vector<1x16xf32>,
        %swap3A_1305 = vector.shape_cast %swap3A_1304 : vector<1x16xf32> to vector<16xf32>
        %swap3A_1306 = vector.shape_cast %mul3A_1299 : vector<16xf32> to vector<1x16xf32>
        tpu.vector_store %arg14[%swap3A_1302, %swap3A_1303], %swap3A_1306 {strides = array<i32>} : memref<80x128xf32, #tpu.memory_space<vmem>>, vector<1x16xf32>,
        %slice3A_1307 = vector.extract_strided_slice %get3A_157 {offsets = [10], sizes = [1], strides = [1]} : vector<16xf32> to vector<1xf32>
        %squeeze3A_1308 = vector.extract %slice3A_1307[0] : f32 from vector<1xf32>
        %broadcast_in_dim3A_1309 = vector.broadcast %squeeze3A_1308 : f32 to vector<16xf32>
        %add3A_1310 = arith.constant 10 : i32
        %add3A_1311 = arith.addi %mul3A_159, %add3A_1310 : i32
        %get3A_1312 = arith.index_cast %add3A_1311 : i32 to index
        %get3A_1313 = arith.constant 0 : index
        %get3A_1314 = tpu.vector_load %arg14[%get3A_1312, %get3A_1313] {strides = array<i32>} : memref<80x128xf32, #tpu.memory_space<vmem>>, vector<1x16xf32>,
        %get3A_1315 = vector.shape_cast %get3A_1314 : vector<1x16xf32> to vector<16xf32>
        %mul3A_1316 = arith.mulf %get3A_1315, %broadcast_in_dim3A_1309 : vector<16xf32>
        %add3A_1317 = arith.constant 10 : i32
        %add3A_1318 = arith.addi %mul3A_159, %add3A_1317 : i32
        %swap3A_1319 = arith.index_cast %add3A_1318 : i32 to index
        %swap3A_1320 = arith.constant 0 : index
        %swap3A_1321 = tpu.vector_load %arg14[%swap3A_1319, %swap3A_1320] {strides = array<i32>} : memref<80x128xf32, #tpu.memory_space<vmem>>, vector<1x16xf32>,
        %swap3A_1322 = vector.shape_cast %swap3A_1321 : vector<1x16xf32> to vector<16xf32>
        %swap3A_1323 = vector.shape_cast %mul3A_1316 : vector<16xf32> to vector<1x16xf32>
        tpu.vector_store %arg14[%swap3A_1319, %swap3A_1320], %swap3A_1323 {strides = array<i32>} : memref<80x128xf32, #tpu.memory_space<vmem>>, vector<1x16xf32>,
        %add3A_1324 = arith.constant 10 : i32
        %add3A_1325 = arith.addi %mul3A_159, %add3A_1324 : i32
        %get3A_1326 = arith.index_cast %add3A_1325 : i32 to index
        %get3A_1327 = arith.constant 16 : index
        %get3A_1328 = tpu.vector_load %arg14[%get3A_1326, %get3A_1327] {strides = array<i32>} : memref<80x128xf32, #tpu.memory_space<vmem>>, vector<1x16xf32>,
        %get3A_1329 = vector.shape_cast %get3A_1328 : vector<1x16xf32> to vector<16xf32>
        %mul3A_1330 = arith.mulf %get3A_1329, %broadcast_in_dim3A_1309 : vector<16xf32>
        %add3A_1331 = arith.constant 10 : i32
        %add3A_1332 = arith.addi %mul3A_159, %add3A_1331 : i32
        %swap3A_1333 = arith.index_cast %add3A_1332 : i32 to index
        %swap3A_1334 = arith.constant 16 : index
        %swap3A_1335 = tpu.vector_load %arg14[%swap3A_1333, %swap3A_1334] {strides = array<i32>} : memref<80x128xf32, #tpu.memory_space<vmem>>, vector<1x16xf32>,
        %swap3A_1336 = vector.shape_cast %swap3A_1335 : vector<1x16xf32> to vector<16xf32>
        %swap3A_1337 = vector.shape_cast %mul3A_1330 : vector<16xf32> to vector<1x16xf32>
        tpu.vector_store %arg14[%swap3A_1333, %swap3A_1334], %swap3A_1337 {strides = array<i32>} : memref<80x128xf32, #tpu.memory_space<vmem>>, vector<1x16xf32>,
        %add3A_1338 = arith.constant 10 : i32
        %add3A_1339 = arith.addi %mul3A_159, %add3A_1338 : i32
        %get3A_1340 = arith.index_cast %add3A_1339 : i32 to index
        %get3A_1341 = arith.constant 32 : index
        %get3A_1342 = tpu.vector_load %arg14[%get3A_1340, %get3A_1341] {strides = array<i32>} : memref<80x128xf32, #tpu.memory_space<vmem>>, vector<1x16xf32>,
        %get3A_1343 = vector.shape_cast %get3A_1342 : vector<1x16xf32> to vector<16xf32>
        %mul3A_1344 = arith.mulf %get3A_1343, %broadcast_in_dim3A_1309 : vector<16xf32>
        %add3A_1345 = arith.constant 10 : i32
        %add3A_1346 = arith.addi %mul3A_159, %add3A_1345 : i32
        %swap3A_1347 = arith.index_cast %add3A_1346 : i32 to index
        %swap3A_1348 = arith.constant 32 : index
        %swap3A_1349 = tpu.vector_load %arg14[%swap3A_1347, %swap3A_1348] {strides = array<i32>} : memref<80x128xf32, #tpu.memory_space<vmem>>, vector<1x16xf32>,
        %swap3A_1350 = vector.shape_cast %swap3A_1349 : vector<1x16xf32> to vector<16xf32>
        %swap3A_1351 = vector.shape_cast %mul3A_1344 : vector<16xf32> to vector<1x16xf32>
        tpu.vector_store %arg14[%swap3A_1347, %swap3A_1348], %swap3A_1351 {strides = array<i32>} : memref<80x128xf32, #tpu.memory_space<vmem>>, vector<1x16xf32>,
        %add3A_1352 = arith.constant 10 : i32
        %add3A_1353 = arith.addi %mul3A_159, %add3A_1352 : i32
        %get3A_1354 = arith.index_cast %add3A_1353 : i32 to index
        %get3A_1355 = arith.constant 48 : index
        %get3A_1356 = tpu.vector_load %arg14[%get3A_1354, %get3A_1355] {strides = array<i32>} : memref<80x128xf32, #tpu.memory_space<vmem>>, vector<1x16xf32>,
        %get3A_1357 = vector.shape_cast %get3A_1356 : vector<1x16xf32> to vector<16xf32>
        %mul3A_1358 = arith.mulf %get3A_1357, %broadcast_in_dim3A_1309 : vector<16xf32>
        %add3A_1359 = arith.constant 10 : i32
        %add3A_1360 = arith.addi %mul3A_159, %add3A_1359 : i32
        %swap3A_1361 = arith.index_cast %add3A_1360 : i32 to index
        %swap3A_1362 = arith.constant 48 : index
        %swap3A_1363 = tpu.vector_load %arg14[%swap3A_1361, %swap3A_1362] {strides = array<i32>} : memref<80x128xf32, #tpu.memory_space<vmem>>, vector<1x16xf32>,
        %swap3A_1364 = vector.shape_cast %swap3A_1363 : vector<1x16xf32> to vector<16xf32>
        %swap3A_1365 = vector.shape_cast %mul3A_1358 : vector<16xf32> to vector<1x16xf32>
        tpu.vector_store %arg14[%swap3A_1361, %swap3A_1362], %swap3A_1365 {strides = array<i32>} : memref<80x128xf32, #tpu.memory_space<vmem>>, vector<1x16xf32>,
        %add3A_1366 = arith.constant 10 : i32
        %add3A_1367 = arith.addi %mul3A_159, %add3A_1366 : i32
        %get3A_1368 = arith.index_cast %add3A_1367 : i32 to index
        %get3A_1369 = arith.constant 64 : index
        %get3A_1370 = tpu.vector_load %arg14[%get3A_1368, %get3A_1369] {strides = array<i32>} : memref<80x128xf32, #tpu.memory_space<vmem>>, vector<1x16xf32>,
        %get3A_1371 = vector.shape_cast %get3A_1370 : vector<1x16xf32> to vector<16xf32>
        %mul3A_1372 = arith.mulf %get3A_1371, %broadcast_in_dim3A_1309 : vector<16xf32>
        %add3A_1373 = arith.constant 10 : i32
        %add3A_1374 = arith.addi %mul3A_159, %add3A_1373 : i32
        %swap3A_1375 = arith.index_cast %add3A_1374 : i32 to index
        %swap3A_1376 = arith.constant 64 : index
        %swap3A_1377 = tpu.vector_load %arg14[%swap3A_1375, %swap3A_1376] {strides = array<i32>} : memref<80x128xf32, #tpu.memory_space<vmem>>, vector<1x16xf32>,
        %swap3A_1378 = vector.shape_cast %swap3A_1377 : vector<1x16xf32> to vector<16xf32>
        %swap3A_1379 = vector.shape_cast %mul3A_1372 : vector<16xf32> to vector<1x16xf32>
        tpu.vector_store %arg14[%swap3A_1375, %swap3A_1376], %swap3A_1379 {strides = array<i32>} : memref<80x128xf32, #tpu.memory_space<vmem>>, vector<1x16xf32>,
        %add3A_1380 = arith.constant 10 : i32
        %add3A_1381 = arith.addi %mul3A_159, %add3A_1380 : i32
        %get3A_1382 = arith.index_cast %add3A_1381 : i32 to index
        %get3A_1383 = arith.constant 80 : index
        %get3A_1384 = tpu.vector_load %arg14[%get3A_1382, %get3A_1383] {strides = array<i32>} : memref<80x128xf32, #tpu.memory_space<vmem>>, vector<1x16xf32>,
        %get3A_1385 = vector.shape_cast %get3A_1384 : vector<1x16xf32> to vector<16xf32>
        %mul3A_1386 = arith.mulf %get3A_1385, %broadcast_in_dim3A_1309 : vector<16xf32>
        %add3A_1387 = arith.constant 10 : i32
        %add3A_1388 = arith.addi %mul3A_159, %add3A_1387 : i32
        %swap3A_1389 = arith.index_cast %add3A_1388 : i32 to index
        %swap3A_1390 = arith.constant 80 : index
        %swap3A_1391 = tpu.vector_load %arg14[%swap3A_1389, %swap3A_1390] {strides = array<i32>} : memref<80x128xf32, #tpu.memory_space<vmem>>, vector<1x16xf32>,
        %swap3A_1392 = vector.shape_cast %swap3A_1391 : vector<1x16xf32> to vector<16xf32>
        %swap3A_1393 = vector.shape_cast %mul3A_1386 : vector<16xf32> to vector<1x16xf32>
        tpu.vector_store %arg14[%swap3A_1389, %swap3A_1390], %swap3A_1393 {strides = array<i32>} : memref<80x128xf32, #tpu.memory_space<vmem>>, vector<1x16xf32>,
        %add3A_1394 = arith.constant 10 : i32
        %add3A_1395 = arith.addi %mul3A_159, %add3A_1394 : i32
        %get3A_1396 = arith.index_cast %add3A_1395 : i32 to index
        %get3A_1397 = arith.constant 96 : index
        %get3A_1398 = tpu.vector_load %arg14[%get3A_1396, %get3A_1397] {strides = array<i32>} : memref<80x128xf32, #tpu.memory_space<vmem>>, vector<1x16xf32>,
        %get3A_1399 = vector.shape_cast %get3A_1398 : vector<1x16xf32> to vector<16xf32>
        %mul3A_1400 = arith.mulf %get3A_1399, %broadcast_in_dim3A_1309 : vector<16xf32>
        %add3A_1401 = arith.constant 10 : i32
        %add3A_1402 = arith.addi %mul3A_159, %add3A_1401 : i32
        %swap3A_1403 = arith.index_cast %add3A_1402 : i32 to index
        %swap3A_1404 = arith.constant 96 : index
        %swap3A_1405 = tpu.vector_load %arg14[%swap3A_1403, %swap3A_1404] {strides = array<i32>} : memref<80x128xf32, #tpu.memory_space<vmem>>, vector<1x16xf32>,
        %swap3A_1406 = vector.shape_cast %swap3A_1405 : vector<1x16xf32> to vector<16xf32>
        %swap3A_1407 = vector.shape_cast %mul3A_1400 : vector<16xf32> to vector<1x16xf32>
        tpu.vector_store %arg14[%swap3A_1403, %swap3A_1404], %swap3A_1407 {strides = array<i32>} : memref<80x128xf32, #tpu.memory_space<vmem>>, vector<1x16xf32>,
        %add3A_1408 = arith.constant 10 : i32
        %add3A_1409 = arith.addi %mul3A_159, %add3A_1408 : i32
        %get3A_1410 = arith.index_cast %add3A_1409 : i32 to index
        %get3A_1411 = arith.constant 112 : index
        %get3A_1412 = tpu.vector_load %arg14[%get3A_1410, %get3A_1411] {strides = array<i32>} : memref<80x128xf32, #tpu.memory_space<vmem>>, vector<1x16xf32>,
        %get3A_1413 = vector.shape_cast %get3A_1412 : vector<1x16xf32> to vector<16xf32>
        %mul3A_1414 = arith.mulf %get3A_1413, %broadcast_in_dim3A_1309 : vector<16xf32>
        %add3A_1415 = arith.constant 10 : i32
        %add3A_1416 = arith.addi %mul3A_159, %add3A_1415 : i32
        %swap3A_1417 = arith.index_cast %add3A_1416 : i32 to index
        %swap3A_1418 = arith.constant 112 : index
        %swap3A_1419 = tpu.vector_load %arg14[%swap3A_1417, %swap3A_1418] {strides = array<i32>} : memref<80x128xf32, #tpu.memory_space<vmem>>, vector<1x16xf32>,
        %swap3A_1420 = vector.shape_cast %swap3A_1419 : vector<1x16xf32> to vector<16xf32>
        %swap3A_1421 = vector.shape_cast %mul3A_1414 : vector<16xf32> to vector<1x16xf32>
        tpu.vector_store %arg14[%swap3A_1417, %swap3A_1418], %swap3A_1421 {strides = array<i32>} : memref<80x128xf32, #tpu.memory_space<vmem>>, vector<1x16xf32>,
        %slice3A_1422 = vector.extract_strided_slice %get3A_157 {offsets = [11], sizes = [1], strides = [1]} : vector<16xf32> to vector<1xf32>
        %squeeze3A_1423 = vector.extract %slice3A_1422[0] : f32 from vector<1xf32>
        %broadcast_in_dim3A_1424 = vector.broadcast %squeeze3A_1423 : f32 to vector<16xf32>
        %add3A_1425 = arith.constant 11 : i32
        %add3A_1426 = arith.addi %mul3A_159, %add3A_1425 : i32
        %get3A_1427 = arith.index_cast %add3A_1426 : i32 to index
        %get3A_1428 = arith.constant 0 : index
        %get3A_1429 = tpu.vector_load %arg14[%get3A_1427, %get3A_1428] {strides = array<i32>} : memref<80x128xf32, #tpu.memory_space<vmem>>, vector<1x16xf32>,
        %get3A_1430 = vector.shape_cast %get3A_1429 : vector<1x16xf32> to vector<16xf32>
        %mul3A_1431 = arith.mulf %get3A_1430, %broadcast_in_dim3A_1424 : vector<16xf32>
        %add3A_1432 = arith.constant 11 : i32
        %add3A_1433 = arith.addi %mul3A_159, %add3A_1432 : i32
        %swap3A_1434 = arith.index_cast %add3A_1433 : i32 to index
        %swap3A_1435 = arith.constant 0 : index
        %swap3A_1436 = tpu.vector_load %arg14[%swap3A_1434, %swap3A_1435] {strides = array<i32>} : memref<80x128xf32, #tpu.memory_space<vmem>>, vector<1x16xf32>,
        %swap3A_1437 = vector.shape_cast %swap3A_1436 : vector<1x16xf32> to vector<16xf32>
        %swap3A_1438 = vector.shape_cast %mul3A_1431 : vector<16xf32> to vector<1x16xf32>
        tpu.vector_store %arg14[%swap3A_1434, %swap3A_1435], %swap3A_1438 {strides = array<i32>} : memref<80x128xf32, #tpu.memory_space<vmem>>, vector<1x16xf32>,
        %add3A_1439 = arith.constant 11 : i32
        %add3A_1440 = arith.addi %mul3A_159, %add3A_1439 : i32
        %get3A_1441 = arith.index_cast %add3A_1440 : i32 to index
        %get3A_1442 = arith.constant 16 : index
        %get3A_1443 = tpu.vector_load %arg14[%get3A_1441, %get3A_1442] {strides = array<i32>} : memref<80x128xf32, #tpu.memory_space<vmem>>, vector<1x16xf32>,
        %get3A_1444 = vector.shape_cast %get3A_1443 : vector<1x16xf32> to vector<16xf32>
        %mul3A_1445 = arith.mulf %get3A_1444, %broadcast_in_dim3A_1424 : vector<16xf32>
        %add3A_1446 = arith.constant 11 : i32
        %add3A_1447 = arith.addi %mul3A_159, %add3A_1446 : i32
        %swap3A_1448 = arith.index_cast %add3A_1447 : i32 to index
        %swap3A_1449 = arith.constant 16 : index
        %swap3A_1450 = tpu.vector_load %arg14[%swap3A_1448, %swap3A_1449] {strides = array<i32>} : memref<80x128xf32, #tpu.memory_space<vmem>>, vector<1x16xf32>,
        %swap3A_1451 = vector.shape_cast %swap3A_1450 : vector<1x16xf32> to vector<16xf32>
        %swap3A_1452 = vector.shape_cast %mul3A_1445 : vector<16xf32> to vector<1x16xf32>
        tpu.vector_store %arg14[%swap3A_1448, %swap3A_1449], %swap3A_1452 {strides = array<i32>} : memref<80x128xf32, #tpu.memory_space<vmem>>, vector<1x16xf32>,
        %add3A_1453 = arith.constant 11 : i32
        %add3A_1454 = arith.addi %mul3A_159, %add3A_1453 : i32
        %get3A_1455 = arith.index_cast %add3A_1454 : i32 to index
        %get3A_1456 = arith.constant 32 : index
        %get3A_1457 = tpu.vector_load %arg14[%get3A_1455, %get3A_1456] {strides = array<i32>} : memref<80x128xf32, #tpu.memory_space<vmem>>, vector<1x16xf32>,
        %get3A_1458 = vector.shape_cast %get3A_1457 : vector<1x16xf32> to vector<16xf32>
        %mul3A_1459 = arith.mulf %get3A_1458, %broadcast_in_dim3A_1424 : vector<16xf32>
        %add3A_1460 = arith.constant 11 : i32
        %add3A_1461 = arith.addi %mul3A_159, %add3A_1460 : i32
        %swap3A_1462 = arith.index_cast %add3A_1461 : i32 to index
        %swap3A_1463 = arith.constant 32 : index
        %swap3A_1464 = tpu.vector_load %arg14[%swap3A_1462, %swap3A_1463] {strides = array<i32>} : memref<80x128xf32, #tpu.memory_space<vmem>>, vector<1x16xf32>,
        %swap3A_1465 = vector.shape_cast %swap3A_1464 : vector<1x16xf32> to vector<16xf32>
        %swap3A_1466 = vector.shape_cast %mul3A_1459 : vector<16xf32> to vector<1x16xf32>
        tpu.vector_store %arg14[%swap3A_1462, %swap3A_1463], %swap3A_1466 {strides = array<i32>} : memref<80x128xf32, #tpu.memory_space<vmem>>, vector<1x16xf32>,
        %add3A_1467 = arith.constant 11 : i32
        %add3A_1468 = arith.addi %mul3A_159, %add3A_1467 : i32
        %get3A_1469 = arith.index_cast %add3A_1468 : i32 to index
        %get3A_1470 = arith.constant 48 : index
        %get3A_1471 = tpu.vector_load %arg14[%get3A_1469, %get3A_1470] {strides = array<i32>} : memref<80x128xf32, #tpu.memory_space<vmem>>, vector<1x16xf32>,
        %get3A_1472 = vector.shape_cast %get3A_1471 : vector<1x16xf32> to vector<16xf32>
        %mul3A_1473 = arith.mulf %get3A_1472, %broadcast_in_dim3A_1424 : vector<16xf32>
        %add3A_1474 = arith.constant 11 : i32
        %add3A_1475 = arith.addi %mul3A_159, %add3A_1474 : i32
        %swap3A_1476 = arith.index_cast %add3A_1475 : i32 to index
        %swap3A_1477 = arith.constant 48 : index
        %swap3A_1478 = tpu.vector_load %arg14[%swap3A_1476, %swap3A_1477] {strides = array<i32>} : memref<80x128xf32, #tpu.memory_space<vmem>>, vector<1x16xf32>,
        %swap3A_1479 = vector.shape_cast %swap3A_1478 : vector<1x16xf32> to vector<16xf32>
        %swap3A_1480 = vector.shape_cast %mul3A_1473 : vector<16xf32> to vector<1x16xf32>
        tpu.vector_store %arg14[%swap3A_1476, %swap3A_1477], %swap3A_1480 {strides = array<i32>} : memref<80x128xf32, #tpu.memory_space<vmem>>, vector<1x16xf32>,
        %add3A_1481 = arith.constant 11 : i32
        %add3A_1482 = arith.addi %mul3A_159, %add3A_1481 : i32
        %get3A_1483 = arith.index_cast %add3A_1482 : i32 to index
        %get3A_1484 = arith.constant 64 : index
        %get3A_1485 = tpu.vector_load %arg14[%get3A_1483, %get3A_1484] {strides = array<i32>} : memref<80x128xf32, #tpu.memory_space<vmem>>, vector<1x16xf32>,
        %get3A_1486 = vector.shape_cast %get3A_1485 : vector<1x16xf32> to vector<16xf32>
        %mul3A_1487 = arith.mulf %get3A_1486, %broadcast_in_dim3A_1424 : vector<16xf32>
        %add3A_1488 = arith.constant 11 : i32
        %add3A_1489 = arith.addi %mul3A_159, %add3A_1488 : i32
        %swap3A_1490 = arith.index_cast %add3A_1489 : i32 to index
        %swap3A_1491 = arith.constant 64 : index
        %swap3A_1492 = tpu.vector_load %arg14[%swap3A_1490, %swap3A_1491] {strides = array<i32>} : memref<80x128xf32, #tpu.memory_space<vmem>>, vector<1x16xf32>,
        %swap3A_1493 = vector.shape_cast %swap3A_1492 : vector<1x16xf32> to vector<16xf32>
        %swap3A_1494 = vector.shape_cast %mul3A_1487 : vector<16xf32> to vector<1x16xf32>
        tpu.vector_store %arg14[%swap3A_1490, %swap3A_1491], %swap3A_1494 {strides = array<i32>} : memref<80x128xf32, #tpu.memory_space<vmem>>, vector<1x16xf32>,
        %add3A_1495 = arith.constant 11 : i32
        %add3A_1496 = arith.addi %mul3A_159, %add3A_1495 : i32
        %get3A_1497 = arith.index_cast %add3A_1496 : i32 to index
        %get3A_1498 = arith.constant 80 : index
        %get3A_1499 = tpu.vector_load %arg14[%get3A_1497, %get3A_1498] {strides = array<i32>} : memref<80x128xf32, #tpu.memory_space<vmem>>, vector<1x16xf32>,
        %get3A_1500 = vector.shape_cast %get3A_1499 : vector<1x16xf32> to vector<16xf32>
        %mul3A_1501 = arith.mulf %get3A_1500, %broadcast_in_dim3A_1424 : vector<16xf32>
        %add3A_1502 = arith.constant 11 : i32
        %add3A_1503 = arith.addi %mul3A_159, %add3A_1502 : i32
        %swap3A_1504 = arith.index_cast %add3A_1503 : i32 to index
        %swap3A_1505 = arith.constant 80 : index
        %swap3A_1506 = tpu.vector_load %arg14[%swap3A_1504, %swap3A_1505] {strides = array<i32>} : memref<80x128xf32, #tpu.memory_space<vmem>>, vector<1x16xf32>,
        %swap3A_1507 = vector.shape_cast %swap3A_1506 : vector<1x16xf32> to vector<16xf32>
        %swap3A_1508 = vector.shape_cast %mul3A_1501 : vector<16xf32> to vector<1x16xf32>
        tpu.vector_store %arg14[%swap3A_1504, %swap3A_1505], %swap3A_1508 {strides = array<i32>} : memref<80x128xf32, #tpu.memory_space<vmem>>, vector<1x16xf32>,
        %add3A_1509 = arith.constant 11 : i32
        %add3A_1510 = arith.addi %mul3A_159, %add3A_1509 : i32
        %get3A_1511 = arith.index_cast %add3A_1510 : i32 to index
        %get3A_1512 = arith.constant 96 : index
        %get3A_1513 = tpu.vector_load %arg14[%get3A_1511, %get3A_1512] {strides = array<i32>} : memref<80x128xf32, #tpu.memory_space<vmem>>, vector<1x16xf32>,
        %get3A_1514 = vector.shape_cast %get3A_1513 : vector<1x16xf32> to vector<16xf32>
        %mul3A_1515 = arith.mulf %get3A_1514, %broadcast_in_dim3A_1424 : vector<16xf32>
        %add3A_1516 = arith.constant 11 : i32
        %add3A_1517 = arith.addi %mul3A_159, %add3A_1516 : i32
        %swap3A_1518 = arith.index_cast %add3A_1517 : i32 to index
        %swap3A_1519 = arith.constant 96 : index
        %swap3A_1520 = tpu.vector_load %arg14[%swap3A_1518, %swap3A_1519] {strides = array<i32>} : memref<80x128xf32, #tpu.memory_space<vmem>>, vector<1x16xf32>,
        %swap3A_1521 = vector.shape_cast %swap3A_1520 : vector<1x16xf32> to vector<16xf32>
        %swap3A_1522 = vector.shape_cast %mul3A_1515 : vector<16xf32> to vector<1x16xf32>
        tpu.vector_store %arg14[%swap3A_1518, %swap3A_1519], %swap3A_1522 {strides = array<i32>} : memref<80x128xf32, #tpu.memory_space<vmem>>, vector<1x16xf32>,
        %add3A_1523 = arith.constant 11 : i32
        %add3A_1524 = arith.addi %mul3A_159, %add3A_1523 : i32
        %get3A_1525 = arith.index_cast %add3A_1524 : i32 to index
        %get3A_1526 = arith.constant 112 : index
        %get3A_1527 = tpu.vector_load %arg14[%get3A_1525, %get3A_1526] {strides = array<i32>} : memref<80x128xf32, #tpu.memory_space<vmem>>, vector<1x16xf32>,
        %get3A_1528 = vector.shape_cast %get3A_1527 : vector<1x16xf32> to vector<16xf32>
        %mul3A_1529 = arith.mulf %get3A_1528, %broadcast_in_dim3A_1424 : vector<16xf32>
        %add3A_1530 = arith.constant 11 : i32
        %add3A_1531 = arith.addi %mul3A_159, %add3A_1530 : i32
        %swap3A_1532 = arith.index_cast %add3A_1531 : i32 to index
        %swap3A_1533 = arith.constant 112 : index
        %swap3A_1534 = tpu.vector_load %arg14[%swap3A_1532, %swap3A_1533] {strides = array<i32>} : memref<80x128xf32, #tpu.memory_space<vmem>>, vector<1x16xf32>,
        %swap3A_1535 = vector.shape_cast %swap3A_1534 : vector<1x16xf32> to vector<16xf32>
        %swap3A_1536 = vector.shape_cast %mul3A_1529 : vector<16xf32> to vector<1x16xf32>
        tpu.vector_store %arg14[%swap3A_1532, %swap3A_1533], %swap3A_1536 {strides = array<i32>} : memref<80x128xf32, #tpu.memory_space<vmem>>, vector<1x16xf32>,
        %slice3A_1537 = vector.extract_strided_slice %get3A_157 {offsets = [12], sizes = [1], strides = [1]} : vector<16xf32> to vector<1xf32>
        %squeeze3A_1538 = vector.extract %slice3A_1537[0] : f32 from vector<1xf32>
        %broadcast_in_dim3A_1539 = vector.broadcast %squeeze3A_1538 : f32 to vector<16xf32>
        %add3A_1540 = arith.constant 12 : i32
        %add3A_1541 = arith.addi %mul3A_159, %add3A_1540 : i32
        %get3A_1542 = arith.index_cast %add3A_1541 : i32 to index
        %get3A_1543 = arith.constant 0 : index
        %get3A_1544 = tpu.vector_load %arg14[%get3A_1542, %get3A_1543] {strides = array<i32>} : memref<80x128xf32, #tpu.memory_space<vmem>>, vector<1x16xf32>,
        %get3A_1545 = vector.shape_cast %get3A_1544 : vector<1x16xf32> to vector<16xf32>
        %mul3A_1546 = arith.mulf %get3A_1545, %broadcast_in_dim3A_1539 : vector<16xf32>
        %add3A_1547 = arith.constant 12 : i32
        %add3A_1548 = arith.addi %mul3A_159, %add3A_1547 : i32
        %swap3A_1549 = arith.index_cast %add3A_1548 : i32 to index
        %swap3A_1550 = arith.constant 0 : index
        %swap3A_1551 = tpu.vector_load %arg14[%swap3A_1549, %swap3A_1550] {strides = array<i32>} : memref<80x128xf32, #tpu.memory_space<vmem>>, vector<1x16xf32>,
        %swap3A_1552 = vector.shape_cast %swap3A_1551 : vector<1x16xf32> to vector<16xf32>
        %swap3A_1553 = vector.shape_cast %mul3A_1546 : vector<16xf32> to vector<1x16xf32>
        tpu.vector_store %arg14[%swap3A_1549, %swap3A_1550], %swap3A_1553 {strides = array<i32>} : memref<80x128xf32, #tpu.memory_space<vmem>>, vector<1x16xf32>,
        %add3A_1554 = arith.constant 12 : i32
        %add3A_1555 = arith.addi %mul3A_159, %add3A_1554 : i32
        %get3A_1556 = arith.index_cast %add3A_1555 : i32 to index
        %get3A_1557 = arith.constant 16 : index
        %get3A_1558 = tpu.vector_load %arg14[%get3A_1556, %get3A_1557] {strides = array<i32>} : memref<80x128xf32, #tpu.memory_space<vmem>>, vector<1x16xf32>,
        %get3A_1559 = vector.shape_cast %get3A_1558 : vector<1x16xf32> to vector<16xf32>
        %mul3A_1560 = arith.mulf %get3A_1559, %broadcast_in_dim3A_1539 : vector<16xf32>
        %add3A_1561 = arith.constant 12 : i32
        %add3A_1562 = arith.addi %mul3A_159, %add3A_1561 : i32
        %swap3A_1563 = arith.index_cast %add3A_1562 : i32 to index
        %swap3A_1564 = arith.constant 16 : index
        %swap3A_1565 = tpu.vector_load %arg14[%swap3A_1563, %swap3A_1564] {strides = array<i32>} : memref<80x128xf32, #tpu.memory_space<vmem>>, vector<1x16xf32>,
        %swap3A_1566 = vector.shape_cast %swap3A_1565 : vector<1x16xf32> to vector<16xf32>
        %swap3A_1567 = vector.shape_cast %mul3A_1560 : vector<16xf32> to vector<1x16xf32>
        tpu.vector_store %arg14[%swap3A_1563, %swap3A_1564], %swap3A_1567 {strides = array<i32>} : memref<80x128xf32, #tpu.memory_space<vmem>>, vector<1x16xf32>,
        %add3A_1568 = arith.constant 12 : i32
        %add3A_1569 = arith.addi %mul3A_159, %add3A_1568 : i32
        %get3A_1570 = arith.index_cast %add3A_1569 : i32 to index
        %get3A_1571 = arith.constant 32 : index
        %get3A_1572 = tpu.vector_load %arg14[%get3A_1570, %get3A_1571] {strides = array<i32>} : memref<80x128xf32, #tpu.memory_space<vmem>>, vector<1x16xf32>,
        %get3A_1573 = vector.shape_cast %get3A_1572 : vector<1x16xf32> to vector<16xf32>
        %mul3A_1574 = arith.mulf %get3A_1573, %broadcast_in_dim3A_1539 : vector<16xf32>
        %add3A_1575 = arith.constant 12 : i32
        %add3A_1576 = arith.addi %mul3A_159, %add3A_1575 : i32
        %swap3A_1577 = arith.index_cast %add3A_1576 : i32 to index
        %swap3A_1578 = arith.constant 32 : index
        %swap3A_1579 = tpu.vector_load %arg14[%swap3A_1577, %swap3A_1578] {strides = array<i32>} : memref<80x128xf32, #tpu.memory_space<vmem>>, vector<1x16xf32>,
        %swap3A_1580 = vector.shape_cast %swap3A_1579 : vector<1x16xf32> to vector<16xf32>
        %swap3A_1581 = vector.shape_cast %mul3A_1574 : vector<16xf32> to vector<1x16xf32>
        tpu.vector_store %arg14[%swap3A_1577, %swap3A_1578], %swap3A_1581 {strides = array<i32>} : memref<80x128xf32, #tpu.memory_space<vmem>>, vector<1x16xf32>,
        %add3A_1582 = arith.constant 12 : i32
        %add3A_1583 = arith.addi %mul3A_159, %add3A_1582 : i32
        %get3A_1584 = arith.index_cast %add3A_1583 : i32 to index
        %get3A_1585 = arith.constant 48 : index
        %get3A_1586 = tpu.vector_load %arg14[%get3A_1584, %get3A_1585] {strides = array<i32>} : memref<80x128xf32, #tpu.memory_space<vmem>>, vector<1x16xf32>,
        %get3A_1587 = vector.shape_cast %get3A_1586 : vector<1x16xf32> to vector<16xf32>
        %mul3A_1588 = arith.mulf %get3A_1587, %broadcast_in_dim3A_1539 : vector<16xf32>
        %add3A_1589 = arith.constant 12 : i32
        %add3A_1590 = arith.addi %mul3A_159, %add3A_1589 : i32
        %swap3A_1591 = arith.index_cast %add3A_1590 : i32 to index
        %swap3A_1592 = arith.constant 48 : index
        %swap3A_1593 = tpu.vector_load %arg14[%swap3A_1591, %swap3A_1592] {strides = array<i32>} : memref<80x128xf32, #tpu.memory_space<vmem>>, vector<1x16xf32>,
        %swap3A_1594 = vector.shape_cast %swap3A_1593 : vector<1x16xf32> to vector<16xf32>
        %swap3A_1595 = vector.shape_cast %mul3A_1588 : vector<16xf32> to vector<1x16xf32>
        tpu.vector_store %arg14[%swap3A_1591, %swap3A_1592], %swap3A_1595 {strides = array<i32>} : memref<80x128xf32, #tpu.memory_space<vmem>>, vector<1x16xf32>,
        %add3A_1596 = arith.constant 12 : i32
        %add3A_1597 = arith.addi %mul3A_159, %add3A_1596 : i32
        %get3A_1598 = arith.index_cast %add3A_1597 : i32 to index
        %get3A_1599 = arith.constant 64 : index
        %get3A_1600 = tpu.vector_load %arg14[%get3A_1598, %get3A_1599] {strides = array<i32>} : memref<80x128xf32, #tpu.memory_space<vmem>>, vector<1x16xf32>,
        %get3A_1601 = vector.shape_cast %get3A_1600 : vector<1x16xf32> to vector<16xf32>
        %mul3A_1602 = arith.mulf %get3A_1601, %broadcast_in_dim3A_1539 : vector<16xf32>
        %add3A_1603 = arith.constant 12 : i32
        %add3A_1604 = arith.addi %mul3A_159, %add3A_1603 : i32
        %swap3A_1605 = arith.index_cast %add3A_1604 : i32 to index
        %swap3A_1606 = arith.constant 64 : index
        %swap3A_1607 = tpu.vector_load %arg14[%swap3A_1605, %swap3A_1606] {strides = array<i32>} : memref<80x128xf32, #tpu.memory_space<vmem>>, vector<1x16xf32>,
        %swap3A_1608 = vector.shape_cast %swap3A_1607 : vector<1x16xf32> to vector<16xf32>
        %swap3A_1609 = vector.shape_cast %mul3A_1602 : vector<16xf32> to vector<1x16xf32>
        tpu.vector_store %arg14[%swap3A_1605, %swap3A_1606], %swap3A_1609 {strides = array<i32>} : memref<80x128xf32, #tpu.memory_space<vmem>>, vector<1x16xf32>,
        %add3A_1610 = arith.constant 12 : i32
        %add3A_1611 = arith.addi %mul3A_159, %add3A_1610 : i32
        %get3A_1612 = arith.index_cast %add3A_1611 : i32 to index
        %get3A_1613 = arith.constant 80 : index
        %get3A_1614 = tpu.vector_load %arg14[%get3A_1612, %get3A_1613] {strides = array<i32>} : memref<80x128xf32, #tpu.memory_space<vmem>>, vector<1x16xf32>,
        %get3A_1615 = vector.shape_cast %get3A_1614 : vector<1x16xf32> to vector<16xf32>
        %mul3A_1616 = arith.mulf %get3A_1615, %broadcast_in_dim3A_1539 : vector<16xf32>
        %add3A_1617 = arith.constant 12 : i32
        %add3A_1618 = arith.addi %mul3A_159, %add3A_1617 : i32
        %swap3A_1619 = arith.index_cast %add3A_1618 : i32 to index
        %swap3A_1620 = arith.constant 80 : index
        %swap3A_1621 = tpu.vector_load %arg14[%swap3A_1619, %swap3A_1620] {strides = array<i32>} : memref<80x128xf32, #tpu.memory_space<vmem>>, vector<1x16xf32>,
        %swap3A_1622 = vector.shape_cast %swap3A_1621 : vector<1x16xf32> to vector<16xf32>
        %swap3A_1623 = vector.shape_cast %mul3A_1616 : vector<16xf32> to vector<1x16xf32>
        tpu.vector_store %arg14[%swap3A_1619, %swap3A_1620], %swap3A_1623 {strides = array<i32>} : memref<80x128xf32, #tpu.memory_space<vmem>>, vector<1x16xf32>,
        %add3A_1624 = arith.constant 12 : i32
        %add3A_1625 = arith.addi %mul3A_159, %add3A_1624 : i32
        %get3A_1626 = arith.index_cast %add3A_1625 : i32 to index
        %get3A_1627 = arith.constant 96 : index
        %get3A_1628 = tpu.vector_load %arg14[%get3A_1626, %get3A_1627] {strides = array<i32>} : memref<80x128xf32, #tpu.memory_space<vmem>>, vector<1x16xf32>,
        %get3A_1629 = vector.shape_cast %get3A_1628 : vector<1x16xf32> to vector<16xf32>
        %mul3A_1630 = arith.mulf %get3A_1629, %broadcast_in_dim3A_1539 : vector<16xf32>
        %add3A_1631 = arith.constant 12 : i32
        %add3A_1632 = arith.addi %mul3A_159, %add3A_1631 : i32
        %swap3A_1633 = arith.index_cast %add3A_1632 : i32 to index
        %swap3A_1634 = arith.constant 96 : index
        %swap3A_1635 = tpu.vector_load %arg14[%swap3A_1633, %swap3A_1634] {strides = array<i32>} : memref<80x128xf32, #tpu.memory_space<vmem>>, vector<1x16xf32>,
        %swap3A_1636 = vector.shape_cast %swap3A_1635 : vector<1x16xf32> to vector<16xf32>
        %swap3A_1637 = vector.shape_cast %mul3A_1630 : vector<16xf32> to vector<1x16xf32>
        tpu.vector_store %arg14[%swap3A_1633, %swap3A_1634], %swap3A_1637 {strides = array<i32>} : memref<80x128xf32, #tpu.memory_space<vmem>>, vector<1x16xf32>,
        %add3A_1638 = arith.constant 12 : i32
        %add3A_1639 = arith.addi %mul3A_159, %add3A_1638 : i32
        %get3A_1640 = arith.index_cast %add3A_1639 : i32 to index
        %get3A_1641 = arith.constant 112 : index
        %get3A_1642 = tpu.vector_load %arg14[%get3A_1640, %get3A_1641] {strides = array<i32>} : memref<80x128xf32, #tpu.memory_space<vmem>>, vector<1x16xf32>,
        %get3A_1643 = vector.shape_cast %get3A_1642 : vector<1x16xf32> to vector<16xf32>
        %mul3A_1644 = arith.mulf %get3A_1643, %broadcast_in_dim3A_1539 : vector<16xf32>
        %add3A_1645 = arith.constant 12 : i32
        %add3A_1646 = arith.addi %mul3A_159, %add3A_1645 : i32
        %swap3A_1647 = arith.index_cast %add3A_1646 : i32 to index
        %swap3A_1648 = arith.constant 112 : index
        %swap3A_1649 = tpu.vector_load %arg14[%swap3A_1647, %swap3A_1648] {strides = array<i32>} : memref<80x128xf32, #tpu.memory_space<vmem>>, vector<1x16xf32>,
        %swap3A_1650 = vector.shape_cast %swap3A_1649 : vector<1x16xf32> to vector<16xf32>
        %swap3A_1651 = vector.shape_cast %mul3A_1644 : vector<16xf32> to vector<1x16xf32>
        tpu.vector_store %arg14[%swap3A_1647, %swap3A_1648], %swap3A_1651 {strides = array<i32>} : memref<80x128xf32, #tpu.memory_space<vmem>>, vector<1x16xf32>,
        %slice3A_1652 = vector.extract_strided_slice %get3A_157 {offsets = [13], sizes = [1], strides = [1]} : vector<16xf32> to vector<1xf32>
        %squeeze3A_1653 = vector.extract %slice3A_1652[0] : f32 from vector<1xf32>
        %broadcast_in_dim3A_1654 = vector.broadcast %squeeze3A_1653 : f32 to vector<16xf32>
        %add3A_1655 = arith.constant 13 : i32
        %add3A_1656 = arith.addi %mul3A_159, %add3A_1655 : i32
        %get3A_1657 = arith.index_cast %add3A_1656 : i32 to index
        %get3A_1658 = arith.constant 0 : index
        %get3A_1659 = tpu.vector_load %arg14[%get3A_1657, %get3A_1658] {strides = array<i32>} : memref<80x128xf32, #tpu.memory_space<vmem>>, vector<1x16xf32>,
        %get3A_1660 = vector.shape_cast %get3A_1659 : vector<1x16xf32> to vector<16xf32>
        %mul3A_1661 = arith.mulf %get3A_1660, %broadcast_in_dim3A_1654 : vector<16xf32>
        %add3A_1662 = arith.constant 13 : i32
        %add3A_1663 = arith.addi %mul3A_159, %add3A_1662 : i32
        %swap3A_1664 = arith.index_cast %add3A_1663 : i32 to index
        %swap3A_1665 = arith.constant 0 : index
        %swap3A_1666 = tpu.vector_load %arg14[%swap3A_1664, %swap3A_1665] {strides = array<i32>} : memref<80x128xf32, #tpu.memory_space<vmem>>, vector<1x16xf32>,
        %swap3A_1667 = vector.shape_cast %swap3A_1666 : vector<1x16xf32> to vector<16xf32>
        %swap3A_1668 = vector.shape_cast %mul3A_1661 : vector<16xf32> to vector<1x16xf32>
        tpu.vector_store %arg14[%swap3A_1664, %swap3A_1665], %swap3A_1668 {strides = array<i32>} : memref<80x128xf32, #tpu.memory_space<vmem>>, vector<1x16xf32>,
        %add3A_1669 = arith.constant 13 : i32
        %add3A_1670 = arith.addi %mul3A_159, %add3A_1669 : i32
        %get3A_1671 = arith.index_cast %add3A_1670 : i32 to index
        %get3A_1672 = arith.constant 16 : index
        %get3A_1673 = tpu.vector_load %arg14[%get3A_1671, %get3A_1672] {strides = array<i32>} : memref<80x128xf32, #tpu.memory_space<vmem>>, vector<1x16xf32>,
        %get3A_1674 = vector.shape_cast %get3A_1673 : vector<1x16xf32> to vector<16xf32>
        %mul3A_1675 = arith.mulf %get3A_1674, %broadcast_in_dim3A_1654 : vector<16xf32>
        %add3A_1676 = arith.constant 13 : i32
        %add3A_1677 = arith.addi %mul3A_159, %add3A_1676 : i32
        %swap3A_1678 = arith.index_cast %add3A_1677 : i32 to index
        %swap3A_1679 = arith.constant 16 : index
        %swap3A_1680 = tpu.vector_load %arg14[%swap3A_1678, %swap3A_1679] {strides = array<i32>} : memref<80x128xf32, #tpu.memory_space<vmem>>, vector<1x16xf32>,
        %swap3A_1681 = vector.shape_cast %swap3A_1680 : vector<1x16xf32> to vector<16xf32>
        %swap3A_1682 = vector.shape_cast %mul3A_1675 : vector<16xf32> to vector<1x16xf32>
        tpu.vector_store %arg14[%swap3A_1678, %swap3A_1679], %swap3A_1682 {strides = array<i32>} : memref<80x128xf32, #tpu.memory_space<vmem>>, vector<1x16xf32>,
        %add3A_1683 = arith.constant 13 : i32
        %add3A_1684 = arith.addi %mul3A_159, %add3A_1683 : i32
        %get3A_1685 = arith.index_cast %add3A_1684 : i32 to index
        %get3A_1686 = arith.constant 32 : index
        %get3A_1687 = tpu.vector_load %arg14[%get3A_1685, %get3A_1686] {strides = array<i32>} : memref<80x128xf32, #tpu.memory_space<vmem>>, vector<1x16xf32>,
        %get3A_1688 = vector.shape_cast %get3A_1687 : vector<1x16xf32> to vector<16xf32>
        %mul3A_1689 = arith.mulf %get3A_1688, %broadcast_in_dim3A_1654 : vector<16xf32>
        %add3A_1690 = arith.constant 13 : i32
        %add3A_1691 = arith.addi %mul3A_159, %add3A_1690 : i32
        %swap3A_1692 = arith.index_cast %add3A_1691 : i32 to index
        %swap3A_1693 = arith.constant 32 : index
        %swap3A_1694 = tpu.vector_load %arg14[%swap3A_1692, %swap3A_1693] {strides = array<i32>} : memref<80x128xf32, #tpu.memory_space<vmem>>, vector<1x16xf32>,
        %swap3A_1695 = vector.shape_cast %swap3A_1694 : vector<1x16xf32> to vector<16xf32>
        %swap3A_1696 = vector.shape_cast %mul3A_1689 : vector<16xf32> to vector<1x16xf32>
        tpu.vector_store %arg14[%swap3A_1692, %swap3A_1693], %swap3A_1696 {strides = array<i32>} : memref<80x128xf32, #tpu.memory_space<vmem>>, vector<1x16xf32>,
        %add3A_1697 = arith.constant 13 : i32
        %add3A_1698 = arith.addi %mul3A_159, %add3A_1697 : i32
        %get3A_1699 = arith.index_cast %add3A_1698 : i32 to index
        %get3A_1700 = arith.constant 48 : index
        %get3A_1701 = tpu.vector_load %arg14[%get3A_1699, %get3A_1700] {strides = array<i32>} : memref<80x128xf32, #tpu.memory_space<vmem>>, vector<1x16xf32>,
        %get3A_1702 = vector.shape_cast %get3A_1701 : vector<1x16xf32> to vector<16xf32>
        %mul3A_1703 = arith.mulf %get3A_1702, %broadcast_in_dim3A_1654 : vector<16xf32>
        %add3A_1704 = arith.constant 13 : i32
        %add3A_1705 = arith.addi %mul3A_159, %add3A_1704 : i32
        %swap3A_1706 = arith.index_cast %add3A_1705 : i32 to index
        %swap3A_1707 = arith.constant 48 : index
        %swap3A_1708 = tpu.vector_load %arg14[%swap3A_1706, %swap3A_1707] {strides = array<i32>} : memref<80x128xf32, #tpu.memory_space<vmem>>, vector<1x16xf32>,
        %swap3A_1709 = vector.shape_cast %swap3A_1708 : vector<1x16xf32> to vector<16xf32>
        %swap3A_1710 = vector.shape_cast %mul3A_1703 : vector<16xf32> to vector<1x16xf32>
        tpu.vector_store %arg14[%swap3A_1706, %swap3A_1707], %swap3A_1710 {strides = array<i32>} : memref<80x128xf32, #tpu.memory_space<vmem>>, vector<1x16xf32>,
        %add3A_1711 = arith.constant 13 : i32
        %add3A_1712 = arith.addi %mul3A_159, %add3A_1711 : i32
        %get3A_1713 = arith.index_cast %add3A_1712 : i32 to index
        %get3A_1714 = arith.constant 64 : index
        %get3A_1715 = tpu.vector_load %arg14[%get3A_1713, %get3A_1714] {strides = array<i32>} : memref<80x128xf32, #tpu.memory_space<vmem>>, vector<1x16xf32>,
        %get3A_1716 = vector.shape_cast %get3A_1715 : vector<1x16xf32> to vector<16xf32>
        %mul3A_1717 = arith.mulf %get3A_1716, %broadcast_in_dim3A_1654 : vector<16xf32>
        %add3A_1718 = arith.constant 13 : i32
        %add3A_1719 = arith.addi %mul3A_159, %add3A_1718 : i32
        %swap3A_1720 = arith.index_cast %add3A_1719 : i32 to index
        %swap3A_1721 = arith.constant 64 : index
        %swap3A_1722 = tpu.vector_load %arg14[%swap3A_1720, %swap3A_1721] {strides = array<i32>} : memref<80x128xf32, #tpu.memory_space<vmem>>, vector<1x16xf32>,
        %swap3A_1723 = vector.shape_cast %swap3A_1722 : vector<1x16xf32> to vector<16xf32>
        %swap3A_1724 = vector.shape_cast %mul3A_1717 : vector<16xf32> to vector<1x16xf32>
        tpu.vector_store %arg14[%swap3A_1720, %swap3A_1721], %swap3A_1724 {strides = array<i32>} : memref<80x128xf32, #tpu.memory_space<vmem>>, vector<1x16xf32>,
        %add3A_1725 = arith.constant 13 : i32
        %add3A_1726 = arith.addi %mul3A_159, %add3A_1725 : i32
        %get3A_1727 = arith.index_cast %add3A_1726 : i32 to index
        %get3A_1728 = arith.constant 80 : index
        %get3A_1729 = tpu.vector_load %arg14[%get3A_1727, %get3A_1728] {strides = array<i32>} : memref<80x128xf32, #tpu.memory_space<vmem>>, vector<1x16xf32>,
        %get3A_1730 = vector.shape_cast %get3A_1729 : vector<1x16xf32> to vector<16xf32>
        %mul3A_1731 = arith.mulf %get3A_1730, %broadcast_in_dim3A_1654 : vector<16xf32>
        %add3A_1732 = arith.constant 13 : i32
        %add3A_1733 = arith.addi %mul3A_159, %add3A_1732 : i32
        %swap3A_1734 = arith.index_cast %add3A_1733 : i32 to index
        %swap3A_1735 = arith.constant 80 : index
        %swap3A_1736 = tpu.vector_load %arg14[%swap3A_1734, %swap3A_1735] {strides = array<i32>} : memref<80x128xf32, #tpu.memory_space<vmem>>, vector<1x16xf32>,
        %swap3A_1737 = vector.shape_cast %swap3A_1736 : vector<1x16xf32> to vector<16xf32>
        %swap3A_1738 = vector.shape_cast %mul3A_1731 : vector<16xf32> to vector<1x16xf32>
        tpu.vector_store %arg14[%swap3A_1734, %swap3A_1735], %swap3A_1738 {strides = array<i32>} : memref<80x128xf32, #tpu.memory_space<vmem>>, vector<1x16xf32>,
        %add3A_1739 = arith.constant 13 : i32
        %add3A_1740 = arith.addi %mul3A_159, %add3A_1739 : i32
        %get3A_1741 = arith.index_cast %add3A_1740 : i32 to index
        %get3A_1742 = arith.constant 96 : index
        %get3A_1743 = tpu.vector_load %arg14[%get3A_1741, %get3A_1742] {strides = array<i32>} : memref<80x128xf32, #tpu.memory_space<vmem>>, vector<1x16xf32>,
        %get3A_1744 = vector.shape_cast %get3A_1743 : vector<1x16xf32> to vector<16xf32>
        %mul3A_1745 = arith.mulf %get3A_1744, %broadcast_in_dim3A_1654 : vector<16xf32>
        %add3A_1746 = arith.constant 13 : i32
        %add3A_1747 = arith.addi %mul3A_159, %add3A_1746 : i32
        %swap3A_1748 = arith.index_cast %add3A_1747 : i32 to index
        %swap3A_1749 = arith.constant 96 : index
        %swap3A_1750 = tpu.vector_load %arg14[%swap3A_1748, %swap3A_1749] {strides = array<i32>} : memref<80x128xf32, #tpu.memory_space<vmem>>, vector<1x16xf32>,
        %swap3A_1751 = vector.shape_cast %swap3A_1750 : vector<1x16xf32> to vector<16xf32>
        %swap3A_1752 = vector.shape_cast %mul3A_1745 : vector<16xf32> to vector<1x16xf32>
        tpu.vector_store %arg14[%swap3A_1748, %swap3A_1749], %swap3A_1752 {strides = array<i32>} : memref<80x128xf32, #tpu.memory_space<vmem>>, vector<1x16xf32>,
        %add3A_1753 = arith.constant 13 : i32
        %add3A_1754 = arith.addi %mul3A_159, %add3A_1753 : i32
        %get3A_1755 = arith.index_cast %add3A_1754 : i32 to index
        %get3A_1756 = arith.constant 112 : index
        %get3A_1757 = tpu.vector_load %arg14[%get3A_1755, %get3A_1756] {strides = array<i32>} : memref<80x128xf32, #tpu.memory_space<vmem>>, vector<1x16xf32>,
        %get3A_1758 = vector.shape_cast %get3A_1757 : vector<1x16xf32> to vector<16xf32>
        %mul3A_1759 = arith.mulf %get3A_1758, %broadcast_in_dim3A_1654 : vector<16xf32>
        %add3A_1760 = arith.constant 13 : i32
        %add3A_1761 = arith.addi %mul3A_159, %add3A_1760 : i32
        %swap3A_1762 = arith.index_cast %add3A_1761 : i32 to index
        %swap3A_1763 = arith.constant 112 : index
        %swap3A_1764 = tpu.vector_load %arg14[%swap3A_1762, %swap3A_1763] {strides = array<i32>} : memref<80x128xf32, #tpu.memory_space<vmem>>, vector<1x16xf32>,
        %swap3A_1765 = vector.shape_cast %swap3A_1764 : vector<1x16xf32> to vector<16xf32>
        %swap3A_1766 = vector.shape_cast %mul3A_1759 : vector<16xf32> to vector<1x16xf32>
        tpu.vector_store %arg14[%swap3A_1762, %swap3A_1763], %swap3A_1766 {strides = array<i32>} : memref<80x128xf32, #tpu.memory_space<vmem>>, vector<1x16xf32>,
        %slice3A_1767 = vector.extract_strided_slice %get3A_157 {offsets = [14], sizes = [1], strides = [1]} : vector<16xf32> to vector<1xf32>
        %squeeze3A_1768 = vector.extract %slice3A_1767[0] : f32 from vector<1xf32>
        %broadcast_in_dim3A_1769 = vector.broadcast %squeeze3A_1768 : f32 to vector<16xf32>
        %add3A_1770 = arith.constant 14 : i32
        %add3A_1771 = arith.addi %mul3A_159, %add3A_1770 : i32
        %get3A_1772 = arith.index_cast %add3A_1771 : i32 to index
        %get3A_1773 = arith.constant 0 : index
        %get3A_1774 = tpu.vector_load %arg14[%get3A_1772, %get3A_1773] {strides = array<i32>} : memref<80x128xf32, #tpu.memory_space<vmem>>, vector<1x16xf32>,
        %get3A_1775 = vector.shape_cast %get3A_1774 : vector<1x16xf32> to vector<16xf32>
        %mul3A_1776 = arith.mulf %get3A_1775, %broadcast_in_dim3A_1769 : vector<16xf32>
        %add3A_1777 = arith.constant 14 : i32
        %add3A_1778 = arith.addi %mul3A_159, %add3A_1777 : i32
        %swap3A_1779 = arith.index_cast %add3A_1778 : i32 to index
        %swap3A_1780 = arith.constant 0 : index
        %swap3A_1781 = tpu.vector_load %arg14[%swap3A_1779, %swap3A_1780] {strides = array<i32>} : memref<80x128xf32, #tpu.memory_space<vmem>>, vector<1x16xf32>,
        %swap3A_1782 = vector.shape_cast %swap3A_1781 : vector<1x16xf32> to vector<16xf32>
        %swap3A_1783 = vector.shape_cast %mul3A_1776 : vector<16xf32> to vector<1x16xf32>
        tpu.vector_store %arg14[%swap3A_1779, %swap3A_1780], %swap3A_1783 {strides = array<i32>} : memref<80x128xf32, #tpu.memory_space<vmem>>, vector<1x16xf32>,
        %add3A_1784 = arith.constant 14 : i32
        %add3A_1785 = arith.addi %mul3A_159, %add3A_1784 : i32
        %get3A_1786 = arith.index_cast %add3A_1785 : i32 to index
        %get3A_1787 = arith.constant 16 : index
        %get3A_1788 = tpu.vector_load %arg14[%get3A_1786, %get3A_1787] {strides = array<i32>} : memref<80x128xf32, #tpu.memory_space<vmem>>, vector<1x16xf32>,
        %get3A_1789 = vector.shape_cast %get3A_1788 : vector<1x16xf32> to vector<16xf32>
        %mul3A_1790 = arith.mulf %get3A_1789, %broadcast_in_dim3A_1769 : vector<16xf32>
        %add3A_1791 = arith.constant 14 : i32
        %add3A_1792 = arith.addi %mul3A_159, %add3A_1791 : i32
        %swap3A_1793 = arith.index_cast %add3A_1792 : i32 to index
        %swap3A_1794 = arith.constant 16 : index
        %swap3A_1795 = tpu.vector_load %arg14[%swap3A_1793, %swap3A_1794] {strides = array<i32>} : memref<80x128xf32, #tpu.memory_space<vmem>>, vector<1x16xf32>,
        %swap3A_1796 = vector.shape_cast %swap3A_1795 : vector<1x16xf32> to vector<16xf32>
        %swap3A_1797 = vector.shape_cast %mul3A_1790 : vector<16xf32> to vector<1x16xf32>
        tpu.vector_store %arg14[%swap3A_1793, %swap3A_1794], %swap3A_1797 {strides = array<i32>} : memref<80x128xf32, #tpu.memory_space<vmem>>, vector<1x16xf32>,
        %add3A_1798 = arith.constant 14 : i32
        %add3A_1799 = arith.addi %mul3A_159, %add3A_1798 : i32
        %get3A_1800 = arith.index_cast %add3A_1799 : i32 to index
        %get3A_1801 = arith.constant 32 : index
        %get3A_1802 = tpu.vector_load %arg14[%get3A_1800, %get3A_1801] {strides = array<i32>} : memref<80x128xf32, #tpu.memory_space<vmem>>, vector<1x16xf32>,
        %get3A_1803 = vector.shape_cast %get3A_1802 : vector<1x16xf32> to vector<16xf32>
        %mul3A_1804 = arith.mulf %get3A_1803, %broadcast_in_dim3A_1769 : vector<16xf32>
        %add3A_1805 = arith.constant 14 : i32
        %add3A_1806 = arith.addi %mul3A_159, %add3A_1805 : i32
        %swap3A_1807 = arith.index_cast %add3A_1806 : i32 to index
        %swap3A_1808 = arith.constant 32 : index
        %swap3A_1809 = tpu.vector_load %arg14[%swap3A_1807, %swap3A_1808] {strides = array<i32>} : memref<80x128xf32, #tpu.memory_space<vmem>>, vector<1x16xf32>,
        %swap3A_1810 = vector.shape_cast %swap3A_1809 : vector<1x16xf32> to vector<16xf32>
        %swap3A_1811 = vector.shape_cast %mul3A_1804 : vector<16xf32> to vector<1x16xf32>
        tpu.vector_store %arg14[%swap3A_1807, %swap3A_1808], %swap3A_1811 {strides = array<i32>} : memref<80x128xf32, #tpu.memory_space<vmem>>, vector<1x16xf32>,
        %add3A_1812 = arith.constant 14 : i32
        %add3A_1813 = arith.addi %mul3A_159, %add3A_1812 : i32
        %get3A_1814 = arith.index_cast %add3A_1813 : i32 to index
        %get3A_1815 = arith.constant 48 : index
        %get3A_1816 = tpu.vector_load %arg14[%get3A_1814, %get3A_1815] {strides = array<i32>} : memref<80x128xf32, #tpu.memory_space<vmem>>, vector<1x16xf32>,
        %get3A_1817 = vector.shape_cast %get3A_1816 : vector<1x16xf32> to vector<16xf32>
        %mul3A_1818 = arith.mulf %get3A_1817, %broadcast_in_dim3A_1769 : vector<16xf32>
        %add3A_1819 = arith.constant 14 : i32
        %add3A_1820 = arith.addi %mul3A_159, %add3A_1819 : i32
        %swap3A_1821 = arith.index_cast %add3A_1820 : i32 to index
        %swap3A_1822 = arith.constant 48 : index
        %swap3A_1823 = tpu.vector_load %arg14[%swap3A_1821, %swap3A_1822] {strides = array<i32>} : memref<80x128xf32, #tpu.memory_space<vmem>>, vector<1x16xf32>,
        %swap3A_1824 = vector.shape_cast %swap3A_1823 : vector<1x16xf32> to vector<16xf32>
        %swap3A_1825 = vector.shape_cast %mul3A_1818 : vector<16xf32> to vector<1x16xf32>
        tpu.vector_store %arg14[%swap3A_1821, %swap3A_1822], %swap3A_1825 {strides = array<i32>} : memref<80x128xf32, #tpu.memory_space<vmem>>, vector<1x16xf32>,
        %add3A_1826 = arith.constant 14 : i32
        %add3A_1827 = arith.addi %mul3A_159, %add3A_1826 : i32
        %get3A_1828 = arith.index_cast %add3A_1827 : i32 to index
        %get3A_1829 = arith.constant 64 : index
        %get3A_1830 = tpu.vector_load %arg14[%get3A_1828, %get3A_1829] {strides = array<i32>} : memref<80x128xf32, #tpu.memory_space<vmem>>, vector<1x16xf32>,
        %get3A_1831 = vector.shape_cast %get3A_1830 : vector<1x16xf32> to vector<16xf32>
        %mul3A_1832 = arith.mulf %get3A_1831, %broadcast_in_dim3A_1769 : vector<16xf32>
        %add3A_1833 = arith.constant 14 : i32
        %add3A_1834 = arith.addi %mul3A_159, %add3A_1833 : i32
        %swap3A_1835 = arith.index_cast %add3A_1834 : i32 to index
        %swap3A_1836 = arith.constant 64 : index
        %swap3A_1837 = tpu.vector_load %arg14[%swap3A_1835, %swap3A_1836] {strides = array<i32>} : memref<80x128xf32, #tpu.memory_space<vmem>>, vector<1x16xf32>,
        %swap3A_1838 = vector.shape_cast %swap3A_1837 : vector<1x16xf32> to vector<16xf32>
        %swap3A_1839 = vector.shape_cast %mul3A_1832 : vector<16xf32> to vector<1x16xf32>
        tpu.vector_store %arg14[%swap3A_1835, %swap3A_1836], %swap3A_1839 {strides = array<i32>} : memref<80x128xf32, #tpu.memory_space<vmem>>, vector<1x16xf32>,
        %add3A_1840 = arith.constant 14 : i32
        %add3A_1841 = arith.addi %mul3A_159, %add3A_1840 : i32
        %get3A_1842 = arith.index_cast %add3A_1841 : i32 to index
        %get3A_1843 = arith.constant 80 : index
        %get3A_1844 = tpu.vector_load %arg14[%get3A_1842, %get3A_1843] {strides = array<i32>} : memref<80x128xf32, #tpu.memory_space<vmem>>, vector<1x16xf32>,
        %get3A_1845 = vector.shape_cast %get3A_1844 : vector<1x16xf32> to vector<16xf32>
        %mul3A_1846 = arith.mulf %get3A_1845, %broadcast_in_dim3A_1769 : vector<16xf32>
        %add3A_1847 = arith.constant 14 : i32
        %add3A_1848 = arith.addi %mul3A_159, %add3A_1847 : i32
        %swap3A_1849 = arith.index_cast %add3A_1848 : i32 to index
        %swap3A_1850 = arith.constant 80 : index
        %swap3A_1851 = tpu.vector_load %arg14[%swap3A_1849, %swap3A_1850] {strides = array<i32>} : memref<80x128xf32, #tpu.memory_space<vmem>>, vector<1x16xf32>,
        %swap3A_1852 = vector.shape_cast %swap3A_1851 : vector<1x16xf32> to vector<16xf32>
        %swap3A_1853 = vector.shape_cast %mul3A_1846 : vector<16xf32> to vector<1x16xf32>
        tpu.vector_store %arg14[%swap3A_1849, %swap3A_1850], %swap3A_1853 {strides = array<i32>} : memref<80x128xf32, #tpu.memory_space<vmem>>, vector<1x16xf32>,
        %add3A_1854 = arith.constant 14 : i32
        %add3A_1855 = arith.addi %mul3A_159, %add3A_1854 : i32
        %get3A_1856 = arith.index_cast %add3A_1855 : i32 to index
        %get3A_1857 = arith.constant 96 : index
        %get3A_1858 = tpu.vector_load %arg14[%get3A_1856, %get3A_1857] {strides = array<i32>} : memref<80x128xf32, #tpu.memory_space<vmem>>, vector<1x16xf32>,
        %get3A_1859 = vector.shape_cast %get3A_1858 : vector<1x16xf32> to vector<16xf32>
        %mul3A_1860 = arith.mulf %get3A_1859, %broadcast_in_dim3A_1769 : vector<16xf32>
        %add3A_1861 = arith.constant 14 : i32
        %add3A_1862 = arith.addi %mul3A_159, %add3A_1861 : i32
        %swap3A_1863 = arith.index_cast %add3A_1862 : i32 to index
        %swap3A_1864 = arith.constant 96 : index
        %swap3A_1865 = tpu.vector_load %arg14[%swap3A_1863, %swap3A_1864] {strides = array<i32>} : memref<80x128xf32, #tpu.memory_space<vmem>>, vector<1x16xf32>,
        %swap3A_1866 = vector.shape_cast %swap3A_1865 : vector<1x16xf32> to vector<16xf32>
        %swap3A_1867 = vector.shape_cast %mul3A_1860 : vector<16xf32> to vector<1x16xf32>
        tpu.vector_store %arg14[%swap3A_1863, %swap3A_1864], %swap3A_1867 {strides = array<i32>} : memref<80x128xf32, #tpu.memory_space<vmem>>, vector<1x16xf32>,
        %add3A_1868 = arith.constant 14 : i32
        %add3A_1869 = arith.addi %mul3A_159, %add3A_1868 : i32
        %get3A_1870 = arith.index_cast %add3A_1869 : i32 to index
        %get3A_1871 = arith.constant 112 : index
        %get3A_1872 = tpu.vector_load %arg14[%get3A_1870, %get3A_1871] {strides = array<i32>} : memref<80x128xf32, #tpu.memory_space<vmem>>, vector<1x16xf32>,
        %get3A_1873 = vector.shape_cast %get3A_1872 : vector<1x16xf32> to vector<16xf32>
        %mul3A_1874 = arith.mulf %get3A_1873, %broadcast_in_dim3A_1769 : vector<16xf32>
        %add3A_1875 = arith.constant 14 : i32
        %add3A_1876 = arith.addi %mul3A_159, %add3A_1875 : i32
        %swap3A_1877 = arith.index_cast %add3A_1876 : i32 to index
        %swap3A_1878 = arith.constant 112 : index
        %swap3A_1879 = tpu.vector_load %arg14[%swap3A_1877, %swap3A_1878] {strides = array<i32>} : memref<80x128xf32, #tpu.memory_space<vmem>>, vector<1x16xf32>,
        %swap3A_1880 = vector.shape_cast %swap3A_1879 : vector<1x16xf32> to vector<16xf32>
        %swap3A_1881 = vector.shape_cast %mul3A_1874 : vector<16xf32> to vector<1x16xf32>
        tpu.vector_store %arg14[%swap3A_1877, %swap3A_1878], %swap3A_1881 {strides = array<i32>} : memref<80x128xf32, #tpu.memory_space<vmem>>, vector<1x16xf32>,
        %slice3A_1882 = vector.extract_strided_slice %get3A_157 {offsets = [15], sizes = [1], strides = [1]} : vector<16xf32> to vector<1xf32>
        %squeeze3A_1883 = vector.extract %slice3A_1882[0] : f32 from vector<1xf32>
        %broadcast_in_dim3A_1884 = vector.broadcast %squeeze3A_1883 : f32 to vector<16xf32>
        %add3A_1885 = arith.constant 15 : i32
        %add3A_1886 = arith.addi %mul3A_159, %add3A_1885 : i32
        %get3A_1887 = arith.index_cast %add3A_1886 : i32 to index
        %get3A_1888 = arith.constant 0 : index
        %get3A_1889 = tpu.vector_load %arg14[%get3A_1887, %get3A_1888] {strides = array<i32>} : memref<80x128xf32, #tpu.memory_space<vmem>>, vector<1x16xf32>,
        %get3A_1890 = vector.shape_cast %get3A_1889 : vector<1x16xf32> to vector<16xf32>
        %mul3A_1891 = arith.mulf %get3A_1890, %broadcast_in_dim3A_1884 : vector<16xf32>
        %add3A_1892 = arith.constant 15 : i32
        %add3A_1893 = arith.addi %mul3A_159, %add3A_1892 : i32
        %swap3A_1894 = arith.index_cast %add3A_1893 : i32 to index
        %swap3A_1895 = arith.constant 0 : index
        %swap3A_1896 = tpu.vector_load %arg14[%swap3A_1894, %swap3A_1895] {strides = array<i32>} : memref<80x128xf32, #tpu.memory_space<vmem>>, vector<1x16xf32>,
        %swap3A_1897 = vector.shape_cast %swap3A_1896 : vector<1x16xf32> to vector<16xf32>
        %swap3A_1898 = vector.shape_cast %mul3A_1891 : vector<16xf32> to vector<1x16xf32>
        tpu.vector_store %arg14[%swap3A_1894, %swap3A_1895], %swap3A_1898 {strides = array<i32>} : memref<80x128xf32, #tpu.memory_space<vmem>>, vector<1x16xf32>,
        %add3A_1899 = arith.constant 15 : i32
        %add3A_1900 = arith.addi %mul3A_159, %add3A_1899 : i32
        %get3A_1901 = arith.index_cast %add3A_1900 : i32 to index
        %get3A_1902 = arith.constant 16 : index
        %get3A_1903 = tpu.vector_load %arg14[%get3A_1901, %get3A_1902] {strides = array<i32>} : memref<80x128xf32, #tpu.memory_space<vmem>>, vector<1x16xf32>,
        %get3A_1904 = vector.shape_cast %get3A_1903 : vector<1x16xf32> to vector<16xf32>
        %mul3A_1905 = arith.mulf %get3A_1904, %broadcast_in_dim3A_1884 : vector<16xf32>
        %add3A_1906 = arith.constant 15 : i32
        %add3A_1907 = arith.addi %mul3A_159, %add3A_1906 : i32
        %swap3A_1908 = arith.index_cast %add3A_1907 : i32 to index
        %swap3A_1909 = arith.constant 16 : index
        %swap3A_1910 = tpu.vector_load %arg14[%swap3A_1908, %swap3A_1909] {strides = array<i32>} : memref<80x128xf32, #tpu.memory_space<vmem>>, vector<1x16xf32>,
        %swap3A_1911 = vector.shape_cast %swap3A_1910 : vector<1x16xf32> to vector<16xf32>
        %swap3A_1912 = vector.shape_cast %mul3A_1905 : vector<16xf32> to vector<1x16xf32>
        tpu.vector_store %arg14[%swap3A_1908, %swap3A_1909], %swap3A_1912 {strides = array<i32>} : memref<80x128xf32, #tpu.memory_space<vmem>>, vector<1x16xf32>,
        %add3A_1913 = arith.constant 15 : i32
        %add3A_1914 = arith.addi %mul3A_159, %add3A_1913 : i32
        %get3A_1915 = arith.index_cast %add3A_1914 : i32 to index
        %get3A_1916 = arith.constant 32 : index
        %get3A_1917 = tpu.vector_load %arg14[%get3A_1915, %get3A_1916] {strides = array<i32>} : memref<80x128xf32, #tpu.memory_space<vmem>>, vector<1x16xf32>,
        %get3A_1918 = vector.shape_cast %get3A_1917 : vector<1x16xf32> to vector<16xf32>
        %mul3A_1919 = arith.mulf %get3A_1918, %broadcast_in_dim3A_1884 : vector<16xf32>
        %add3A_1920 = arith.constant 15 : i32
        %add3A_1921 = arith.addi %mul3A_159, %add3A_1920 : i32
        %swap3A_1922 = arith.index_cast %add3A_1921 : i32 to index
        %swap3A_1923 = arith.constant 32 : index
        %swap3A_1924 = tpu.vector_load %arg14[%swap3A_1922, %swap3A_1923] {strides = array<i32>} : memref<80x128xf32, #tpu.memory_space<vmem>>, vector<1x16xf32>,
        %swap3A_1925 = vector.shape_cast %swap3A_1924 : vector<1x16xf32> to vector<16xf32>
        %swap3A_1926 = vector.shape_cast %mul3A_1919 : vector<16xf32> to vector<1x16xf32>
        tpu.vector_store %arg14[%swap3A_1922, %swap3A_1923], %swap3A_1926 {strides = array<i32>} : memref<80x128xf32, #tpu.memory_space<vmem>>, vector<1x16xf32>,
        %add3A_1927 = arith.constant 15 : i32
        %add3A_1928 = arith.addi %mul3A_159, %add3A_1927 : i32
        %get3A_1929 = arith.index_cast %add3A_1928 : i32 to index
        %get3A_1930 = arith.constant 48 : index
        %get3A_1931 = tpu.vector_load %arg14[%get3A_1929, %get3A_1930] {strides = array<i32>} : memref<80x128xf32, #tpu.memory_space<vmem>>, vector<1x16xf32>,
        %get3A_1932 = vector.shape_cast %get3A_1931 : vector<1x16xf32> to vector<16xf32>
        %mul3A_1933 = arith.mulf %get3A_1932, %broadcast_in_dim3A_1884 : vector<16xf32>
        %add3A_1934 = arith.constant 15 : i32
        %add3A_1935 = arith.addi %mul3A_159, %add3A_1934 : i32
        %swap3A_1936 = arith.index_cast %add3A_1935 : i32 to index
        %swap3A_1937 = arith.constant 48 : index
        %swap3A_1938 = tpu.vector_load %arg14[%swap3A_1936, %swap3A_1937] {strides = array<i32>} : memref<80x128xf32, #tpu.memory_space<vmem>>, vector<1x16xf32>,
        %swap3A_1939 = vector.shape_cast %swap3A_1938 : vector<1x16xf32> to vector<16xf32>
        %swap3A_1940 = vector.shape_cast %mul3A_1933 : vector<16xf32> to vector<1x16xf32>
        tpu.vector_store %arg14[%swap3A_1936, %swap3A_1937], %swap3A_1940 {strides = array<i32>} : memref<80x128xf32, #tpu.memory_space<vmem>>, vector<1x16xf32>,
        %add3A_1941 = arith.constant 15 : i32
        %add3A_1942 = arith.addi %mul3A_159, %add3A_1941 : i32
        %get3A_1943 = arith.index_cast %add3A_1942 : i32 to index
        %get3A_1944 = arith.constant 64 : index
        %get3A_1945 = tpu.vector_load %arg14[%get3A_1943, %get3A_1944] {strides = array<i32>} : memref<80x128xf32, #tpu.memory_space<vmem>>, vector<1x16xf32>,
        %get3A_1946 = vector.shape_cast %get3A_1945 : vector<1x16xf32> to vector<16xf32>
        %mul3A_1947 = arith.mulf %get3A_1946, %broadcast_in_dim3A_1884 : vector<16xf32>
        %add3A_1948 = arith.constant 15 : i32
        %add3A_1949 = arith.addi %mul3A_159, %add3A_1948 : i32
        %swap3A_1950 = arith.index_cast %add3A_1949 : i32 to index
        %swap3A_1951 = arith.constant 64 : index
        %swap3A_1952 = tpu.vector_load %arg14[%swap3A_1950, %swap3A_1951] {strides = array<i32>} : memref<80x128xf32, #tpu.memory_space<vmem>>, vector<1x16xf32>,
        %swap3A_1953 = vector.shape_cast %swap3A_1952 : vector<1x16xf32> to vector<16xf32>
        %swap3A_1954 = vector.shape_cast %mul3A_1947 : vector<16xf32> to vector<1x16xf32>
        tpu.vector_store %arg14[%swap3A_1950, %swap3A_1951], %swap3A_1954 {strides = array<i32>} : memref<80x128xf32, #tpu.memory_space<vmem>>, vector<1x16xf32>,
        %add3A_1955 = arith.constant 15 : i32
        %add3A_1956 = arith.addi %mul3A_159, %add3A_1955 : i32
        %get3A_1957 = arith.index_cast %add3A_1956 : i32 to index
        %get3A_1958 = arith.constant 80 : index
        %get3A_1959 = tpu.vector_load %arg14[%get3A_1957, %get3A_1958] {strides = array<i32>} : memref<80x128xf32, #tpu.memory_space<vmem>>, vector<1x16xf32>,
        %get3A_1960 = vector.shape_cast %get3A_1959 : vector<1x16xf32> to vector<16xf32>
        %mul3A_1961 = arith.mulf %get3A_1960, %broadcast_in_dim3A_1884 : vector<16xf32>
        %add3A_1962 = arith.constant 15 : i32
        %add3A_1963 = arith.addi %mul3A_159, %add3A_1962 : i32
        %swap3A_1964 = arith.index_cast %add3A_1963 : i32 to index
        %swap3A_1965 = arith.constant 80 : index
        %swap3A_1966 = tpu.vector_load %arg14[%swap3A_1964, %swap3A_1965] {strides = array<i32>} : memref<80x128xf32, #tpu.memory_space<vmem>>, vector<1x16xf32>,
        %swap3A_1967 = vector.shape_cast %swap3A_1966 : vector<1x16xf32> to vector<16xf32>
        %swap3A_1968 = vector.shape_cast %mul3A_1961 : vector<16xf32> to vector<1x16xf32>
        tpu.vector_store %arg14[%swap3A_1964, %swap3A_1965], %swap3A_1968 {strides = array<i32>} : memref<80x128xf32, #tpu.memory_space<vmem>>, vector<1x16xf32>,
        %add3A_1969 = arith.constant 15 : i32
        %add3A_1970 = arith.addi %mul3A_159, %add3A_1969 : i32
        %get3A_1971 = arith.index_cast %add3A_1970 : i32 to index
        %get3A_1972 = arith.constant 96 : index
        %get3A_1973 = tpu.vector_load %arg14[%get3A_1971, %get3A_1972] {strides = array<i32>} : memref<80x128xf32, #tpu.memory_space<vmem>>, vector<1x16xf32>,
        %get3A_1974 = vector.shape_cast %get3A_1973 : vector<1x16xf32> to vector<16xf32>
        %mul3A_1975 = arith.mulf %get3A_1974, %broadcast_in_dim3A_1884 : vector<16xf32>
        %add3A_1976 = arith.constant 15 : i32
        %add3A_1977 = arith.addi %mul3A_159, %add3A_1976 : i32
        %swap3A_1978 = arith.index_cast %add3A_1977 : i32 to index
        %swap3A_1979 = arith.constant 96 : index
        %swap3A_1980 = tpu.vector_load %arg14[%swap3A_1978, %swap3A_1979] {strides = array<i32>} : memref<80x128xf32, #tpu.memory_space<vmem>>, vector<1x16xf32>,
        %swap3A_1981 = vector.shape_cast %swap3A_1980 : vector<1x16xf32> to vector<16xf32>
        %swap3A_1982 = vector.shape_cast %mul3A_1975 : vector<16xf32> to vector<1x16xf32>
        tpu.vector_store %arg14[%swap3A_1978, %swap3A_1979], %swap3A_1982 {strides = array<i32>} : memref<80x128xf32, #tpu.memory_space<vmem>>, vector<1x16xf32>,
        %add3A_1983 = arith.constant 15 : i32
        %add3A_1984 = arith.addi %mul3A_159, %add3A_1983 : i32
        %get3A_1985 = arith.index_cast %add3A_1984 : i32 to index
        %get3A_1986 = arith.constant 112 : index
        %get3A_1987 = tpu.vector_load %arg14[%get3A_1985, %get3A_1986] {strides = array<i32>} : memref<80x128xf32, #tpu.memory_space<vmem>>, vector<1x16xf32>,
        %get3A_1988 = vector.shape_cast %get3A_1987 : vector<1x16xf32> to vector<16xf32>
        %mul3A_1989 = arith.mulf %get3A_1988, %broadcast_in_dim3A_1884 : vector<16xf32>
        %add3A_1990 = arith.constant 15 : i32
        %add3A_1991 = arith.addi %mul3A_159, %add3A_1990 : i32
        %swap3A_1992 = arith.index_cast %add3A_1991 : i32 to index
        %swap3A_1993 = arith.constant 112 : index
        %swap3A_1994 = tpu.vector_load %arg14[%swap3A_1992, %swap3A_1993] {strides = array<i32>} : memref<80x128xf32, #tpu.memory_space<vmem>>, vector<1x16xf32>,
        %swap3A_1995 = vector.shape_cast %swap3A_1994 : vector<1x16xf32> to vector<16xf32>
        %swap3A_1996 = vector.shape_cast %mul3A_1989 : vector<16xf32> to vector<1x16xf32>
        tpu.vector_store %arg14[%swap3A_1992, %swap3A_1993], %swap3A_1996 {strides = array<i32>} : memref<80x128xf32, #tpu.memory_space<vmem>>, vector<1x16xf32>,
        %scan3A_1997 = arith.constant 0 : i32
        scf.yield %scan3A_1997 : i32
      }
      %scan3A_149 = arith.constant 5 : i32
      "tpu.region"() ({
        %run_scoped3A = tpu.sem_alloc : memref<!tpu.dma_semaphore, #tpu.memory_space<semaphore_mem>>
        %dma_start3A_151 = arith.constant 0 : i32
        %dma_start3A_152 = arith.constant 0 : i32
        %dma_start3A_153 = tpu.memref_slice %arg18[%dma_start3A_151, %dma_start3A_152] : memref<10240x128xf32, #tpu.memory_space<vmem_shared>> -> memref<10240x128xf32, #tpu.memory_space<vmem_shared>>
        tpu.enqueue_indirect_dma source(%arg14 : memref<80x128xf32, #tpu.memory_space<vmem>>) target(%dma_start3A_153 : memref<10240x128xf32, #tpu.memory_space<vmem_shared>>) offsets(%arg10 : memref<80xi32, #tpu.memory_space<vmem>>) semaphore(%run_scoped3A : memref<!tpu.dma_semaphore, #tpu.memory_space<semaphore_mem>>) {add = true}
        %dma_wait3A_154 = arith.constant 0 : i32
        %dma_wait3A_155 = arith.constant 0 : i32
        %dma_wait3A_156 = tpu.memref_slice %arg18[%dma_wait3A_154, %dma_wait3A_155] : memref<10240x128xf32, #tpu.memory_space<vmem_shared>> -> memref<10240x128xf32, #tpu.memory_space<vmem_shared>>
        tpu.wait_indirect_dma semaphore(%run_scoped3A : memref<!tpu.dma_semaphore, #tpu.memory_space<semaphore_mem>>) src(%arg14 : memref<80x128xf32, #tpu.memory_space<vmem>>) dst(%dma_wait3A_156 : memref<10240x128xf32, #tpu.memory_space<vmem_shared>>)
        tpu.yield
      }) : () -> ()
      "tpu.region"() ({
        %run_scoped3A = tpu.sem_alloc : memref<!tpu.dma_semaphore, #tpu.memory_space<semaphore_mem>>
        %dma_start3A_151 = arith.constant 0 : i32
        %dma_start3A_152 = tpu.memref_slice %arg19[%dma_start3A_151] : memref<10240xf32, #tpu.memory_space<vmem_shared>> -> memref<10240xf32, #tpu.memory_space<vmem_shared>>
        tpu.enqueue_indirect_dma source(%arg13 : memref<80xf32, #tpu.memory_space<vmem>>) target(%dma_start3A_152 : memref<10240xf32, #tpu.memory_space<vmem_shared>>) offsets(%arg10 : memref<80xi32, #tpu.memory_space<vmem>>) semaphore(%run_scoped3A : memref<!tpu.dma_semaphore, #tpu.memory_space<semaphore_mem>>) {add = true}
        %dma_wait3A_153 = arith.constant 0 : i32
        %dma_wait3A_154 = tpu.memref_slice %arg19[%dma_wait3A_153] : memref<10240xf32, #tpu.memory_space<vmem_shared>> -> memref<10240xf32, #tpu.memory_space<vmem_shared>>
        tpu.wait_indirect_dma semaphore(%run_scoped3A : memref<!tpu.dma_semaphore, #tpu.memory_space<semaphore_mem>>) src(%arg13 : memref<80xf32, #tpu.memory_space<vmem>>) dst(%dma_wait3A_154 : memref<10240xf32, #tpu.memory_space<vmem_shared>>)
        tpu.yield
      }) : () -> ()
      %scan3A_150 = arith.constant 0 : i32
      scf.yield %scan3A_150 : i32
    }
    %scan3A_42 = arith.constant 125 : i32
    %barrier3A_43 = arith.constant 0 : index
    tpu.barrier barrier_id(%barrier3A_43)
    "tpu.region"() ({
      %run_scoped3A = tpu.sem_alloc : memref<!tpu.dma_semaphore, #tpu.memory_space<semaphore_mem>>
      %dma_start3A = arith.constant 0 : i32
      %dma_start3A_44 = tpu.memref_slice %arg7[%arg0, %mul3A_15, %dma_start3A] : memref<2x10240x128xf32, #tpu.memory_space<hbm>> -> memref<1x640x128xf32, #tpu.memory_space<hbm>>
      %dma_start3A_45 = tpu.memref_squeeze %dma_start3A_44 : memref<1x640x128xf32, #tpu.memory_space<hbm>> -> memref<640x128xf32, #tpu.memory_space<hbm>>
      %dma_start3A_46 = arith.constant 0 : i32
      %dma_start3A_47 = tpu.memref_slice %arg18[%mul3A_15, %dma_start3A_46] : memref<10240x128xf32, #tpu.memory_space<vmem_shared>> -> memref<640x128xf32, #tpu.memory_space<vmem_shared>>
      tpu.enqueue_dma source(%dma_start3A_47 : memref<640x128xf32, #tpu.memory_space<vmem_shared>>) target(%dma_start3A_45 : memref<640x128xf32, #tpu.memory_space<hbm>>) target_semaphore(%run_scoped3A : memref<!tpu.dma_semaphore, #tpu.memory_space<semaphore_mem>>)
      %dma_wait3A = arith.constant 0 : i32
      %dma_wait3A_48 = tpu.memref_slice %arg7[%arg0, %mul3A_15, %dma_wait3A] : memref<2x10240x128xf32, #tpu.memory_space<hbm>> -> memref<1x640x128xf32, #tpu.memory_space<hbm>>
      %dma_wait3A_49 = tpu.memref_squeeze %dma_wait3A_48 : memref<1x640x128xf32, #tpu.memory_space<hbm>> -> memref<640x128xf32, #tpu.memory_space<hbm>>
      %dma_wait3A_50 = arith.constant 0 : i32
      %dma_wait3A_51 = tpu.memref_slice %arg18[%mul3A_15, %dma_wait3A_50] : memref<10240x128xf32, #tpu.memory_space<vmem_shared>> -> memref<640x128xf32, #tpu.memory_space<vmem_shared>>
      tpu.wait_dma2 semaphore(%run_scoped3A : memref<!tpu.dma_semaphore, #tpu.memory_space<semaphore_mem>>) src(%dma_wait3A_51 : memref<640x128xf32, #tpu.memory_space<vmem_shared>>) dst(%dma_wait3A_49 : memref<640x128xf32, #tpu.memory_space<hbm>>)
      tpu.yield
    }) : () -> ()
    "tpu.region"() ({
      %run_scoped3A = tpu.sem_alloc : memref<!tpu.dma_semaphore, #tpu.memory_space<semaphore_mem>>
      %dma_start3A = tpu.memref_slice %arg8[%arg0, %mul3A_15] : memref<2x10240xf32, #tpu.memory_space<hbm>> -> memref<1x640xf32, #tpu.memory_space<hbm>>
      %dma_start3A_44 = tpu.memref_squeeze %dma_start3A : memref<1x640xf32, #tpu.memory_space<hbm>> -> memref<640xf32, #tpu.memory_space<hbm>>
      %dma_start3A_45 = tpu.memref_slice %arg19[%mul3A_15] : memref<10240xf32, #tpu.memory_space<vmem_shared>> -> memref<640xf32, #tpu.memory_space<vmem_shared>>
      tpu.enqueue_dma source(%dma_start3A_45 : memref<640xf32, #tpu.memory_space<vmem_shared>>) target(%dma_start3A_44 : memref<640xf32, #tpu.memory_space<hbm>>) target_semaphore(%run_scoped3A : memref<!tpu.dma_semaphore, #tpu.memory_space<semaphore_mem>>)
      %dma_wait3A = tpu.memref_slice %arg8[%arg0, %mul3A_15] : memref<2x10240xf32, #tpu.memory_space<hbm>> -> memref<1x640xf32, #tpu.memory_space<hbm>>
      %dma_wait3A_46 = tpu.memref_squeeze %dma_wait3A : memref<1x640xf32, #tpu.memory_space<hbm>> -> memref<640xf32, #tpu.memory_space<hbm>>
      %dma_wait3A_47 = tpu.memref_slice %arg19[%mul3A_15] : memref<10240xf32, #tpu.memory_space<vmem_shared>> -> memref<640xf32, #tpu.memory_space<vmem_shared>>
      tpu.wait_dma2 semaphore(%run_scoped3A : memref<!tpu.dma_semaphore, #tpu.memory_space<semaphore_mem>>) src(%dma_wait3A_47 : memref<640xf32, #tpu.memory_space<vmem_shared>>) dst(%dma_wait3A_46 : memref<640xf32, #tpu.memory_space<hbm>>)
      tpu.yield
    }) : () -> ()
    return
  }
}

module attributes {stable_mosaic.version = 14 : i64} {
  func.func @_mm_body(%arg0: i32, %arg1: memref<1000x128xf32, #tpu.memory_space<vmem>>, %arg2: memref<128x256xf32, #tpu.memory_space<vmem>>, %arg3: memref<1000x256xf32, #tpu.memory_space<vmem>>) attributes {dimension_semantics = [#tpu.dimension_semantics<arbitrary>], iteration_bounds = array<i64: 10>, scalar_prefetch = 0 : i64, scratch_operands = 0 : i64, tpu.core_type = #tpu.core_type<tc>, window_params = [{transform_indices = @transform_0, window_bounds = array<i64: 1000, 128>}, {pipeline_mode = #tpu.pipeline_mode<synchronous>, transform_indices = @transform_1, window_bounds = array<i64: 128, 256>}, {transform_indices = @transform_2, window_bounds = array<i64: 1000, 256>}]} {
    %get3A = arith.constant 0 : index
    %get3A_0 = arith.constant 0 : index
    %get3A_1 = vector.load %arg1[%get3A, %get3A_0] : memref<1000x128xf32, #tpu.memory_space<vmem>>, vector<1000x128xf32>
    %get3A_2 = arith.constant 0 : index
    %get3A_3 = arith.constant 0 : index
    %get3A_4 = vector.load %arg2[%get3A_2, %get3A_3] : memref<128x256xf32, #tpu.memory_space<vmem>>, vector<128x256xf32>
    %dot_general3A = arith.constant dense<0.000000e+00> : vector<1000x256xf32>
    %dot_general3A_5 = tpu.matmul %get3A_1, %get3A_4, %dot_general3A {dimension_numbers = #tpu.dot_dimension_numbers<[1], [0], [0], [1], [0, 0, 1, 1], [], []>, transpose_lhs_hint = false} : vector<1000x128xf32>, vector<128x256xf32>, vector<1000x256xf32> -> vector<1000x256xf32>
    %swap3A = arith.constant 0 : index
    %swap3A_6 = arith.constant 0 : index
    %swap3A_7 = vector.load %arg3[%swap3A, %swap3A_6] : memref<1000x256xf32, #tpu.memory_space<vmem>>, vector<1000x256xf32>
    tpu.vector_store %arg3[%swap3A, %swap3A_6], %dot_general3A_5 {strides = array<i32>} : memref<1000x256xf32, #tpu.memory_space<vmem>>, vector<1000x256xf32>,
    return
  }
  func.func @transform_0(%arg0: i32) -> (i32, i32) {
    %c0_i32 = arith.constant 0 : i32
    %c0_i32_0 = arith.constant 0 : i32
    return %arg0, %c0_i32 : i32, i32
  }
  func.func @transform_1(%arg0: i32) -> (i32, i32) {
    %c0_i32 = arith.constant 0 : i32
    %c0_i32_0 = arith.constant 0 : i32
    %c0_i32_1 = arith.constant 0 : i32
    return %c0_i32, %c0_i32_0 : i32, i32
  }
  func.func @transform_2(%arg0: i32) -> (i32, i32) {
    %c0_i32 = arith.constant 0 : i32
    %c0_i32_0 = arith.constant 0 : i32
    return %arg0, %c0_i32 : i32, i32
  }
}

module attributes {stable_mosaic.version = 14 : i64} {
  func.func @_comb_mm_body(%arg0: i32, %arg1: memref<1000x128xf32, #tpu.memory_space<vmem>>, %arg2: memref<1000x128xf32, #tpu.memory_space<vmem>>, %arg3: memref<1000x1xf32, #tpu.memory_space<vmem>>, %arg4: memref<1000x1xf32, #tpu.memory_space<vmem>>, %arg5: memref<1x128xf32, #tpu.memory_space<vmem>>, %arg6: memref<128x256xf32, #tpu.memory_space<vmem>>, %arg7: memref<1000x256xf32, #tpu.memory_space<vmem>>) attributes {dimension_semantics = [#tpu.dimension_semantics<arbitrary>], iteration_bounds = array<i64: 10>, scalar_prefetch = 0 : i64, scratch_operands = 0 : i64, tpu.core_type = #tpu.core_type<tc>, window_params = [{transform_indices = @transform_0, window_bounds = array<i64: 1000, 128>}, {transform_indices = @transform_1, window_bounds = array<i64: 1000, 128>}, {transform_indices = @transform_2, window_bounds = array<i64: 1000, 1>}, {transform_indices = @transform_3, window_bounds = array<i64: 1000, 1>}, {pipeline_mode = #tpu.pipeline_mode<synchronous>, transform_indices = @transform_4, window_bounds = array<i64: 1, 128>}, {pipeline_mode = #tpu.pipeline_mode<synchronous>, transform_indices = @transform_5, window_bounds = array<i64: 128, 256>}, {transform_indices = @transform_6, window_bounds = array<i64: 1000, 256>}]} {
    %get3A = arith.constant 0 : index
    %get3A_0 = arith.constant 0 : index
    %get3A_1 = vector.load %arg3[%get3A, %get3A_0] : memref<1000x1xf32, #tpu.memory_space<vmem>>, vector<1000x1xf32>
    %get3A_2 = arith.constant 0 : index
    %get3A_3 = arith.constant 0 : index
    %get3A_4 = vector.load %arg4[%get3A_2, %get3A_3] : memref<1000x1xf32, #tpu.memory_space<vmem>>, vector<1000x1xf32>
    %add3A = arith.addf %get3A_1, %get3A_4 : vector<1000x1xf32>
    %get3A_5 = arith.constant 0 : index
    %get3A_6 = arith.constant 0 : index
    %get3A_7 = vector.load %arg1[%get3A_5, %get3A_6] : memref<1000x128xf32, #tpu.memory_space<vmem>>, vector<1000x128xf32>
    %get3A_8 = arith.constant 0 : index
    %get3A_9 = arith.constant 0 : index
    %get3A_10 = vector.load %arg2[%get3A_8, %get3A_9] : memref<1000x128xf32, #tpu.memory_space<vmem>>, vector<1000x128xf32>
    %add3A_11 = arith.addf %get3A_7, %get3A_10 : vector<1000x128xf32>
    %add3A_12 = arith.constant 1.000000e-16 : f32
    %add3A_13 = vector.broadcast %add3A_12 : f32 to vector<1000x1xf32>
    %add3A_14 = arith.addf %add3A, %add3A_13 : vector<1000x1xf32>
    %div3A = vector.broadcast %add3A_14 : vector<1000x1xf32> to vector<1000x128xf32>
    %div3A_15 = arith.divf %add3A_11, %div3A : vector<1000x128xf32>
    %get3A_16 = arith.constant 0 : index
    %get3A_17 = arith.constant 0 : index
    %get3A_18 = vector.load %arg5[%get3A_16, %get3A_17] : memref<1x128xf32, #tpu.memory_space<vmem>>, vector<1x128xf32>
    %add3A_19 = vector.broadcast %get3A_18 : vector<1x128xf32> to vector<1000x128xf32>
    %add3A_20 = arith.addf %div3A_15, %add3A_19 : vector<1000x128xf32>
    %max3A = arith.constant 0.000000e+00 : f32
    %max3A_21 = vector.broadcast %max3A : f32 to vector<1000x128xf32>
    %max3A_22 = arith.maximumf %add3A_20, %max3A_21 : vector<1000x128xf32>
    %get3A_23 = arith.constant 0 : index
    %get3A_24 = arith.constant 0 : index
    %get3A_25 = vector.load %arg6[%get3A_23, %get3A_24] : memref<128x256xf32, #tpu.memory_space<vmem>>, vector<128x256xf32>
    %dot_general3A = arith.constant dense<0.000000e+00> : vector<1000x256xf32>
    %dot_general3A_26 = tpu.matmul %max3A_22, %get3A_25, %dot_general3A {dimension_numbers = #tpu.dot_dimension_numbers<[1], [0], [0], [1], [0, 0, 1, 1], [], []>, transpose_lhs_hint = false} : vector<1000x128xf32>, vector<128x256xf32>, vector<1000x256xf32> -> vector<1000x256xf32>
    %swap3A = arith.constant 0 : index
    %swap3A_27 = arith.constant 0 : index
    %swap3A_28 = vector.load %arg7[%swap3A, %swap3A_27] : memref<1000x256xf32, #tpu.memory_space<vmem>>, vector<1000x256xf32>
    tpu.vector_store %arg7[%swap3A, %swap3A_27], %dot_general3A_26 {strides = array<i32>} : memref<1000x256xf32, #tpu.memory_space<vmem>>, vector<1000x256xf32>,
    return
  }
  func.func @transform_0(%arg0: i32) -> (i32, i32) {
    %c0_i32 = arith.constant 0 : i32
    %c0_i32_0 = arith.constant 0 : i32
    return %arg0, %c0_i32 : i32, i32
  }
  func.func @transform_1(%arg0: i32) -> (i32, i32) {
    %c0_i32 = arith.constant 0 : i32
    %c0_i32_0 = arith.constant 0 : i32
    return %arg0, %c0_i32 : i32, i32
  }
  func.func @transform_2(%arg0: i32) -> (i32, i32) {
    %c0_i32 = arith.constant 0 : i32
    %c0_i32_0 = arith.constant 0 : i32
    return %arg0, %c0_i32 : i32, i32
  }
  func.func @transform_3(%arg0: i32) -> (i32, i32) {
    %c0_i32 = arith.constant 0 : i32
    %c0_i32_0 = arith.constant 0 : i32
    return %arg0, %c0_i32 : i32, i32
  }
  func.func @transform_4(%arg0: i32) -> (i32, i32) {
    %c0_i32 = arith.constant 0 : i32
    %c0_i32_0 = arith.constant 0 : i32
    %c0_i32_1 = arith.constant 0 : i32
    return %c0_i32, %c0_i32_0 : i32, i32
  }
  func.func @transform_5(%arg0: i32) -> (i32, i32) {
    %c0_i32 = arith.constant 0 : i32
    %c0_i32_0 = arith.constant 0 : i32
    %c0_i32_1 = arith.constant 0 : i32
    return %c0_i32, %c0_i32_0 : i32, i32
  }
  func.func @transform_6(%arg0: i32) -> (i32, i32) {
    %c0_i32 = arith.constant 0 : i32
    %c0_i32_0 = arith.constant 0 : i32
    return %arg0, %c0_i32 : i32, i32
  }
}

module attributes {stable_mosaic.version = 14 : i64} {
  func.func @_comb_body(%arg0: i32, %arg1: memref<1000x128xf32, #tpu.memory_space<vmem>>, %arg2: memref<1000x128xf32, #tpu.memory_space<vmem>>, %arg3: memref<1000x1xf32, #tpu.memory_space<vmem>>, %arg4: memref<1000x1xf32, #tpu.memory_space<vmem>>, %arg5: memref<1x128xf32, #tpu.memory_space<vmem>>, %arg6: memref<1000x128xf32, #tpu.memory_space<vmem>>) attributes {dimension_semantics = [#tpu.dimension_semantics<arbitrary>], iteration_bounds = array<i64: 10>, scalar_prefetch = 0 : i64, scratch_operands = 0 : i64, tpu.core_type = #tpu.core_type<tc>, window_params = [{transform_indices = @transform_0, window_bounds = array<i64: 1000, 128>}, {transform_indices = @transform_1, window_bounds = array<i64: 1000, 128>}, {transform_indices = @transform_2, window_bounds = array<i64: 1000, 1>}, {transform_indices = @transform_3, window_bounds = array<i64: 1000, 1>}, {pipeline_mode = #tpu.pipeline_mode<synchronous>, transform_indices = @transform_4, window_bounds = array<i64: 1, 128>}, {transform_indices = @transform_5, window_bounds = array<i64: 1000, 128>}]} {
    %get3A = arith.constant 0 : index
    %get3A_0 = arith.constant 0 : index
    %get3A_1 = vector.load %arg3[%get3A, %get3A_0] : memref<1000x1xf32, #tpu.memory_space<vmem>>, vector<1000x1xf32>
    %get3A_2 = arith.constant 0 : index
    %get3A_3 = arith.constant 0 : index
    %get3A_4 = vector.load %arg4[%get3A_2, %get3A_3] : memref<1000x1xf32, #tpu.memory_space<vmem>>, vector<1000x1xf32>
    %add3A = arith.addf %get3A_1, %get3A_4 : vector<1000x1xf32>
    %get3A_5 = arith.constant 0 : index
    %get3A_6 = arith.constant 0 : index
    %get3A_7 = vector.load %arg1[%get3A_5, %get3A_6] : memref<1000x128xf32, #tpu.memory_space<vmem>>, vector<1000x128xf32>
    %get3A_8 = arith.constant 0 : index
    %get3A_9 = arith.constant 0 : index
    %get3A_10 = vector.load %arg2[%get3A_8, %get3A_9] : memref<1000x128xf32, #tpu.memory_space<vmem>>, vector<1000x128xf32>
    %add3A_11 = arith.addf %get3A_7, %get3A_10 : vector<1000x128xf32>
    %add3A_12 = arith.constant 1.000000e-16 : f32
    %add3A_13 = vector.broadcast %add3A_12 : f32 to vector<1000x1xf32>
    %add3A_14 = arith.addf %add3A, %add3A_13 : vector<1000x1xf32>
    %div3A = vector.broadcast %add3A_14 : vector<1000x1xf32> to vector<1000x128xf32>
    %div3A_15 = arith.divf %add3A_11, %div3A : vector<1000x128xf32>
    %get3A_16 = arith.constant 0 : index
    %get3A_17 = arith.constant 0 : index
    %get3A_18 = vector.load %arg5[%get3A_16, %get3A_17] : memref<1x128xf32, #tpu.memory_space<vmem>>, vector<1x128xf32>
    %add3A_19 = vector.broadcast %get3A_18 : vector<1x128xf32> to vector<1000x128xf32>
    %add3A_20 = arith.addf %div3A_15, %add3A_19 : vector<1000x128xf32>
    %max3A = arith.constant 0.000000e+00 : f32
    %max3A_21 = vector.broadcast %max3A : f32 to vector<1000x128xf32>
    %max3A_22 = arith.maximumf %add3A_20, %max3A_21 : vector<1000x128xf32>
    %swap3A = arith.constant 0 : index
    %swap3A_23 = arith.constant 0 : index
    %swap3A_24 = vector.load %arg6[%swap3A, %swap3A_23] : memref<1000x128xf32, #tpu.memory_space<vmem>>, vector<1000x128xf32>
    tpu.vector_store %arg6[%swap3A, %swap3A_23], %max3A_22 {strides = array<i32>} : memref<1000x128xf32, #tpu.memory_space<vmem>>, vector<1000x128xf32>,
    return
  }
  func.func @transform_0(%arg0: i32) -> (i32, i32) {
    %c0_i32 = arith.constant 0 : i32
    %c0_i32_0 = arith.constant 0 : i32
    return %arg0, %c0_i32 : i32, i32
  }
  func.func @transform_1(%arg0: i32) -> (i32, i32) {
    %c0_i32 = arith.constant 0 : i32
    %c0_i32_0 = arith.constant 0 : i32
    return %arg0, %c0_i32 : i32, i32
  }
  func.func @transform_2(%arg0: i32) -> (i32, i32) {
    %c0_i32 = arith.constant 0 : i32
    %c0_i32_0 = arith.constant 0 : i32
    return %arg0, %c0_i32 : i32, i32
  }
  func.func @transform_3(%arg0: i32) -> (i32, i32) {
    %c0_i32 = arith.constant 0 : i32
    %c0_i32_0 = arith.constant 0 : i32
    return %arg0, %c0_i32 : i32, i32
  }
  func.func @transform_4(%arg0: i32) -> (i32, i32) {
    %c0_i32 = arith.constant 0 : i32
    %c0_i32_0 = arith.constant 0 : i32
    %c0_i32_1 = arith.constant 0 : i32
    return %c0_i32, %c0_i32_0 : i32, i32
  }
  func.func @transform_5(%arg0: i32) -> (i32, i32) {
    %c0_i32 = arith.constant 0 : i32
    %c0_i32_0 = arith.constant 0 : i32
    return %arg0, %c0_i32 : i32, i32
  }
}

</mosaic_0001>

<sc_bundles>
// kernel: kernel.10.cloned.1.call-start
scs
__scs_entry_jumppad:
0x0: {  	(pc) =	sbr.rel $0x88, $3  }
0x1: {  	(tag) =	ssettag $0x0;
	lr =	simm.s32 $0x1  }
0x2: {  	[smem:$0x3F97] =	sst lr;
	_ =	strace $0xD0000000  }
0x3: {  	_ = 	snop  }
0x4: {  	_ = 	snop  }
0x5: {  	_ = 	snop  }
0x6: {  	_ = 	snop  }
0x7: {  	_ = 	snop  }
__scs_overlays_trampoline_lowered:
0x8: {  	[smem:$0x3FA6] =	sst s0  }
0x9: {  	[smem:$0x3FA7] =	sst s1  }
0xa: {  	[smem:$0x3FA8] =	sst s2  }
0xb: {  	[smem:$0x3FA9] =	sst s3  }
0xc: {  	[smem:$0x3FAA] =	sst s4  }
0xd: {  	[smem:$0x3FAB] =	sst s5  }
0xe: {  	[smem:$0x3FAC] =	sst s6  }
0xf: {  	[smem:$0x3FAD] =	sst s7  }
0x10: {  	[smem:$0x3FAE] =	sst s8  }
0x11: {  	[smem:$0x3FAF] =	sst s9;
	s0 =	simm.s32 @!p0 $0x0  }
0x12: {  	s1 =	sld [smem:$0x3F95];
	s0 =	simm.s32 @p0 $0x1  }
0x13: {  	[smem:$0x3FB0] =	sst s0;
	s0 =	simm.s32 @!p1 $0x0  }
0x14: {  	s2 =	sld [smem:$0x3F94];
	s0 =	simm.s32 @p1 $0x1  }
0x15: {  	[smem:$0x3FB1] =	sst s0;
	s0 =	simm.s32 @!p2 $0x0  }
0x16: {  	s3 =	sld [smem:$0x3FDB];
	s0 =	simm.s32 @p2 $0x1  }
0x17: {  	s4 =	simm.s32 $0x1BF5;
	[smem:$0x3FB3] =	sst s0  }
0x18: {  	s0 =	sld [smem:$0x3F96];
	_ =	swait.ge [sflag:s4], $0x0  }
0x19: {  	s7 =	sld [smem:$0x3F97]  }
0x1a: {  	s8 =	sadd.s32 $0xFFFFE003, lr  }
0x1b: {  	s9 =	sadd.s32 $0xFFFFFEF7, lr;
	s5 =	simm.s32 $0xFFFFFFFF;
	p2 =	slt.u32 s8, $0xFFFFF086  }
0x1c: {  	p1 =	slt.u32 s9, $0xF7A;
	s5 =	simm.s32 @!p2 $0x0  }
0x1d: {  	s5 =	simm.s32 @p1 $0x1;
	p0 =	seq.s32 s7, s2  }
0x1e: {  	s7 =	smul.u32 @!p0 $0xF7A, s2;
	p2 =	seq.s32 @!p0 s5, $0x0  }
0x1f: {  	s9 =	smul.u32 $0xF7A, s1;
	s8 =	simm.s32 @!p0 $0x1BF5;
	p2 =	por !p2, p0  }
0x20: {  	[sflag:s8] =	ssyncset.s32 @!p0 $0xFFFFF086;
	s6 =	sadd.s32 @!p0 s3, s7;
	s7 =	simm.s32 @!p0 $0x108  }
0x21: {  	s3 =	sadd.s32 s3, s9;
	s6 =	sadd.s32 @!p0 $0x88, s6;
	s7 =	simm.s32 @p2 $0x1082  }
0x22: {  	[simem:s7], [sflag:s8] =	dma.local @!p0 [hbm:s6], $0xF7A  }
0x23: {  	s9 =	sor.u32 $0xD0000000, s2;
	s6 =	simm.s32 $0x108;
	_ =	swait.ge @!p0 [sflag:s8], $0x0  }
0x24: {  	s3 =	sadd.s32 $0x88, s3;
	s6 =	simm.s32 @!p1 $0x1082;
	[sflag:s4] =	ssyncset.s32 $0xFFFFF086  }
0x25: {  	[simem:s6], [sflag:s4] =	dma.local [hbm:s3], $0xF7A  }
0x26: {  	[smem:$0x3F97] =	sst s1;
	(tag) =	ssettag s2;
	_ =	strace s9  }
0x27: {  	s1 =	sld [smem:$0x3FA7]  }
0x28: {  	s2 =	sld [smem:$0x3FA8]  }
0x29: {  	s4 =	sld [smem:$0x3FAA]  }
0x2a: {  	p0 =	seq.s32 s5, $0x0;
	s5 =	sld [smem:$0x3FAB]  }
0x2b: {  	s6 =	sld [smem:$0x3FAC]  }
0x2c: {  	s7 =	sld [smem:$0x3FAD]  }
0x2d: {  	s3 =	simm.s32 $0x108;
	s8 =	sld [smem:$0x3FAE]  }
0x2e: {  	s3 =	simm.s32 @!p0 $0x1082;
	s9 =	sld [smem:$0x3FAF]  }
0x2f: {  	lr =	sadd.s32 s0, s3;
	s0 =	sld [smem:$0x3FA6]  }
0x30: {  	s3 =	sld [smem:$0x3FA9]  }
0x31: {  	[smem:$0x3FB2] =	sst s10  }
0x32: {  	s10 =	sld [smem:$0x3FB0];
	_ =	sdelay $0x3  }
0x33: {  	p0 =	seq.s32 s10, $0x1;
	s10 =	sld [smem:$0x3FB2];
	_ =	sdelay $0x3  }
0x34: {  	[smem:$0x3FB2] =	sst s10  }
0x35: {  	s10 =	sld [smem:$0x3FB1];
	_ =	sdelay $0x3  }
0x36: {  	p1 =	seq.s32 s10, $0x1;
	s10 =	sld [smem:$0x3FB2];
	_ =	sdelay $0x3  }
0x37: {  	[smem:$0x3FB2] =	sst s10  }
0x38: {  	s10 =	sld [smem:$0x3FB3]  }
0x39: {  	_ = 	snop;
	(pc) =	sbr.ind lr, $3  }
0x3a: {  	_ = 	snop  }
0x3b: {  	_ = 	snop  }
0x3c: {  	p2 =	seq.s32 s10, $0x1;
	s10 =	sld [smem:$0x3FB2]  }
0x3d: {  	_ =	shalt  }
0x3e: {  	_ =	shalt  }
0x3f: {  	_ =	shalt  }
0x40: {  	_ =	shalt  }
0x41: {  	_ =	shalt  }
0x42: {  	_ =	shalt  }
0x43: {  	_ =	shalt  }
0x44: {  	_ =	shalt  }
0x45: {  	_ =	shalt  }
0x46: {  	_ =	shalt  }
0x47: {  	_ =	shalt  }
0x48: {  	_ =	shalt  }
0x49: {  	_ =	shalt  }
0x4a: {  	_ =	shalt  }
0x4b: {  	_ =	shalt  }
0x4c: {  	_ =	shalt  }
0x4d: {  	_ =	shalt  }
0x4e: {  	_ =	shalt  }
0x4f: {  	_ =	shalt  }
0x50: {  	_ =	shalt  }
0x51: {  	_ =	shalt  }
0x52: {  	_ =	shalt  }
0x53: {  	_ =	shalt  }
0x54: {  	_ =	shalt  }
0x55: {  	_ =	shalt  }
0x56: {  	_ =	shalt  }
0x57: {  	_ =	shalt  }
0x58: {  	_ =	shalt  }
0x59: {  	_ =	shalt  }
0x5a: {  	_ =	shalt  }
0x5b: {  	_ =	shalt  }
0x5c: {  	_ =	shalt  }
0x5d: {  	_ =	shalt  }
0x5e: {  	_ =	shalt  }
0x5f: {  	_ =	shalt  }
0x60: {  	_ =	shalt  }
0x61: {  	_ =	shalt  }
0x62: {  	_ =	shalt  }
0x63: {  	_ =	shalt  }
0x64: {  	_ =	shalt  }
0x65: {  	_ =	shalt  }
0x66: {  	_ =	shalt  }
0x67: {  	_ =	shalt  }
0x68: {  	_ =	shalt  }
0x69: {  	_ =	shalt  }
0x6a: {  	_ =	shalt  }
0x6b: {  	_ =	shalt  }
0x6c: {  	_ =	shalt  }
0x6d: {  	_ =	shalt  }
0x6e: {  	_ =	shalt  }
0x6f: {  	_ =	shalt  }
0x70: {  	_ =	shalt  }
0x71: {  	_ =	shalt  }
0x72: {  	_ =	shalt  }
0x73: {  	_ =	shalt  }
0x74: {  	_ =	shalt  }
0x75: {  	_ =	shalt  }
0x76: {  	_ =	shalt  }
0x77: {  	_ =	shalt  }
0x78: {  	_ =	shalt  }
0x79: {  	_ =	shalt  }
0x7a: {  	_ =	shalt  }
0x7b: {  	_ =	shalt  }
0x7c: {  	_ =	shalt  }
0x7d: {  	_ =	shalt  }
0x7e: {  	_ =	shalt  }
0x7f: {  	_ =	shalt  }
0x80: {  	_ =	shalt  }
0x81: {  	_ =	shalt  }
0x82: {  	_ =	shalt  }
0x83: {  	_ =	shalt  }
0x84: {  	_ =	shalt  }
0x85: {  	_ =	shalt  }
0x86: {  	_ =	shalt  }
0x87: {  	_ =	shalt  }
.Lfunc_end0:
.L_simem_size_0:
called_computation.1_lowered:
.L_overlay_start_0:
0x88: {  	s2 =	sld [smem:$0x3FD9]  }
0x89: {  	s3 =	sld [smem:$0x3FFE];
	_ =	sdelay $0x1  }
0x8a: {  	s1 =	srdreg.scid  }
0x8b: {  	s0 =	sand.u32 $0x1, s1  }
0x8c: {  	s17 =	sshll.u32 s0, $0xA;
	s2 =	sadd.s32 s3, s2  }
0x8d: {  	s2 =	sadd.s32 s2, s17  }
0x8e: {  	[smem:$0x3FBE] =	sst s2  }
0x8f: {  	_ = 	snop  }
0x90: {  	s2 =	sld [smem:$0x3FD0];
	(tm) =	ssettm $0x1  }
0x91: {  	s18 =	sld [smem:$0x3FFB];
	_ =	sdelay $0x3  }
0x92: {  	_ =	strace s18  }
0x93: {  	s3 =	sld [smem:$0x3FFC];
	_ =	sdelay $0x3  }
0x94: {  	_ =	strace s3  }
0x95: {  	s3 =	sld [smem:$0x3FFD];
	_ =	sdelay $0x3  }
0x96: {  	_ =	strace s3  }
0x97: {  	_ =	strace $0x8FFFFFFF  }
0x98: {  	s19 =	sld [smem:$0x3FDB];
	_ =	sdelay $0x1  }
0x99: {  	s4 =	simm.s32 $_scs_section_size  }
0x9a: {  	s5 =	simm.s32 $_size__tile_overlayer_lowered;
	s6 =	simm.s32 $_tile_overlayer_lowered  }
0x9b: {  	s22 =	simm.s32 $0x1BFF;
	s21 =	sshll.u32 s6, $0x1;
	s3 =	sadd.s32 s4, s19  }
0x9c: {  	s7 =	simm.s32 $0x0;
	s20 =	sshll.u32 s5, $0x1;
	s5 =	sadd.s32 s21, s3  }
0x9d: {  	[timem:s7], [sflag:s22] =	dma.local [hbm:s5], s20  }
0x9e: {  	_ =	swait.ge [sflag:s22], s20  }
0x9f: {  	s4 =	ssub.s32 $0x0, s20;
	[sflag:s22] =	ssyncset.done $0x0  }
0xa0: {  	[sflag:s22] =	ssyncadd.s32 s4;
	_ =	sdelay $0x1  }
0xa1: {  	s23 =	simm.s32 $0x1B8B  }
0xa2: {  	_ =	swait.ge [sflag:s23], $0x1  }
0xa3: {  	[sflag:s23] =	ssyncset.done $0x0  }
0xa4: {  	s25 =	simm.s32 $0x1B8E;
	s24 =	sld [smem:$0x3FFE];
	[sflag:s23] =	ssyncadd.s32 $0xFFFFFFFF  }
0xa5: {  	s26 =	simm.s32 $execute0_lowered;
	[smem:$0x3FD2] =	sst s25  }
0xa6: {  	s5 =	sshll.u32 s26, $0x1;
	_ =	strace $0x80000049;
	[dreg:$0x1] =	wrdreg $0xFFFFFFFF  }
0xa7: {  	s28 =	simm.s32 $_size_execute0_lowered;
	s3 =	sadd.s32 s3, s5;
	[dreg:$0x0] =	wrdreg $0x0  }
0xa8: {  	s5 =	sshll.u32 s28, $0x1;
	[dreg:$0x2] =	wrdreg s3  }
0xa9: {  	[dreg:$0x3] =	wrdreg s5  }
0xaa: {  	[dreg:$0x4] =	wrdreg $0xC0  }
0xab: {  	_ =	task [dreg:s7], $0x5FFFF  }
0xac: {  	[dreg:$0x1] =	wrdreg $0xFFFFFFFF  }
0xad: {  	[dreg:$0x0] =	wrdreg $0x60  }
0xae: {  	[dreg:$0x2] =	wrdreg s2  }
0xaf: {  	[dreg:$0x3] =	wrdreg s24  }
0xb0: {  	[dreg:$0x4] =	wrdreg $0x32000  }
0xb1: {  	[dreg:$0x5] =	wrdreg $0x2D000  }
0xb2: {  	[dreg:$0x6] =	wrdreg $0x2F800  }
0xb3: {  	[dreg:$0x7] =	wrdreg $0x172000  }
0xb4: {  	[dreg:$0x8] =	wrdreg $0x9  }
0xb5: {  	_ =	task.clear_ibuf [dreg:s7], $0x9FFFF;
	_ =	strace $0x90000049  }
0xb6: {  	s29 =	simm.s32 $0x9;
	_ =	strace $0x8000004B  }
0xb7: {  	_ =	swait.ge [sflag:s29], $0x1  }
0xb8: {  	[sflag:s29] =	ssyncadd.s32 $0xFFFFFFFF  }
0xb9: {  	_ =	strace $0x9000004B  }
0xba: {  	_ =	sfence  }
0xbb: {  	s30 =	sld [smem:$0x0];
	_ =	sdelay $0x2  }
0xbc: {  	s31 =	sshll.u32 s1, $0xD;
	s1 =	sshrl.u32 s1, $0x2  }
0xbd: {  	s3 =	sand.u32 $0x4000, s31;
	s1 =	sadd.s32 s1, s30  }
0xbe: {  	s0 =	sor.u32 s3, s0;
	s1 =	sshll.u32 s1, $0x11  }
0xbf: {  	s0 =	sor.u32 s1, s0  }
0xc0: {  	s0 =	sadd.s32 $0x8F2B, s0  }
0xc1: {  	[sflag:s0] =	ssyncadd.remote.s32 $0x1  }
0xc2: {  	_ =	sfence.sel $0xFFFF  }
0xc3: {  	[dreg:$0x0] =	wrdreg $0xFFFFFFFF;
	(pc) =	sbr.abs _section_cstart, $3  }
0xc4: {  	[dreg:$0x1] =	wrdreg $0xFFFFFFFF  }
0xc5: {  	_ =	task.clear_ibuf [dreg:s7], $0x2FFFF;
	_ =	strace $0x9FFFFFFF  }
0xc6: {  	(tm) =	ssettm $0x7FFFFFFF  }
0xc7: {  	_ =	shalt  }
tec
execute0_lowered:
.L_overlay_start_1:
0x0: {  	(tag) =	ssettag $0x1  }
0x1: {  	s0 =	rddreg [dreg:$0x0]  }
0x2: {  	s1 =	rddreg [dreg:$0x1]  }
0x3: {  	s2 =	rddreg [dreg:$0x2]  }
0x4: {  	s3 =	rddreg [dreg:$0x3]  }
0x5: {  	s4 =	rddreg [dreg:$0x4]  }
0x6: {  	s5 =	rddreg [dreg:$0x5];
	s6 =	simm.s32 $0x0;
	s7 =	srdreg.scid  }
0x7: {  	s15 =	stileid.u32;
	s28 =	simm.s32 $0x280;
	s29 =	simm.s32 $0x2  }
0x8: {  	s31 =	simm.s32 $0x80;
	s30 =	simm.s32 $0x100;
	s9 =	smul.u32 $0x14000, s15  }
0x9: {  	[smem:$0x7FF] =	sst s6;
	s7 =	sand.u32 $0x1, s7;
	s25 =	smul.u32 $0x500, s15  }
0xa: {  	s10 =	sadd.s32 $0x15200, s1;
	s24 =	sadd.s32 $0x14C00, s1;
	s13 =	smul.u32 $0x50000, s15  }
0xb: {  	s11 =	sadd.s32 $0x1000, s1;
	s23 =	smul.u32 $0xA00, s15;
	p0 =	sne.s32 s15, $0x0  }
0xc: {  	s8 =	smul.u32 $0x140000, s7;
	_ =	strace $0x8000004A;
	[dreg:$0x7] =	wrdreg s10  }
0xd: {  	[dreg:$0x8] =	wrdreg s24;
	s10 =	sadd.s32 $0xAE00, s1;
	s26 =	ssub.s32 $0x2, s7  }
0xe: {  	s12 =	sshll.u32 s7, $0x7;
	s14 =	sshrl.u32 s26, $0x1;
	s13 =	sshrl.u32 s13, $0x2  }
0xf: {  	s8 =	sadd.s32 s9, s8;
	s9 =	sor.u32 s12, s25;
	s16 =	ssub.s32 s26, s14  }
0x10: {  	s12 =	sadd.s32 s13, s2;
	s26 =	sshll.u32 s15, $0x1;
	s8 =	sshrl.u32 s8, $0x3  }
0x11: {  	s9 =	sshrl.u32 s9, $0x3;
	s13 =	sadd.s32 $0x2800, s12;
	s22 =	sadd.s32 $0x5000, s12  }
0x12: {  	s24 =	sadd.s32 $0x7800, s12;
	s25 =	sadd.s32 $0xA000, s12;
	s17 =	sadd.s32 $0xC800, s12  }
0x13: {  	s18 =	sadd.s32 $0xF000, s12;
	s19 =	sadd.s32 $0x11800, s12;
	[dreg:$0x9] =	wrdreg s13  }
0x14: {  	s7 =	sor.u32 s7, s26;
	s26 =	sshrl.u32 @!p0 s4, $0x3;
	[dreg:$0xa] =	wrdreg s22  }
0x15: {  	s8 =	sadd.s32 s8, s1;
	s1 =	sadd.s32 s9, s1;
	[dreg:$0xb] =	wrdreg s24  }
0x16: {  	[dreg:$0xc] =	wrdreg s25;
	s13 =	sshrl.u32 s23, $0x2;
	s21 =	smul.u32 $0x2710, s7  }
0x17: {  	s24 =	smax.u32 s16, $0x1;
	s25 =	sshrl.u32 @!p0 s3, $0x3;
	s7 =	simm.s32 $0x180  }
0x18: {  	s9 =	simm.s32 $0x200;
	s20 =	sadd.s32 s13, s5;
	s22 =	sadd.s32 $0x15800, s8  }
0x19: {  	v0 =	vimm.f32 $0.0e+00;
	s23 =	sadd.s32 $0x65800, s1;
	s1 =	simm.s32 $0x50;
	s8 =	simm.s32 $0x1  }
.LBB2_1:
0x1a: {  	s13 =	simm.s32 @!p0 $0x1C02;
	s14 =	rddreg [dreg:$0x7]  }
0x1b: {  	[spmem:s25], [sflag:s13] =	dma.local @!p0 [hbm:s14], $0x500  }
0x1c: {  	s14 =	simm.s32 @!p0 $0x2  }
0x1d: {  	_ =	swait.ge @!p0 [sflag:s14], $0x500  }
0x1e: {  	[sflag:s14] =	ssyncset.done @!p0 $0x0  }
0x1f: {  	s15 =	rddreg [dreg:$0x8];
	[sflag:s14] =	ssyncadd.s32 @!p0 $0xFFFFFB00  }
0x20: {  	[spmem:s26], [sflag:s13] =	dma.local @!p0 [hbm:s15], $0x500  }
0x21: {  	_ =	swait.ge @!p0 [sflag:s14], $0x500  }
0x22: {  	[sflag:s14] =	ssyncset.done @!p0 $0x0  }
0x23: {  	s13 =	simm.s32 $0x0;
	[sflag:s14] =	ssyncadd.s32 @!p0 $0xFFFFFB00;
	s14 =	simm.s32 $0x200  }
.LBB2_2:
0x24: {  	p1 =	sne.s32 s14, $0x9E00;
	[tilespmem:s13+$0x2F0] =	vst v0  }
0x25: {  	[tilespmem:s13+$0x280] =	vst v0  }
0x26: {  	[tilespmem:s13+$0x290] =	vst v0  }
.Ltmp0:
0x27: {  	[tilespmem:s13+$0x2A0] =	vst v0;
	(pc) =	sbr.rel @p1 .LBB2_2-.Ltmp0, $4  }
0x28: {  	[tilespmem:s13+$0x2B0] =	vst v0  }
0x29: {  	[tilespmem:s13+$0x2C0] =	vst v0  }
0x2a: {  	[tilespmem:s13+$0x2D0] =	vst v0  }
0x2b: {  	[tilespmem:s13+$0x2E0] =	vst v0;
	s13 =	sshra.s32 s14, $0x2;
	s14 =	sadd.s32 $0x200, s14  }
0x2c: {  	[tilespmem:s13+$0x2F0] =	vst v0  }
0x2d: {  	[tilespmem:s13+$0x280] =	vst v0  }
0x2e: {  	[tilespmem:s13+$0x290] =	vst v0  }
0x2f: {  	[tilespmem:s13+$0x2A0] =	vst v0  }
0x30: {  	[tilespmem:s13+$0x2B0] =	vst v0  }
0x31: {  	[tilespmem:s13+$0x2C0] =	vst v0  }
0x32: {  	[tilespmem:s13+$0x2D0] =	vst v0  }
0x33: {  	[tilespmem:s13+$0x2E0] =	vst v0  }
0x34: {  	[tilespmem:$0x2A80] =	vst v0  }
0x35: {  	[tilespmem:$0x2A90] =	vst v0  }
0x36: {  	[tilespmem:$0x2AA0] =	vst v0  }
0x37: {  	[tilespmem:$0x2AB0] =	vst v0  }
0x38: {  	[tilespmem:$0x2AC0] =	vst v0  }
0x39: {  	[tilespmem:$0x2AD0] =	vst v0  }
0x3a: {  	[tilespmem:$0x2AE0] =	vst v0  }
0x3b: {  	[tilespmem:$0x2AF0] =	vst v0  }
0x3c: {  	[tilespmem:$0x2B00] =	vst v0  }
0x3d: {  	[tilespmem:$0x2B10] =	vst v0  }
0x3e: {  	[tilespmem:$0x2B20] =	vst v0  }
0x3f: {  	[tilespmem:$0x2B30] =	vst v0  }
0x40: {  	[tilespmem:$0x2B40] =	vst v0  }
0x41: {  	[tilespmem:$0x2B50] =	vst v0  }
0x42: {  	[tilespmem:$0x2B60] =	vst v0  }
0x43: {  	[tilespmem:$0x2B70] =	vst v0  }
0x44: {  	[tilespmem:$0x2B80] =	vst v0  }
0x45: {  	[tilespmem:$0x2B90] =	vst v0  }
0x46: {  	[tilespmem:$0x2BA0] =	vst v0  }
0x47: {  	[tilespmem:$0x2BB0] =	vst v0  }
0x48: {  	[tilespmem:$0x2BC0] =	vst v0  }
0x49: {  	[tilespmem:$0x2BD0] =	vst v0  }
0x4a: {  	[tilespmem:$0x2BE0] =	vst v0  }
0x4b: {  	[tilespmem:$0x2BF0] =	vst v0  }
0x4c: {  	[tilespmem:$0x2C00] =	vst v0  }
0x4d: {  	[tilespmem:$0x2C10] =	vst v0  }
0x4e: {  	[tilespmem:$0x2C20] =	vst v0  }
0x4f: {  	[tilespmem:$0x2C30] =	vst v0  }
0x50: {  	[tilespmem:$0x2C40] =	vst v0  }
0x51: {  	[tilespmem:$0x2C50] =	vst v0  }
0x52: {  	[tilespmem:$0x2C60] =	vst v0  }
0x53: {  	[tilespmem:$0x2C70] =	vst v0  }
0x54: {  	[tilespmem:$0x2C80] =	vst v0  }
0x55: {  	[tilespmem:$0x2C90] =	vst v0  }
0x56: {  	[tilespmem:$0x2CA0] =	vst v0  }
0x57: {  	[tilespmem:$0x2CB0] =	vst v0  }
0x58: {  	[tilespmem:$0x2CC0] =	vst v0  }
0x59: {  	[tilespmem:$0x2CD0] =	vst v0  }
0x5a: {  	[tilespmem:$0x2CE0] =	vst v0  }
0x5b: {  	[tilespmem:$0x2CF0] =	vst v0  }
0x5c: {  	[spmem:s12] =	stream.linear.scatter [tilespmem:s28], [sflag:$0x2], $0x2800, $0x38;
	[tilespmem:$0x17480] =	vst v63  }
0x5d: {  	_ =	swait.ge [sflag:s29], $0x2800  }
0x5e: {  	[sflag:s29] =	ssyncset.done $0x0  }
0x5f: {  	s15 =	rddreg [dreg:$0x9];
	[sflag:s29] =	ssyncadd.s32 $0xFFFFD800  }
0x60: {  	[spmem:s15] =	stream.linear.scatter [tilespmem:s28], [sflag:$0x2], $0x2800, $0x38;
	[tilespmem:$0x17480] =	vst v63  }
0x61: {  	_ =	swait.ge [sflag:s29], $0x2800  }
0x62: {  	[sflag:s29] =	ssyncset.done $0x0  }
0x63: {  	s16 =	rddreg [dreg:$0xa];
	[sflag:s29] =	ssyncadd.s32 $0xFFFFD800  }
0x64: {  	[spmem:s16] =	stream.linear.scatter [tilespmem:s28], [sflag:$0x2], $0x2800, $0x38;
	[tilespmem:$0x17480] =	vst v63  }
0x65: {  	_ =	swait.ge [sflag:s29], $0x2800  }
0x66: {  	[sflag:s29] =	ssyncset.done $0x0  }
0x67: {  	s14 =	rddreg [dreg:$0xb];
	[sflag:s29] =	ssyncadd.s32 $0xFFFFD800  }
0x68: {  	[spmem:s14] =	stream.linear.scatter [tilespmem:s28], [sflag:$0x2], $0x2800, $0x38;
	[tilespmem:$0x17480] =	vst v63  }
0x69: {  	_ =	swait.ge [sflag:s29], $0x2800  }
0x6a: {  	[sflag:s29] =	ssyncset.done $0x0  }
0x6b: {  	s15 =	rddreg [dreg:$0xc];
	[sflag:s29] =	ssyncadd.s32 $0xFFFFD800  }
0x6c: {  	[spmem:s15] =	stream.linear.scatter [tilespmem:s28], [sflag:$0x2], $0x2800, $0x38;
	[tilespmem:$0x17480] =	vst v63  }
0x6d: {  	_ =	swait.ge [sflag:s29], $0x2800  }
0x6e: {  	[sflag:s29] =	ssyncset.done $0x0  }
0x6f: {  	[sflag:s29] =	ssyncadd.s32 $0xFFFFD800  }
0x70: {  	[spmem:s17] =	stream.linear.scatter [tilespmem:s28], [sflag:$0x2], $0x2800, $0x38;
	[tilespmem:$0x17480] =	vst v63  }
0x71: {  	_ =	swait.ge [sflag:s29], $0x2800  }
0x72: {  	[sflag:s29] =	ssyncset.done $0x0  }
0x73: {  	[sflag:s29] =	ssyncadd.s32 $0xFFFFD800  }
0x74: {  	[spmem:s18] =	stream.linear.scatter [tilespmem:s28], [sflag:$0x2], $0x2800, $0x38;
	[tilespmem:$0x17480] =	vst v63  }
0x75: {  	_ =	swait.ge [sflag:s29], $0x2800  }
0x76: {  	[sflag:s29] =	ssyncset.done $0x0  }
0x77: {  	[sflag:s29] =	ssyncadd.s32 $0xFFFFD800  }
0x78: {  	[spmem:s19] =	stream.linear.scatter [tilespmem:s28], [sflag:$0x2], $0x2800, $0x38;
	[tilespmem:$0x17480] =	vst v63  }
0x79: {  	_ =	swait.ge [sflag:s29], $0x2800  }
0x7a: {  	[sflag:s29] =	ssyncset.done $0x0  }
0x7b: {  	s16 =	simm.s32 $0x2A80;
	[sflag:s29] =	ssyncadd.s32 $0xFFFFD800  }
0x7c: {  	[spmem:s20] =	stream.linear.scatter [tilespmem:s16], [sflag:$0x2], $0x280, $0x38;
	[tilespmem:$0x17480] =	vst v63  }
0x7d: {  	_ =	swait.ge [sflag:s29], $0x280  }
0x7e: {  	[sflag:s29] =	ssyncset.done $0x0  }
0x7f: {  	[sflag:s29] =	ssyncadd.s32 $0xFFFFFD80  }
0x80: {  	s13 =	simm.s32 $0x0;
	s14 =	simm.s32 $0x0;
	[bflag:$0x0] =	sbarrier.arrive $0xFFFF  }
.LBB2_4:
0x81: {  	s15 =	smul.u32 $0x50, s14;
	_ =	sdelay $0x1  }
0x82: {  	s15 =	sadd.s32 s21, s15  }
0x83: {  	s15 =	sshrl.u32 s15, $0x3  }
0x84: {  	s16 =	sadd.s32 s10, s15  }
0x85: {  	[tilespmem:s13], [sflag:$0x2] =	stream.linear.gather [hbm4b:s16+s13], $0x50, $0x38;
	[tilespmem:$0x17480] =	vst v63  }
0x86: {  	_ =	swait.ge [sflag:s29], $0x50  }
0x87: {  	[sflag:s29] =	ssyncset.done $0x0  }
0x88: {  	s15 =	sadd.s32 s11, s15;
	[sflag:s29] =	ssyncadd.s32 $0xFFFFFFB0  }
0x89: {  	[tilespmem:s31], [sflag:$0x2] =	stream.linear.gather [hbm4b:s15+s13], $0x50, $0x38;
	[tilespmem:$0x17480] =	vst v63  }
0x8a: {  	_ =	swait.ge [sflag:s29], $0x50  }
0x8b: {  	[sflag:s29] =	ssyncset.done $0x0  }
0x8c: {  	[sflag:s29] =	ssyncadd.s32 $0xFFFFFFB0  }
0x8d: {  	[tilespmem:s28], [sflag:$0x1] =	stream.indirect.gather [hbm4b:s0+s1], $0x80, s13, s1, $0xb8;
	[tilespmem:$0x17480] =	vst v63  }
0x8e: {  	_ = 	snop  }
0x8f: {  	[tilespmem:s30], [sflag:$0x2] =	stream.indirect.gather [spmem:s3], $0x1, s13, s1, $0xb8;
	[tilespmem:$0x17480] =	vst v63  }
0x90: {  	_ =	swait.ge [sflag:s29], $0x50  }
0x91: {  	[sflag:s29] =	ssyncset.done $0x0  }
0x92: {  	[sflag:s29] =	ssyncadd.s32 $0xFFFFFFB0  }
0x93: {  	[tilespmem:s7], [sflag:$0x2] =	stream.indirect.gather [spmem:s4], $0x1, s31, s1, $0xb8;
	[tilespmem:$0x17480] =	vst v63  }
0x94: {  	_ =	swait.ge [sflag:s29], $0x50  }
0x95: {  	[sflag:s29] =	ssyncset.done $0x0  }
0x96: {  	[sflag:s29] =	ssyncadd.s32 $0xFFFFFFB0  }
0x97: {  	v1 =	vld [tilespmem:$0x100]  }
0x98: {  	v2 =	vld [tilespmem:$0x180]  }
0x99: {  	v3 =	vld [tilespmem:$0x110]  }
0x9a: {  	v4 =	vld [tilespmem:$0x190]  }
0x9b: {  	v5 =	vld [tilespmem:$0x120]  }
0x9c: {  	v6 =	vld [tilespmem:$0x1A0]  }
0x9d: {  	v7 =	vld [tilespmem:$0x1B0]  }
0x9e: {  	v9 =	vld [tilespmem:$0x140];
	v1 =	vadd.f32 v2, v1  }
0x9f: {  	v10 =	vld [tilespmem:$0x1C0]  }
0xa0: {  	v2 =	vld [tilespmem:$0x130];
	v8 =	vmul.f32 $2.000000030e-01, v1  }
0xa1: {  	vm0 =	vge.f32 v1, $0.0e+00  }
0xa2: {  	v3 =	vadd.f32 v4, v3;
	v1 =	vsel vm0, v1, v8  }
0xa3: {  	v1 =	vmul.f32 $1.442695020e+00, v1  }
0xa4: {  	v59 =	vadd.f32 v6, v5;
	v61 =	vadd.f32 v10, v9;
	v60 =	vmul.f32 $2.000000030e-01, v3  }
0xa5: {  	vm12 =	vge.f32 v3, $0.0e+00;
	(erf) = vpow2.f32 v1;
	v1 =	vadd.f32 v7, v2  }
0xa6: {  	v2 =	vsel vm12, v3, v60;
	v3 =	vmul.f32 $2.000000030e-01, v59  }
0xa7: {  	vm13 =	vge.f32 v59, $0.0e+00;
	v63 =	vmul.f32 $2.000000030e-01, v61;
	v62 =	vmul.f32 $2.000000030e-01, v1  }
0xa8: {  	v2 =	vmul.f32 $1.442695020e+00, v2;
	v3 =	vsel vm13, v59, v3;
	vm14 =	vge.f32 v1, $0.0e+00  }
0xa9: {  	vm15 =	vge.f32 v61, $0.0e+00;
	v3 =	vmul.f32 $1.442695020e+00, v3;
	v1 =	vsel vm14, v1, v62  }
0xaa: {  	(erf) = vpow2.f32 v2;
	v2 =	vsel vm15, v61, v63;
	v1 =	vmul.f32 $1.442695020e+00, v1  }
0xab: {  	v2 =	vmul.f32 $1.442695020e+00, v2;
	(erf) = vpow2.f32 v3  }
0xac: {  	(erf) = vpow2.f32 v1  }
0xad: {  	(erf) = vpow2.f32 v2;
	_ =	sdelay $0x4  }
0xae: {  	v1 =	vpop (erf)  }
0xaf: {  	[tilespmem:$0x200] =	vst v1;
	v2 =	vpop (erf)  }
0xb0: {  	[tilespmem:$0x210] =	vst v2;
	v1 =	vpop (erf)  }
0xb1: {  	[tilespmem:$0x220] =	vst v1;
	v2 =	vpop (erf)  }
0xb2: {  	[tilespmem:$0x230] =	vst v2;
	v1 =	vpop (erf)  }
0xb3: {  	[tilespmem:$0x240] =	vst v1  }
0xb4: {  	_ =	swait.ge [sflag:s8], $0x2800  }
0xb5: {  	[sflag:s8] =	ssyncset.done $0x0  }
0xb6: {  	s15 =	simm.s32 $0x0;
	[sflag:s8] =	ssyncadd.s32 $0xFFFFD800  }
.LBB2_5:
0xb7: {  	s16 =	sshll.u32 s15, $0x4  }
0xb8: {  	s16 =	sand.u32 $0x3FFFFFF0, s16  }
0xb9: {  	v1 =	vld [tilespmem:s16+$0x200];
	s16 =	sshll.u32 s15, $0xB  }
0xba: {  	s16 =	sand.u32 $0x3FFFF800, s16  }
0xbb: {  	v2 =	vld [tilespmem:s16+$0x280]  }
0xbc: {  	v3 =	vld [tilespmem:s16+$0x290]  }
0xbd: {  	v4 =	vld [tilespmem:s16+$0x2A0]  }
0xbe: {  	v6 =	vld [tilespmem:s16+$0x2B0];
	v5 =	vbroadcast v1, $0x0  }
0xbf: {  	v7 =	vld [tilespmem:s16+$0x2C0]  }
0xc0: {  	v8 =	vld [tilespmem:s16+$0x2D0];
	v2 =	vmul.f32 v5, v2  }
0xc1: {  	v9 =	vld [tilespmem:s16+$0x2E0];
	v3 =	vmul.f32 v3, v5  }
0xc2: {  	v34 =	vld [tilespmem:s16+$0x2F0];
	[tilespmem:s16+$0x280] =	vst v2;
	v2 =	vmul.f32 v4, v5  }
0xc3: {  	v35 =	vld [tilespmem:s16+$0x300];
	[tilespmem:s16+$0x290] =	vst v3;
	v3 =	vmul.f32 v6, v5  }
0xc4: {  	v36 =	vld [tilespmem:s16+$0x310];
	[tilespmem:s16+$0x2A0] =	vst v2;
	v2 =	vmul.f32 v7, v5  }
0xc5: {  	v37 =	vld [tilespmem:s16+$0x320];
	[tilespmem:s16+$0x2B0] =	vst v3;
	v3 =	vmul.f32 v8, v5  }
0xc6: {  	v10 =	vld [tilespmem:s16+$0x330];
	v38 =	vbroadcast v1, $0x1;
	[tilespmem:s16+$0x2C0] =	vst v2;
	v2 =	vmul.f32 v9, v5  }
0xc7: {  	v39 =	vld [tilespmem:s16+$0x340];
	[tilespmem:s16+$0x2D0] =	vst v3;
	v3 =	vmul.f32 v34, v5  }
0xc8: {  	v40 =	vld [tilespmem:s16+$0x350];
	[tilespmem:s16+$0x2E0] =	vst v2;
	v2 =	vmul.f32 v35, v38  }
0xc9: {  	v41 =	vld [tilespmem:s16+$0x360];
	[tilespmem:s16+$0x2F0] =	vst v3;
	v3 =	vmul.f32 v36, v38  }
0xca: {  	v42 =	vld [tilespmem:s16+$0x370];
	[tilespmem:s16+$0x300] =	vst v2;
	v2 =	vmul.f32 v37, v38  }
0xcb: {  	v43 =	vld [tilespmem:s16+$0x380];
	[tilespmem:s16+$0x310] =	vst v3;
	v3 =	vmul.f32 v10, v38  }
0xcc: {  	v44 =	vld [tilespmem:s16+$0x390];
	[tilespmem:s16+$0x320] =	vst v2;
	v2 =	vmul.f32 v39, v38  }
0xcd: {  	v45 =	vld [tilespmem:s16+$0x3A0];
	[tilespmem:s16+$0x330] =	vst v3;
	v3 =	vmul.f32 v40, v38  }
0xce: {  	v47 =	vld [tilespmem:s16+$0x3B0];
	v46 =	vbroadcast v1, $0x2;
	[tilespmem:s16+$0x340] =	vst v2;
	v2 =	vmul.f32 v41, v38  }
0xcf: {  	v48 =	vld [tilespmem:s16+$0x3C0];
	[tilespmem:s16+$0x350] =	vst v3;
	v3 =	vmul.f32 v42, v38  }
0xd0: {  	v49 =	vld [tilespmem:s16+$0x3D0];
	[tilespmem:s16+$0x360] =	vst v2;
	v2 =	vmul.f32 v43, v46  }
0xd1: {  	v50 =	vld [tilespmem:s16+$0x3E0];
	[tilespmem:s16+$0x370] =	vst v3;
	v3 =	vmul.f32 v44, v46  }
0xd2: {  	v51 =	vld [tilespmem:s16+$0x3F0];
	[tilespmem:s16+$0x380] =	vst v2;
	v2 =	vmul.f32 v45, v46  }
0xd3: {  	v52 =	vld [tilespmem:s16+$0x400];
	[tilespmem:s16+$0x390] =	vst v3;
	v3 =	vmul.f32 v47, v46  }
0xd4: {  	v53 =	vld [tilespmem:s16+$0x410];
	[tilespmem:s16+$0x3A0] =	vst v2;
	v2 =	vmul.f32 v48, v46  }
0xd5: {  	v54 =	vld [tilespmem:s16+$0x420];
	[tilespmem:s16+$0x3B0] =	vst v3;
	v3 =	vmul.f32 v49, v46  }
0xd6: {  	v56 =	vld [tilespmem:s16+$0x430];
	v55 =	vbroadcast v1, $0x3;
	[tilespmem:s16+$0x3C0] =	vst v2;
	v2 =	vmul.f32 v50, v46  }
0xd7: {  	v57 =	vld [tilespmem:s16+$0x440];
	[tilespmem:s16+$0x3D0] =	vst v3;
	v3 =	vmul.f32 v51, v46  }
0xd8: {  	v58 =	vld [tilespmem:s16+$0x450];
	[tilespmem:s16+$0x3E0] =	vst v2;
	v2 =	vmul.f32 v52, v55  }
0xd9: {  	v59 =	vld [tilespmem:s16+$0x460];
	[tilespmem:s16+$0x3F0] =	vst v3;
	v3 =	vmul.f32 v53, v55  }
0xda: {  	v60 =	vld [tilespmem:s16+$0x470];
	[tilespmem:s16+$0x400] =	vst v2;
	v2 =	vmul.f32 v54, v55  }
0xdb: {  	v61 =	vld [tilespmem:s16+$0x480];
	[tilespmem:s16+$0x410] =	vst v3;
	v3 =	vmul.f32 v56, v55  }
0xdc: {  	v62 =	vld [tilespmem:s16+$0x490];
	[tilespmem:s16+$0x420] =	vst v2;
	v2 =	vmul.f32 v57, v55  }
0xdd: {  	v63 =	vld [tilespmem:s16+$0x4A0];
	[tilespmem:s16+$0x430] =	vst v3;
	v3 =	vmul.f32 v58, v55  }
0xde: {  	v13 =	vld [tilespmem:s16+$0x4B0];
	v12 =	vbroadcast v1, $0x4;
	[tilespmem:s16+$0x440] =	vst v2;
	v2 =	vmul.f32 v59, v55  }
0xdf: {  	v14 =	vld [tilespmem:s16+$0x4C0];
	[tilespmem:s16+$0x450] =	vst v3;
	v3 =	vmul.f32 v60, v55  }
0xe0: {  	v15 =	vld [tilespmem:s16+$0x4D0];
	[tilespmem:s16+$0x460] =	vst v2;
	v2 =	vmul.f32 v61, v12  }
0xe1: {  	v16 =	vld [tilespmem:s16+$0x4E0];
	[tilespmem:s16+$0x470] =	vst v3;
	v3 =	vmul.f32 v62, v12  }
0xe2: {  	v17 =	vld [tilespmem:s16+$0x4F0];
	[tilespmem:s16+$0x480] =	vst v2;
	v2 =	vmul.f32 v63, v12  }
0xe3: {  	v18 =	vld [tilespmem:s16+$0x500];
	[tilespmem:s16+$0x490] =	vst v3;
	v3 =	vmul.f32 v13, v12  }
0xe4: {  	v19 =	vld [tilespmem:s16+$0x510];
	[tilespmem:s16+$0x4A0] =	vst v2;
	v2 =	vmul.f32 v14, v12  }
0xe5: {  	v20 =	vld [tilespmem:s16+$0x520];
	[tilespmem:s16+$0x4B0] =	vst v3;
	v3 =	vmul.f32 v15, v12  }
0xe6: {  	v22 =	vld [tilespmem:s16+$0x530];
	v21 =	vbroadcast v1, $0x5;
	[tilespmem:s16+$0x4C0] =	vst v2;
	v2 =	vmul.f32 v16, v12  }
0xe7: {  	v23 =	vld [tilespmem:s16+$0x540];
	[tilespmem:s16+$0x4D0] =	vst v3;
	v3 =	vmul.f32 v17, v12  }
0xe8: {  	v24 =	vld [tilespmem:s16+$0x550];
	[tilespmem:s16+$0x4E0] =	vst v2;
	v2 =	vmul.f32 v18, v21  }
0xe9: {  	v25 =	vld [tilespmem:s16+$0x560];
	[tilespmem:s16+$0x4F0] =	vst v3;
	v3 =	vmul.f32 v19, v21  }
0xea: {  	v26 =	vld [tilespmem:s16+$0x570];
	[tilespmem:s16+$0x500] =	vst v2;
	v2 =	vmul.f32 v20, v21  }
0xeb: {  	v27 =	vld [tilespmem:s16+$0x580];
	[tilespmem:s16+$0x510] =	vst v3;
	v3 =	vmul.f32 v22, v21  }
0xec: {  	v28 =	vld [tilespmem:s16+$0x590];
	[tilespmem:s16+$0x520] =	vst v2;
	v2 =	vmul.f32 v23, v21  }
0xed: {  	v29 =	vld [tilespmem:s16+$0x5A0];
	[tilespmem:s16+$0x530] =	vst v3;
	v3 =	vmul.f32 v24, v21  }
0xee: {  	v31 =	vld [tilespmem:s16+$0x5B0];
	v30 =	vbroadcast v1, $0x6;
	[tilespmem:s16+$0x540] =	vst v2;
	v2 =	vmul.f32 v25, v21  }
0xef: {  	v32 =	vld [tilespmem:s16+$0x5C0];
	[tilespmem:s16+$0x550] =	vst v3;
	v3 =	vmul.f32 v26, v21  }
0xf0: {  	v33 =	vld [tilespmem:s16+$0x5D0];
	[tilespmem:s16+$0x560] =	vst v2;
	v2 =	vmul.f32 v27, v30  }
0xf1: {  	v34 =	vld [tilespmem:s16+$0x5E0];
	[tilespmem:s16+$0x570] =	vst v3;
	v3 =	vmul.f32 v28, v30  }
0xf2: {  	v35 =	vld [tilespmem:s16+$0x5F0];
	[tilespmem:s16+$0x580] =	vst v2;
	v2 =	vmul.f32 v29, v30  }
0xf3: {  	v36 =	vld [tilespmem:s16+$0x600];
	[tilespmem:s16+$0x590] =	vst v3;
	v3 =	vmul.f32 v31, v30  }
0xf4: {  	v37 =	vld [tilespmem:s16+$0x610];
	[tilespmem:s16+$0x5A0] =	vst v2;
	v2 =	vmul.f32 v32, v30  }
0xf5: {  	v38 =	vld [tilespmem:s16+$0x620];
	[tilespmem:s16+$0x5B0] =	vst v3;
	v3 =	vmul.f32 v33, v30  }
0xf6: {  	v39 =	vbroadcast v1, $0x7;
	v40 =	vld [tilespmem:s16+$0x630];
	[tilespmem:s16+$0x5C0] =	vst v2;
	v2 =	vmul.f32 v34, v30  }
0xf7: {  	v41 =	vld [tilespmem:s16+$0x640];
	[tilespmem:s16+$0x5D0] =	vst v3;
	v3 =	vmul.f32 v35, v30  }
0xf8: {  	v42 =	vld [tilespmem:s16+$0x650];
	[tilespmem:s16+$0x5E0] =	vst v2;
	v2 =	vmul.f32 v36, v39  }
0xf9: {  	v43 =	vld [tilespmem:s16+$0x660];
	[tilespmem:s16+$0x5F0] =	vst v3;
	v3 =	vmul.f32 v37, v39  }
0xfa: {  	v44 =	vld [tilespmem:s16+$0x670];
	[tilespmem:s16+$0x600] =	vst v2;
	v2 =	vmul.f32 v38, v39  }
0xfb: {  	v45 =	vld [tilespmem:s16+$0x680];
	[tilespmem:s16+$0x610] =	vst v3;
	v3 =	vmul.f32 v40, v39  }
0xfc: {  	v46 =	vld [tilespmem:s16+$0x690];
	[tilespmem:s16+$0x620] =	vst v2;
	v2 =	vmul.f32 v41, v39  }
0xfd: {  	v47 =	vld [tilespmem:s16+$0x6A0];
	[tilespmem:s16+$0x630] =	vst v3;
	v3 =	vmul.f32 v42, v39  }
0xfe: {  	v48 =	vbroadcast v1, $0x8;
	v49 =	vld [tilespmem:s16+$0x6B0];
	[tilespmem:s16+$0x640] =	vst v2;
	v2 =	vmul.f32 v43, v39  }
0xff: {  	v50 =	vld [tilespmem:s16+$0x6C0];
	[tilespmem:s16+$0x650] =	vst v3;
	v3 =	vmul.f32 v44, v39  }
0x100: {  	v51 =	vld [tilespmem:s16+$0x6D0];
	[tilespmem:s16+$0x660] =	vst v2;
	v2 =	vmul.f32 v45, v48  }
0x101: {  	v52 =	vld [tilespmem:s16+$0x6E0];
	[tilespmem:s16+$0x670] =	vst v3;
	v3 =	vmul.f32 v46, v48  }
0x102: {  	v53 =	vld [tilespmem:s16+$0x6F0];
	[tilespmem:s16+$0x680] =	vst v2;
	v2 =	vmul.f32 v47, v48  }
0x103: {  	v54 =	vld [tilespmem:s16+$0x700];
	[tilespmem:s16+$0x690] =	vst v3;
	v3 =	vmul.f32 v49, v48  }
0x104: {  	v55 =	vld [tilespmem:s16+$0x710];
	[tilespmem:s16+$0x6A0] =	vst v2;
	v2 =	vmul.f32 v50, v48  }
0x105: {  	v56 =	vld [tilespmem:s16+$0x720];
	[tilespmem:s16+$0x6B0] =	vst v3;
	v3 =	vmul.f32 v51, v48  }
0x106: {  	v57 =	vbroadcast v1, $0x9;
	v58 =	vld [tilespmem:s16+$0x730];
	[tilespmem:s16+$0x6C0] =	vst v2;
	v2 =	vmul.f32 v52, v48  }
0x107: {  	v59 =	vld [tilespmem:s16+$0x740];
	[tilespmem:s16+$0x6D0] =	vst v3;
	v3 =	vmul.f32 v53, v48  }
0x108: {  	v60 =	vld [tilespmem:s16+$0x750];
	[tilespmem:s16+$0x6E0] =	vst v2;
	v2 =	vmul.f32 v54, v57  }
0x109: {  	v61 =	vld [tilespmem:s16+$0x760];
	[tilespmem:s16+$0x6F0] =	vst v3;
	v3 =	vmul.f32 v55, v57  }
0x10a: {  	v62 =	vld [tilespmem:s16+$0x770];
	[tilespmem:s16+$0x700] =	vst v2;
	v2 =	vmul.f32 v56, v57  }
0x10b: {  	v63 =	vld [tilespmem:s16+$0x780];
	[tilespmem:s16+$0x710] =	vst v3;
	v3 =	vmul.f32 v58, v57  }
0x10c: {  	v12 =	vld [tilespmem:s16+$0x790];
	[tilespmem:s16+$0x720] =	vst v2;
	v2 =	vmul.f32 v59, v57  }
0x10d: {  	v13 =	vld [tilespmem:s16+$0x7A0];
	[tilespmem:s16+$0x730] =	vst v3;
	v3 =	vmul.f32 v60, v57  }
0x10e: {  	v14 =	vbroadcast v1, $0xA;
	v15 =	vld [tilespmem:s16+$0x7B0];
	[tilespmem:s16+$0x740] =	vst v2;
	v2 =	vmul.f32 v61, v57  }
0x10f: {  	v16 =	vld [tilespmem:s16+$0x7C0];
	[tilespmem:s16+$0x750] =	vst v3;
	v3 =	vmul.f32 v62, v57  }
0x110: {  	v17 =	vld [tilespmem:s16+$0x7D0];
	[tilespmem:s16+$0x760] =	vst v2;
	v2 =	vmul.f32 v63, v14  }
0x111: {  	v18 =	vld [tilespmem:s16+$0x7E0];
	[tilespmem:s16+$0x770] =	vst v3;
	v3 =	vmul.f32 v12, v14  }
0x112: {  	v19 =	vld [tilespmem:s16+$0x7F0];
	[tilespmem:s16+$0x780] =	vst v2;
	v2 =	vmul.f32 v13, v14  }
0x113: {  	v20 =	vld [tilespmem:s16+$0x800];
	[tilespmem:s16+$0x790] =	vst v3;
	v3 =	vmul.f32 v15, v14  }
0x114: {  	v21 =	vld [tilespmem:s16+$0x810];
	[tilespmem:s16+$0x7A0] =	vst v2;
	v2 =	vmul.f32 v16, v14  }
0x115: {  	v22 =	vld [tilespmem:s16+$0x820];
	[tilespmem:s16+$0x7B0] =	vst v3;
	v3 =	vmul.f32 v17, v14  }
0x116: {  	v23 =	vbroadcast v1, $0xB;
	v24 =	vld [tilespmem:s16+$0x830];
	[tilespmem:s16+$0x7C0] =	vst v2;
	v2 =	vmul.f32 v18, v14  }
0x117: {  	v25 =	vld [tilespmem:s16+$0x840];
	[tilespmem:s16+$0x7D0] =	vst v3;
	v3 =	vmul.f32 v19, v14  }
0x118: {  	v26 =	vld [tilespmem:s16+$0x850];
	[tilespmem:s16+$0x7E0] =	vst v2;
	v2 =	vmul.f32 v20, v23  }
0x119: {  	v27 =	vld [tilespmem:s16+$0x860];
	[tilespmem:s16+$0x7F0] =	vst v3;
	v3 =	vmul.f32 v21, v23  }
0x11a: {  	v28 =	vld [tilespmem:s16+$0x870];
	[tilespmem:s16+$0x800] =	vst v2;
	v2 =	vmul.f32 v22, v23  }
0x11b: {  	v29 =	vld [tilespmem:s16+$0x880];
	[tilespmem:s16+$0x810] =	vst v3;
	v3 =	vmul.f32 v24, v23  }
0x11c: {  	v30 =	vld [tilespmem:s16+$0x890];
	[tilespmem:s16+$0x820] =	vst v2;
	v2 =	vmul.f32 v25, v23  }
0x11d: {  	v31 =	vld [tilespmem:s16+$0x8A0];
	[tilespmem:s16+$0x830] =	vst v3;
	v3 =	vmul.f32 v26, v23  }
0x11e: {  	v32 =	vbroadcast v1, $0xC;
	v33 =	vld [tilespmem:s16+$0x8B0];
	[tilespmem:s16+$0x840] =	vst v2;
	v2 =	vmul.f32 v27, v23  }
0x11f: {  	v34 =	vld [tilespmem:s16+$0x8C0];
	[tilespmem:s16+$0x850] =	vst v3;
	v3 =	vmul.f32 v28, v23  }
0x120: {  	v35 =	vld [tilespmem:s16+$0x8D0];
	[tilespmem:s16+$0x860] =	vst v2;
	v2 =	vmul.f32 v29, v32  }
0x121: {  	v36 =	vld [tilespmem:s16+$0x8E0];
	[tilespmem:s16+$0x870] =	vst v3;
	v3 =	vmul.f32 v30, v32  }
0x122: {  	v37 =	vld [tilespmem:s16+$0x8F0];
	[tilespmem:s16+$0x880] =	vst v2;
	v2 =	vmul.f32 v31, v32  }
0x123: {  	v38 =	vld [tilespmem:s16+$0x900];
	[tilespmem:s16+$0x890] =	vst v3;
	v3 =	vmul.f32 v33, v32  }
0x124: {  	v39 =	vld [tilespmem:s16+$0x910];
	[tilespmem:s16+$0x8A0] =	vst v2;
	v2 =	vmul.f32 v34, v32  }
0x125: {  	v40 =	vld [tilespmem:s16+$0x920];
	[tilespmem:s16+$0x8B0] =	vst v3;
	v3 =	vmul.f32 v35, v32  }
0x126: {  	v41 =	vbroadcast v1, $0xD;
	v42 =	vld [tilespmem:s16+$0x930];
	[tilespmem:s16+$0x8C0] =	vst v2;
	v2 =	vmul.f32 v36, v32  }
0x127: {  	v43 =	vld [tilespmem:s16+$0x940];
	[tilespmem:s16+$0x8D0] =	vst v3;
	v3 =	vmul.f32 v37, v32  }
0x128: {  	v44 =	vld [tilespmem:s16+$0x950];
	[tilespmem:s16+$0x8E0] =	vst v2;
	v2 =	vmul.f32 v38, v41  }
0x129: {  	v45 =	vld [tilespmem:s16+$0x960];
	[tilespmem:s16+$0x8F0] =	vst v3;
	v3 =	vmul.f32 v39, v41  }
0x12a: {  	v46 =	vld [tilespmem:s16+$0x970];
	[tilespmem:s16+$0x900] =	vst v2;
	v2 =	vmul.f32 v40, v41  }
0x12b: {  	v47 =	vld [tilespmem:s16+$0x980];
	[tilespmem:s16+$0x910] =	vst v3;
	v3 =	vmul.f32 v42, v41  }
0x12c: {  	v48 =	vld [tilespmem:s16+$0x990];
	[tilespmem:s16+$0x920] =	vst v2;
	v2 =	vmul.f32 v43, v41  }
0x12d: {  	v49 =	vld [tilespmem:s16+$0x9A0];
	[tilespmem:s16+$0x930] =	vst v3;
	v3 =	vmul.f32 v44, v41  }
0x12e: {  	v50 =	vbroadcast v1, $0xE;
	v51 =	vld [tilespmem:s16+$0x9B0];
	[tilespmem:s16+$0x940] =	vst v2;
	v2 =	vmul.f32 v45, v41  }
0x12f: {  	v52 =	vld [tilespmem:s16+$0x9C0];
	[tilespmem:s16+$0x950] =	vst v3;
	v3 =	vmul.f32 v46, v41  }
0x130: {  	v53 =	vld [tilespmem:s16+$0x9D0];
	[tilespmem:s16+$0x960] =	vst v2;
	v2 =	vmul.f32 v47, v50  }
0x131: {  	v54 =	vld [tilespmem:s16+$0x9E0];
	[tilespmem:s16+$0x970] =	vst v3;
	v3 =	vmul.f32 v48, v50  }
0x132: {  	v55 =	vld [tilespmem:s16+$0x9F0];
	[tilespmem:s16+$0x980] =	vst v2;
	v2 =	vmul.f32 v49, v50  }
0x133: {  	v56 =	vld [tilespmem:s16+$0xA00];
	[tilespmem:s16+$0x990] =	vst v3;
	v3 =	vmul.f32 v51, v50  }
0x134: {  	v57 =	vld [tilespmem:s16+$0xA10];
	[tilespmem:s16+$0x9A0] =	vst v2;
	v2 =	vmul.f32 v52, v50  }
0x135: {  	v58 =	vld [tilespmem:s16+$0xA20];
	[tilespmem:s16+$0x9B0] =	vst v3;
	v3 =	vmul.f32 v53, v50  }
0x136: {  	v1 =	vbroadcast v1, $0xF;
	v59 =	vld [tilespmem:s16+$0xA30];
	[tilespmem:s16+$0x9C0] =	vst v2;
	v2 =	vmul.f32 v54, v50  }
0x137: {  	v60 =	vld [tilespmem:s16+$0xA40];
	[tilespmem:s16+$0x9D0] =	vst v3;
	v3 =	vmul.f32 v55, v50  }
0x138: {  	v61 =	vld [tilespmem:s16+$0xA50];
	[tilespmem:s16+$0x9E0] =	vst v2;
	v2 =	vmul.f32 v56, v1  }
0x139: {  	v62 =	vld [tilespmem:s16+$0xA60];
	[tilespmem:s16+$0x9F0] =	vst v3;
	v3 =	vmul.f32 v57, v1  }
0x13a: {  	v63 =	vld [tilespmem:s16+$0xA70];
	[tilespmem:s16+$0xA00] =	vst v2;
	v2 =	vmul.f32 v58, v1  }
0x13b: {  	[tilespmem:s16+$0xA10] =	vst v3;
	v3 =	vmul.f32 v59, v1  }
0x13c: {  	p1 =	sne.s32 s15, $0x4;
	[tilespmem:s16+$0xA20] =	vst v2;
	v2 =	vmul.f32 v60, v1  }
.Ltmp1:
0x13d: {  	[tilespmem:s16+$0xA30] =	vst v3;
	v3 =	vmul.f32 v61, v1;
	(pc) =	sbr.rel @p1 .LBB2_5-.Ltmp1, $4  }
0x13e: {  	[tilespmem:s16+$0xA40] =	vst v2;
	v2 =	vmul.f32 v62, v1  }
0x13f: {  	[tilespmem:s16+$0xA50] =	vst v3;
	v1 =	vmul.f32 v63, v1  }
0x140: {  	[tilespmem:s16+$0xA60] =	vst v2  }
0x141: {  	s15 =	sadd.s32 $0x1, s15;
	[tilespmem:s16+$0xA70] =	vst v1  }
0x142: {  	[spmem:s2] =	stream.indirect.scatter.add.f32 [tilespmem:s28], [sflag:$0x2], $0x80, s31, s1, $0xb8;
	[tilespmem:$0x17480] =	vst v63  }
0x143: {  	s14 =	sadd.s32 $0x1, s14;
	_ =	swait.ge [sflag:s29], $0x2800  }
0x144: {  	p1 =	sne.s32 s14, $0x7D;
	[sflag:s29] =	ssyncset.done $0x0  }
.Ltmp2:
0x145: {  	[sflag:s29] =	ssyncadd.s32 $0xFFFFD800;
	(pc) =	sbr.rel @p1 .LBB2_4-.Ltmp2, $4  }
0x146: {  	[spmem:s5] =	stream.indirect.scatter.add.f32 [tilespmem:s9], [sflag:$0x2], $0x1, s31, s1, $0xb8;
	[tilespmem:$0x17480] =	vst v63  }
0x147: {  	_ =	swait.ge [sflag:s29], $0x50  }
0x148: {  	[sflag:s29] =	ssyncset.done $0x0  }
0x149: {  	[sflag:s29] =	ssyncadd.s32 $0xFFFFFFB0  }
0x14a: {  	s13 =	stileid.u32  }
0x14b: {  	s13 =	sshll.u32 s13, $0x6  }
0x14c: {  	[bflag:$0x0] =	sbarrier.arrive $0xFFFF;
	s14 =	sshrl.u32 s12, $0x3;
	s13 =	sor.u32 $0x1C02, s13  }
0x14d: {  	[hbm:s22], [sflag:s13] =	dma.local [spmem:s14], $0x2800  }
0x14e: {  	s15 =	simm.s32 $0x20;
	s6 =	sadd.s32 $0x1, s6;
	_ =	swait.ge [sflag:s29], $0x2800  }
0x14f: {  	s16 =	simm.s32 $0x10;
	p1 =	sne.s32 s6, s24;
	[sflag:s29] =	ssyncset.done $0x0  }
.Ltmp3:
0x150: {  	s14 =	sshrl.u32 s20, $0x3;
	[sflag:s29] =	ssyncadd.s32 $0xFFFFD800;
	(pc) =	sbr.rel @p1 .LBB2_1-.Ltmp3, $4  }
0x151: {  	[hbm:s23@s15], [sflag:s13] =	dma.strided [spmem:s14@s16], $0x50, s8, $0x10   }
0x152: {  	_ =	swait.ge [sflag:s29], $0x50  }
0x153: {  	[sflag:s29] =	ssyncset.done $0x0  }
0x154: {  	[sflag:s29] =	ssyncadd.s32 $0xFFFFFFB0  }
0x155: {  	_ =	sfence.sel $0x180000  }
0x156: {  	[bflag:$0x0] =	sbarrier.arrive $0xFFFF  }
0x157: {  	_ =	strace $0x9000004A  }
0x158: {  	[bflag:$0x2] =	sbarrier.arrive $0xFFFF  }
0x159: {  	s0 =	rddreg [dreg:$0x6]  }
0x15a: {  	s0 =	sadd.s32 @!p0 $0x100000, s0  }
0x15b: {  	[sflag:s0] =	ssyncadd.tile.s32 @!p0 $0x1;
	_ =	shalt  }
.Lfunc_end2:
_tile_overlayer_lowered:
.L_overlay_start_2:
0x15c: {  	(tag) =	ssettag $0x2  }
0x15d: {  	s0 =	rddreg [dreg:$0x0];
	s2 =	stileid.u32  }
0x15e: {  	s1 =	rddreg [dreg:$0x1];
	p0 =	sne.s32 s2, $0x0  }
0x15f: {  	s3 =	rddreg [dreg:$0x2];
	[bflag:$0x3] =	sbarrier.arrive $0xFFFF;
	s2 =	simm.s32 @!p0 $0x1C02  }
0x160: {  	[timem:s3], [sflag:s2] =	dma.local @!p0 [hbm:s0], s1  }
0x161: {  	s0 =	simm.s32 @!p0 $0x2  }
0x162: {  	_ =	swait.ge @!p0 [sflag:s0], s1  }
0x163: {  	s1 =	ssub.s32 @!p0 $0x0, s1;
	[sflag:s0] =	ssyncset.done @!p0 $0x0  }
0x164: {  	[sflag:s0] =	ssyncadd.s32 @!p0 s1  }
0x165: {  	[bflag:$0x3] =	sbarrier.arrive $0xFFFF  }
0x166: {  	_ =	shalt  }

// kernel: kernel.7.cloned.1.call-start
scs
__scs_entry_jumppad:
0x0: {  	(pc) =	sbr.rel $0x88, $3  }
0x1: {  	(tag) =	ssettag $0x0;
	lr =	simm.s32 $0x1  }
0x2: {  	[smem:$0x3F97] =	sst lr;
	_ =	strace $0xD0000000  }
0x3: {  	_ = 	snop  }
0x4: {  	_ = 	snop  }
0x5: {  	_ = 	snop  }
0x6: {  	_ = 	snop  }
0x7: {  	_ = 	snop  }
__scs_overlays_trampoline_lowered:
0x8: {  	[smem:$0x3FA6] =	sst s0  }
0x9: {  	[smem:$0x3FA7] =	sst s1  }
0xa: {  	[smem:$0x3FA8] =	sst s2  }
0xb: {  	[smem:$0x3FA9] =	sst s3  }
0xc: {  	[smem:$0x3FAA] =	sst s4  }
0xd: {  	[smem:$0x3FAB] =	sst s5  }
0xe: {  	[smem:$0x3FAC] =	sst s6  }
0xf: {  	[smem:$0x3FAD] =	sst s7  }
0x10: {  	[smem:$0x3FAE] =	sst s8  }
0x11: {  	[smem:$0x3FAF] =	sst s9;
	s0 =	simm.s32 @!p0 $0x0  }
0x12: {  	s1 =	sld [smem:$0x3F95];
	s0 =	simm.s32 @p0 $0x1  }
0x13: {  	[smem:$0x3FB0] =	sst s0;
	s0 =	simm.s32 @!p1 $0x0  }
0x14: {  	s2 =	sld [smem:$0x3F94];
	s0 =	simm.s32 @p1 $0x1  }
0x15: {  	[smem:$0x3FB1] =	sst s0;
	s0 =	simm.s32 @!p2 $0x0  }
0x16: {  	s3 =	sld [smem:$0x3FDB];
	s0 =	simm.s32 @p2 $0x1  }
0x17: {  	s4 =	simm.s32 $0x1BF5;
	[smem:$0x3FB3] =	sst s0  }
0x18: {  	s0 =	sld [smem:$0x3F96];
	_ =	swait.ge [sflag:s4], $0x0  }
0x19: {  	s7 =	sld [smem:$0x3F97]  }
0x1a: {  	s8 =	sadd.s32 $0xFFFFE003, lr  }
0x1b: {  	s9 =	sadd.s32 $0xFFFFFEF7, lr;
	s5 =	simm.s32 $0xFFFFFFFF;
	p2 =	slt.u32 s8, $0xFFFFF086  }
0x1c: {  	p1 =	slt.u32 s9, $0xF7A;
	s5 =	simm.s32 @!p2 $0x0  }
0x1d: {  	s5 =	simm.s32 @p1 $0x1;
	p0 =	seq.s32 s7, s2  }
0x1e: {  	s7 =	smul.u32 @!p0 $0xF7A, s2;
	p2 =	seq.s32 @!p0 s5, $0x0  }
0x1f: {  	s9 =	smul.u32 $0xF7A, s1;
	s8 =	simm.s32 @!p0 $0x1BF5;
	p2 =	por !p2, p0  }
0x20: {  	[sflag:s8] =	ssyncset.s32 @!p0 $0xFFFFF086;
	s6 =	sadd.s32 @!p0 s3, s7;
	s7 =	simm.s32 @!p0 $0x108  }
0x21: {  	s3 =	sadd.s32 s3, s9;
	s6 =	sadd.s32 @!p0 $0x88, s6;
	s7 =	simm.s32 @p2 $0x1082  }
0x22: {  	[simem:s7], [sflag:s8] =	dma.local @!p0 [hbm:s6], $0xF7A  }
0x23: {  	s9 =	sor.u32 $0xD0000000, s2;
	s6 =	simm.s32 $0x108;
	_ =	swait.ge @!p0 [sflag:s8], $0x0  }
0x24: {  	s3 =	sadd.s32 $0x88, s3;
	s6 =	simm.s32 @!p1 $0x1082;
	[sflag:s4] =	ssyncset.s32 $0xFFFFF086  }
0x25: {  	[simem:s6], [sflag:s4] =	dma.local [hbm:s3], $0xF7A  }
0x26: {  	[smem:$0x3F97] =	sst s1;
	(tag) =	ssettag s2;
	_ =	strace s9  }
0x27: {  	s1 =	sld [smem:$0x3FA7]  }
0x28: {  	s2 =	sld [smem:$0x3FA8]  }
0x29: {  	s4 =	sld [smem:$0x3FAA]  }
0x2a: {  	p0 =	seq.s32 s5, $0x0;
	s5 =	sld [smem:$0x3FAB]  }
0x2b: {  	s6 =	sld [smem:$0x3FAC]  }
0x2c: {  	s7 =	sld [smem:$0x3FAD]  }
0x2d: {  	s3 =	simm.s32 $0x108;
	s8 =	sld [smem:$0x3FAE]  }
0x2e: {  	s3 =	simm.s32 @!p0 $0x1082;
	s9 =	sld [smem:$0x3FAF]  }
0x2f: {  	lr =	sadd.s32 s0, s3;
	s0 =	sld [smem:$0x3FA6]  }
0x30: {  	s3 =	sld [smem:$0x3FA9]  }
0x31: {  	[smem:$0x3FB2] =	sst s10  }
0x32: {  	s10 =	sld [smem:$0x3FB0];
	_ =	sdelay $0x3  }
0x33: {  	p0 =	seq.s32 s10, $0x1;
	s10 =	sld [smem:$0x3FB2];
	_ =	sdelay $0x3  }
0x34: {  	[smem:$0x3FB2] =	sst s10  }
0x35: {  	s10 =	sld [smem:$0x3FB1];
	_ =	sdelay $0x3  }
0x36: {  	p1 =	seq.s32 s10, $0x1;
	s10 =	sld [smem:$0x3FB2];
	_ =	sdelay $0x3  }
0x37: {  	[smem:$0x3FB2] =	sst s10  }
0x38: {  	s10 =	sld [smem:$0x3FB3]  }
0x39: {  	_ = 	snop;
	(pc) =	sbr.ind lr, $3  }
0x3a: {  	_ = 	snop  }
0x3b: {  	_ = 	snop  }
0x3c: {  	p2 =	seq.s32 s10, $0x1;
	s10 =	sld [smem:$0x3FB2]  }
0x3d: {  	_ =	shalt  }
0x3e: {  	_ =	shalt  }
0x3f: {  	_ =	shalt  }
0x40: {  	_ =	shalt  }
0x41: {  	_ =	shalt  }
0x42: {  	_ =	shalt  }
0x43: {  	_ =	shalt  }
0x44: {  	_ =	shalt  }
0x45: {  	_ =	shalt  }
0x46: {  	_ =	shalt  }
0x47: {  	_ =	shalt  }
0x48: {  	_ =	shalt  }
0x49: {  	_ =	shalt  }
0x4a: {  	_ =	shalt  }
0x4b: {  	_ =	shalt  }
0x4c: {  	_ =	shalt  }
0x4d: {  	_ =	shalt  }
0x4e: {  	_ =	shalt  }
0x4f: {  	_ =	shalt  }
0x50: {  	_ =	shalt  }
0x51: {  	_ =	shalt  }
0x52: {  	_ =	shalt  }
0x53: {  	_ =	shalt  }
0x54: {  	_ =	shalt  }
0x55: {  	_ =	shalt  }
0x56: {  	_ =	shalt  }
0x57: {  	_ =	shalt  }
0x58: {  	_ =	shalt  }
0x59: {  	_ =	shalt  }
0x5a: {  	_ =	shalt  }
0x5b: {  	_ =	shalt  }
0x5c: {  	_ =	shalt  }
0x5d: {  	_ =	shalt  }
0x5e: {  	_ =	shalt  }
0x5f: {  	_ =	shalt  }
0x60: {  	_ =	shalt  }
0x61: {  	_ =	shalt  }
0x62: {  	_ =	shalt  }
0x63: {  	_ =	shalt  }
0x64: {  	_ =	shalt  }
0x65: {  	_ =	shalt  }
0x66: {  	_ =	shalt  }
0x67: {  	_ =	shalt  }
0x68: {  	_ =	shalt  }
0x69: {  	_ =	shalt  }
0x6a: {  	_ =	shalt  }
0x6b: {  	_ =	shalt  }
0x6c: {  	_ =	shalt  }
0x6d: {  	_ =	shalt  }
0x6e: {  	_ =	shalt  }
0x6f: {  	_ =	shalt  }
0x70: {  	_ =	shalt  }
0x71: {  	_ =	shalt  }
0x72: {  	_ =	shalt  }
0x73: {  	_ =	shalt  }
0x74: {  	_ =	shalt  }
0x75: {  	_ =	shalt  }
0x76: {  	_ =	shalt  }
0x77: {  	_ =	shalt  }
0x78: {  	_ =	shalt  }
0x79: {  	_ =	shalt  }
0x7a: {  	_ =	shalt  }
0x7b: {  	_ =	shalt  }
0x7c: {  	_ =	shalt  }
0x7d: {  	_ =	shalt  }
0x7e: {  	_ =	shalt  }
0x7f: {  	_ =	shalt  }
0x80: {  	_ =	shalt  }
0x81: {  	_ =	shalt  }
0x82: {  	_ =	shalt  }
0x83: {  	_ =	shalt  }
0x84: {  	_ =	shalt  }
0x85: {  	_ =	shalt  }
0x86: {  	_ =	shalt  }
0x87: {  	_ =	shalt  }
.Lfunc_end0:
.L_simem_size_0:
called_computation_lowered:
.L_overlay_start_0:
0x88: {  	s2 =	sld [smem:$0x3FD9]  }
0x89: {  	s3 =	sld [smem:$0x3FFE];
	_ =	sdelay $0x1  }
0x8a: {  	s1 =	srdreg.scid  }
0x8b: {  	s0 =	sand.u32 $0x1, s1  }
0x8c: {  	s17 =	sshll.u32 s0, $0xA;
	s2 =	sadd.s32 s3, s2  }
0x8d: {  	s2 =	sadd.s32 s2, s17  }
0x8e: {  	[smem:$0x3FBE] =	sst s2  }
0x8f: {  	_ = 	snop  }
0x90: {  	s2 =	sld [smem:$0x3FD0];
	(tm) =	ssettm $0x1  }
0x91: {  	s18 =	sld [smem:$0x3FFB];
	_ =	sdelay $0x3  }
0x92: {  	_ =	strace s18  }
0x93: {  	s3 =	sld [smem:$0x3FFC];
	_ =	sdelay $0x3  }
0x94: {  	_ =	strace s3  }
0x95: {  	s3 =	sld [smem:$0x3FFD];
	_ =	sdelay $0x3  }
0x96: {  	_ =	strace s3  }
0x97: {  	_ =	strace $0x8FFFFFFF  }
0x98: {  	s19 =	sld [smem:$0x3FDB];
	_ =	sdelay $0x1  }
0x99: {  	s4 =	simm.s32 $_scs_section_size  }
0x9a: {  	s5 =	simm.s32 $_size__tile_overlayer_lowered;
	s6 =	simm.s32 $_tile_overlayer_lowered  }
0x9b: {  	s22 =	simm.s32 $0x1BFF;
	s21 =	sshll.u32 s6, $0x1;
	s3 =	sadd.s32 s4, s19  }
0x9c: {  	s7 =	simm.s32 $0x0;
	s20 =	sshll.u32 s5, $0x1;
	s5 =	sadd.s32 s21, s3  }
0x9d: {  	[timem:s7], [sflag:s22] =	dma.local [hbm:s5], s20  }
0x9e: {  	_ =	swait.ge [sflag:s22], s20  }
0x9f: {  	s4 =	ssub.s32 $0x0, s20;
	[sflag:s22] =	ssyncset.done $0x0  }
0xa0: {  	[sflag:s22] =	ssyncadd.s32 s4;
	_ =	sdelay $0x1  }
0xa1: {  	s23 =	simm.s32 $0x1B8B  }
0xa2: {  	_ =	swait.ge [sflag:s23], $0x1  }
0xa3: {  	[sflag:s23] =	ssyncset.done $0x0  }
0xa4: {  	s25 =	simm.s32 $0x1B8E;
	s24 =	sld [smem:$0x3FFE];
	[sflag:s23] =	ssyncadd.s32 $0xFFFFFFFF  }
0xa5: {  	s26 =	simm.s32 $execute0_lowered;
	[smem:$0x3FD2] =	sst s25  }
0xa6: {  	s5 =	sshll.u32 s26, $0x1;
	_ =	strace $0x80000046;
	[dreg:$0x1] =	wrdreg $0xFFFFFFFF  }
0xa7: {  	s28 =	simm.s32 $_size_execute0_lowered;
	s3 =	sadd.s32 s3, s5;
	[dreg:$0x0] =	wrdreg $0x0  }
0xa8: {  	s5 =	sshll.u32 s28, $0x1;
	[dreg:$0x2] =	wrdreg s3  }
0xa9: {  	[dreg:$0x3] =	wrdreg s5  }
0xaa: {  	[dreg:$0x4] =	wrdreg $0xC0  }
0xab: {  	_ =	task [dreg:s7], $0x5FFFF  }
0xac: {  	[dreg:$0x1] =	wrdreg $0xFFFFFFFF  }
0xad: {  	[dreg:$0x0] =	wrdreg $0x60  }
0xae: {  	[dreg:$0x2] =	wrdreg s2  }
0xaf: {  	[dreg:$0x3] =	wrdreg s24  }
0xb0: {  	[dreg:$0x4] =	wrdreg $0x32000  }
0xb1: {  	[dreg:$0x5] =	wrdreg $0x2D000  }
0xb2: {  	[dreg:$0x6] =	wrdreg $0x2F800  }
0xb3: {  	[dreg:$0x7] =	wrdreg $0x172000  }
0xb4: {  	[dreg:$0x8] =	wrdreg $0x9  }
0xb5: {  	_ =	task.clear_ibuf [dreg:s7], $0x9FFFF;
	_ =	strace $0x90000046  }
0xb6: {  	s29 =	simm.s32 $0x9;
	_ =	strace $0x80000048  }
0xb7: {  	_ =	swait.ge [sflag:s29], $0x1  }
0xb8: {  	[sflag:s29] =	ssyncadd.s32 $0xFFFFFFFF  }
0xb9: {  	_ =	strace $0x90000048  }
0xba: {  	_ =	sfence  }
0xbb: {  	s30 =	sld [smem:$0x0];
	_ =	sdelay $0x2  }
0xbc: {  	s31 =	sshll.u32 s1, $0xD;
	s1 =	sshrl.u32 s1, $0x2  }
0xbd: {  	s3 =	sand.u32 $0x4000, s31;
	s1 =	sadd.s32 s1, s30  }
0xbe: {  	s0 =	sor.u32 s3, s0;
	s1 =	sshll.u32 s1, $0x11  }
0xbf: {  	s0 =	sor.u32 s1, s0  }
0xc0: {  	s0 =	sadd.s32 $0x8F2B, s0  }
0xc1: {  	[sflag:s0] =	ssyncadd.remote.s32 $0x1  }
0xc2: {  	_ =	sfence.sel $0xFFFF  }
0xc3: {  	[dreg:$0x0] =	wrdreg $0xFFFFFFFF;
	(pc) =	sbr.abs _section_cstart, $3  }
0xc4: {  	[dreg:$0x1] =	wrdreg $0xFFFFFFFF  }
0xc5: {  	_ =	task.clear_ibuf [dreg:s7], $0x2FFFF;
	_ =	strace $0x9FFFFFFF  }
0xc6: {  	(tm) =	ssettm $0x7FFFFFFF  }
0xc7: {  	_ =	shalt  }
tec
execute0_lowered:
.L_overlay_start_1:
0x0: {  	(tag) =	ssettag $0x1  }
0x1: {  	s0 =	rddreg [dreg:$0x0]  }
0x2: {  	s1 =	rddreg [dreg:$0x1]  }
0x3: {  	s2 =	rddreg [dreg:$0x2]  }
0x4: {  	s3 =	rddreg [dreg:$0x3]  }
0x5: {  	s4 =	rddreg [dreg:$0x4]  }
0x6: {  	s5 =	rddreg [dreg:$0x5];
	s6 =	simm.s32 $0x0;
	s7 =	srdreg.scid  }
0x7: {  	s15 =	stileid.u32;
	s28 =	simm.s32 $0x280;
	s29 =	simm.s32 $0x2  }
0x8: {  	s31 =	simm.s32 $0x80;
	s30 =	simm.s32 $0x100;
	s9 =	smul.u32 $0x14000, s15  }
0x9: {  	[smem:$0x7FF] =	sst s6;
	s7 =	sand.u32 $0x1, s7;
	s25 =	smul.u32 $0x500, s15  }
0xa: {  	s10 =	sadd.s32 $0x15200, s1;
	s24 =	sadd.s32 $0x14C00, s1;
	s13 =	smul.u32 $0x50000, s15  }
0xb: {  	s11 =	sadd.s32 $0x1000, s1;
	s23 =	smul.u32 $0xA00, s15;
	p0 =	sne.s32 s15, $0x0  }
0xc: {  	s8 =	smul.u32 $0x140000, s7;
	_ =	strace $0x80000047;
	[dreg:$0x7] =	wrdreg s10  }
0xd: {  	[dreg:$0x8] =	wrdreg s24;
	s10 =	sadd.s32 $0xAE00, s1;
	s26 =	ssub.s32 $0x2, s7  }
0xe: {  	s12 =	sshll.u32 s7, $0x7;
	s14 =	sshrl.u32 s26, $0x1;
	s13 =	sshrl.u32 s13, $0x2  }
0xf: {  	s8 =	sadd.s32 s9, s8;
	s9 =	sor.u32 s12, s25;
	s16 =	ssub.s32 s26, s14  }
0x10: {  	s12 =	sadd.s32 s13, s2;
	s26 =	sshll.u32 s15, $0x1;
	s8 =	sshrl.u32 s8, $0x3  }
0x11: {  	s9 =	sshrl.u32 s9, $0x3;
	s13 =	sadd.s32 $0x2800, s12;
	s22 =	sadd.s32 $0x5000, s12  }
0x12: {  	s24 =	sadd.s32 $0x7800, s12;
	s25 =	sadd.s32 $0xA000, s12;
	s17 =	sadd.s32 $0xC800, s12  }
0x13: {  	s18 =	sadd.s32 $0xF000, s12;
	s19 =	sadd.s32 $0x11800, s12;
	[dreg:$0x9] =	wrdreg s13  }
0x14: {  	s7 =	sor.u32 s7, s26;
	s26 =	sshrl.u32 @!p0 s4, $0x3;
	[dreg:$0xa] =	wrdreg s22  }
0x15: {  	s8 =	sadd.s32 s8, s1;
	s1 =	sadd.s32 s9, s1;
	[dreg:$0xb] =	wrdreg s24  }
0x16: {  	[dreg:$0xc] =	wrdreg s25;
	s13 =	sshrl.u32 s23, $0x2;
	s21 =	smul.u32 $0x2710, s7  }
0x17: {  	s24 =	smax.u32 s16, $0x1;
	s25 =	sshrl.u32 @!p0 s3, $0x3;
	s7 =	simm.s32 $0x180  }
0x18: {  	s9 =	simm.s32 $0x200;
	s20 =	sadd.s32 s13, s5;
	s22 =	sadd.s32 $0x15800, s8  }
0x19: {  	v0 =	vimm.f32 $0.0e+00;
	s23 =	sadd.s32 $0x65800, s1;
	s1 =	simm.s32 $0x50;
	s8 =	simm.s32 $0x1  }
.LBB2_1:
0x1a: {  	s13 =	simm.s32 @!p0 $0x1C02;
	s14 =	rddreg [dreg:$0x7]  }
0x1b: {  	[spmem:s25], [sflag:s13] =	dma.local @!p0 [hbm:s14], $0x500  }
0x1c: {  	s14 =	simm.s32 @!p0 $0x2  }
0x1d: {  	_ =	swait.ge @!p0 [sflag:s14], $0x500  }
0x1e: {  	[sflag:s14] =	ssyncset.done @!p0 $0x0  }
0x1f: {  	s15 =	rddreg [dreg:$0x8];
	[sflag:s14] =	ssyncadd.s32 @!p0 $0xFFFFFB00  }
0x20: {  	[spmem:s26], [sflag:s13] =	dma.local @!p0 [hbm:s15], $0x500  }
0x21: {  	_ =	swait.ge @!p0 [sflag:s14], $0x500  }
0x22: {  	[sflag:s14] =	ssyncset.done @!p0 $0x0  }
0x23: {  	s13 =	simm.s32 $0x0;
	[sflag:s14] =	ssyncadd.s32 @!p0 $0xFFFFFB00;
	s14 =	simm.s32 $0x200  }
.LBB2_2:
0x24: {  	p1 =	sne.s32 s14, $0x9E00;
	[tilespmem:s13+$0x2F0] =	vst v0  }
0x25: {  	[tilespmem:s13+$0x280] =	vst v0  }
0x26: {  	[tilespmem:s13+$0x290] =	vst v0  }
.Ltmp0:
0x27: {  	[tilespmem:s13+$0x2A0] =	vst v0;
	(pc) =	sbr.rel @p1 .LBB2_2-.Ltmp0, $4  }
0x28: {  	[tilespmem:s13+$0x2B0] =	vst v0  }
0x29: {  	[tilespmem:s13+$0x2C0] =	vst v0  }
0x2a: {  	[tilespmem:s13+$0x2D0] =	vst v0  }
0x2b: {  	[tilespmem:s13+$0x2E0] =	vst v0;
	s13 =	sshra.s32 s14, $0x2;
	s14 =	sadd.s32 $0x200, s14  }
0x2c: {  	[tilespmem:s13+$0x2F0] =	vst v0  }
0x2d: {  	[tilespmem:s13+$0x280] =	vst v0  }
0x2e: {  	[tilespmem:s13+$0x290] =	vst v0  }
0x2f: {  	[tilespmem:s13+$0x2A0] =	vst v0  }
0x30: {  	[tilespmem:s13+$0x2B0] =	vst v0  }
0x31: {  	[tilespmem:s13+$0x2C0] =	vst v0  }
0x32: {  	[tilespmem:s13+$0x2D0] =	vst v0  }
0x33: {  	[tilespmem:s13+$0x2E0] =	vst v0  }
0x34: {  	[tilespmem:$0x2A80] =	vst v0  }
0x35: {  	[tilespmem:$0x2A90] =	vst v0  }
0x36: {  	[tilespmem:$0x2AA0] =	vst v0  }
0x37: {  	[tilespmem:$0x2AB0] =	vst v0  }
0x38: {  	[tilespmem:$0x2AC0] =	vst v0  }
0x39: {  	[tilespmem:$0x2AD0] =	vst v0  }
0x3a: {  	[tilespmem:$0x2AE0] =	vst v0  }
0x3b: {  	[tilespmem:$0x2AF0] =	vst v0  }
0x3c: {  	[tilespmem:$0x2B00] =	vst v0  }
0x3d: {  	[tilespmem:$0x2B10] =	vst v0  }
0x3e: {  	[tilespmem:$0x2B20] =	vst v0  }
0x3f: {  	[tilespmem:$0x2B30] =	vst v0  }
0x40: {  	[tilespmem:$0x2B40] =	vst v0  }
0x41: {  	[tilespmem:$0x2B50] =	vst v0  }
0x42: {  	[tilespmem:$0x2B60] =	vst v0  }
0x43: {  	[tilespmem:$0x2B70] =	vst v0  }
0x44: {  	[tilespmem:$0x2B80] =	vst v0  }
0x45: {  	[tilespmem:$0x2B90] =	vst v0  }
0x46: {  	[tilespmem:$0x2BA0] =	vst v0  }
0x47: {  	[tilespmem:$0x2BB0] =	vst v0  }
0x48: {  	[tilespmem:$0x2BC0] =	vst v0  }
0x49: {  	[tilespmem:$0x2BD0] =	vst v0  }
0x4a: {  	[tilespmem:$0x2BE0] =	vst v0  }
0x4b: {  	[tilespmem:$0x2BF0] =	vst v0  }
0x4c: {  	[tilespmem:$0x2C00] =	vst v0  }
0x4d: {  	[tilespmem:$0x2C10] =	vst v0  }
0x4e: {  	[tilespmem:$0x2C20] =	vst v0  }
0x4f: {  	[tilespmem:$0x2C30] =	vst v0  }
0x50: {  	[tilespmem:$0x2C40] =	vst v0  }
0x51: {  	[tilespmem:$0x2C50] =	vst v0  }
0x52: {  	[tilespmem:$0x2C60] =	vst v0  }
0x53: {  	[tilespmem:$0x2C70] =	vst v0  }
0x54: {  	[tilespmem:$0x2C80] =	vst v0  }
0x55: {  	[tilespmem:$0x2C90] =	vst v0  }
0x56: {  	[tilespmem:$0x2CA0] =	vst v0  }
0x57: {  	[tilespmem:$0x2CB0] =	vst v0  }
0x58: {  	[tilespmem:$0x2CC0] =	vst v0  }
0x59: {  	[tilespmem:$0x2CD0] =	vst v0  }
0x5a: {  	[tilespmem:$0x2CE0] =	vst v0  }
0x5b: {  	[tilespmem:$0x2CF0] =	vst v0  }
0x5c: {  	[spmem:s12] =	stream.linear.scatter [tilespmem:s28], [sflag:$0x2], $0x2800, $0x38;
	[tilespmem:$0x17480] =	vst v63  }
0x5d: {  	_ =	swait.ge [sflag:s29], $0x2800  }
0x5e: {  	[sflag:s29] =	ssyncset.done $0x0  }
0x5f: {  	s15 =	rddreg [dreg:$0x9];
	[sflag:s29] =	ssyncadd.s32 $0xFFFFD800  }
0x60: {  	[spmem:s15] =	stream.linear.scatter [tilespmem:s28], [sflag:$0x2], $0x2800, $0x38;
	[tilespmem:$0x17480] =	vst v63  }
0x61: {  	_ =	swait.ge [sflag:s29], $0x2800  }
0x62: {  	[sflag:s29] =	ssyncset.done $0x0  }
0x63: {  	s16 =	rddreg [dreg:$0xa];
	[sflag:s29] =	ssyncadd.s32 $0xFFFFD800  }
0x64: {  	[spmem:s16] =	stream.linear.scatter [tilespmem:s28], [sflag:$0x2], $0x2800, $0x38;
	[tilespmem:$0x17480] =	vst v63  }
0x65: {  	_ =	swait.ge [sflag:s29], $0x2800  }
0x66: {  	[sflag:s29] =	ssyncset.done $0x0  }
0x67: {  	s14 =	rddreg [dreg:$0xb];
	[sflag:s29] =	ssyncadd.s32 $0xFFFFD800  }
0x68: {  	[spmem:s14] =	stream.linear.scatter [tilespmem:s28], [sflag:$0x2], $0x2800, $0x38;
	[tilespmem:$0x17480] =	vst v63  }
0x69: {  	_ =	swait.ge [sflag:s29], $0x2800  }
0x6a: {  	[sflag:s29] =	ssyncset.done $0x0  }
0x6b: {  	s15 =	rddreg [dreg:$0xc];
	[sflag:s29] =	ssyncadd.s32 $0xFFFFD800  }
0x6c: {  	[spmem:s15] =	stream.linear.scatter [tilespmem:s28], [sflag:$0x2], $0x2800, $0x38;
	[tilespmem:$0x17480] =	vst v63  }
0x6d: {  	_ =	swait.ge [sflag:s29], $0x2800  }
0x6e: {  	[sflag:s29] =	ssyncset.done $0x0  }
0x6f: {  	[sflag:s29] =	ssyncadd.s32 $0xFFFFD800  }
0x70: {  	[spmem:s17] =	stream.linear.scatter [tilespmem:s28], [sflag:$0x2], $0x2800, $0x38;
	[tilespmem:$0x17480] =	vst v63  }
0x71: {  	_ =	swait.ge [sflag:s29], $0x2800  }
0x72: {  	[sflag:s29] =	ssyncset.done $0x0  }
0x73: {  	[sflag:s29] =	ssyncadd.s32 $0xFFFFD800  }
0x74: {  	[spmem:s18] =	stream.linear.scatter [tilespmem:s28], [sflag:$0x2], $0x2800, $0x38;
	[tilespmem:$0x17480] =	vst v63  }
0x75: {  	_ =	swait.ge [sflag:s29], $0x2800  }
0x76: {  	[sflag:s29] =	ssyncset.done $0x0  }
0x77: {  	[sflag:s29] =	ssyncadd.s32 $0xFFFFD800  }
0x78: {  	[spmem:s19] =	stream.linear.scatter [tilespmem:s28], [sflag:$0x2], $0x2800, $0x38;
	[tilespmem:$0x17480] =	vst v63  }
0x79: {  	_ =	swait.ge [sflag:s29], $0x2800  }
0x7a: {  	[sflag:s29] =	ssyncset.done $0x0  }
0x7b: {  	s16 =	simm.s32 $0x2A80;
	[sflag:s29] =	ssyncadd.s32 $0xFFFFD800  }
0x7c: {  	[spmem:s20] =	stream.linear.scatter [tilespmem:s16], [sflag:$0x2], $0x280, $0x38;
	[tilespmem:$0x17480] =	vst v63  }
0x7d: {  	_ =	swait.ge [sflag:s29], $0x280  }
0x7e: {  	[sflag:s29] =	ssyncset.done $0x0  }
0x7f: {  	[sflag:s29] =	ssyncadd.s32 $0xFFFFFD80  }
0x80: {  	s13 =	simm.s32 $0x0;
	s14 =	simm.s32 $0x0;
	[bflag:$0x0] =	sbarrier.arrive $0xFFFF  }
.LBB2_4:
0x81: {  	s15 =	smul.u32 $0x50, s14;
	_ =	sdelay $0x1  }
0x82: {  	s15 =	sadd.s32 s21, s15  }
0x83: {  	s15 =	sshrl.u32 s15, $0x3  }
0x84: {  	s16 =	sadd.s32 s10, s15  }
0x85: {  	[tilespmem:s13], [sflag:$0x2] =	stream.linear.gather [hbm4b:s16+s13], $0x50, $0x38;
	[tilespmem:$0x17480] =	vst v63  }
0x86: {  	_ =	swait.ge [sflag:s29], $0x50  }
0x87: {  	[sflag:s29] =	ssyncset.done $0x0  }
0x88: {  	s15 =	sadd.s32 s11, s15;
	[sflag:s29] =	ssyncadd.s32 $0xFFFFFFB0  }
0x89: {  	[tilespmem:s31], [sflag:$0x2] =	stream.linear.gather [hbm4b:s15+s13], $0x50, $0x38;
	[tilespmem:$0x17480] =	vst v63  }
0x8a: {  	_ =	swait.ge [sflag:s29], $0x50  }
0x8b: {  	[sflag:s29] =	ssyncset.done $0x0  }
0x8c: {  	[sflag:s29] =	ssyncadd.s32 $0xFFFFFFB0  }
0x8d: {  	[tilespmem:s28], [sflag:$0x1] =	stream.indirect.gather [hbm4b:s0+s1], $0x80, s13, s1, $0xb8;
	[tilespmem:$0x17480] =	vst v63  }
0x8e: {  	_ = 	snop  }
0x8f: {  	[tilespmem:s30], [sflag:$0x2] =	stream.indirect.gather [spmem:s3], $0x1, s13, s1, $0xb8;
	[tilespmem:$0x17480] =	vst v63  }
0x90: {  	_ =	swait.ge [sflag:s29], $0x50  }
0x91: {  	[sflag:s29] =	ssyncset.done $0x0  }
0x92: {  	[sflag:s29] =	ssyncadd.s32 $0xFFFFFFB0  }
0x93: {  	[tilespmem:s7], [sflag:$0x2] =	stream.indirect.gather [spmem:s4], $0x1, s31, s1, $0xb8;
	[tilespmem:$0x17480] =	vst v63  }
0x94: {  	_ =	swait.ge [sflag:s29], $0x50  }
0x95: {  	[sflag:s29] =	ssyncset.done $0x0  }
0x96: {  	[sflag:s29] =	ssyncadd.s32 $0xFFFFFFB0  }
0x97: {  	v1 =	vld [tilespmem:$0x100]  }
0x98: {  	v2 =	vld [tilespmem:$0x180]  }
0x99: {  	v3 =	vld [tilespmem:$0x110]  }
0x9a: {  	v4 =	vld [tilespmem:$0x190]  }
0x9b: {  	v5 =	vld [tilespmem:$0x120]  }
0x9c: {  	v6 =	vld [tilespmem:$0x1A0]  }
0x9d: {  	v7 =	vld [tilespmem:$0x1B0]  }
0x9e: {  	v9 =	vld [tilespmem:$0x140];
	v1 =	vadd.f32 v2, v1  }
0x9f: {  	v10 =	vld [tilespmem:$0x1C0]  }
0xa0: {  	v2 =	vld [tilespmem:$0x130];
	v8 =	vmul.f32 $2.000000030e-01, v1  }
0xa1: {  	vm0 =	vge.f32 v1, $0.0e+00  }
0xa2: {  	v3 =	vadd.f32 v4, v3;
	v1 =	vsel vm0, v1, v8  }
0xa3: {  	v1 =	vmul.f32 $1.442695020e+00, v1  }
0xa4: {  	v59 =	vadd.f32 v6, v5;
	v61 =	vadd.f32 v10, v9;
	v60 =	vmul.f32 $2.000000030e-01, v3  }
0xa5: {  	vm12 =	vge.f32 v3, $0.0e+00;
	(erf) = vpow2.f32 v1;
	v1 =	vadd.f32 v7, v2  }
0xa6: {  	v2 =	vsel vm12, v3, v60;
	v3 =	vmul.f32 $2.000000030e-01, v59  }
0xa7: {  	vm13 =	vge.f32 v59, $0.0e+00;
	v63 =	vmul.f32 $2.000000030e-01, v61;
	v62 =	vmul.f32 $2.000000030e-01, v1  }
0xa8: {  	v2 =	vmul.f32 $1.442695020e+00, v2;
	v3 =	vsel vm13, v59, v3;
	vm14 =	vge.f32 v1, $0.0e+00  }
0xa9: {  	vm15 =	vge.f32 v61, $0.0e+00;
	v3 =	vmul.f32 $1.442695020e+00, v3;
	v1 =	vsel vm14, v1, v62  }
0xaa: {  	(erf) = vpow2.f32 v2;
	v2 =	vsel vm15, v61, v63;
	v1 =	vmul.f32 $1.442695020e+00, v1  }
0xab: {  	v2 =	vmul.f32 $1.442695020e+00, v2;
	(erf) = vpow2.f32 v3  }
0xac: {  	(erf) = vpow2.f32 v1  }
0xad: {  	(erf) = vpow2.f32 v2;
	_ =	sdelay $0x4  }
0xae: {  	v1 =	vpop (erf)  }
0xaf: {  	[tilespmem:$0x200] =	vst v1;
	v2 =	vpop (erf)  }
0xb0: {  	[tilespmem:$0x210] =	vst v2;
	v1 =	vpop (erf)  }
0xb1: {  	[tilespmem:$0x220] =	vst v1;
	v2 =	vpop (erf)  }
0xb2: {  	[tilespmem:$0x230] =	vst v2;
	v1 =	vpop (erf)  }
0xb3: {  	[tilespmem:$0x240] =	vst v1  }
0xb4: {  	_ =	swait.ge [sflag:s8], $0x2800  }
0xb5: {  	[sflag:s8] =	ssyncset.done $0x0  }
0xb6: {  	s15 =	simm.s32 $0x0;
	[sflag:s8] =	ssyncadd.s32 $0xFFFFD800  }
.LBB2_5:
0xb7: {  	s16 =	sshll.u32 s15, $0x4  }
0xb8: {  	s16 =	sand.u32 $0x3FFFFFF0, s16  }
0xb9: {  	v1 =	vld [tilespmem:s16+$0x200];
	s16 =	sshll.u32 s15, $0xB  }
0xba: {  	s16 =	sand.u32 $0x3FFFF800, s16  }
0xbb: {  	v2 =	vld [tilespmem:s16+$0x280]  }
0xbc: {  	v3 =	vld [tilespmem:s16+$0x290]  }
0xbd: {  	v4 =	vld [tilespmem:s16+$0x2A0]  }
0xbe: {  	v6 =	vld [tilespmem:s16+$0x2B0];
	v5 =	vbroadcast v1, $0x0  }
0xbf: {  	v7 =	vld [tilespmem:s16+$0x2C0]  }
0xc0: {  	v8 =	vld [tilespmem:s16+$0x2D0];
	v2 =	vmul.f32 v5, v2  }
0xc1: {  	v9 =	vld [tilespmem:s16+$0x2E0];
	v3 =	vmul.f32 v3, v5  }
0xc2: {  	v34 =	vld [tilespmem:s16+$0x2F0];
	[tilespmem:s16+$0x280] =	vst v2;
	v2 =	vmul.f32 v4, v5  }
0xc3: {  	v35 =	vld [tilespmem:s16+$0x300];
	[tilespmem:s16+$0x290] =	vst v3;
	v3 =	vmul.f32 v6, v5  }
0xc4: {  	v36 =	vld [tilespmem:s16+$0x310];
	[tilespmem:s16+$0x2A0] =	vst v2;
	v2 =	vmul.f32 v7, v5  }
0xc5: {  	v37 =	vld [tilespmem:s16+$0x320];
	[tilespmem:s16+$0x2B0] =	vst v3;
	v3 =	vmul.f32 v8, v5  }
0xc6: {  	v10 =	vld [tilespmem:s16+$0x330];
	v38 =	vbroadcast v1, $0x1;
	[tilespmem:s16+$0x2C0] =	vst v2;
	v2 =	vmul.f32 v9, v5  }
0xc7: {  	v39 =	vld [tilespmem:s16+$0x340];
	[tilespmem:s16+$0x2D0] =	vst v3;
	v3 =	vmul.f32 v34, v5  }
0xc8: {  	v40 =	vld [tilespmem:s16+$0x350];
	[tilespmem:s16+$0x2E0] =	vst v2;
	v2 =	vmul.f32 v35, v38  }
0xc9: {  	v41 =	vld [tilespmem:s16+$0x360];
	[tilespmem:s16+$0x2F0] =	vst v3;
	v3 =	vmul.f32 v36, v38  }
0xca: {  	v42 =	vld [tilespmem:s16+$0x370];
	[tilespmem:s16+$0x300] =	vst v2;
	v2 =	vmul.f32 v37, v38  }
0xcb: {  	v43 =	vld [tilespmem:s16+$0x380];
	[tilespmem:s16+$0x310] =	vst v3;
	v3 =	vmul.f32 v10, v38  }
0xcc: {  	v44 =	vld [tilespmem:s16+$0x390];
	[tilespmem:s16+$0x320] =	vst v2;
	v2 =	vmul.f32 v39, v38  }
0xcd: {  	v45 =	vld [tilespmem:s16+$0x3A0];
	[tilespmem:s16+$0x330] =	vst v3;
	v3 =	vmul.f32 v40, v38  }
0xce: {  	v47 =	vld [tilespmem:s16+$0x3B0];
	v46 =	vbroadcast v1, $0x2;
	[tilespmem:s16+$0x340] =	vst v2;
	v2 =	vmul.f32 v41, v38  }
0xcf: {  	v48 =	vld [tilespmem:s16+$0x3C0];
	[tilespmem:s16+$0x350] =	vst v3;
	v3 =	vmul.f32 v42, v38  }
0xd0: {  	v49 =	vld [tilespmem:s16+$0x3D0];
	[tilespmem:s16+$0x360] =	vst v2;
	v2 =	vmul.f32 v43, v46  }
0xd1: {  	v50 =	vld [tilespmem:s16+$0x3E0];
	[tilespmem:s16+$0x370] =	vst v3;
	v3 =	vmul.f32 v44, v46  }
0xd2: {  	v51 =	vld [tilespmem:s16+$0x3F0];
	[tilespmem:s16+$0x380] =	vst v2;
	v2 =	vmul.f32 v45, v46  }
0xd3: {  	v52 =	vld [tilespmem:s16+$0x400];
	[tilespmem:s16+$0x390] =	vst v3;
	v3 =	vmul.f32 v47, v46  }
0xd4: {  	v53 =	vld [tilespmem:s16+$0x410];
	[tilespmem:s16+$0x3A0] =	vst v2;
	v2 =	vmul.f32 v48, v46  }
0xd5: {  	v54 =	vld [tilespmem:s16+$0x420];
	[tilespmem:s16+$0x3B0] =	vst v3;
	v3 =	vmul.f32 v49, v46  }
0xd6: {  	v56 =	vld [tilespmem:s16+$0x430];
	v55 =	vbroadcast v1, $0x3;
	[tilespmem:s16+$0x3C0] =	vst v2;
	v2 =	vmul.f32 v50, v46  }
0xd7: {  	v57 =	vld [tilespmem:s16+$0x440];
	[tilespmem:s16+$0x3D0] =	vst v3;
	v3 =	vmul.f32 v51, v46  }
0xd8: {  	v58 =	vld [tilespmem:s16+$0x450];
	[tilespmem:s16+$0x3E0] =	vst v2;
	v2 =	vmul.f32 v52, v55  }
0xd9: {  	v59 =	vld [tilespmem:s16+$0x460];
	[tilespmem:s16+$0x3F0] =	vst v3;
	v3 =	vmul.f32 v53, v55  }
0xda: {  	v60 =	vld [tilespmem:s16+$0x470];
	[tilespmem:s16+$0x400] =	vst v2;
	v2 =	vmul.f32 v54, v55  }
0xdb: {  	v61 =	vld [tilespmem:s16+$0x480];
	[tilespmem:s16+$0x410] =	vst v3;
	v3 =	vmul.f32 v56, v55  }
0xdc: {  	v62 =	vld [tilespmem:s16+$0x490];
	[tilespmem:s16+$0x420] =	vst v2;
	v2 =	vmul.f32 v57, v55  }
0xdd: {  	v63 =	vld [tilespmem:s16+$0x4A0];
	[tilespmem:s16+$0x430] =	vst v3;
	v3 =	vmul.f32 v58, v55  }
0xde: {  	v13 =	vld [tilespmem:s16+$0x4B0];
	v12 =	vbroadcast v1, $0x4;
	[tilespmem:s16+$0x440] =	vst v2;
	v2 =	vmul.f32 v59, v55  }
0xdf: {  	v14 =	vld [tilespmem:s16+$0x4C0];
	[tilespmem:s16+$0x450] =	vst v3;
	v3 =	vmul.f32 v60, v55  }
0xe0: {  	v15 =	vld [tilespmem:s16+$0x4D0];
	[tilespmem:s16+$0x460] =	vst v2;
	v2 =	vmul.f32 v61, v12  }
0xe1: {  	v16 =	vld [tilespmem:s16+$0x4E0];
	[tilespmem:s16+$0x470] =	vst v3;
	v3 =	vmul.f32 v62, v12  }
0xe2: {  	v17 =	vld [tilespmem:s16+$0x4F0];
	[tilespmem:s16+$0x480] =	vst v2;
	v2 =	vmul.f32 v63, v12  }
0xe3: {  	v18 =	vld [tilespmem:s16+$0x500];
	[tilespmem:s16+$0x490] =	vst v3;
	v3 =	vmul.f32 v13, v12  }
0xe4: {  	v19 =	vld [tilespmem:s16+$0x510];
	[tilespmem:s16+$0x4A0] =	vst v2;
	v2 =	vmul.f32 v14, v12  }
0xe5: {  	v20 =	vld [tilespmem:s16+$0x520];
	[tilespmem:s16+$0x4B0] =	vst v3;
	v3 =	vmul.f32 v15, v12  }
0xe6: {  	v22 =	vld [tilespmem:s16+$0x530];
	v21 =	vbroadcast v1, $0x5;
	[tilespmem:s16+$0x4C0] =	vst v2;
	v2 =	vmul.f32 v16, v12  }
0xe7: {  	v23 =	vld [tilespmem:s16+$0x540];
	[tilespmem:s16+$0x4D0] =	vst v3;
	v3 =	vmul.f32 v17, v12  }
0xe8: {  	v24 =	vld [tilespmem:s16+$0x550];
	[tilespmem:s16+$0x4E0] =	vst v2;
	v2 =	vmul.f32 v18, v21  }
0xe9: {  	v25 =	vld [tilespmem:s16+$0x560];
	[tilespmem:s16+$0x4F0] =	vst v3;
	v3 =	vmul.f32 v19, v21  }
0xea: {  	v26 =	vld [tilespmem:s16+$0x570];
	[tilespmem:s16+$0x500] =	vst v2;
	v2 =	vmul.f32 v20, v21  }
0xeb: {  	v27 =	vld [tilespmem:s16+$0x580];
	[tilespmem:s16+$0x510] =	vst v3;
	v3 =	vmul.f32 v22, v21  }
0xec: {  	v28 =	vld [tilespmem:s16+$0x590];
	[tilespmem:s16+$0x520] =	vst v2;
	v2 =	vmul.f32 v23, v21  }
0xed: {  	v29 =	vld [tilespmem:s16+$0x5A0];
	[tilespmem:s16+$0x530] =	vst v3;
	v3 =	vmul.f32 v24, v21  }
0xee: {  	v31 =	vld [tilespmem:s16+$0x5B0];
	v30 =	vbroadcast v1, $0x6;
	[tilespmem:s16+$0x540] =	vst v2;
	v2 =	vmul.f32 v25, v21  }
0xef: {  	v32 =	vld [tilespmem:s16+$0x5C0];
	[tilespmem:s16+$0x550] =	vst v3;
	v3 =	vmul.f32 v26, v21  }
0xf0: {  	v33 =	vld [tilespmem:s16+$0x5D0];
	[tilespmem:s16+$0x560] =	vst v2;
	v2 =	vmul.f32 v27, v30  }
0xf1: {  	v34 =	vld [tilespmem:s16+$0x5E0];
	[tilespmem:s16+$0x570] =	vst v3;
	v3 =	vmul.f32 v28, v30  }
0xf2: {  	v35 =	vld [tilespmem:s16+$0x5F0];
	[tilespmem:s16+$0x580] =	vst v2;
	v2 =	vmul.f32 v29, v30  }
0xf3: {  	v36 =	vld [tilespmem:s16+$0x600];
	[tilespmem:s16+$0x590] =	vst v3;
	v3 =	vmul.f32 v31, v30  }
0xf4: {  	v37 =	vld [tilespmem:s16+$0x610];
	[tilespmem:s16+$0x5A0] =	vst v2;
	v2 =	vmul.f32 v32, v30  }
0xf5: {  	v38 =	vld [tilespmem:s16+$0x620];
	[tilespmem:s16+$0x5B0] =	vst v3;
	v3 =	vmul.f32 v33, v30  }
0xf6: {  	v39 =	vbroadcast v1, $0x7;
	v40 =	vld [tilespmem:s16+$0x630];
	[tilespmem:s16+$0x5C0] =	vst v2;
	v2 =	vmul.f32 v34, v30  }
0xf7: {  	v41 =	vld [tilespmem:s16+$0x640];
	[tilespmem:s16+$0x5D0] =	vst v3;
	v3 =	vmul.f32 v35, v30  }
0xf8: {  	v42 =	vld [tilespmem:s16+$0x650];
	[tilespmem:s16+$0x5E0] =	vst v2;
	v2 =	vmul.f32 v36, v39  }
0xf9: {  	v43 =	vld [tilespmem:s16+$0x660];
	[tilespmem:s16+$0x5F0] =	vst v3;
	v3 =	vmul.f32 v37, v39  }
0xfa: {  	v44 =	vld [tilespmem:s16+$0x670];
	[tilespmem:s16+$0x600] =	vst v2;
	v2 =	vmul.f32 v38, v39  }
0xfb: {  	v45 =	vld [tilespmem:s16+$0x680];
	[tilespmem:s16+$0x610] =	vst v3;
	v3 =	vmul.f32 v40, v39  }
0xfc: {  	v46 =	vld [tilespmem:s16+$0x690];
	[tilespmem:s16+$0x620] =	vst v2;
	v2 =	vmul.f32 v41, v39  }
0xfd: {  	v47 =	vld [tilespmem:s16+$0x6A0];
	[tilespmem:s16+$0x630] =	vst v3;
	v3 =	vmul.f32 v42, v39  }
0xfe: {  	v48 =	vbroadcast v1, $0x8;
	v49 =	vld [tilespmem:s16+$0x6B0];
	[tilespmem:s16+$0x640] =	vst v2;
	v2 =	vmul.f32 v43, v39  }
0xff: {  	v50 =	vld [tilespmem:s16+$0x6C0];
	[tilespmem:s16+$0x650] =	vst v3;
	v3 =	vmul.f32 v44, v39  }
0x100: {  	v51 =	vld [tilespmem:s16+$0x6D0];
	[tilespmem:s16+$0x660] =	vst v2;
	v2 =	vmul.f32 v45, v48  }
0x101: {  	v52 =	vld [tilespmem:s16+$0x6E0];
	[tilespmem:s16+$0x670] =	vst v3;
	v3 =	vmul.f32 v46, v48  }
0x102: {  	v53 =	vld [tilespmem:s16+$0x6F0];
	[tilespmem:s16+$0x680] =	vst v2;
	v2 =	vmul.f32 v47, v48  }
0x103: {  	v54 =	vld [tilespmem:s16+$0x700];
	[tilespmem:s16+$0x690] =	vst v3;
	v3 =	vmul.f32 v49, v48  }
0x104: {  	v55 =	vld [tilespmem:s16+$0x710];
	[tilespmem:s16+$0x6A0] =	vst v2;
	v2 =	vmul.f32 v50, v48  }
0x105: {  	v56 =	vld [tilespmem:s16+$0x720];
	[tilespmem:s16+$0x6B0] =	vst v3;
	v3 =	vmul.f32 v51, v48  }
0x106: {  	v57 =	vbroadcast v1, $0x9;
	v58 =	vld [tilespmem:s16+$0x730];
	[tilespmem:s16+$0x6C0] =	vst v2;
	v2 =	vmul.f32 v52, v48  }
0x107: {  	v59 =	vld [tilespmem:s16+$0x740];
	[tilespmem:s16+$0x6D0] =	vst v3;
	v3 =	vmul.f32 v53, v48  }
0x108: {  	v60 =	vld [tilespmem:s16+$0x750];
	[tilespmem:s16+$0x6E0] =	vst v2;
	v2 =	vmul.f32 v54, v57  }
0x109: {  	v61 =	vld [tilespmem:s16+$0x760];
	[tilespmem:s16+$0x6F0] =	vst v3;
	v3 =	vmul.f32 v55, v57  }
0x10a: {  	v62 =	vld [tilespmem:s16+$0x770];
	[tilespmem:s16+$0x700] =	vst v2;
	v2 =	vmul.f32 v56, v57  }
0x10b: {  	v63 =	vld [tilespmem:s16+$0x780];
	[tilespmem:s16+$0x710] =	vst v3;
	v3 =	vmul.f32 v58, v57  }
0x10c: {  	v12 =	vld [tilespmem:s16+$0x790];
	[tilespmem:s16+$0x720] =	vst v2;
	v2 =	vmul.f32 v59, v57  }
0x10d: {  	v13 =	vld [tilespmem:s16+$0x7A0];
	[tilespmem:s16+$0x730] =	vst v3;
	v3 =	vmul.f32 v60, v57  }
0x10e: {  	v14 =	vbroadcast v1, $0xA;
	v15 =	vld [tilespmem:s16+$0x7B0];
	[tilespmem:s16+$0x740] =	vst v2;
	v2 =	vmul.f32 v61, v57  }
0x10f: {  	v16 =	vld [tilespmem:s16+$0x7C0];
	[tilespmem:s16+$0x750] =	vst v3;
	v3 =	vmul.f32 v62, v57  }
0x110: {  	v17 =	vld [tilespmem:s16+$0x7D0];
	[tilespmem:s16+$0x760] =	vst v2;
	v2 =	vmul.f32 v63, v14  }
0x111: {  	v18 =	vld [tilespmem:s16+$0x7E0];
	[tilespmem:s16+$0x770] =	vst v3;
	v3 =	vmul.f32 v12, v14  }
0x112: {  	v19 =	vld [tilespmem:s16+$0x7F0];
	[tilespmem:s16+$0x780] =	vst v2;
	v2 =	vmul.f32 v13, v14  }
0x113: {  	v20 =	vld [tilespmem:s16+$0x800];
	[tilespmem:s16+$0x790] =	vst v3;
	v3 =	vmul.f32 v15, v14  }
0x114: {  	v21 =	vld [tilespmem:s16+$0x810];
	[tilespmem:s16+$0x7A0] =	vst v2;
	v2 =	vmul.f32 v16, v14  }
0x115: {  	v22 =	vld [tilespmem:s16+$0x820];
	[tilespmem:s16+$0x7B0] =	vst v3;
	v3 =	vmul.f32 v17, v14  }
0x116: {  	v23 =	vbroadcast v1, $0xB;
	v24 =	vld [tilespmem:s16+$0x830];
	[tilespmem:s16+$0x7C0] =	vst v2;
	v2 =	vmul.f32 v18, v14  }
0x117: {  	v25 =	vld [tilespmem:s16+$0x840];
	[tilespmem:s16+$0x7D0] =	vst v3;
	v3 =	vmul.f32 v19, v14  }
0x118: {  	v26 =	vld [tilespmem:s16+$0x850];
	[tilespmem:s16+$0x7E0] =	vst v2;
	v2 =	vmul.f32 v20, v23  }
0x119: {  	v27 =	vld [tilespmem:s16+$0x860];
	[tilespmem:s16+$0x7F0] =	vst v3;
	v3 =	vmul.f32 v21, v23  }
0x11a: {  	v28 =	vld [tilespmem:s16+$0x870];
	[tilespmem:s16+$0x800] =	vst v2;
	v2 =	vmul.f32 v22, v23  }
0x11b: {  	v29 =	vld [tilespmem:s16+$0x880];
	[tilespmem:s16+$0x810] =	vst v3;
	v3 =	vmul.f32 v24, v23  }
0x11c: {  	v30 =	vld [tilespmem:s16+$0x890];
	[tilespmem:s16+$0x820] =	vst v2;
	v2 =	vmul.f32 v25, v23  }
0x11d: {  	v31 =	vld [tilespmem:s16+$0x8A0];
	[tilespmem:s16+$0x830] =	vst v3;
	v3 =	vmul.f32 v26, v23  }
0x11e: {  	v32 =	vbroadcast v1, $0xC;
	v33 =	vld [tilespmem:s16+$0x8B0];
	[tilespmem:s16+$0x840] =	vst v2;
	v2 =	vmul.f32 v27, v23  }
0x11f: {  	v34 =	vld [tilespmem:s16+$0x8C0];
	[tilespmem:s16+$0x850] =	vst v3;
	v3 =	vmul.f32 v28, v23  }
0x120: {  	v35 =	vld [tilespmem:s16+$0x8D0];
	[tilespmem:s16+$0x860] =	vst v2;
	v2 =	vmul.f32 v29, v32  }
0x121: {  	v36 =	vld [tilespmem:s16+$0x8E0];
	[tilespmem:s16+$0x870] =	vst v3;
	v3 =	vmul.f32 v30, v32  }
0x122: {  	v37 =	vld [tilespmem:s16+$0x8F0];
	[tilespmem:s16+$0x880] =	vst v2;
	v2 =	vmul.f32 v31, v32  }
0x123: {  	v38 =	vld [tilespmem:s16+$0x900];
	[tilespmem:s16+$0x890] =	vst v3;
	v3 =	vmul.f32 v33, v32  }
0x124: {  	v39 =	vld [tilespmem:s16+$0x910];
	[tilespmem:s16+$0x8A0] =	vst v2;
	v2 =	vmul.f32 v34, v32  }
0x125: {  	v40 =	vld [tilespmem:s16+$0x920];
	[tilespmem:s16+$0x8B0] =	vst v3;
	v3 =	vmul.f32 v35, v32  }
0x126: {  	v41 =	vbroadcast v1, $0xD;
	v42 =	vld [tilespmem:s16+$0x930];
	[tilespmem:s16+$0x8C0] =	vst v2;
	v2 =	vmul.f32 v36, v32  }
0x127: {  	v43 =	vld [tilespmem:s16+$0x940];
	[tilespmem:s16+$0x8D0] =	vst v3;
	v3 =	vmul.f32 v37, v32  }
0x128: {  	v44 =	vld [tilespmem:s16+$0x950];
	[tilespmem:s16+$0x8E0] =	vst v2;
	v2 =	vmul.f32 v38, v41  }
0x129: {  	v45 =	vld [tilespmem:s16+$0x960];
	[tilespmem:s16+$0x8F0] =	vst v3;
	v3 =	vmul.f32 v39, v41  }
0x12a: {  	v46 =	vld [tilespmem:s16+$0x970];
	[tilespmem:s16+$0x900] =	vst v2;
	v2 =	vmul.f32 v40, v41  }
0x12b: {  	v47 =	vld [tilespmem:s16+$0x980];
	[tilespmem:s16+$0x910] =	vst v3;
	v3 =	vmul.f32 v42, v41  }
0x12c: {  	v48 =	vld [tilespmem:s16+$0x990];
	[tilespmem:s16+$0x920] =	vst v2;
	v2 =	vmul.f32 v43, v41  }
0x12d: {  	v49 =	vld [tilespmem:s16+$0x9A0];
	[tilespmem:s16+$0x930] =	vst v3;
	v3 =	vmul.f32 v44, v41  }
0x12e: {  	v50 =	vbroadcast v1, $0xE;
	v51 =	vld [tilespmem:s16+$0x9B0];
	[tilespmem:s16+$0x940] =	vst v2;
	v2 =	vmul.f32 v45, v41  }
0x12f: {  	v52 =	vld [tilespmem:s16+$0x9C0];
	[tilespmem:s16+$0x950] =	vst v3;
	v3 =	vmul.f32 v46, v41  }
0x130: {  	v53 =	vld [tilespmem:s16+$0x9D0];
	[tilespmem:s16+$0x960] =	vst v2;
	v2 =	vmul.f32 v47, v50  }
0x131: {  	v54 =	vld [tilespmem:s16+$0x9E0];
	[tilespmem:s16+$0x970] =	vst v3;
	v3 =	vmul.f32 v48, v50  }
0x132: {  	v55 =	vld [tilespmem:s16+$0x9F0];
	[tilespmem:s16+$0x980] =	vst v2;
	v2 =	vmul.f32 v49, v50  }
0x133: {  	v56 =	vld [tilespmem:s16+$0xA00];
	[tilespmem:s16+$0x990] =	vst v3;
	v3 =	vmul.f32 v51, v50  }
0x134: {  	v57 =	vld [tilespmem:s16+$0xA10];
	[tilespmem:s16+$0x9A0] =	vst v2;
	v2 =	vmul.f32 v52, v50  }
0x135: {  	v58 =	vld [tilespmem:s16+$0xA20];
	[tilespmem:s16+$0x9B0] =	vst v3;
	v3 =	vmul.f32 v53, v50  }
0x136: {  	v1 =	vbroadcast v1, $0xF;
	v59 =	vld [tilespmem:s16+$0xA30];
	[tilespmem:s16+$0x9C0] =	vst v2;
	v2 =	vmul.f32 v54, v50  }
0x137: {  	v60 =	vld [tilespmem:s16+$0xA40];
	[tilespmem:s16+$0x9D0] =	vst v3;
	v3 =	vmul.f32 v55, v50  }
0x138: {  	v61 =	vld [tilespmem:s16+$0xA50];
	[tilespmem:s16+$0x9E0] =	vst v2;
	v2 =	vmul.f32 v56, v1  }
0x139: {  	v62 =	vld [tilespmem:s16+$0xA60];
	[tilespmem:s16+$0x9F0] =	vst v3;
	v3 =	vmul.f32 v57, v1  }
0x13a: {  	v63 =	vld [tilespmem:s16+$0xA70];
	[tilespmem:s16+$0xA00] =	vst v2;
	v2 =	vmul.f32 v58, v1  }
0x13b: {  	[tilespmem:s16+$0xA10] =	vst v3;
	v3 =	vmul.f32 v59, v1  }
0x13c: {  	p1 =	sne.s32 s15, $0x4;
	[tilespmem:s16+$0xA20] =	vst v2;
	v2 =	vmul.f32 v60, v1  }
.Ltmp1:
0x13d: {  	[tilespmem:s16+$0xA30] =	vst v3;
	v3 =	vmul.f32 v61, v1;
	(pc) =	sbr.rel @p1 .LBB2_5-.Ltmp1, $4  }
0x13e: {  	[tilespmem:s16+$0xA40] =	vst v2;
	v2 =	vmul.f32 v62, v1  }
0x13f: {  	[tilespmem:s16+$0xA50] =	vst v3;
	v1 =	vmul.f32 v63, v1  }
0x140: {  	[tilespmem:s16+$0xA60] =	vst v2  }
0x141: {  	s15 =	sadd.s32 $0x1, s15;
	[tilespmem:s16+$0xA70] =	vst v1  }
0x142: {  	[spmem:s2] =	stream.indirect.scatter.add.f32 [tilespmem:s28], [sflag:$0x2], $0x80, s31, s1, $0xb8;
	[tilespmem:$0x17480] =	vst v63  }
0x143: {  	s14 =	sadd.s32 $0x1, s14;
	_ =	swait.ge [sflag:s29], $0x2800  }
0x144: {  	p1 =	sne.s32 s14, $0x7D;
	[sflag:s29] =	ssyncset.done $0x0  }
.Ltmp2:
0x145: {  	[sflag:s29] =	ssyncadd.s32 $0xFFFFD800;
	(pc) =	sbr.rel @p1 .LBB2_4-.Ltmp2, $4  }
0x146: {  	[spmem:s5] =	stream.indirect.scatter.add.f32 [tilespmem:s9], [sflag:$0x2], $0x1, s31, s1, $0xb8;
	[tilespmem:$0x17480] =	vst v63  }
0x147: {  	_ =	swait.ge [sflag:s29], $0x50  }
0x148: {  	[sflag:s29] =	ssyncset.done $0x0  }
0x149: {  	[sflag:s29] =	ssyncadd.s32 $0xFFFFFFB0  }
0x14a: {  	s13 =	stileid.u32  }
0x14b: {  	s13 =	sshll.u32 s13, $0x6  }
0x14c: {  	[bflag:$0x0] =	sbarrier.arrive $0xFFFF;
	s14 =	sshrl.u32 s12, $0x3;
	s13 =	sor.u32 $0x1C02, s13  }
0x14d: {  	[hbm:s22], [sflag:s13] =	dma.local [spmem:s14], $0x2800  }
0x14e: {  	s15 =	simm.s32 $0x20;
	s6 =	sadd.s32 $0x1, s6;
	_ =	swait.ge [sflag:s29], $0x2800  }
0x14f: {  	s16 =	simm.s32 $0x10;
	p1 =	sne.s32 s6, s24;
	[sflag:s29] =	ssyncset.done $0x0  }
.Ltmp3:
0x150: {  	s14 =	sshrl.u32 s20, $0x3;
	[sflag:s29] =	ssyncadd.s32 $0xFFFFD800;
	(pc) =	sbr.rel @p1 .LBB2_1-.Ltmp3, $4  }
0x151: {  	[hbm:s23@s15], [sflag:s13] =	dma.strided [spmem:s14@s16], $0x50, s8, $0x10   }
0x152: {  	_ =	swait.ge [sflag:s29], $0x50  }
0x153: {  	[sflag:s29] =	ssyncset.done $0x0  }
0x154: {  	[sflag:s29] =	ssyncadd.s32 $0xFFFFFFB0  }
0x155: {  	_ =	sfence.sel $0x180000  }
0x156: {  	[bflag:$0x0] =	sbarrier.arrive $0xFFFF  }
0x157: {  	_ =	strace $0x90000047  }
0x158: {  	[bflag:$0x2] =	sbarrier.arrive $0xFFFF  }
0x159: {  	s0 =	rddreg [dreg:$0x6]  }
0x15a: {  	s0 =	sadd.s32 @!p0 $0x100000, s0  }
0x15b: {  	[sflag:s0] =	ssyncadd.tile.s32 @!p0 $0x1;
	_ =	shalt  }
.Lfunc_end2:
_tile_overlayer_lowered:
.L_overlay_start_2:
0x15c: {  	(tag) =	ssettag $0x2  }
0x15d: {  	s0 =	rddreg [dreg:$0x0];
	s2 =	stileid.u32  }
0x15e: {  	s1 =	rddreg [dreg:$0x1];
	p0 =	sne.s32 s2, $0x0  }
0x15f: {  	s3 =	rddreg [dreg:$0x2];
	[bflag:$0x3] =	sbarrier.arrive $0xFFFF;
	s2 =	simm.s32 @!p0 $0x1C02  }
0x160: {  	[timem:s3], [sflag:s2] =	dma.local @!p0 [hbm:s0], s1  }
0x161: {  	s0 =	simm.s32 @!p0 $0x2  }
0x162: {  	_ =	swait.ge @!p0 [sflag:s0], s1  }
0x163: {  	s1 =	ssub.s32 @!p0 $0x0, s1;
	[sflag:s0] =	ssyncset.done @!p0 $0x0  }
0x164: {  	[sflag:s0] =	ssyncadd.s32 @!p0 s1  }
0x165: {  	[bflag:$0x3] =	sbarrier.arrive $0xFFFF  }
0x166: {  	_ =	shalt  }

</sc_bundles>
